<compile_context>
chip_gen: v7x
topology: tpu7x:2x2x1
jax: 0.10.2.dev20260603
libtpu: 0.0.44.dev20260713+nightly
codegen_flags: <defaults>
</compile_context>

<pallas_src>
import functools

import jax
import jax.numpy as jnp
from jax import lax
from jax.experimental import pallas as pl
from jax.experimental.pallas import tpu as pltpu
from jax.experimental.pallas import tpu_sc as plsc

N = 10000
E = 320000
D = 128
K = 3
L = 2
STEPS = 2

NC = 2
NS = 16
NW = NC * NS

CHUNK = 125
EPW = E // NW
NCH = EPW // CHUNK
PH = 40
NPH = NCH // PH
ECH = 80
NODE_CH = N // ECH
EMB_CPW = -(-NODE_CH // NW)
RPT = 624
RPT_LAST = N - (NS - 1) * RPT

BN = 5000

_SC_MESH = plsc.VectorSubcoreMesh(core_axis_name="c", subcore_axis_name="s")



@functools.partial(
    pl.kernel,
    mesh=_SC_MESH,
    out_type=jax.ShapeDtypeStruct((N, D), jnp.float32),
    scratch_types=[
        pltpu.VMEM((1, ECH), jnp.int32),
        pltpu.VMEM((ECH, D), jnp.float32),
        pltpu.SemaphoreType.DMA,
    ],
)
def _embed_gather_k(emb_hbm, idx_hbm, out_hbm, idx_v, rows_v, sem):
    c = lax.axis_index("c")
    s = lax.axis_index("s")
    w = s * NC + c

    def body(i, carry):
        cid = w * EMB_CPW + i

        @pl.when(cid < NODE_CH)
        def _():
            pltpu.sync_copy(idx_hbm.at[cid], idx_v)
            pltpu.async_copy(emb_hbm.at[idx_v.at[0]], rows_v, sem).wait()
            base = pl.multiple_of(cid * ECH, 8)
            pltpu.sync_copy(rows_v, out_hbm.at[pl.ds(base, ECH)])

        return carry

    lax.fori_loop(0, EMB_CPW, body, 0)


@functools.partial(
    pl.kernel,
    mesh=_SC_MESH,
    out_type=jax.ShapeDtypeStruct((NC, N, D), jnp.float32),
    scratch_types=[
        pltpu.VMEM((PH, CHUNK), jnp.int32),
        pltpu.VMEM((PH, CHUNK), jnp.int32),
        pltpu.VMEM((CHUNK, D), jnp.float32),
        pltpu.VMEM((CHUNK, D), jnp.float32),
        pltpu.SemaphoreType.DMA,
        pltpu.SemaphoreType.DMA,
        pltpu.VMEM_SHARED((N, D), jnp.float32),
    ],
)
def _segsum_k(proj_hbm, src_hbm, dst_hbm, zeros_hbm, out_hbm,
              src_v, dst_v, rows_a, rows_b, sem_a, sem_b, acc_sh):
    c = lax.axis_index("c")
    s = lax.axis_index("s")
    w = s * NC + c

    base_r = pl.multiple_of(s * RPT, 8)

    @pl.when(s < NS - 1)
    def _():
        pltpu.sync_copy(zeros_hbm.at[pl.ds(base_r, RPT)],
                        acc_sh.at[pl.ds(base_r, RPT)])

    @pl.when(s == NS - 1)
    def _():
        pltpu.sync_copy(zeros_hbm.at[pl.ds((NS - 1) * RPT, RPT_LAST)],
                        acc_sh.at[pl.ds((NS - 1) * RPT, RPT_LAST)])

    plsc.subcore_barrier()

    for p in range(NPH):
        pltpu.sync_copy(src_hbm.at[w, pl.ds(p * PH, PH)], src_v)
        pltpu.sync_copy(dst_hbm.at[w, pl.ds(p * PH, PH)], dst_v)
        pltpu.async_copy(proj_hbm.at[src_v.at[0]], rows_a, sem_a)
        pltpu.async_copy(proj_hbm.at[src_v.at[1]], rows_b, sem_b)

        def body(i, carry):
            pltpu.make_async_copy(proj_hbm.at[src_v.at[2 * i]], rows_a,
                                  sem_a).wait()
            pltpu.sync_copy(rows_a, acc_sh.at[dst_v.at[2 * i]], add=True)

            @pl.when(2 * i + 2 < PH)
            def _():
                pltpu.async_copy(proj_hbm.at[src_v.at[2 * i + 2]], rows_a,
                                 sem_a)

            pltpu.make_async_copy(proj_hbm.at[src_v.at[2 * i + 1]], rows_b,
                                  sem_b).wait()
            pltpu.sync_copy(rows_b, acc_sh.at[dst_v.at[2 * i + 1]], add=True)

            @pl.when(2 * i + 3 < PH)
            def _():
                pltpu.async_copy(proj_hbm.at[src_v.at[2 * i + 3]], rows_b,
                                 sem_b)

            return carry

        lax.fori_loop(0, PH // 2, body, 0)

    plsc.subcore_barrier()

    @pl.when(s < NS - 1)
    def _():
        pltpu.sync_copy(acc_sh.at[pl.ds(base_r, RPT)],
                        out_hbm.at[c, pl.ds(base_r, RPT)])

    @pl.when(s == NS - 1)
    def _():
        pltpu.sync_copy(acc_sh.at[pl.ds((NS - 1) * RPT, RPT_LAST)],
                        out_hbm.at[c, pl.ds((NS - 1) * RPT, RPT_LAST)])



def _proj_first_body(h_ref, wt_ref, b_ref, out_ref, sum_ref):
    k = pl.program_id(0)
    n = pl.program_id(1)
    out_ref[0] = (
        jnp.dot(h_ref[...], wt_ref[0], preferred_element_type=jnp.float32)
        + b_ref[0]
    )

    @pl.when(jnp.logical_and(k == 0, n == 0))
    def _():
        sum_ref[...] = jnp.sum(h_ref[...], axis=0, keepdims=True)

    @pl.when(jnp.logical_and(k == 0, n != 0))
    def _():
        sum_ref[...] += jnp.sum(h_ref[...], axis=0, keepdims=True)

    @pl.when(jnp.logical_and(k == 0, n == pl.num_programs(1) - 1))
    def _():
        sum_ref[...] *= (1.0 / N)


def _proj_first(h, wmt, bm3):
    return pl.pallas_call(
        _proj_first_body,
        grid=(K, N // BN),
        in_specs=[
            pl.BlockSpec((BN, D), lambda k, n: (n, 0)),
            pl.BlockSpec((1, D, D), lambda k, n: (k, 0, 0)),
            pl.BlockSpec((1, 1, D), lambda k, n: (k, 0, 0)),
        ],
        out_specs=[
            pl.BlockSpec((1, BN, D), lambda k, n: (k, n, 0)),
            pl.BlockSpec((1, D), lambda k, n: (0, 0)),
        ],
        out_shape=[
            jax.ShapeDtypeStruct((K, N, D), jnp.float32),
            jax.ShapeDtypeStruct((1, D), jnp.float32),
        ],
    )(h, wmt, bm3)


def _gru_math(acc_ref, h_ref, wih_ref, whh_ref, bih_ref, bhh_ref):
    a = acc_ref[0] + acc_ref[1]
    h = h_ref[...]
    gi = jnp.dot(a, wih_ref[...], preferred_element_type=jnp.float32) + bih_ref[...]
    gh = jnp.dot(h, whh_ref[...], preferred_element_type=jnp.float32) + bhh_ref[...]
    r = jax.nn.sigmoid(gi[:, :D] + gh[:, :D])
    z = jax.nn.sigmoid(gi[:, D:2 * D] + gh[:, D:2 * D])
    n = jnp.tanh(gi[:, 2 * D:] + r * gh[:, 2 * D:])
    return (1.0 - z) * n + z * h


def _colsum_update(sum_ref, hn, i):
    part = jnp.sum(hn, axis=0, keepdims=True)

    @pl.when(i == 0)
    def _():
        sum_ref[...] = part

    @pl.when(i != 0)
    def _():
        sum_ref[...] += part

    @pl.when(i == pl.num_programs(0) - 1)
    def _():
        sum_ref[...] *= (1.0 / N)


def _gru_body(acc_ref, h_ref, wih_ref, whh_ref, bih_ref, bhh_ref,
              out_ref, sum_ref):
    hn = _gru_math(acc_ref, h_ref, wih_ref, whh_ref, bih_ref, bhh_ref)
    out_ref[...] = hn
    _colsum_update(sum_ref, hn, pl.program_id(0))


def _gru_proj_body(acc_ref, h_ref, wih_ref, whh_ref, bih_ref, bhh_ref,
                   wt_ref, bm_ref, out_ref, sum_ref, proj_ref):
    hn = _gru_math(acc_ref, h_ref, wih_ref, whh_ref, bih_ref, bhh_ref)
    out_ref[...] = hn
    _colsum_update(sum_ref, hn, pl.program_id(0))
    for k in range(K):
        proj_ref[k] = (
            jnp.dot(hn, wt_ref[k], preferred_element_type=jnp.float32)
            + bm_ref[k]
        )


def _gru_proj(acc2, h, wih_t, whh_t, bih2, bhh2, wmt, bm3):
    return pl.pallas_call(
        _gru_proj_body,
        grid=(N // BN,),
        in_specs=[
            pl.BlockSpec((NC, BN, D), lambda n: (0, n, 0)),
            pl.BlockSpec((BN, D), lambda n: (n, 0)),
            pl.BlockSpec((D, 3 * D), lambda n: (0, 0)),
            pl.BlockSpec((D, 3 * D), lambda n: (0, 0)),
            pl.BlockSpec((1, 3 * D), lambda n: (0, 0)),
            pl.BlockSpec((1, 3 * D), lambda n: (0, 0)),
            pl.BlockSpec((K, D, D), lambda n: (0, 0, 0)),
            pl.BlockSpec((K, 1, D), lambda n: (0, 0, 0)),
        ],
        out_specs=[
            pl.BlockSpec((BN, D), lambda n: (n, 0)),
            pl.BlockSpec((1, D), lambda n: (0, 0)),
            pl.BlockSpec((K, BN, D), lambda n: (0, n, 0)),
        ],
        out_shape=[
            jax.ShapeDtypeStruct((N, D), jnp.float32),
            jax.ShapeDtypeStruct((1, D), jnp.float32),
            jax.ShapeDtypeStruct((K, N, D), jnp.float32),
        ],
    )(acc2, h, wih_t, whh_t, bih2, bhh2, wmt, bm3)


def _gru(acc2, h, wih_t, whh_t, bih2, bhh2):
    return pl.pallas_call(
        _gru_body,
        grid=(N // BN,),
        in_specs=[
            pl.BlockSpec((NC, BN, D), lambda n: (0, n, 0)),
            pl.BlockSpec((BN, D), lambda n: (n, 0)),
            pl.BlockSpec((D, 3 * D), lambda n: (0, 0)),
            pl.BlockSpec((D, 3 * D), lambda n: (0, 0)),
            pl.BlockSpec((1, 3 * D), lambda n: (0, 0)),
            pl.BlockSpec((1, 3 * D), lambda n: (0, 0)),
        ],
        out_specs=[
            pl.BlockSpec((BN, D), lambda n: (n, 0)),
            pl.BlockSpec((1, D), lambda n: (0, 0)),
        ],
        out_shape=[
            jax.ShapeDtypeStruct((N, D), jnp.float32),
            jax.ShapeDtypeStruct((1, D), jnp.float32),
        ],
    )(acc2, h, wih_t, whh_t, bih2, bhh2)


def _head_body(agg_ref, w1t_ref, b1_ref, w2_ref, b2_ref, res_ref):
    hidden = jnp.dot(agg_ref[...], w1t_ref[...],
                     preferred_element_type=jnp.float32) + b1_ref[...]
    hidden = jnp.maximum(hidden, 0.0)
    res_ref[...] = jnp.sum(hidden * w2_ref[...], axis=1, keepdims=True) + b2_ref[...]


def _head(agg, w1t, b1r, w2, b2r):
    return pl.pallas_call(
        _head_body,
        in_specs=[
            pl.BlockSpec(agg.shape, lambda: (0, 0)),
            pl.BlockSpec(w1t.shape, lambda: (0, 0)),
            pl.BlockSpec(b1r.shape, lambda: (0, 0)),
            pl.BlockSpec(w2.shape, lambda: (0, 0)),
            pl.BlockSpec(b2r.shape, lambda: (0, 0)),
        ],
        out_specs=pl.BlockSpec((1, 1), lambda: (0, 0)),
        out_shape=jax.ShapeDtypeStruct((1, 1), jnp.float32),
    )(agg, w1t, b1r, w2, b2r)



def kernel(text_idx, edge_src, edge_dst, etypes, emb, Wm, bm,
           W_ih, W_hh, b_ih, b_hh, W1, b1, W2, b2):
    idx2d = text_idx.astype(jnp.int32).reshape(NODE_CH, 1, ECH)
    flat_src = (etypes.astype(jnp.int32) * N + edge_src.astype(jnp.int32))
    src2d = flat_src.reshape(NW, NCH, CHUNK)
    dst2d = edge_dst.astype(jnp.int32).reshape(NW, NCH, CHUNK)
    zeros_nd = jnp.zeros((N, D), jnp.float32)

    wmt = [jnp.transpose(Wm[l], (0, 2, 1)) for l in range(L)]
    bm3 = [bm[l].reshape(K, 1, D) for l in range(L)]
    wih_t = [W_ih[l].T for l in range(L)]
    whh_t = [W_hh[l].T for l in range(L)]
    bih2 = [b_ih[l].reshape(1, 3 * D) for l in range(L)]
    bhh2 = [b_hh[l].reshape(1, 3 * D) for l in range(L)]

    h = _embed_gather_k(emb, idx2d)
    proj, m0 = _proj_first(h, wmt[0], bm3[0])
    means = [m0]
    rounds = L * STEPS
    for r in range(rounds):
        l = r // 2
        acc2 = _segsum_k(proj.reshape(K * N, D), src2d, dst2d, zeros_nd)
        if r < rounds - 1:
            ln = (r + 1) // 2
            h, colmean, proj = _gru_proj(acc2, h, wih_t[l], whh_t[l],
                                         bih2[l], bhh2[l], wmt[ln], bm3[ln])
        else:
            h, colmean = _gru(acc2, h, wih_t[l], whh_t[l], bih2[l], bhh2[l])
        if r % STEPS == STEPS - 1:
            means.append(colmean)
    agg = jnp.concatenate(means, axis=1)
    res = _head(agg, W1.T, b1.reshape(1, D), W2, b2.reshape(1, 1))
    return (res, agg)

# --- scband reference (transcript-rebuilt; emitter-appended) ---
"""Pipeline reference for scband-gnnencoder-3350074491177 (READ-ONLY COPY).

The authoritative reference and input builder live on the scoring server;
editing this copy changes nothing except your own understanding.
"""

import jax, jax.numpy as jnp
import numpy as np

N = 10000       # n_nodes
E = 320000      # n_edges
D = 128         # node_hidden_size
K = 3           # n_etypes
L = 2           # n_message_passes
STEPS = 2       # n_steps per GatedGraphConv layer
VOCAB = 8000    # node_vocab_size
EMBED_DIM = (L + 1) * D  # concat_intermediate=True
REWARD_DIM = 1


def setup_inputs(seed: int = 0) -> dict:
    key = jax.random.key(seed)
    ks = jax.random.split(key, 16)
    s = 1.0 / np.sqrt(D)
    return {
        "text_idx": jax.random.randint(ks[0], (N,), 0, VOCAB),
        "edge_src": jax.random.randint(ks[1], (E,), 0, N),
        "edge_dst": jax.random.randint(ks[2], (E,), 0, N),
        "etypes": jax.random.randint(ks[3], (E,), 0, K),
        "emb": jax.random.normal(ks[4], (VOCAB, D), dtype=jnp.float32) * 0.02,
        "Wm": jax.random.normal(ks[5], (L, K, D, D), dtype=jnp.float32) * s,
        "bm": jnp.zeros((L, K, D), dtype=jnp.float32),
        "W_ih": jax.random.normal(ks[6], (L, 3 * D, D), dtype=jnp.float32) * s,
        "W_hh": jax.random.normal(ks[7], (L, 3 * D, D), dtype=jnp.float32) * s,
        "b_ih": jnp.zeros((L, 3 * D), dtype=jnp.float32),
        "b_hh": jnp.zeros((L, 3 * D), dtype=jnp.float32),
        "W1": jax.random.normal(ks[8], (D, EMBED_DIM), dtype=jnp.float32) * (1.0 / np.sqrt(EMBED_DIM)),
        "b1": jnp.zeros((D,), dtype=jnp.float32),
        "W2": jax.random.normal(ks[9], (REWARD_DIM, D), dtype=jnp.float32) * s,
        "b2": jnp.zeros((REWARD_DIM,), dtype=jnp.float32),
    }


def _gru_cell(a, h, Wih, Whh, bih, bhh):
    # PyTorch nn.GRUCell semantics
    gi = a @ Wih.T + bih
    gh = h @ Whh.T + bhh
    i_r, i_z, i_n = jnp.split(gi, 3, axis=-1)
    h_r, h_z, h_n = jnp.split(gh, 3, axis=-1)
    r = jax.nn.sigmoid(i_r + h_r)
    z = jax.nn.sigmoid(i_z + h_z)
    n = jnp.tanh(i_n + r * h_n)
    return (1.0 - z) * n + z * h


def reference(text_idx, edge_src, edge_dst, etypes, emb, Wm, bm, W_ih, W_hh, b_ih, b_hh, W1, b1, W2, b2):
    # featurize_nodes: embedding lookup
    h = jnp.take(emb, text_idx, axis=0)  # [N, D]
    intermediate = [jnp.mean(h, axis=0, keepdims=True)]  # dgl.mean_nodes (single graph)
    for l in range(L):
        # DGL GatedGraphConv: n_steps of (per-etype linear message, sum-agg, GRU)
        for _ in range(STEPS):
            # proj[k, n, :] = linears[k](h[n]) ; Wm[l] is [K, D_out, D_in]
            proj = jnp.einsum('nd,kmd->knm', h, Wm[l]) + bm[l][:, None, :]  # [K, N, D]
            msg = proj[etypes, edge_src]  # [E, D] gather (W_e * h_src per edge)
            a = jax.ops.segment_sum(msg, edge_dst, num_segments=N)  # [N, D] scatter-add
            h = _gru_cell(a, h, W_ih[l], W_hh[l], b_ih[l], b_hh[l])
        intermediate.append(jnp.mean(h, axis=0, keepdims=True))
    graph_agg = jnp.concatenate(intermediate, axis=1)  # [1, (L+1)*D]
    hidden = jax.nn.relu(graph_agg @ W1.T + b1)
    res = hidden @ W2.T + b2  # [1, reward_dim]
    return (res, graph_agg)

if __name__ == "__main__":
    import jax
    _d = setup_inputs()
    print(jax.jit(kernel)(*tuple(_d.values())))

</pallas_src>

<mosaic_0001>
#map = affine_map<(d0, d1) -> (0, 0)>
#map1 = affine_map<(d0, d1) -> (0, 0, 0)>
module attributes {stable_mosaic.version = 14 : i64} {
  func.func @_segsum_k(%arg0: i32, %arg1: i32, %arg2: memref<30000x128xf32, #tpu.memory_space<hbm>>, %arg3: memref<32x80x125xi32, #tpu.memory_space<hbm>>, %arg4: memref<32x80x125xi32, #tpu.memory_space<hbm>>, %arg5: memref<10000x128xf32, #tpu.memory_space<hbm>>, %arg6: memref<2x10000x128xf32, #tpu.memory_space<hbm>>, %arg7: memref<40x125xi32, #tpu.memory_space<vmem>>, %arg8: memref<40x125xi32, #tpu.memory_space<vmem>>, %arg9: memref<125x128xf32, #tpu.memory_space<vmem>>, %arg10: memref<125x128xf32, #tpu.memory_space<vmem>>, %arg11: memref<!tpu.dma_semaphore, #tpu.memory_space<semaphore_mem>>, %arg12: memref<!tpu.dma_semaphore, #tpu.memory_space<semaphore_mem>>, %arg13: memref<10000x128xf32, #tpu.memory_space<vmem_shared>>) attributes {dimension_semantics = [#tpu.dimension_semantics<core_parallel>, #tpu.dimension_semantics<subcore_parallel>], iteration_bounds = array<i64: 2, 16>, scalar_prefetch = 0 : i64, scratch_operands = 7 : i64, tpu.core_type = #tpu.core_type<sc_vector_subcore>, window_params = [{transform_indices = #map}, {transform_indices = #map1}, {transform_indices = #map1}, {transform_indices = #map}, {transform_indices = #map1}]} {
    %mul3A = arith.constant 2 : i32
    %mul3A_0 = arith.muli %arg1, %mul3A : i32
    %add3A = arith.addi %mul3A_0, %arg0 : i32
    %mul3A_1 = arith.constant 624 : i32
    %mul3A_2 = arith.muli %arg1, %mul3A_1 : i32
    %multiple_of3A = tpu.assume_multiple %mul3A_2, 8 : i32
    %lt3A = arith.constant 15 : i32
    %lt3A_3 = arith.cmpi slt, %arg1, %lt3A : i32
    %convert_element_type3A = arith.extui %lt3A_3 : i1 to i32
    %cond3A = arith.constant 0 : i32
    %cond3A_4 = arith.cmpi ne, %convert_element_type3A, %cond3A : i32
    scf.if %cond3A_4 {
      "tpu.region"() ({
        %run_scoped3A = tpu.sem_alloc : memref<!tpu.dma_semaphore, #tpu.memory_space<semaphore_mem>>
        %dma_start3A_58 = arith.constant 0 : i32
        %dma_start3A_59 = tpu.memref_slice %arg13[%multiple_of3A, %dma_start3A_58] : memref<10000x128xf32, #tpu.memory_space<vmem_shared>> -> memref<624x128xf32, #tpu.memory_space<vmem_shared>>
        %dma_start3A_60 = arith.constant 0 : i32
        %dma_start3A_61 = tpu.memref_slice %arg5[%multiple_of3A, %dma_start3A_60] : memref<10000x128xf32, #tpu.memory_space<hbm>> -> memref<624x128xf32, #tpu.memory_space<hbm>>
        tpu.enqueue_dma source(%dma_start3A_61 : memref<624x128xf32, #tpu.memory_space<hbm>>) target(%dma_start3A_59 : memref<624x128xf32, #tpu.memory_space<vmem_shared>>) target_semaphore(%run_scoped3A : memref<!tpu.dma_semaphore, #tpu.memory_space<semaphore_mem>>)
        %dma_wait3A = arith.constant 0 : i32
        %dma_wait3A_62 = tpu.memref_slice %arg13[%multiple_of3A, %dma_wait3A] : memref<10000x128xf32, #tpu.memory_space<vmem_shared>> -> memref<624x128xf32, #tpu.memory_space<vmem_shared>>
        %dma_wait3A_63 = arith.constant 0 : i32
        %dma_wait3A_64 = tpu.memref_slice %arg5[%multiple_of3A, %dma_wait3A_63] : memref<10000x128xf32, #tpu.memory_space<hbm>> -> memref<624x128xf32, #tpu.memory_space<hbm>>
        tpu.wait_dma2 semaphore(%run_scoped3A : memref<!tpu.dma_semaphore, #tpu.memory_space<semaphore_mem>>) src(%dma_wait3A_64 : memref<624x128xf32, #tpu.memory_space<hbm>>) dst(%dma_wait3A_62 : memref<624x128xf32, #tpu.memory_space<vmem_shared>>)
        tpu.yield
      }) : () -> ()
    } else {
    }
    %eq3A = arith.constant 15 : i32
    %eq3A_5 = arith.cmpi eq, %arg1, %eq3A : i32
    %convert_element_type3A_6 = arith.extui %eq3A_5 : i1 to i32
    %cond3A_7 = arith.constant 0 : i32
    %cond3A_8 = arith.cmpi ne, %convert_element_type3A_6, %cond3A_7 : i32
    scf.if %cond3A_8 {
      "tpu.region"() ({
        %run_scoped3A = tpu.sem_alloc : memref<!tpu.dma_semaphore, #tpu.memory_space<semaphore_mem>>
        %dma_start3A_58 = arith.constant 9360 : i32
        %dma_start3A_59 = arith.constant 0 : i32
        %dma_start3A_60 = tpu.memref_slice %arg13[%dma_start3A_58, %dma_start3A_59] : memref<10000x128xf32, #tpu.memory_space<vmem_shared>> -> memref<640x128xf32, #tpu.memory_space<vmem_shared>>
        %dma_start3A_61 = arith.constant 9360 : i32
        %dma_start3A_62 = arith.constant 0 : i32
        %dma_start3A_63 = tpu.memref_slice %arg5[%dma_start3A_61, %dma_start3A_62] : memref<10000x128xf32, #tpu.memory_space<hbm>> -> memref<640x128xf32, #tpu.memory_space<hbm>>
        tpu.enqueue_dma source(%dma_start3A_63 : memref<640x128xf32, #tpu.memory_space<hbm>>) target(%dma_start3A_60 : memref<640x128xf32, #tpu.memory_space<vmem_shared>>) target_semaphore(%run_scoped3A : memref<!tpu.dma_semaphore, #tpu.memory_space<semaphore_mem>>)
        %dma_wait3A = arith.constant 9360 : i32
        %dma_wait3A_64 = arith.constant 0 : i32
        %dma_wait3A_65 = tpu.memref_slice %arg13[%dma_wait3A, %dma_wait3A_64] : memref<10000x128xf32, #tpu.memory_space<vmem_shared>> -> memref<640x128xf32, #tpu.memory_space<vmem_shared>>
        %dma_wait3A_66 = arith.constant 9360 : i32
        %dma_wait3A_67 = arith.constant 0 : i32
        %dma_wait3A_68 = tpu.memref_slice %arg5[%dma_wait3A_66, %dma_wait3A_67] : memref<10000x128xf32, #tpu.memory_space<hbm>> -> memref<640x128xf32, #tpu.memory_space<hbm>>
        tpu.wait_dma2 semaphore(%run_scoped3A : memref<!tpu.dma_semaphore, #tpu.memory_space<semaphore_mem>>) src(%dma_wait3A_68 : memref<640x128xf32, #tpu.memory_space<hbm>>) dst(%dma_wait3A_65 : memref<640x128xf32, #tpu.memory_space<vmem_shared>>)
        tpu.yield
      }) : () -> ()
    } else {
    }
    %barrier3A = arith.constant 0 : index
    tpu.barrier barrier_id(%barrier3A)
    "tpu.region"() ({
      %run_scoped3A = tpu.sem_alloc : memref<!tpu.dma_semaphore, #tpu.memory_space<semaphore_mem>>
      %dma_start3A_58 = arith.constant 0 : i32
      %dma_start3A_59 = arith.constant 0 : i32
      %dma_start3A_60 = tpu.memref_slice %arg3[%add3A, %dma_start3A_58, %dma_start3A_59] : memref<32x80x125xi32, #tpu.memory_space<hbm>> -> memref<1x40x125xi32, #tpu.memory_space<hbm>>
      %dma_start3A_61 = tpu.memref_squeeze %dma_start3A_60 : memref<1x40x125xi32, #tpu.memory_space<hbm>> -> memref<40x125xi32, #tpu.memory_space<hbm>>
      %dma_start3A_62 = arith.constant 0 : i32
      %dma_start3A_63 = arith.constant 0 : i32
      %dma_start3A_64 = tpu.memref_slice %arg3[%add3A, %dma_start3A_62, %dma_start3A_63] : memref<32x80x125xi32, #tpu.memory_space<hbm>> -> memref<1x40x125xi32, #tpu.memory_space<hbm>>
      %dma_start3A_65 = tpu.memref_squeeze %dma_start3A_64 : memref<1x40x125xi32, #tpu.memory_space<hbm>> -> memref<40x125xi32, #tpu.memory_space<hbm>>
      tpu.enqueue_dma source(%dma_start3A_65 : memref<40x125xi32, #tpu.memory_space<hbm>>) target(%arg7 : memref<40x125xi32, #tpu.memory_space<vmem>>) target_semaphore(%run_scoped3A : memref<!tpu.dma_semaphore, #tpu.memory_space<semaphore_mem>>)
      %dma_wait3A = arith.constant 0 : i32
      %dma_wait3A_66 = arith.constant 0 : i32
      %dma_wait3A_67 = tpu.memref_slice %arg3[%add3A, %dma_wait3A, %dma_wait3A_66] : memref<32x80x125xi32, #tpu.memory_space<hbm>> -> memref<1x40x125xi32, #tpu.memory_space<hbm>>
      %dma_wait3A_68 = tpu.memref_squeeze %dma_wait3A_67 : memref<1x40x125xi32, #tpu.memory_space<hbm>> -> memref<40x125xi32, #tpu.memory_space<hbm>>
      %dma_wait3A_69 = arith.constant 0 : i32
      %dma_wait3A_70 = arith.constant 0 : i32
      %dma_wait3A_71 = tpu.memref_slice %arg3[%add3A, %dma_wait3A_69, %dma_wait3A_70] : memref<32x80x125xi32, #tpu.memory_space<hbm>> -> memref<1x40x125xi32, #tpu.memory_space<hbm>>
      %dma_wait3A_72 = tpu.memref_squeeze %dma_wait3A_71 : memref<1x40x125xi32, #tpu.memory_space<hbm>> -> memref<40x125xi32, #tpu.memory_space<hbm>>
      tpu.wait_dma2 semaphore(%run_scoped3A : memref<!tpu.dma_semaphore, #tpu.memory_space<semaphore_mem>>) src(%dma_wait3A_72 : memref<40x125xi32, #tpu.memory_space<hbm>>) dst(%arg7 : memref<40x125xi32, #tpu.memory_space<vmem>>)
      tpu.yield
    }) : () -> ()
    "tpu.region"() ({
      %run_scoped3A = tpu.sem_alloc : memref<!tpu.dma_semaphore, #tpu.memory_space<semaphore_mem>>
      %dma_start3A_58 = arith.constant 0 : i32
      %dma_start3A_59 = arith.constant 0 : i32
      %dma_start3A_60 = tpu.memref_slice %arg4[%add3A, %dma_start3A_58, %dma_start3A_59] : memref<32x80x125xi32, #tpu.memory_space<hbm>> -> memref<1x40x125xi32, #tpu.memory_space<hbm>>
      %dma_start3A_61 = tpu.memref_squeeze %dma_start3A_60 : memref<1x40x125xi32, #tpu.memory_space<hbm>> -> memref<40x125xi32, #tpu.memory_space<hbm>>
      %dma_start3A_62 = arith.constant 0 : i32
      %dma_start3A_63 = arith.constant 0 : i32
      %dma_start3A_64 = tpu.memref_slice %arg4[%add3A, %dma_start3A_62, %dma_start3A_63] : memref<32x80x125xi32, #tpu.memory_space<hbm>> -> memref<1x40x125xi32, #tpu.memory_space<hbm>>
      %dma_start3A_65 = tpu.memref_squeeze %dma_start3A_64 : memref<1x40x125xi32, #tpu.memory_space<hbm>> -> memref<40x125xi32, #tpu.memory_space<hbm>>
      tpu.enqueue_dma source(%dma_start3A_65 : memref<40x125xi32, #tpu.memory_space<hbm>>) target(%arg8 : memref<40x125xi32, #tpu.memory_space<vmem>>) target_semaphore(%run_scoped3A : memref<!tpu.dma_semaphore, #tpu.memory_space<semaphore_mem>>)
      %dma_wait3A = arith.constant 0 : i32
      %dma_wait3A_66 = arith.constant 0 : i32
      %dma_wait3A_67 = tpu.memref_slice %arg4[%add3A, %dma_wait3A, %dma_wait3A_66] : memref<32x80x125xi32, #tpu.memory_space<hbm>> -> memref<1x40x125xi32, #tpu.memory_space<hbm>>
      %dma_wait3A_68 = tpu.memref_squeeze %dma_wait3A_67 : memref<1x40x125xi32, #tpu.memory_space<hbm>> -> memref<40x125xi32, #tpu.memory_space<hbm>>
      %dma_wait3A_69 = arith.constant 0 : i32
      %dma_wait3A_70 = arith.constant 0 : i32
      %dma_wait3A_71 = tpu.memref_slice %arg4[%add3A, %dma_wait3A_69, %dma_wait3A_70] : memref<32x80x125xi32, #tpu.memory_space<hbm>> -> memref<1x40x125xi32, #tpu.memory_space<hbm>>
      %dma_wait3A_72 = tpu.memref_squeeze %dma_wait3A_71 : memref<1x40x125xi32, #tpu.memory_space<hbm>> -> memref<40x125xi32, #tpu.memory_space<hbm>>
      tpu.wait_dma2 semaphore(%run_scoped3A : memref<!tpu.dma_semaphore, #tpu.memory_space<semaphore_mem>>) src(%dma_wait3A_72 : memref<40x125xi32, #tpu.memory_space<hbm>>) dst(%arg8 : memref<40x125xi32, #tpu.memory_space<vmem>>)
      tpu.yield
    }) : () -> ()
    %dma_start3A = arith.constant 0 : i32
    %dma_start3A_9 = arith.constant 0 : i32
    %dma_start3A_10 = tpu.memref_slice %arg7[%dma_start3A, %dma_start3A_9] : memref<40x125xi32, #tpu.memory_space<vmem>> -> memref<1x125xi32, #tpu.memory_space<vmem>>
    %dma_start3A_11 = tpu.memref_squeeze %dma_start3A_10 : memref<1x125xi32, #tpu.memory_space<vmem>> -> memref<125xi32, #tpu.memory_space<vmem>>
    %dma_start3A_12 = arith.constant 0 : i32
    %dma_start3A_13 = arith.constant 0 : i32
    %dma_start3A_14 = tpu.memref_slice %arg2[%dma_start3A_12, %dma_start3A_13] : memref<30000x128xf32, #tpu.memory_space<hbm>> -> memref<30000x128xf32, #tpu.memory_space<hbm>>
    tpu.enqueue_indirect_dma source(%dma_start3A_14 : memref<30000x128xf32, #tpu.memory_space<hbm>>) target(%arg9 : memref<125x128xf32, #tpu.memory_space<vmem>>) offsets(%dma_start3A_11 : memref<125xi32, #tpu.memory_space<vmem>>) semaphore(%arg11 : memref<!tpu.dma_semaphore, #tpu.memory_space<semaphore_mem>>)
    %dma_start3A_15 = arith.constant 1 : i32
    %dma_start3A_16 = arith.constant 0 : i32
    %dma_start3A_17 = tpu.memref_slice %arg7[%dma_start3A_15, %dma_start3A_16] : memref<40x125xi32, #tpu.memory_space<vmem>> -> memref<1x125xi32, #tpu.memory_space<vmem>>
    %dma_start3A_18 = tpu.memref_squeeze %dma_start3A_17 : memref<1x125xi32, #tpu.memory_space<vmem>> -> memref<125xi32, #tpu.memory_space<vmem>>
    %dma_start3A_19 = arith.constant 0 : i32
    %dma_start3A_20 = arith.constant 0 : i32
    %dma_start3A_21 = tpu.memref_slice %arg2[%dma_start3A_19, %dma_start3A_20] : memref<30000x128xf32, #tpu.memory_space<hbm>> -> memref<30000x128xf32, #tpu.memory_space<hbm>>
    tpu.enqueue_indirect_dma source(%dma_start3A_21 : memref<30000x128xf32, #tpu.memory_space<hbm>>) target(%arg10 : memref<125x128xf32, #tpu.memory_space<vmem>>) offsets(%dma_start3A_18 : memref<125xi32, #tpu.memory_space<vmem>>) semaphore(%arg12 : memref<!tpu.dma_semaphore, #tpu.memory_space<semaphore_mem>>)
    %scan3A = arith.constant 0 : i32
    %scan3A_22 = arith.constant 0 : i32
    %scan3A_23 = arith.constant 20 : i32
    %scan3A_24 = arith.addi %scan3A_22, %scan3A_23 : i32
    %scan3A_25 = arith.constant 1 : i32
    scf.for %scan3A_58 = %scan3A_22 to %scan3A_24 step %scan3A_25  : i32 {
      %mul3A_59 = arith.constant 2 : i32
      %mul3A_60 = arith.muli %mul3A_59, %scan3A_58 : i32
      %dma_wait3A = arith.constant 0 : i32
      %dma_wait3A_61 = tpu.memref_slice %arg7[%mul3A_60, %dma_wait3A] : memref<40x125xi32, #tpu.memory_space<vmem>> -> memref<1x125xi32, #tpu.memory_space<vmem>>
      %dma_wait3A_62 = tpu.memref_squeeze %dma_wait3A_61 : memref<1x125xi32, #tpu.memory_space<vmem>> -> memref<125xi32, #tpu.memory_space<vmem>>
      %dma_wait3A_63 = arith.constant 0 : i32
      %dma_wait3A_64 = arith.constant 0 : i32
      %dma_wait3A_65 = tpu.memref_slice %arg2[%dma_wait3A_63, %dma_wait3A_64] : memref<30000x128xf32, #tpu.memory_space<hbm>> -> memref<30000x128xf32, #tpu.memory_space<hbm>>
      tpu.wait_indirect_dma semaphore(%arg11 : memref<!tpu.dma_semaphore, #tpu.memory_space<semaphore_mem>>) src(%dma_wait3A_65 : memref<30000x128xf32, #tpu.memory_space<hbm>>) dst(%arg9 : memref<125x128xf32, #tpu.memory_space<vmem>>)
      %mul3A_66 = arith.constant 2 : i32
      %mul3A_67 = arith.muli %mul3A_66, %scan3A_58 : i32
      "tpu.region"() ({
        %run_scoped3A = tpu.sem_alloc : memref<!tpu.dma_semaphore, #tpu.memory_space<semaphore_mem>>
        %dma_start3A_100 = arith.constant 0 : i32
        %dma_start3A_101 = tpu.memref_slice %arg8[%mul3A_67, %dma_start3A_100] : memref<40x125xi32, #tpu.memory_space<vmem>> -> memref<1x125xi32, #tpu.memory_space<vmem>>
        %dma_start3A_102 = tpu.memref_squeeze %dma_start3A_101 : memref<1x125xi32, #tpu.memory_space<vmem>> -> memref<125xi32, #tpu.memory_space<vmem>>
        %dma_start3A_103 = arith.constant 0 : i32
        %dma_start3A_104 = arith.constant 0 : i32
        %dma_start3A_105 = tpu.memref_slice %arg13[%dma_start3A_103, %dma_start3A_104] : memref<10000x128xf32, #tpu.memory_space<vmem_shared>> -> memref<10000x128xf32, #tpu.memory_space<vmem_shared>>
        tpu.enqueue_indirect_dma source(%arg9 : memref<125x128xf32, #tpu.memory_space<vmem>>) target(%dma_start3A_105 : memref<10000x128xf32, #tpu.memory_space<vmem_shared>>) offsets(%dma_start3A_102 : memref<125xi32, #tpu.memory_space<vmem>>) semaphore(%run_scoped3A : memref<!tpu.dma_semaphore, #tpu.memory_space<semaphore_mem>>) {add = true}
        %dma_wait3A_106 = arith.constant 0 : i32
        %dma_wait3A_107 = tpu.memref_slice %arg8[%mul3A_67, %dma_wait3A_106] : memref<40x125xi32, #tpu.memory_space<vmem>> -> memref<1x125xi32, #tpu.memory_space<vmem>>
        %dma_wait3A_108 = tpu.memref_squeeze %dma_wait3A_107 : memref<1x125xi32, #tpu.memory_space<vmem>> -> memref<125xi32, #tpu.memory_space<vmem>>
        %dma_wait3A_109 = arith.constant 0 : i32
        %dma_wait3A_110 = arith.constant 0 : i32
        %dma_wait3A_111 = tpu.memref_slice %arg13[%dma_wait3A_109, %dma_wait3A_110] : memref<10000x128xf32, #tpu.memory_space<vmem_shared>> -> memref<10000x128xf32, #tpu.memory_space<vmem_shared>>
        tpu.wait_indirect_dma semaphore(%run_scoped3A : memref<!tpu.dma_semaphore, #tpu.memory_space<semaphore_mem>>) src(%arg9 : memref<125x128xf32, #tpu.memory_space<vmem>>) dst(%dma_wait3A_111 : memref<10000x128xf32, #tpu.memory_space<vmem_shared>>)
        tpu.yield
      }) : () -> ()
      %mul3A_68 = arith.constant 2 : i32
      %mul3A_69 = arith.muli %mul3A_68, %scan3A_58 : i32
      %add3A_70 = arith.constant 2 : i32
      %add3A_71 = arith.addi %mul3A_69, %add3A_70 : i32
      %lt3A_72 = arith.constant 40 : i32
      %lt3A_73 = arith.cmpi slt, %add3A_71, %lt3A_72 : i32
      %convert_element_type3A_74 = arith.extui %lt3A_73 : i1 to i32
      %cond3A_75 = arith.constant 0 : i32
      %cond3A_76 = arith.cmpi ne, %convert_element_type3A_74, %cond3A_75 : i32
      scf.if %cond3A_76 {
        %mul3A_100 = arith.constant 2 : i32
        %mul3A_101 = arith.muli %mul3A_100, %scan3A_58 : i32
        %add3A_102 = arith.constant 2 : i32
        %add3A_103 = arith.addi %mul3A_101, %add3A_102 : i32
        %dma_start3A_104 = arith.constant 0 : i32
        %dma_start3A_105 = tpu.memref_slice %arg7[%add3A_103, %dma_start3A_104] : memref<40x125xi32, #tpu.memory_space<vmem>> -> memref<1x125xi32, #tpu.memory_space<vmem>>
        %dma_start3A_106 = tpu.memref_squeeze %dma_start3A_105 : memref<1x125xi32, #tpu.memory_space<vmem>> -> memref<125xi32, #tpu.memory_space<vmem>>
        %dma_start3A_107 = arith.constant 0 : i32
        %dma_start3A_108 = arith.constant 0 : i32
        %dma_start3A_109 = tpu.memref_slice %arg2[%dma_start3A_107, %dma_start3A_108] : memref<30000x128xf32, #tpu.memory_space<hbm>> -> memref<30000x128xf32, #tpu.memory_space<hbm>>
        tpu.enqueue_indirect_dma source(%dma_start3A_109 : memref<30000x128xf32, #tpu.memory_space<hbm>>) target(%arg9 : memref<125x128xf32, #tpu.memory_space<vmem>>) offsets(%dma_start3A_106 : memref<125xi32, #tpu.memory_space<vmem>>) semaphore(%arg11 : memref<!tpu.dma_semaphore, #tpu.memory_space<semaphore_mem>>)
      } else {
      }
      %mul3A_77 = arith.constant 2 : i32
      %mul3A_78 = arith.muli %mul3A_77, %scan3A_58 : i32
      %add3A_79 = arith.constant 1 : i32
      %add3A_80 = arith.addi %mul3A_78, %add3A_79 : i32
      %dma_wait3A_81 = arith.constant 0 : i32
      %dma_wait3A_82 = tpu.memref_slice %arg7[%add3A_80, %dma_wait3A_81] : memref<40x125xi32, #tpu.memory_space<vmem>> -> memref<1x125xi32, #tpu.memory_space<vmem>>
      %dma_wait3A_83 = tpu.memref_squeeze %dma_wait3A_82 : memref<1x125xi32, #tpu.memory_space<vmem>> -> memref<125xi32, #tpu.memory_space<vmem>>
      %dma_wait3A_84 = arith.constant 0 : i32
      %dma_wait3A_85 = arith.constant 0 : i32
      %dma_wait3A_86 = tpu.memref_slice %arg2[%dma_wait3A_84, %dma_wait3A_85] : memref<30000x128xf32, #tpu.memory_space<hbm>> -> memref<30000x128xf32, #tpu.memory_space<hbm>>
      tpu.wait_indirect_dma semaphore(%arg12 : memref<!tpu.dma_semaphore, #tpu.memory_space<semaphore_mem>>) src(%dma_wait3A_86 : memref<30000x128xf32, #tpu.memory_space<hbm>>) dst(%arg10 : memref<125x128xf32, #tpu.memory_space<vmem>>)
      %mul3A_87 = arith.constant 2 : i32
      %mul3A_88 = arith.muli %mul3A_87, %scan3A_58 : i32
      %add3A_89 = arith.constant 1 : i32
      %add3A_90 = arith.addi %mul3A_88, %add3A_89 : i32
      "tpu.region"() ({
        %run_scoped3A = tpu.sem_alloc : memref<!tpu.dma_semaphore, #tpu.memory_space<semaphore_mem>>
        %dma_start3A_100 = arith.constant 0 : i32
        %dma_start3A_101 = tpu.memref_slice %arg8[%add3A_90, %dma_start3A_100] : memref<40x125xi32, #tpu.memory_space<vmem>> -> memref<1x125xi32, #tpu.memory_space<vmem>>
        %dma_start3A_102 = tpu.memref_squeeze %dma_start3A_101 : memref<1x125xi32, #tpu.memory_space<vmem>> -> memref<125xi32, #tpu.memory_space<vmem>>
        %dma_start3A_103 = arith.constant 0 : i32
        %dma_start3A_104 = arith.constant 0 : i32
        %dma_start3A_105 = tpu.memref_slice %arg13[%dma_start3A_103, %dma_start3A_104] : memref<10000x128xf32, #tpu.memory_space<vmem_shared>> -> memref<10000x128xf32, #tpu.memory_space<vmem_shared>>
        tpu.enqueue_indirect_dma source(%arg10 : memref<125x128xf32, #tpu.memory_space<vmem>>) target(%dma_start3A_105 : memref<10000x128xf32, #tpu.memory_space<vmem_shared>>) offsets(%dma_start3A_102 : memref<125xi32, #tpu.memory_space<vmem>>) semaphore(%run_scoped3A : memref<!tpu.dma_semaphore, #tpu.memory_space<semaphore_mem>>) {add = true}
        %dma_wait3A_106 = arith.constant 0 : i32
        %dma_wait3A_107 = tpu.memref_slice %arg8[%add3A_90, %dma_wait3A_106] : memref<40x125xi32, #tpu.memory_space<vmem>> -> memref<1x125xi32, #tpu.memory_space<vmem>>
        %dma_wait3A_108 = tpu.memref_squeeze %dma_wait3A_107 : memref<1x125xi32, #tpu.memory_space<vmem>> -> memref<125xi32, #tpu.memory_space<vmem>>
        %dma_wait3A_109 = arith.constant 0 : i32
        %dma_wait3A_110 = arith.constant 0 : i32
        %dma_wait3A_111 = tpu.memref_slice %arg13[%dma_wait3A_109, %dma_wait3A_110] : memref<10000x128xf32, #tpu.memory_space<vmem_shared>> -> memref<10000x128xf32, #tpu.memory_space<vmem_shared>>
        tpu.wait_indirect_dma semaphore(%run_scoped3A : memref<!tpu.dma_semaphore, #tpu.memory_space<semaphore_mem>>) src(%arg10 : memref<125x128xf32, #tpu.memory_space<vmem>>) dst(%dma_wait3A_111 : memref<10000x128xf32, #tpu.memory_space<vmem_shared>>)
        tpu.yield
      }) : () -> ()
      %mul3A_91 = arith.constant 2 : i32
      %mul3A_92 = arith.muli %mul3A_91, %scan3A_58 : i32
      %add3A_93 = arith.constant 3 : i32
      %add3A_94 = arith.addi %mul3A_92, %add3A_93 : i32
      %lt3A_95 = arith.constant 40 : i32
      %lt3A_96 = arith.cmpi slt, %add3A_94, %lt3A_95 : i32
      %convert_element_type3A_97 = arith.extui %lt3A_96 : i1 to i32
      %cond3A_98 = arith.constant 0 : i32
      %cond3A_99 = arith.cmpi ne, %convert_element_type3A_97, %cond3A_98 : i32
      scf.if %cond3A_99 {
        %mul3A_100 = arith.constant 2 : i32
        %mul3A_101 = arith.muli %mul3A_100, %scan3A_58 : i32
        %add3A_102 = arith.constant 3 : i32
        %add3A_103 = arith.addi %mul3A_101, %add3A_102 : i32
        %dma_start3A_104 = arith.constant 0 : i32
        %dma_start3A_105 = tpu.memref_slice %arg7[%add3A_103, %dma_start3A_104] : memref<40x125xi32, #tpu.memory_space<vmem>> -> memref<1x125xi32, #tpu.memory_space<vmem>>
        %dma_start3A_106 = tpu.memref_squeeze %dma_start3A_105 : memref<1x125xi32, #tpu.memory_space<vmem>> -> memref<125xi32, #tpu.memory_space<vmem>>
        %dma_start3A_107 = arith.constant 0 : i32
        %dma_start3A_108 = arith.constant 0 : i32
        %dma_start3A_109 = tpu.memref_slice %arg2[%dma_start3A_107, %dma_start3A_108] : memref<30000x128xf32, #tpu.memory_space<hbm>> -> memref<30000x128xf32, #tpu.memory_space<hbm>>
        tpu.enqueue_indirect_dma source(%dma_start3A_109 : memref<30000x128xf32, #tpu.memory_space<hbm>>) target(%arg10 : memref<125x128xf32, #tpu.memory_space<vmem>>) offsets(%dma_start3A_106 : memref<125xi32, #tpu.memory_space<vmem>>) semaphore(%arg12 : memref<!tpu.dma_semaphore, #tpu.memory_space<semaphore_mem>>)
      } else {
      }
    }
    %scan3A_26 = arith.constant 20 : i32
    "tpu.region"() ({
      %run_scoped3A = tpu.sem_alloc : memref<!tpu.dma_semaphore, #tpu.memory_space<semaphore_mem>>
      %dma_start3A_58 = arith.constant 40 : i32
      %dma_start3A_59 = arith.constant 0 : i32
      %dma_start3A_60 = tpu.memref_slice %arg3[%add3A, %dma_start3A_58, %dma_start3A_59] : memref<32x80x125xi32, #tpu.memory_space<hbm>> -> memref<1x40x125xi32, #tpu.memory_space<hbm>>
      %dma_start3A_61 = tpu.memref_squeeze %dma_start3A_60 : memref<1x40x125xi32, #tpu.memory_space<hbm>> -> memref<40x125xi32, #tpu.memory_space<hbm>>
      %dma_start3A_62 = arith.constant 40 : i32
      %dma_start3A_63 = arith.constant 0 : i32
      %dma_start3A_64 = tpu.memref_slice %arg3[%add3A, %dma_start3A_62, %dma_start3A_63] : memref<32x80x125xi32, #tpu.memory_space<hbm>> -> memref<1x40x125xi32, #tpu.memory_space<hbm>>
      %dma_start3A_65 = tpu.memref_squeeze %dma_start3A_64 : memref<1x40x125xi32, #tpu.memory_space<hbm>> -> memref<40x125xi32, #tpu.memory_space<hbm>>
      tpu.enqueue_dma source(%dma_start3A_65 : memref<40x125xi32, #tpu.memory_space<hbm>>) target(%arg7 : memref<40x125xi32, #tpu.memory_space<vmem>>) target_semaphore(%run_scoped3A : memref<!tpu.dma_semaphore, #tpu.memory_space<semaphore_mem>>)
      %dma_wait3A = arith.constant 40 : i32
      %dma_wait3A_66 = arith.constant 0 : i32
      %dma_wait3A_67 = tpu.memref_slice %arg3[%add3A, %dma_wait3A, %dma_wait3A_66] : memref<32x80x125xi32, #tpu.memory_space<hbm>> -> memref<1x40x125xi32, #tpu.memory_space<hbm>>
      %dma_wait3A_68 = tpu.memref_squeeze %dma_wait3A_67 : memref<1x40x125xi32, #tpu.memory_space<hbm>> -> memref<40x125xi32, #tpu.memory_space<hbm>>
      %dma_wait3A_69 = arith.constant 40 : i32
      %dma_wait3A_70 = arith.constant 0 : i32
      %dma_wait3A_71 = tpu.memref_slice %arg3[%add3A, %dma_wait3A_69, %dma_wait3A_70] : memref<32x80x125xi32, #tpu.memory_space<hbm>> -> memref<1x40x125xi32, #tpu.memory_space<hbm>>
      %dma_wait3A_72 = tpu.memref_squeeze %dma_wait3A_71 : memref<1x40x125xi32, #tpu.memory_space<hbm>> -> memref<40x125xi32, #tpu.memory_space<hbm>>
      tpu.wait_dma2 semaphore(%run_scoped3A : memref<!tpu.dma_semaphore, #tpu.memory_space<semaphore_mem>>) src(%dma_wait3A_72 : memref<40x125xi32, #tpu.memory_space<hbm>>) dst(%arg7 : memref<40x125xi32, #tpu.memory_space<vmem>>)
      tpu.yield
    }) : () -> ()
    "tpu.region"() ({
      %run_scoped3A = tpu.sem_alloc : memref<!tpu.dma_semaphore, #tpu.memory_space<semaphore_mem>>
      %dma_start3A_58 = arith.constant 40 : i32
      %dma_start3A_59 = arith.constant 0 : i32
      %dma_start3A_60 = tpu.memref_slice %arg4[%add3A, %dma_start3A_58, %dma_start3A_59] : memref<32x80x125xi32, #tpu.memory_space<hbm>> -> memref<1x40x125xi32, #tpu.memory_space<hbm>>
      %dma_start3A_61 = tpu.memref_squeeze %dma_start3A_60 : memref<1x40x125xi32, #tpu.memory_space<hbm>> -> memref<40x125xi32, #tpu.memory_space<hbm>>
      %dma_start3A_62 = arith.constant 40 : i32
      %dma_start3A_63 = arith.constant 0 : i32
      %dma_start3A_64 = tpu.memref_slice %arg4[%add3A, %dma_start3A_62, %dma_start3A_63] : memref<32x80x125xi32, #tpu.memory_space<hbm>> -> memref<1x40x125xi32, #tpu.memory_space<hbm>>
      %dma_start3A_65 = tpu.memref_squeeze %dma_start3A_64 : memref<1x40x125xi32, #tpu.memory_space<hbm>> -> memref<40x125xi32, #tpu.memory_space<hbm>>
      tpu.enqueue_dma source(%dma_start3A_65 : memref<40x125xi32, #tpu.memory_space<hbm>>) target(%arg8 : memref<40x125xi32, #tpu.memory_space<vmem>>) target_semaphore(%run_scoped3A : memref<!tpu.dma_semaphore, #tpu.memory_space<semaphore_mem>>)
      %dma_wait3A = arith.constant 40 : i32
      %dma_wait3A_66 = arith.constant 0 : i32
      %dma_wait3A_67 = tpu.memref_slice %arg4[%add3A, %dma_wait3A, %dma_wait3A_66] : memref<32x80x125xi32, #tpu.memory_space<hbm>> -> memref<1x40x125xi32, #tpu.memory_space<hbm>>
      %dma_wait3A_68 = tpu.memref_squeeze %dma_wait3A_67 : memref<1x40x125xi32, #tpu.memory_space<hbm>> -> memref<40x125xi32, #tpu.memory_space<hbm>>
      %dma_wait3A_69 = arith.constant 40 : i32
      %dma_wait3A_70 = arith.constant 0 : i32
      %dma_wait3A_71 = tpu.memref_slice %arg4[%add3A, %dma_wait3A_69, %dma_wait3A_70] : memref<32x80x125xi32, #tpu.memory_space<hbm>> -> memref<1x40x125xi32, #tpu.memory_space<hbm>>
      %dma_wait3A_72 = tpu.memref_squeeze %dma_wait3A_71 : memref<1x40x125xi32, #tpu.memory_space<hbm>> -> memref<40x125xi32, #tpu.memory_space<hbm>>
      tpu.wait_dma2 semaphore(%run_scoped3A : memref<!tpu.dma_semaphore, #tpu.memory_space<semaphore_mem>>) src(%dma_wait3A_72 : memref<40x125xi32, #tpu.memory_space<hbm>>) dst(%arg8 : memref<40x125xi32, #tpu.memory_space<vmem>>)
      tpu.yield
    }) : () -> ()
    %dma_start3A_27 = arith.constant 0 : i32
    %dma_start3A_28 = arith.constant 0 : i32
    %dma_start3A_29 = tpu.memref_slice %arg7[%dma_start3A_27, %dma_start3A_28] : memref<40x125xi32, #tpu.memory_space<vmem>> -> memref<1x125xi32, #tpu.memory_space<vmem>>
    %dma_start3A_30 = tpu.memref_squeeze %dma_start3A_29 : memref<1x125xi32, #tpu.memory_space<vmem>> -> memref<125xi32, #tpu.memory_space<vmem>>
    %dma_start3A_31 = arith.constant 0 : i32
    %dma_start3A_32 = arith.constant 0 : i32
    %dma_start3A_33 = tpu.memref_slice %arg2[%dma_start3A_31, %dma_start3A_32] : memref<30000x128xf32, #tpu.memory_space<hbm>> -> memref<30000x128xf32, #tpu.memory_space<hbm>>
    tpu.enqueue_indirect_dma source(%dma_start3A_33 : memref<30000x128xf32, #tpu.memory_space<hbm>>) target(%arg9 : memref<125x128xf32, #tpu.memory_space<vmem>>) offsets(%dma_start3A_30 : memref<125xi32, #tpu.memory_space<vmem>>) semaphore(%arg11 : memref<!tpu.dma_semaphore, #tpu.memory_space<semaphore_mem>>)
    %dma_start3A_34 = arith.constant 1 : i32
    %dma_start3A_35 = arith.constant 0 : i32
    %dma_start3A_36 = tpu.memref_slice %arg7[%dma_start3A_34, %dma_start3A_35] : memref<40x125xi32, #tpu.memory_space<vmem>> -> memref<1x125xi32, #tpu.memory_space<vmem>>
    %dma_start3A_37 = tpu.memref_squeeze %dma_start3A_36 : memref<1x125xi32, #tpu.memory_space<vmem>> -> memref<125xi32, #tpu.memory_space<vmem>>
    %dma_start3A_38 = arith.constant 0 : i32
    %dma_start3A_39 = arith.constant 0 : i32
    %dma_start3A_40 = tpu.memref_slice %arg2[%dma_start3A_38, %dma_start3A_39] : memref<30000x128xf32, #tpu.memory_space<hbm>> -> memref<30000x128xf32, #tpu.memory_space<hbm>>
    tpu.enqueue_indirect_dma source(%dma_start3A_40 : memref<30000x128xf32, #tpu.memory_space<hbm>>) target(%arg10 : memref<125x128xf32, #tpu.memory_space<vmem>>) offsets(%dma_start3A_37 : memref<125xi32, #tpu.memory_space<vmem>>) semaphore(%arg12 : memref<!tpu.dma_semaphore, #tpu.memory_space<semaphore_mem>>)
    %scan3A_41 = arith.constant 0 : i32
    %scan3A_42 = arith.constant 0 : i32
    %scan3A_43 = arith.constant 20 : i32
    %scan3A_44 = arith.addi %scan3A_42, %scan3A_43 : i32
    %scan3A_45 = arith.constant 1 : i32
    scf.for %scan3A_58 = %scan3A_42 to %scan3A_44 step %scan3A_45  : i32 {
      %mul3A_59 = arith.constant 2 : i32
      %mul3A_60 = arith.muli %mul3A_59, %scan3A_58 : i32
      %dma_wait3A = arith.constant 0 : i32
      %dma_wait3A_61 = tpu.memref_slice %arg7[%mul3A_60, %dma_wait3A] : memref<40x125xi32, #tpu.memory_space<vmem>> -> memref<1x125xi32, #tpu.memory_space<vmem>>
      %dma_wait3A_62 = tpu.memref_squeeze %dma_wait3A_61 : memref<1x125xi32, #tpu.memory_space<vmem>> -> memref<125xi32, #tpu.memory_space<vmem>>
      %dma_wait3A_63 = arith.constant 0 : i32
      %dma_wait3A_64 = arith.constant 0 : i32
      %dma_wait3A_65 = tpu.memref_slice %arg2[%dma_wait3A_63, %dma_wait3A_64] : memref<30000x128xf32, #tpu.memory_space<hbm>> -> memref<30000x128xf32, #tpu.memory_space<hbm>>
      tpu.wait_indirect_dma semaphore(%arg11 : memref<!tpu.dma_semaphore, #tpu.memory_space<semaphore_mem>>) src(%dma_wait3A_65 : memref<30000x128xf32, #tpu.memory_space<hbm>>) dst(%arg9 : memref<125x128xf32, #tpu.memory_space<vmem>>)
      %mul3A_66 = arith.constant 2 : i32
      %mul3A_67 = arith.muli %mul3A_66, %scan3A_58 : i32
      "tpu.region"() ({
        %run_scoped3A = tpu.sem_alloc : memref<!tpu.dma_semaphore, #tpu.memory_space<semaphore_mem>>
        %dma_start3A_100 = arith.constant 0 : i32
        %dma_start3A_101 = tpu.memref_slice %arg8[%mul3A_67, %dma_start3A_100] : memref<40x125xi32, #tpu.memory_space<vmem>> -> memref<1x125xi32, #tpu.memory_space<vmem>>
        %dma_start3A_102 = tpu.memref_squeeze %dma_start3A_101 : memref<1x125xi32, #tpu.memory_space<vmem>> -> memref<125xi32, #tpu.memory_space<vmem>>
        %dma_start3A_103 = arith.constant 0 : i32
        %dma_start3A_104 = arith.constant 0 : i32
        %dma_start3A_105 = tpu.memref_slice %arg13[%dma_start3A_103, %dma_start3A_104] : memref<10000x128xf32, #tpu.memory_space<vmem_shared>> -> memref<10000x128xf32, #tpu.memory_space<vmem_shared>>
        tpu.enqueue_indirect_dma source(%arg9 : memref<125x128xf32, #tpu.memory_space<vmem>>) target(%dma_start3A_105 : memref<10000x128xf32, #tpu.memory_space<vmem_shared>>) offsets(%dma_start3A_102 : memref<125xi32, #tpu.memory_space<vmem>>) semaphore(%run_scoped3A : memref<!tpu.dma_semaphore, #tpu.memory_space<semaphore_mem>>) {add = true}
        %dma_wait3A_106 = arith.constant 0 : i32
        %dma_wait3A_107 = tpu.memref_slice %arg8[%mul3A_67, %dma_wait3A_106] : memref<40x125xi32, #tpu.memory_space<vmem>> -> memref<1x125xi32, #tpu.memory_space<vmem>>
        %dma_wait3A_108 = tpu.memref_squeeze %dma_wait3A_107 : memref<1x125xi32, #tpu.memory_space<vmem>> -> memref<125xi32, #tpu.memory_space<vmem>>
        %dma_wait3A_109 = arith.constant 0 : i32
        %dma_wait3A_110 = arith.constant 0 : i32
        %dma_wait3A_111 = tpu.memref_slice %arg13[%dma_wait3A_109, %dma_wait3A_110] : memref<10000x128xf32, #tpu.memory_space<vmem_shared>> -> memref<10000x128xf32, #tpu.memory_space<vmem_shared>>
        tpu.wait_indirect_dma semaphore(%run_scoped3A : memref<!tpu.dma_semaphore, #tpu.memory_space<semaphore_mem>>) src(%arg9 : memref<125x128xf32, #tpu.memory_space<vmem>>) dst(%dma_wait3A_111 : memref<10000x128xf32, #tpu.memory_space<vmem_shared>>)
        tpu.yield
      }) : () -> ()
      %mul3A_68 = arith.constant 2 : i32
      %mul3A_69 = arith.muli %mul3A_68, %scan3A_58 : i32
      %add3A_70 = arith.constant 2 : i32
      %add3A_71 = arith.addi %mul3A_69, %add3A_70 : i32
      %lt3A_72 = arith.constant 40 : i32
      %lt3A_73 = arith.cmpi slt, %add3A_71, %lt3A_72 : i32
      %convert_element_type3A_74 = arith.extui %lt3A_73 : i1 to i32
      %cond3A_75 = arith.constant 0 : i32
      %cond3A_76 = arith.cmpi ne, %convert_element_type3A_74, %cond3A_75 : i32
      scf.if %cond3A_76 {
        %mul3A_100 = arith.constant 2 : i32
        %mul3A_101 = arith.muli %mul3A_100, %scan3A_58 : i32
        %add3A_102 = arith.constant 2 : i32
        %add3A_103 = arith.addi %mul3A_101, %add3A_102 : i32
        %dma_start3A_104 = arith.constant 0 : i32
        %dma_start3A_105 = tpu.memref_slice %arg7[%add3A_103, %dma_start3A_104] : memref<40x125xi32, #tpu.memory_space<vmem>> -> memref<1x125xi32, #tpu.memory_space<vmem>>
        %dma_start3A_106 = tpu.memref_squeeze %dma_start3A_105 : memref<1x125xi32, #tpu.memory_space<vmem>> -> memref<125xi32, #tpu.memory_space<vmem>>
        %dma_start3A_107 = arith.constant 0 : i32
        %dma_start3A_108 = arith.constant 0 : i32
        %dma_start3A_109 = tpu.memref_slice %arg2[%dma_start3A_107, %dma_start3A_108] : memref<30000x128xf32, #tpu.memory_space<hbm>> -> memref<30000x128xf32, #tpu.memory_space<hbm>>
        tpu.enqueue_indirect_dma source(%dma_start3A_109 : memref<30000x128xf32, #tpu.memory_space<hbm>>) target(%arg9 : memref<125x128xf32, #tpu.memory_space<vmem>>) offsets(%dma_start3A_106 : memref<125xi32, #tpu.memory_space<vmem>>) semaphore(%arg11 : memref<!tpu.dma_semaphore, #tpu.memory_space<semaphore_mem>>)
      } else {
      }
      %mul3A_77 = arith.constant 2 : i32
      %mul3A_78 = arith.muli %mul3A_77, %scan3A_58 : i32
      %add3A_79 = arith.constant 1 : i32
      %add3A_80 = arith.addi %mul3A_78, %add3A_79 : i32
      %dma_wait3A_81 = arith.constant 0 : i32
      %dma_wait3A_82 = tpu.memref_slice %arg7[%add3A_80, %dma_wait3A_81] : memref<40x125xi32, #tpu.memory_space<vmem>> -> memref<1x125xi32, #tpu.memory_space<vmem>>
      %dma_wait3A_83 = tpu.memref_squeeze %dma_wait3A_82 : memref<1x125xi32, #tpu.memory_space<vmem>> -> memref<125xi32, #tpu.memory_space<vmem>>
      %dma_wait3A_84 = arith.constant 0 : i32
      %dma_wait3A_85 = arith.constant 0 : i32
      %dma_wait3A_86 = tpu.memref_slice %arg2[%dma_wait3A_84, %dma_wait3A_85] : memref<30000x128xf32, #tpu.memory_space<hbm>> -> memref<30000x128xf32, #tpu.memory_space<hbm>>
      tpu.wait_indirect_dma semaphore(%arg12 : memref<!tpu.dma_semaphore, #tpu.memory_space<semaphore_mem>>) src(%dma_wait3A_86 : memref<30000x128xf32, #tpu.memory_space<hbm>>) dst(%arg10 : memref<125x128xf32, #tpu.memory_space<vmem>>)
      %mul3A_87 = arith.constant 2 : i32
      %mul3A_88 = arith.muli %mul3A_87, %scan3A_58 : i32
      %add3A_89 = arith.constant 1 : i32
      %add3A_90 = arith.addi %mul3A_88, %add3A_89 : i32
      "tpu.region"() ({
        %run_scoped3A = tpu.sem_alloc : memref<!tpu.dma_semaphore, #tpu.memory_space<semaphore_mem>>
        %dma_start3A_100 = arith.constant 0 : i32
        %dma_start3A_101 = tpu.memref_slice %arg8[%add3A_90, %dma_start3A_100] : memref<40x125xi32, #tpu.memory_space<vmem>> -> memref<1x125xi32, #tpu.memory_space<vmem>>
        %dma_start3A_102 = tpu.memref_squeeze %dma_start3A_101 : memref<1x125xi32, #tpu.memory_space<vmem>> -> memref<125xi32, #tpu.memory_space<vmem>>
        %dma_start3A_103 = arith.constant 0 : i32
        %dma_start3A_104 = arith.constant 0 : i32
        %dma_start3A_105 = tpu.memref_slice %arg13[%dma_start3A_103, %dma_start3A_104] : memref<10000x128xf32, #tpu.memory_space<vmem_shared>> -> memref<10000x128xf32, #tpu.memory_space<vmem_shared>>
        tpu.enqueue_indirect_dma source(%arg10 : memref<125x128xf32, #tpu.memory_space<vmem>>) target(%dma_start3A_105 : memref<10000x128xf32, #tpu.memory_space<vmem_shared>>) offsets(%dma_start3A_102 : memref<125xi32, #tpu.memory_space<vmem>>) semaphore(%run_scoped3A : memref<!tpu.dma_semaphore, #tpu.memory_space<semaphore_mem>>) {add = true}
        %dma_wait3A_106 = arith.constant 0 : i32
        %dma_wait3A_107 = tpu.memref_slice %arg8[%add3A_90, %dma_wait3A_106] : memref<40x125xi32, #tpu.memory_space<vmem>> -> memref<1x125xi32, #tpu.memory_space<vmem>>
        %dma_wait3A_108 = tpu.memref_squeeze %dma_wait3A_107 : memref<1x125xi32, #tpu.memory_space<vmem>> -> memref<125xi32, #tpu.memory_space<vmem>>
        %dma_wait3A_109 = arith.constant 0 : i32
        %dma_wait3A_110 = arith.constant 0 : i32
        %dma_wait3A_111 = tpu.memref_slice %arg13[%dma_wait3A_109, %dma_wait3A_110] : memref<10000x128xf32, #tpu.memory_space<vmem_shared>> -> memref<10000x128xf32, #tpu.memory_space<vmem_shared>>
        tpu.wait_indirect_dma semaphore(%run_scoped3A : memref<!tpu.dma_semaphore, #tpu.memory_space<semaphore_mem>>) src(%arg10 : memref<125x128xf32, #tpu.memory_space<vmem>>) dst(%dma_wait3A_111 : memref<10000x128xf32, #tpu.memory_space<vmem_shared>>)
        tpu.yield
      }) : () -> ()
      %mul3A_91 = arith.constant 2 : i32
      %mul3A_92 = arith.muli %mul3A_91, %scan3A_58 : i32
      %add3A_93 = arith.constant 3 : i32
      %add3A_94 = arith.addi %mul3A_92, %add3A_93 : i32
      %lt3A_95 = arith.constant 40 : i32
      %lt3A_96 = arith.cmpi slt, %add3A_94, %lt3A_95 : i32
      %convert_element_type3A_97 = arith.extui %lt3A_96 : i1 to i32
      %cond3A_98 = arith.constant 0 : i32
      %cond3A_99 = arith.cmpi ne, %convert_element_type3A_97, %cond3A_98 : i32
      scf.if %cond3A_99 {
        %mul3A_100 = arith.constant 2 : i32
        %mul3A_101 = arith.muli %mul3A_100, %scan3A_58 : i32
        %add3A_102 = arith.constant 3 : i32
        %add3A_103 = arith.addi %mul3A_101, %add3A_102 : i32
        %dma_start3A_104 = arith.constant 0 : i32
        %dma_start3A_105 = tpu.memref_slice %arg7[%add3A_103, %dma_start3A_104] : memref<40x125xi32, #tpu.memory_space<vmem>> -> memref<1x125xi32, #tpu.memory_space<vmem>>
        %dma_start3A_106 = tpu.memref_squeeze %dma_start3A_105 : memref<1x125xi32, #tpu.memory_space<vmem>> -> memref<125xi32, #tpu.memory_space<vmem>>
        %dma_start3A_107 = arith.constant 0 : i32
        %dma_start3A_108 = arith.constant 0 : i32
        %dma_start3A_109 = tpu.memref_slice %arg2[%dma_start3A_107, %dma_start3A_108] : memref<30000x128xf32, #tpu.memory_space<hbm>> -> memref<30000x128xf32, #tpu.memory_space<hbm>>
        tpu.enqueue_indirect_dma source(%dma_start3A_109 : memref<30000x128xf32, #tpu.memory_space<hbm>>) target(%arg10 : memref<125x128xf32, #tpu.memory_space<vmem>>) offsets(%dma_start3A_106 : memref<125xi32, #tpu.memory_space<vmem>>) semaphore(%arg12 : memref<!tpu.dma_semaphore, #tpu.memory_space<semaphore_mem>>)
      } else {
      }
    }
    %scan3A_46 = arith.constant 20 : i32
    %barrier3A_47 = arith.constant 0 : index
    tpu.barrier barrier_id(%barrier3A_47)
    %lt3A_48 = arith.constant 15 : i32
    %lt3A_49 = arith.cmpi slt, %arg1, %lt3A_48 : i32
    %convert_element_type3A_50 = arith.extui %lt3A_49 : i1 to i32
    %cond3A_51 = arith.constant 0 : i32
    %cond3A_52 = arith.cmpi ne, %convert_element_type3A_50, %cond3A_51 : i32
    scf.if %cond3A_52 {
      "tpu.region"() ({
        %run_scoped3A = tpu.sem_alloc : memref<!tpu.dma_semaphore, #tpu.memory_space<semaphore_mem>>
        %dma_start3A_58 = arith.constant 0 : i32
        %dma_start3A_59 = tpu.memref_slice %arg6[%arg0, %multiple_of3A, %dma_start3A_58] : memref<2x10000x128xf32, #tpu.memory_space<hbm>> -> memref<1x624x128xf32, #tpu.memory_space<hbm>>
        %dma_start3A_60 = tpu.memref_squeeze %dma_start3A_59 : memref<1x624x128xf32, #tpu.memory_space<hbm>> -> memref<624x128xf32, #tpu.memory_space<hbm>>
        %dma_start3A_61 = arith.constant 0 : i32
        %dma_start3A_62 = tpu.memref_slice %arg13[%multiple_of3A, %dma_start3A_61] : memref<10000x128xf32, #tpu.memory_space<vmem_shared>> -> memref<624x128xf32, #tpu.memory_space<vmem_shared>>
        tpu.enqueue_dma source(%dma_start3A_62 : memref<624x128xf32, #tpu.memory_space<vmem_shared>>) target(%dma_start3A_60 : memref<624x128xf32, #tpu.memory_space<hbm>>) target_semaphore(%run_scoped3A : memref<!tpu.dma_semaphore, #tpu.memory_space<semaphore_mem>>)
        %dma_wait3A = arith.constant 0 : i32
        %dma_wait3A_63 = tpu.memref_slice %arg6[%arg0, %multiple_of3A, %dma_wait3A] : memref<2x10000x128xf32, #tpu.memory_space<hbm>> -> memref<1x624x128xf32, #tpu.memory_space<hbm>>
        %dma_wait3A_64 = tpu.memref_squeeze %dma_wait3A_63 : memref<1x624x128xf32, #tpu.memory_space<hbm>> -> memref<624x128xf32, #tpu.memory_space<hbm>>
        %dma_wait3A_65 = arith.constant 0 : i32
        %dma_wait3A_66 = tpu.memref_slice %arg13[%multiple_of3A, %dma_wait3A_65] : memref<10000x128xf32, #tpu.memory_space<vmem_shared>> -> memref<624x128xf32, #tpu.memory_space<vmem_shared>>
        tpu.wait_dma2 semaphore(%run_scoped3A : memref<!tpu.dma_semaphore, #tpu.memory_space<semaphore_mem>>) src(%dma_wait3A_66 : memref<624x128xf32, #tpu.memory_space<vmem_shared>>) dst(%dma_wait3A_64 : memref<624x128xf32, #tpu.memory_space<hbm>>)
        tpu.yield
      }) : () -> ()
    } else {
    }
    %eq3A_53 = arith.constant 15 : i32
    %eq3A_54 = arith.cmpi eq, %arg1, %eq3A_53 : i32
    %convert_element_type3A_55 = arith.extui %eq3A_54 : i1 to i32
    %cond3A_56 = arith.constant 0 : i32
    %cond3A_57 = arith.cmpi ne, %convert_element_type3A_55, %cond3A_56 : i32
    scf.if %cond3A_57 {
      "tpu.region"() ({
        %run_scoped3A = tpu.sem_alloc : memref<!tpu.dma_semaphore, #tpu.memory_space<semaphore_mem>>
        %dma_start3A_58 = arith.constant 9360 : i32
        %dma_start3A_59 = arith.constant 0 : i32
        %dma_start3A_60 = tpu.memref_slice %arg6[%arg0, %dma_start3A_58, %dma_start3A_59] : memref<2x10000x128xf32, #tpu.memory_space<hbm>> -> memref<1x640x128xf32, #tpu.memory_space<hbm>>
        %dma_start3A_61 = tpu.memref_squeeze %dma_start3A_60 : memref<1x640x128xf32, #tpu.memory_space<hbm>> -> memref<640x128xf32, #tpu.memory_space<hbm>>
        %dma_start3A_62 = arith.constant 9360 : i32
        %dma_start3A_63 = arith.constant 0 : i32
        %dma_start3A_64 = tpu.memref_slice %arg13[%dma_start3A_62, %dma_start3A_63] : memref<10000x128xf32, #tpu.memory_space<vmem_shared>> -> memref<640x128xf32, #tpu.memory_space<vmem_shared>>
        tpu.enqueue_dma source(%dma_start3A_64 : memref<640x128xf32, #tpu.memory_space<vmem_shared>>) target(%dma_start3A_61 : memref<640x128xf32, #tpu.memory_space<hbm>>) target_semaphore(%run_scoped3A : memref<!tpu.dma_semaphore, #tpu.memory_space<semaphore_mem>>)
        %dma_wait3A = arith.constant 9360 : i32
        %dma_wait3A_65 = arith.constant 0 : i32
        %dma_wait3A_66 = tpu.memref_slice %arg6[%arg0, %dma_wait3A, %dma_wait3A_65] : memref<2x10000x128xf32, #tpu.memory_space<hbm>> -> memref<1x640x128xf32, #tpu.memory_space<hbm>>
        %dma_wait3A_67 = tpu.memref_squeeze %dma_wait3A_66 : memref<1x640x128xf32, #tpu.memory_space<hbm>> -> memref<640x128xf32, #tpu.memory_space<hbm>>
        %dma_wait3A_68 = arith.constant 9360 : i32
        %dma_wait3A_69 = arith.constant 0 : i32
        %dma_wait3A_70 = tpu.memref_slice %arg13[%dma_wait3A_68, %dma_wait3A_69] : memref<10000x128xf32, #tpu.memory_space<vmem_shared>> -> memref<640x128xf32, #tpu.memory_space<vmem_shared>>
        tpu.wait_dma2 semaphore(%run_scoped3A : memref<!tpu.dma_semaphore, #tpu.memory_space<semaphore_mem>>) src(%dma_wait3A_70 : memref<640x128xf32, #tpu.memory_space<vmem_shared>>) dst(%dma_wait3A_67 : memref<640x128xf32, #tpu.memory_space<hbm>>)
        tpu.yield
      }) : () -> ()
    } else {
    }
    return
  }
}

#map = affine_map<(d0, d1) -> (0, 0)>
#map1 = affine_map<(d0, d1) -> (0, 0, 0)>
module attributes {stable_mosaic.version = 14 : i64} {
  func.func @_embed_gather_k(%arg0: i32, %arg1: i32, %arg2: memref<8000x128xf32, #tpu.memory_space<hbm>>, %arg3: memref<125x1x80xi32, #tpu.memory_space<hbm>>, %arg4: memref<10000x128xf32, #tpu.memory_space<hbm>>, %arg5: memref<1x80xi32, #tpu.memory_space<vmem>>, %arg6: memref<80x128xf32, #tpu.memory_space<vmem>>, %arg7: memref<!tpu.dma_semaphore, #tpu.memory_space<semaphore_mem>>) attributes {dimension_semantics = [#tpu.dimension_semantics<core_parallel>, #tpu.dimension_semantics<subcore_parallel>], iteration_bounds = array<i64: 2, 16>, scalar_prefetch = 0 : i64, scratch_operands = 3 : i64, tpu.core_type = #tpu.core_type<sc_vector_subcore>, window_params = [{transform_indices = #map}, {transform_indices = #map1}, {transform_indices = #map}]} {
    %mul3A = arith.constant 2 : i32
    %mul3A_0 = arith.muli %arg1, %mul3A : i32
    %add3A = arith.addi %mul3A_0, %arg0 : i32
    %scan3A = arith.constant 0 : i32
    %scan3A_1 = arith.constant 0 : i32
    %scan3A_2 = arith.constant 4 : i32
    %scan3A_3 = arith.addi %scan3A_1, %scan3A_2 : i32
    %scan3A_4 = arith.constant 1 : i32
    scf.for %scan3A_6 = %scan3A_1 to %scan3A_3 step %scan3A_4  : i32 {
      %mul3A_7 = arith.constant 4 : i32
      %mul3A_8 = arith.muli %add3A, %mul3A_7 : i32
      %add3A_9 = arith.addi %mul3A_8, %scan3A_6 : i32
      %lt3A = arith.constant 125 : i32
      %lt3A_10 = arith.cmpi slt, %add3A_9, %lt3A : i32
      %convert_element_type3A = arith.extui %lt3A_10 : i1 to i32
      %cond3A = arith.constant 0 : i32
      %cond3A_11 = arith.cmpi ne, %convert_element_type3A, %cond3A : i32
      scf.if %cond3A_11 {
        "tpu.region"() ({
          %run_scoped3A = tpu.sem_alloc : memref<!tpu.dma_semaphore, #tpu.memory_space<semaphore_mem>>
          %dma_start3A_26 = arith.constant 0 : i32
          %dma_start3A_27 = arith.constant 0 : i32
          %dma_start3A_28 = tpu.memref_slice %arg3[%add3A_9, %dma_start3A_26, %dma_start3A_27] : memref<125x1x80xi32, #tpu.memory_space<hbm>> -> memref<1x1x80xi32, #tpu.memory_space<hbm>>
          %dma_start3A_29 = tpu.memref_squeeze %dma_start3A_28 : memref<1x1x80xi32, #tpu.memory_space<hbm>> -> memref<1x80xi32, #tpu.memory_space<hbm>>
          %dma_start3A_30 = arith.constant 0 : i32
          %dma_start3A_31 = arith.constant 0 : i32
          %dma_start3A_32 = tpu.memref_slice %arg3[%add3A_9, %dma_start3A_30, %dma_start3A_31] : memref<125x1x80xi32, #tpu.memory_space<hbm>> -> memref<1x1x80xi32, #tpu.memory_space<hbm>>
          %dma_start3A_33 = tpu.memref_squeeze %dma_start3A_32 : memref<1x1x80xi32, #tpu.memory_space<hbm>> -> memref<1x80xi32, #tpu.memory_space<hbm>>
          tpu.enqueue_dma source(%dma_start3A_33 : memref<1x80xi32, #tpu.memory_space<hbm>>) target(%arg5 : memref<1x80xi32, #tpu.memory_space<vmem>>) target_semaphore(%run_scoped3A : memref<!tpu.dma_semaphore, #tpu.memory_space<semaphore_mem>>)
          %dma_wait3A_34 = arith.constant 0 : i32
          %dma_wait3A_35 = arith.constant 0 : i32
          %dma_wait3A_36 = tpu.memref_slice %arg3[%add3A_9, %dma_wait3A_34, %dma_wait3A_35] : memref<125x1x80xi32, #tpu.memory_space<hbm>> -> memref<1x1x80xi32, #tpu.memory_space<hbm>>
          %dma_wait3A_37 = tpu.memref_squeeze %dma_wait3A_36 : memref<1x1x80xi32, #tpu.memory_space<hbm>> -> memref<1x80xi32, #tpu.memory_space<hbm>>
          %dma_wait3A_38 = arith.constant 0 : i32
          %dma_wait3A_39 = arith.constant 0 : i32
          %dma_wait3A_40 = tpu.memref_slice %arg3[%add3A_9, %dma_wait3A_38, %dma_wait3A_39] : memref<125x1x80xi32, #tpu.memory_space<hbm>> -> memref<1x1x80xi32, #tpu.memory_space<hbm>>
          %dma_wait3A_41 = tpu.memref_squeeze %dma_wait3A_40 : memref<1x1x80xi32, #tpu.memory_space<hbm>> -> memref<1x80xi32, #tpu.memory_space<hbm>>
          tpu.wait_dma2 semaphore(%run_scoped3A : memref<!tpu.dma_semaphore, #tpu.memory_space<semaphore_mem>>) src(%dma_wait3A_41 : memref<1x80xi32, #tpu.memory_space<hbm>>) dst(%arg5 : memref<1x80xi32, #tpu.memory_space<vmem>>)
          tpu.yield
        }) : () -> ()
        %dma_start3A = arith.constant 0 : i32
        %dma_start3A_12 = arith.constant 0 : i32
        %dma_start3A_13 = tpu.memref_slice %arg5[%dma_start3A, %dma_start3A_12] : memref<1x80xi32, #tpu.memory_space<vmem>> -> memref<1x80xi32, #tpu.memory_space<vmem>>
        %dma_start3A_14 = tpu.memref_squeeze %dma_start3A_13 : memref<1x80xi32, #tpu.memory_space<vmem>> -> memref<80xi32, #tpu.memory_space<vmem>>
        %dma_start3A_15 = arith.constant 0 : i32
        %dma_start3A_16 = arith.constant 0 : i32
        %dma_start3A_17 = tpu.memref_slice %arg2[%dma_start3A_15, %dma_start3A_16] : memref<8000x128xf32, #tpu.memory_space<hbm>> -> memref<8000x128xf32, #tpu.memory_space<hbm>>
        tpu.enqueue_indirect_dma source(%dma_start3A_17 : memref<8000x128xf32, #tpu.memory_space<hbm>>) target(%arg6 : memref<80x128xf32, #tpu.memory_space<vmem>>) offsets(%dma_start3A_14 : memref<80xi32, #tpu.memory_space<vmem>>) semaphore(%arg7 : memref<!tpu.dma_semaphore, #tpu.memory_space<semaphore_mem>>)
        %dma_wait3A = arith.constant 0 : i32
        %dma_wait3A_18 = arith.constant 0 : i32
        %dma_wait3A_19 = tpu.memref_slice %arg5[%dma_wait3A, %dma_wait3A_18] : memref<1x80xi32, #tpu.memory_space<vmem>> -> memref<1x80xi32, #tpu.memory_space<vmem>>
        %dma_wait3A_20 = tpu.memref_squeeze %dma_wait3A_19 : memref<1x80xi32, #tpu.memory_space<vmem>> -> memref<80xi32, #tpu.memory_space<vmem>>
        %dma_wait3A_21 = arith.constant 0 : i32
        %dma_wait3A_22 = arith.constant 0 : i32
        %dma_wait3A_23 = tpu.memref_slice %arg2[%dma_wait3A_21, %dma_wait3A_22] : memref<8000x128xf32, #tpu.memory_space<hbm>> -> memref<8000x128xf32, #tpu.memory_space<hbm>>
        tpu.wait_indirect_dma semaphore(%arg7 : memref<!tpu.dma_semaphore, #tpu.memory_space<semaphore_mem>>) src(%dma_wait3A_23 : memref<8000x128xf32, #tpu.memory_space<hbm>>) dst(%arg6 : memref<80x128xf32, #tpu.memory_space<vmem>>)
        %mul3A_24 = arith.constant 80 : i32
        %mul3A_25 = arith.muli %add3A_9, %mul3A_24 : i32
        %multiple_of3A = tpu.assume_multiple %mul3A_25, 8 : i32
        "tpu.region"() ({
          %run_scoped3A = tpu.sem_alloc : memref<!tpu.dma_semaphore, #tpu.memory_space<semaphore_mem>>
          %dma_start3A_26 = arith.constant 0 : i32
          %dma_start3A_27 = tpu.memref_slice %arg4[%multiple_of3A, %dma_start3A_26] : memref<10000x128xf32, #tpu.memory_space<hbm>> -> memref<80x128xf32, #tpu.memory_space<hbm>>
          %dma_start3A_28 = arith.constant 0 : i32
          %dma_start3A_29 = tpu.memref_slice %arg4[%multiple_of3A, %dma_start3A_28] : memref<10000x128xf32, #tpu.memory_space<hbm>> -> memref<80x128xf32, #tpu.memory_space<hbm>>
          tpu.enqueue_dma source(%arg6 : memref<80x128xf32, #tpu.memory_space<vmem>>) target(%dma_start3A_29 : memref<80x128xf32, #tpu.memory_space<hbm>>) target_semaphore(%run_scoped3A : memref<!tpu.dma_semaphore, #tpu.memory_space<semaphore_mem>>)
          %dma_wait3A_30 = arith.constant 0 : i32
          %dma_wait3A_31 = tpu.memref_slice %arg4[%multiple_of3A, %dma_wait3A_30] : memref<10000x128xf32, #tpu.memory_space<hbm>> -> memref<80x128xf32, #tpu.memory_space<hbm>>
          %dma_wait3A_32 = arith.constant 0 : i32
          %dma_wait3A_33 = tpu.memref_slice %arg4[%multiple_of3A, %dma_wait3A_32] : memref<10000x128xf32, #tpu.memory_space<hbm>> -> memref<80x128xf32, #tpu.memory_space<hbm>>
          tpu.wait_dma2 semaphore(%run_scoped3A : memref<!tpu.dma_semaphore, #tpu.memory_space<semaphore_mem>>) src(%arg6 : memref<80x128xf32, #tpu.memory_space<vmem>>) dst(%dma_wait3A_33 : memref<80x128xf32, #tpu.memory_space<hbm>>)
          tpu.yield
        }) : () -> ()
      } else {
      }
    }
    %scan3A_5 = arith.constant 4 : i32
    return
  }
}

#map = affine_map<(d0, d1) -> (0, 0)>
#map1 = affine_map<(d0, d1) -> (0, 0, 0)>
module attributes {stable_mosaic.version = 14 : i64} {
  func.func @_segsum_k(%arg0: i32, %arg1: i32, %arg2: memref<30000x128xf32, #tpu.memory_space<hbm>>, %arg3: memref<32x80x125xi32, #tpu.memory_space<hbm>>, %arg4: memref<32x80x125xi32, #tpu.memory_space<hbm>>, %arg5: memref<10000x128xf32, #tpu.memory_space<hbm>>, %arg6: memref<2x10000x128xf32, #tpu.memory_space<hbm>>, %arg7: memref<40x125xi32, #tpu.memory_space<vmem>>, %arg8: memref<40x125xi32, #tpu.memory_space<vmem>>, %arg9: memref<125x128xf32, #tpu.memory_space<vmem>>, %arg10: memref<125x128xf32, #tpu.memory_space<vmem>>, %arg11: memref<!tpu.dma_semaphore, #tpu.memory_space<semaphore_mem>>, %arg12: memref<!tpu.dma_semaphore, #tpu.memory_space<semaphore_mem>>, %arg13: memref<10000x128xf32, #tpu.memory_space<vmem_shared>>) attributes {dimension_semantics = [#tpu.dimension_semantics<core_parallel>, #tpu.dimension_semantics<subcore_parallel>], iteration_bounds = array<i64: 2, 16>, scalar_prefetch = 0 : i64, scratch_operands = 7 : i64, tpu.core_type = #tpu.core_type<sc_vector_subcore>, window_params = [{transform_indices = #map}, {transform_indices = #map1}, {transform_indices = #map1}, {transform_indices = #map}, {transform_indices = #map1}]} {
    %mul3A = arith.constant 2 : i32
    %mul3A_0 = arith.muli %arg1, %mul3A : i32
    %add3A = arith.addi %mul3A_0, %arg0 : i32
    %mul3A_1 = arith.constant 624 : i32
    %mul3A_2 = arith.muli %arg1, %mul3A_1 : i32
    %multiple_of3A = tpu.assume_multiple %mul3A_2, 8 : i32
    %lt3A = arith.constant 15 : i32
    %lt3A_3 = arith.cmpi slt, %arg1, %lt3A : i32
    %convert_element_type3A = arith.extui %lt3A_3 : i1 to i32
    %cond3A = arith.constant 0 : i32
    %cond3A_4 = arith.cmpi ne, %convert_element_type3A, %cond3A : i32
    scf.if %cond3A_4 {
      "tpu.region"() ({
        %run_scoped3A = tpu.sem_alloc : memref<!tpu.dma_semaphore, #tpu.memory_space<semaphore_mem>>
        %dma_start3A_58 = arith.constant 0 : i32
        %dma_start3A_59 = tpu.memref_slice %arg13[%multiple_of3A, %dma_start3A_58] : memref<10000x128xf32, #tpu.memory_space<vmem_shared>> -> memref<624x128xf32, #tpu.memory_space<vmem_shared>>
        %dma_start3A_60 = arith.constant 0 : i32
        %dma_start3A_61 = tpu.memref_slice %arg5[%multiple_of3A, %dma_start3A_60] : memref<10000x128xf32, #tpu.memory_space<hbm>> -> memref<624x128xf32, #tpu.memory_space<hbm>>
        tpu.enqueue_dma source(%dma_start3A_61 : memref<624x128xf32, #tpu.memory_space<hbm>>) target(%dma_start3A_59 : memref<624x128xf32, #tpu.memory_space<vmem_shared>>) target_semaphore(%run_scoped3A : memref<!tpu.dma_semaphore, #tpu.memory_space<semaphore_mem>>)
        %dma_wait3A = arith.constant 0 : i32
        %dma_wait3A_62 = tpu.memref_slice %arg13[%multiple_of3A, %dma_wait3A] : memref<10000x128xf32, #tpu.memory_space<vmem_shared>> -> memref<624x128xf32, #tpu.memory_space<vmem_shared>>
        %dma_wait3A_63 = arith.constant 0 : i32
        %dma_wait3A_64 = tpu.memref_slice %arg5[%multiple_of3A, %dma_wait3A_63] : memref<10000x128xf32, #tpu.memory_space<hbm>> -> memref<624x128xf32, #tpu.memory_space<hbm>>
        tpu.wait_dma2 semaphore(%run_scoped3A : memref<!tpu.dma_semaphore, #tpu.memory_space<semaphore_mem>>) src(%dma_wait3A_64 : memref<624x128xf32, #tpu.memory_space<hbm>>) dst(%dma_wait3A_62 : memref<624x128xf32, #tpu.memory_space<vmem_shared>>)
        tpu.yield
      }) : () -> ()
    } else {
    }
    %eq3A = arith.constant 15 : i32
    %eq3A_5 = arith.cmpi eq, %arg1, %eq3A : i32
    %convert_element_type3A_6 = arith.extui %eq3A_5 : i1 to i32
    %cond3A_7 = arith.constant 0 : i32
    %cond3A_8 = arith.cmpi ne, %convert_element_type3A_6, %cond3A_7 : i32
    scf.if %cond3A_8 {
      "tpu.region"() ({
        %run_scoped3A = tpu.sem_alloc : memref<!tpu.dma_semaphore, #tpu.memory_space<semaphore_mem>>
        %dma_start3A_58 = arith.constant 9360 : i32
        %dma_start3A_59 = arith.constant 0 : i32
        %dma_start3A_60 = tpu.memref_slice %arg13[%dma_start3A_58, %dma_start3A_59] : memref<10000x128xf32, #tpu.memory_space<vmem_shared>> -> memref<640x128xf32, #tpu.memory_space<vmem_shared>>
        %dma_start3A_61 = arith.constant 9360 : i32
        %dma_start3A_62 = arith.constant 0 : i32
        %dma_start3A_63 = tpu.memref_slice %arg5[%dma_start3A_61, %dma_start3A_62] : memref<10000x128xf32, #tpu.memory_space<hbm>> -> memref<640x128xf32, #tpu.memory_space<hbm>>
        tpu.enqueue_dma source(%dma_start3A_63 : memref<640x128xf32, #tpu.memory_space<hbm>>) target(%dma_start3A_60 : memref<640x128xf32, #tpu.memory_space<vmem_shared>>) target_semaphore(%run_scoped3A : memref<!tpu.dma_semaphore, #tpu.memory_space<semaphore_mem>>)
        %dma_wait3A = arith.constant 9360 : i32
        %dma_wait3A_64 = arith.constant 0 : i32
        %dma_wait3A_65 = tpu.memref_slice %arg13[%dma_wait3A, %dma_wait3A_64] : memref<10000x128xf32, #tpu.memory_space<vmem_shared>> -> memref<640x128xf32, #tpu.memory_space<vmem_shared>>
        %dma_wait3A_66 = arith.constant 9360 : i32
        %dma_wait3A_67 = arith.constant 0 : i32
        %dma_wait3A_68 = tpu.memref_slice %arg5[%dma_wait3A_66, %dma_wait3A_67] : memref<10000x128xf32, #tpu.memory_space<hbm>> -> memref<640x128xf32, #tpu.memory_space<hbm>>
        tpu.wait_dma2 semaphore(%run_scoped3A : memref<!tpu.dma_semaphore, #tpu.memory_space<semaphore_mem>>) src(%dma_wait3A_68 : memref<640x128xf32, #tpu.memory_space<hbm>>) dst(%dma_wait3A_65 : memref<640x128xf32, #tpu.memory_space<vmem_shared>>)
        tpu.yield
      }) : () -> ()
    } else {
    }
    %barrier3A = arith.constant 0 : index
    tpu.barrier barrier_id(%barrier3A)
    "tpu.region"() ({
      %run_scoped3A = tpu.sem_alloc : memref<!tpu.dma_semaphore, #tpu.memory_space<semaphore_mem>>
      %dma_start3A_58 = arith.constant 0 : i32
      %dma_start3A_59 = arith.constant 0 : i32
      %dma_start3A_60 = tpu.memref_slice %arg3[%add3A, %dma_start3A_58, %dma_start3A_59] : memref<32x80x125xi32, #tpu.memory_space<hbm>> -> memref<1x40x125xi32, #tpu.memory_space<hbm>>
      %dma_start3A_61 = tpu.memref_squeeze %dma_start3A_60 : memref<1x40x125xi32, #tpu.memory_space<hbm>> -> memref<40x125xi32, #tpu.memory_space<hbm>>
      %dma_start3A_62 = arith.constant 0 : i32
      %dma_start3A_63 = arith.constant 0 : i32
      %dma_start3A_64 = tpu.memref_slice %arg3[%add3A, %dma_start3A_62, %dma_start3A_63] : memref<32x80x125xi32, #tpu.memory_space<hbm>> -> memref<1x40x125xi32, #tpu.memory_space<hbm>>
      %dma_start3A_65 = tpu.memref_squeeze %dma_start3A_64 : memref<1x40x125xi32, #tpu.memory_space<hbm>> -> memref<40x125xi32, #tpu.memory_space<hbm>>
      tpu.enqueue_dma source(%dma_start3A_65 : memref<40x125xi32, #tpu.memory_space<hbm>>) target(%arg7 : memref<40x125xi32, #tpu.memory_space<vmem>>) target_semaphore(%run_scoped3A : memref<!tpu.dma_semaphore, #tpu.memory_space<semaphore_mem>>)
      %dma_wait3A = arith.constant 0 : i32
      %dma_wait3A_66 = arith.constant 0 : i32
      %dma_wait3A_67 = tpu.memref_slice %arg3[%add3A, %dma_wait3A, %dma_wait3A_66] : memref<32x80x125xi32, #tpu.memory_space<hbm>> -> memref<1x40x125xi32, #tpu.memory_space<hbm>>
      %dma_wait3A_68 = tpu.memref_squeeze %dma_wait3A_67 : memref<1x40x125xi32, #tpu.memory_space<hbm>> -> memref<40x125xi32, #tpu.memory_space<hbm>>
      %dma_wait3A_69 = arith.constant 0 : i32
      %dma_wait3A_70 = arith.constant 0 : i32
      %dma_wait3A_71 = tpu.memref_slice %arg3[%add3A, %dma_wait3A_69, %dma_wait3A_70] : memref<32x80x125xi32, #tpu.memory_space<hbm>> -> memref<1x40x125xi32, #tpu.memory_space<hbm>>
      %dma_wait3A_72 = tpu.memref_squeeze %dma_wait3A_71 : memref<1x40x125xi32, #tpu.memory_space<hbm>> -> memref<40x125xi32, #tpu.memory_space<hbm>>
      tpu.wait_dma2 semaphore(%run_scoped3A : memref<!tpu.dma_semaphore, #tpu.memory_space<semaphore_mem>>) src(%dma_wait3A_72 : memref<40x125xi32, #tpu.memory_space<hbm>>) dst(%arg7 : memref<40x125xi32, #tpu.memory_space<vmem>>)
      tpu.yield
    }) : () -> ()
    "tpu.region"() ({
      %run_scoped3A = tpu.sem_alloc : memref<!tpu.dma_semaphore, #tpu.memory_space<semaphore_mem>>
      %dma_start3A_58 = arith.constant 0 : i32
      %dma_start3A_59 = arith.constant 0 : i32
      %dma_start3A_60 = tpu.memref_slice %arg4[%add3A, %dma_start3A_58, %dma_start3A_59] : memref<32x80x125xi32, #tpu.memory_space<hbm>> -> memref<1x40x125xi32, #tpu.memory_space<hbm>>
      %dma_start3A_61 = tpu.memref_squeeze %dma_start3A_60 : memref<1x40x125xi32, #tpu.memory_space<hbm>> -> memref<40x125xi32, #tpu.memory_space<hbm>>
      %dma_start3A_62 = arith.constant 0 : i32
      %dma_start3A_63 = arith.constant 0 : i32
      %dma_start3A_64 = tpu.memref_slice %arg4[%add3A, %dma_start3A_62, %dma_start3A_63] : memref<32x80x125xi32, #tpu.memory_space<hbm>> -> memref<1x40x125xi32, #tpu.memory_space<hbm>>
      %dma_start3A_65 = tpu.memref_squeeze %dma_start3A_64 : memref<1x40x125xi32, #tpu.memory_space<hbm>> -> memref<40x125xi32, #tpu.memory_space<hbm>>
      tpu.enqueue_dma source(%dma_start3A_65 : memref<40x125xi32, #tpu.memory_space<hbm>>) target(%arg8 : memref<40x125xi32, #tpu.memory_space<vmem>>) target_semaphore(%run_scoped3A : memref<!tpu.dma_semaphore, #tpu.memory_space<semaphore_mem>>)
      %dma_wait3A = arith.constant 0 : i32
      %dma_wait3A_66 = arith.constant 0 : i32
      %dma_wait3A_67 = tpu.memref_slice %arg4[%add3A, %dma_wait3A, %dma_wait3A_66] : memref<32x80x125xi32, #tpu.memory_space<hbm>> -> memref<1x40x125xi32, #tpu.memory_space<hbm>>
      %dma_wait3A_68 = tpu.memref_squeeze %dma_wait3A_67 : memref<1x40x125xi32, #tpu.memory_space<hbm>> -> memref<40x125xi32, #tpu.memory_space<hbm>>
      %dma_wait3A_69 = arith.constant 0 : i32
      %dma_wait3A_70 = arith.constant 0 : i32
      %dma_wait3A_71 = tpu.memref_slice %arg4[%add3A, %dma_wait3A_69, %dma_wait3A_70] : memref<32x80x125xi32, #tpu.memory_space<hbm>> -> memref<1x40x125xi32, #tpu.memory_space<hbm>>
      %dma_wait3A_72 = tpu.memref_squeeze %dma_wait3A_71 : memref<1x40x125xi32, #tpu.memory_space<hbm>> -> memref<40x125xi32, #tpu.memory_space<hbm>>
      tpu.wait_dma2 semaphore(%run_scoped3A : memref<!tpu.dma_semaphore, #tpu.memory_space<semaphore_mem>>) src(%dma_wait3A_72 : memref<40x125xi32, #tpu.memory_space<hbm>>) dst(%arg8 : memref<40x125xi32, #tpu.memory_space<vmem>>)
      tpu.yield
    }) : () -> ()
    %dma_start3A = arith.constant 0 : i32
    %dma_start3A_9 = arith.constant 0 : i32
    %dma_start3A_10 = tpu.memref_slice %arg7[%dma_start3A, %dma_start3A_9] : memref<40x125xi32, #tpu.memory_space<vmem>> -> memref<1x125xi32, #tpu.memory_space<vmem>>
    %dma_start3A_11 = tpu.memref_squeeze %dma_start3A_10 : memref<1x125xi32, #tpu.memory_space<vmem>> -> memref<125xi32, #tpu.memory_space<vmem>>
    %dma_start3A_12 = arith.constant 0 : i32
    %dma_start3A_13 = arith.constant 0 : i32
    %dma_start3A_14 = tpu.memref_slice %arg2[%dma_start3A_12, %dma_start3A_13] : memref<30000x128xf32, #tpu.memory_space<hbm>> -> memref<30000x128xf32, #tpu.memory_space<hbm>>
    tpu.enqueue_indirect_dma source(%dma_start3A_14 : memref<30000x128xf32, #tpu.memory_space<hbm>>) target(%arg9 : memref<125x128xf32, #tpu.memory_space<vmem>>) offsets(%dma_start3A_11 : memref<125xi32, #tpu.memory_space<vmem>>) semaphore(%arg11 : memref<!tpu.dma_semaphore, #tpu.memory_space<semaphore_mem>>)
    %dma_start3A_15 = arith.constant 1 : i32
    %dma_start3A_16 = arith.constant 0 : i32
    %dma_start3A_17 = tpu.memref_slice %arg7[%dma_start3A_15, %dma_start3A_16] : memref<40x125xi32, #tpu.memory_space<vmem>> -> memref<1x125xi32, #tpu.memory_space<vmem>>
    %dma_start3A_18 = tpu.memref_squeeze %dma_start3A_17 : memref<1x125xi32, #tpu.memory_space<vmem>> -> memref<125xi32, #tpu.memory_space<vmem>>
    %dma_start3A_19 = arith.constant 0 : i32
    %dma_start3A_20 = arith.constant 0 : i32
    %dma_start3A_21 = tpu.memref_slice %arg2[%dma_start3A_19, %dma_start3A_20] : memref<30000x128xf32, #tpu.memory_space<hbm>> -> memref<30000x128xf32, #tpu.memory_space<hbm>>
    tpu.enqueue_indirect_dma source(%dma_start3A_21 : memref<30000x128xf32, #tpu.memory_space<hbm>>) target(%arg10 : memref<125x128xf32, #tpu.memory_space<vmem>>) offsets(%dma_start3A_18 : memref<125xi32, #tpu.memory_space<vmem>>) semaphore(%arg12 : memref<!tpu.dma_semaphore, #tpu.memory_space<semaphore_mem>>)
    %scan3A = arith.constant 0 : i32
    %scan3A_22 = arith.constant 0 : i32
    %scan3A_23 = arith.constant 20 : i32
    %scan3A_24 = arith.addi %scan3A_22, %scan3A_23 : i32
    %scan3A_25 = arith.constant 1 : i32
    scf.for %scan3A_58 = %scan3A_22 to %scan3A_24 step %scan3A_25  : i32 {
      %mul3A_59 = arith.constant 2 : i32
      %mul3A_60 = arith.muli %mul3A_59, %scan3A_58 : i32
      %dma_wait3A = arith.constant 0 : i32
      %dma_wait3A_61 = tpu.memref_slice %arg7[%mul3A_60, %dma_wait3A] : memref<40x125xi32, #tpu.memory_space<vmem>> -> memref<1x125xi32, #tpu.memory_space<vmem>>
      %dma_wait3A_62 = tpu.memref_squeeze %dma_wait3A_61 : memref<1x125xi32, #tpu.memory_space<vmem>> -> memref<125xi32, #tpu.memory_space<vmem>>
      %dma_wait3A_63 = arith.constant 0 : i32
      %dma_wait3A_64 = arith.constant 0 : i32
      %dma_wait3A_65 = tpu.memref_slice %arg2[%dma_wait3A_63, %dma_wait3A_64] : memref<30000x128xf32, #tpu.memory_space<hbm>> -> memref<30000x128xf32, #tpu.memory_space<hbm>>
      tpu.wait_indirect_dma semaphore(%arg11 : memref<!tpu.dma_semaphore, #tpu.memory_space<semaphore_mem>>) src(%dma_wait3A_65 : memref<30000x128xf32, #tpu.memory_space<hbm>>) dst(%arg9 : memref<125x128xf32, #tpu.memory_space<vmem>>)
      %mul3A_66 = arith.constant 2 : i32
      %mul3A_67 = arith.muli %mul3A_66, %scan3A_58 : i32
      "tpu.region"() ({
        %run_scoped3A = tpu.sem_alloc : memref<!tpu.dma_semaphore, #tpu.memory_space<semaphore_mem>>
        %dma_start3A_100 = arith.constant 0 : i32
        %dma_start3A_101 = tpu.memref_slice %arg8[%mul3A_67, %dma_start3A_100] : memref<40x125xi32, #tpu.memory_space<vmem>> -> memref<1x125xi32, #tpu.memory_space<vmem>>
        %dma_start3A_102 = tpu.memref_squeeze %dma_start3A_101 : memref<1x125xi32, #tpu.memory_space<vmem>> -> memref<125xi32, #tpu.memory_space<vmem>>
        %dma_start3A_103 = arith.constant 0 : i32
        %dma_start3A_104 = arith.constant 0 : i32
        %dma_start3A_105 = tpu.memref_slice %arg13[%dma_start3A_103, %dma_start3A_104] : memref<10000x128xf32, #tpu.memory_space<vmem_shared>> -> memref<10000x128xf32, #tpu.memory_space<vmem_shared>>
        tpu.enqueue_indirect_dma source(%arg9 : memref<125x128xf32, #tpu.memory_space<vmem>>) target(%dma_start3A_105 : memref<10000x128xf32, #tpu.memory_space<vmem_shared>>) offsets(%dma_start3A_102 : memref<125xi32, #tpu.memory_space<vmem>>) semaphore(%run_scoped3A : memref<!tpu.dma_semaphore, #tpu.memory_space<semaphore_mem>>) {add = true}
        %dma_wait3A_106 = arith.constant 0 : i32
        %dma_wait3A_107 = tpu.memref_slice %arg8[%mul3A_67, %dma_wait3A_106] : memref<40x125xi32, #tpu.memory_space<vmem>> -> memref<1x125xi32, #tpu.memory_space<vmem>>
        %dma_wait3A_108 = tpu.memref_squeeze %dma_wait3A_107 : memref<1x125xi32, #tpu.memory_space<vmem>> -> memref<125xi32, #tpu.memory_space<vmem>>
        %dma_wait3A_109 = arith.constant 0 : i32
        %dma_wait3A_110 = arith.constant 0 : i32
        %dma_wait3A_111 = tpu.memref_slice %arg13[%dma_wait3A_109, %dma_wait3A_110] : memref<10000x128xf32, #tpu.memory_space<vmem_shared>> -> memref<10000x128xf32, #tpu.memory_space<vmem_shared>>
        tpu.wait_indirect_dma semaphore(%run_scoped3A : memref<!tpu.dma_semaphore, #tpu.memory_space<semaphore_mem>>) src(%arg9 : memref<125x128xf32, #tpu.memory_space<vmem>>) dst(%dma_wait3A_111 : memref<10000x128xf32, #tpu.memory_space<vmem_shared>>)
        tpu.yield
      }) : () -> ()
      %mul3A_68 = arith.constant 2 : i32
      %mul3A_69 = arith.muli %mul3A_68, %scan3A_58 : i32
      %add3A_70 = arith.constant 2 : i32
      %add3A_71 = arith.addi %mul3A_69, %add3A_70 : i32
      %lt3A_72 = arith.constant 40 : i32
      %lt3A_73 = arith.cmpi slt, %add3A_71, %lt3A_72 : i32
      %convert_element_type3A_74 = arith.extui %lt3A_73 : i1 to i32
      %cond3A_75 = arith.constant 0 : i32
      %cond3A_76 = arith.cmpi ne, %convert_element_type3A_74, %cond3A_75 : i32
      scf.if %cond3A_76 {
        %mul3A_100 = arith.constant 2 : i32
        %mul3A_101 = arith.muli %mul3A_100, %scan3A_58 : i32
        %add3A_102 = arith.constant 2 : i32
        %add3A_103 = arith.addi %mul3A_101, %add3A_102 : i32
        %dma_start3A_104 = arith.constant 0 : i32
        %dma_start3A_105 = tpu.memref_slice %arg7[%add3A_103, %dma_start3A_104] : memref<40x125xi32, #tpu.memory_space<vmem>> -> memref<1x125xi32, #tpu.memory_space<vmem>>
        %dma_start3A_106 = tpu.memref_squeeze %dma_start3A_105 : memref<1x125xi32, #tpu.memory_space<vmem>> -> memref<125xi32, #tpu.memory_space<vmem>>
        %dma_start3A_107 = arith.constant 0 : i32
        %dma_start3A_108 = arith.constant 0 : i32
        %dma_start3A_109 = tpu.memref_slice %arg2[%dma_start3A_107, %dma_start3A_108] : memref<30000x128xf32, #tpu.memory_space<hbm>> -> memref<30000x128xf32, #tpu.memory_space<hbm>>
        tpu.enqueue_indirect_dma source(%dma_start3A_109 : memref<30000x128xf32, #tpu.memory_space<hbm>>) target(%arg9 : memref<125x128xf32, #tpu.memory_space<vmem>>) offsets(%dma_start3A_106 : memref<125xi32, #tpu.memory_space<vmem>>) semaphore(%arg11 : memref<!tpu.dma_semaphore, #tpu.memory_space<semaphore_mem>>)
      } else {
      }
      %mul3A_77 = arith.constant 2 : i32
      %mul3A_78 = arith.muli %mul3A_77, %scan3A_58 : i32
      %add3A_79 = arith.constant 1 : i32
      %add3A_80 = arith.addi %mul3A_78, %add3A_79 : i32
      %dma_wait3A_81 = arith.constant 0 : i32
      %dma_wait3A_82 = tpu.memref_slice %arg7[%add3A_80, %dma_wait3A_81] : memref<40x125xi32, #tpu.memory_space<vmem>> -> memref<1x125xi32, #tpu.memory_space<vmem>>
      %dma_wait3A_83 = tpu.memref_squeeze %dma_wait3A_82 : memref<1x125xi32, #tpu.memory_space<vmem>> -> memref<125xi32, #tpu.memory_space<vmem>>
      %dma_wait3A_84 = arith.constant 0 : i32
      %dma_wait3A_85 = arith.constant 0 : i32
      %dma_wait3A_86 = tpu.memref_slice %arg2[%dma_wait3A_84, %dma_wait3A_85] : memref<30000x128xf32, #tpu.memory_space<hbm>> -> memref<30000x128xf32, #tpu.memory_space<hbm>>
      tpu.wait_indirect_dma semaphore(%arg12 : memref<!tpu.dma_semaphore, #tpu.memory_space<semaphore_mem>>) src(%dma_wait3A_86 : memref<30000x128xf32, #tpu.memory_space<hbm>>) dst(%arg10 : memref<125x128xf32, #tpu.memory_space<vmem>>)
      %mul3A_87 = arith.constant 2 : i32
      %mul3A_88 = arith.muli %mul3A_87, %scan3A_58 : i32
      %add3A_89 = arith.constant 1 : i32
      %add3A_90 = arith.addi %mul3A_88, %add3A_89 : i32
      "tpu.region"() ({
        %run_scoped3A = tpu.sem_alloc : memref<!tpu.dma_semaphore, #tpu.memory_space<semaphore_mem>>
        %dma_start3A_100 = arith.constant 0 : i32
        %dma_start3A_101 = tpu.memref_slice %arg8[%add3A_90, %dma_start3A_100] : memref<40x125xi32, #tpu.memory_space<vmem>> -> memref<1x125xi32, #tpu.memory_space<vmem>>
        %dma_start3A_102 = tpu.memref_squeeze %dma_start3A_101 : memref<1x125xi32, #tpu.memory_space<vmem>> -> memref<125xi32, #tpu.memory_space<vmem>>
        %dma_start3A_103 = arith.constant 0 : i32
        %dma_start3A_104 = arith.constant 0 : i32
        %dma_start3A_105 = tpu.memref_slice %arg13[%dma_start3A_103, %dma_start3A_104] : memref<10000x128xf32, #tpu.memory_space<vmem_shared>> -> memref<10000x128xf32, #tpu.memory_space<vmem_shared>>
        tpu.enqueue_indirect_dma source(%arg10 : memref<125x128xf32, #tpu.memory_space<vmem>>) target(%dma_start3A_105 : memref<10000x128xf32, #tpu.memory_space<vmem_shared>>) offsets(%dma_start3A_102 : memref<125xi32, #tpu.memory_space<vmem>>) semaphore(%run_scoped3A : memref<!tpu.dma_semaphore, #tpu.memory_space<semaphore_mem>>) {add = true}
        %dma_wait3A_106 = arith.constant 0 : i32
        %dma_wait3A_107 = tpu.memref_slice %arg8[%add3A_90, %dma_wait3A_106] : memref<40x125xi32, #tpu.memory_space<vmem>> -> memref<1x125xi32, #tpu.memory_space<vmem>>
        %dma_wait3A_108 = tpu.memref_squeeze %dma_wait3A_107 : memref<1x125xi32, #tpu.memory_space<vmem>> -> memref<125xi32, #tpu.memory_space<vmem>>
        %dma_wait3A_109 = arith.constant 0 : i32
        %dma_wait3A_110 = arith.constant 0 : i32
        %dma_wait3A_111 = tpu.memref_slice %arg13[%dma_wait3A_109, %dma_wait3A_110] : memref<10000x128xf32, #tpu.memory_space<vmem_shared>> -> memref<10000x128xf32, #tpu.memory_space<vmem_shared>>
        tpu.wait_indirect_dma semaphore(%run_scoped3A : memref<!tpu.dma_semaphore, #tpu.memory_space<semaphore_mem>>) src(%arg10 : memref<125x128xf32, #tpu.memory_space<vmem>>) dst(%dma_wait3A_111 : memref<10000x128xf32, #tpu.memory_space<vmem_shared>>)
        tpu.yield
      }) : () -> ()
      %mul3A_91 = arith.constant 2 : i32
      %mul3A_92 = arith.muli %mul3A_91, %scan3A_58 : i32
      %add3A_93 = arith.constant 3 : i32
      %add3A_94 = arith.addi %mul3A_92, %add3A_93 : i32
      %lt3A_95 = arith.constant 40 : i32
      %lt3A_96 = arith.cmpi slt, %add3A_94, %lt3A_95 : i32
      %convert_element_type3A_97 = arith.extui %lt3A_96 : i1 to i32
      %cond3A_98 = arith.constant 0 : i32
      %cond3A_99 = arith.cmpi ne, %convert_element_type3A_97, %cond3A_98 : i32
      scf.if %cond3A_99 {
        %mul3A_100 = arith.constant 2 : i32
        %mul3A_101 = arith.muli %mul3A_100, %scan3A_58 : i32
        %add3A_102 = arith.constant 3 : i32
        %add3A_103 = arith.addi %mul3A_101, %add3A_102 : i32
        %dma_start3A_104 = arith.constant 0 : i32
        %dma_start3A_105 = tpu.memref_slice %arg7[%add3A_103, %dma_start3A_104] : memref<40x125xi32, #tpu.memory_space<vmem>> -> memref<1x125xi32, #tpu.memory_space<vmem>>
        %dma_start3A_106 = tpu.memref_squeeze %dma_start3A_105 : memref<1x125xi32, #tpu.memory_space<vmem>> -> memref<125xi32, #tpu.memory_space<vmem>>
        %dma_start3A_107 = arith.constant 0 : i32
        %dma_start3A_108 = arith.constant 0 : i32
        %dma_start3A_109 = tpu.memref_slice %arg2[%dma_start3A_107, %dma_start3A_108] : memref<30000x128xf32, #tpu.memory_space<hbm>> -> memref<30000x128xf32, #tpu.memory_space<hbm>>
        tpu.enqueue_indirect_dma source(%dma_start3A_109 : memref<30000x128xf32, #tpu.memory_space<hbm>>) target(%arg10 : memref<125x128xf32, #tpu.memory_space<vmem>>) offsets(%dma_start3A_106 : memref<125xi32, #tpu.memory_space<vmem>>) semaphore(%arg12 : memref<!tpu.dma_semaphore, #tpu.memory_space<semaphore_mem>>)
      } else {
      }
    }
    %scan3A_26 = arith.constant 20 : i32
    "tpu.region"() ({
      %run_scoped3A = tpu.sem_alloc : memref<!tpu.dma_semaphore, #tpu.memory_space<semaphore_mem>>
      %dma_start3A_58 = arith.constant 40 : i32
      %dma_start3A_59 = arith.constant 0 : i32
      %dma_start3A_60 = tpu.memref_slice %arg3[%add3A, %dma_start3A_58, %dma_start3A_59] : memref<32x80x125xi32, #tpu.memory_space<hbm>> -> memref<1x40x125xi32, #tpu.memory_space<hbm>>
      %dma_start3A_61 = tpu.memref_squeeze %dma_start3A_60 : memref<1x40x125xi32, #tpu.memory_space<hbm>> -> memref<40x125xi32, #tpu.memory_space<hbm>>
      %dma_start3A_62 = arith.constant 40 : i32
      %dma_start3A_63 = arith.constant 0 : i32
      %dma_start3A_64 = tpu.memref_slice %arg3[%add3A, %dma_start3A_62, %dma_start3A_63] : memref<32x80x125xi32, #tpu.memory_space<hbm>> -> memref<1x40x125xi32, #tpu.memory_space<hbm>>
      %dma_start3A_65 = tpu.memref_squeeze %dma_start3A_64 : memref<1x40x125xi32, #tpu.memory_space<hbm>> -> memref<40x125xi32, #tpu.memory_space<hbm>>
      tpu.enqueue_dma source(%dma_start3A_65 : memref<40x125xi32, #tpu.memory_space<hbm>>) target(%arg7 : memref<40x125xi32, #tpu.memory_space<vmem>>) target_semaphore(%run_scoped3A : memref<!tpu.dma_semaphore, #tpu.memory_space<semaphore_mem>>)
      %dma_wait3A = arith.constant 40 : i32
      %dma_wait3A_66 = arith.constant 0 : i32
      %dma_wait3A_67 = tpu.memref_slice %arg3[%add3A, %dma_wait3A, %dma_wait3A_66] : memref<32x80x125xi32, #tpu.memory_space<hbm>> -> memref<1x40x125xi32, #tpu.memory_space<hbm>>
      %dma_wait3A_68 = tpu.memref_squeeze %dma_wait3A_67 : memref<1x40x125xi32, #tpu.memory_space<hbm>> -> memref<40x125xi32, #tpu.memory_space<hbm>>
      %dma_wait3A_69 = arith.constant 40 : i32
      %dma_wait3A_70 = arith.constant 0 : i32
      %dma_wait3A_71 = tpu.memref_slice %arg3[%add3A, %dma_wait3A_69, %dma_wait3A_70] : memref<32x80x125xi32, #tpu.memory_space<hbm>> -> memref<1x40x125xi32, #tpu.memory_space<hbm>>
      %dma_wait3A_72 = tpu.memref_squeeze %dma_wait3A_71 : memref<1x40x125xi32, #tpu.memory_space<hbm>> -> memref<40x125xi32, #tpu.memory_space<hbm>>
      tpu.wait_dma2 semaphore(%run_scoped3A : memref<!tpu.dma_semaphore, #tpu.memory_space<semaphore_mem>>) src(%dma_wait3A_72 : memref<40x125xi32, #tpu.memory_space<hbm>>) dst(%arg7 : memref<40x125xi32, #tpu.memory_space<vmem>>)
      tpu.yield
    }) : () -> ()
    "tpu.region"() ({
      %run_scoped3A = tpu.sem_alloc : memref<!tpu.dma_semaphore, #tpu.memory_space<semaphore_mem>>
      %dma_start3A_58 = arith.constant 40 : i32
      %dma_start3A_59 = arith.constant 0 : i32
      %dma_start3A_60 = tpu.memref_slice %arg4[%add3A, %dma_start3A_58, %dma_start3A_59] : memref<32x80x125xi32, #tpu.memory_space<hbm>> -> memref<1x40x125xi32, #tpu.memory_space<hbm>>
      %dma_start3A_61 = tpu.memref_squeeze %dma_start3A_60 : memref<1x40x125xi32, #tpu.memory_space<hbm>> -> memref<40x125xi32, #tpu.memory_space<hbm>>
      %dma_start3A_62 = arith.constant 40 : i32
      %dma_start3A_63 = arith.constant 0 : i32
      %dma_start3A_64 = tpu.memref_slice %arg4[%add3A, %dma_start3A_62, %dma_start3A_63] : memref<32x80x125xi32, #tpu.memory_space<hbm>> -> memref<1x40x125xi32, #tpu.memory_space<hbm>>
      %dma_start3A_65 = tpu.memref_squeeze %dma_start3A_64 : memref<1x40x125xi32, #tpu.memory_space<hbm>> -> memref<40x125xi32, #tpu.memory_space<hbm>>
      tpu.enqueue_dma source(%dma_start3A_65 : memref<40x125xi32, #tpu.memory_space<hbm>>) target(%arg8 : memref<40x125xi32, #tpu.memory_space<vmem>>) target_semaphore(%run_scoped3A : memref<!tpu.dma_semaphore, #tpu.memory_space<semaphore_mem>>)
      %dma_wait3A = arith.constant 40 : i32
      %dma_wait3A_66 = arith.constant 0 : i32
      %dma_wait3A_67 = tpu.memref_slice %arg4[%add3A, %dma_wait3A, %dma_wait3A_66] : memref<32x80x125xi32, #tpu.memory_space<hbm>> -> memref<1x40x125xi32, #tpu.memory_space<hbm>>
      %dma_wait3A_68 = tpu.memref_squeeze %dma_wait3A_67 : memref<1x40x125xi32, #tpu.memory_space<hbm>> -> memref<40x125xi32, #tpu.memory_space<hbm>>
      %dma_wait3A_69 = arith.constant 40 : i32
      %dma_wait3A_70 = arith.constant 0 : i32
      %dma_wait3A_71 = tpu.memref_slice %arg4[%add3A, %dma_wait3A_69, %dma_wait3A_70] : memref<32x80x125xi32, #tpu.memory_space<hbm>> -> memref<1x40x125xi32, #tpu.memory_space<hbm>>
      %dma_wait3A_72 = tpu.memref_squeeze %dma_wait3A_71 : memref<1x40x125xi32, #tpu.memory_space<hbm>> -> memref<40x125xi32, #tpu.memory_space<hbm>>
      tpu.wait_dma2 semaphore(%run_scoped3A : memref<!tpu.dma_semaphore, #tpu.memory_space<semaphore_mem>>) src(%dma_wait3A_72 : memref<40x125xi32, #tpu.memory_space<hbm>>) dst(%arg8 : memref<40x125xi32, #tpu.memory_space<vmem>>)
      tpu.yield
    }) : () -> ()
    %dma_start3A_27 = arith.constant 0 : i32
    %dma_start3A_28 = arith.constant 0 : i32
    %dma_start3A_29 = tpu.memref_slice %arg7[%dma_start3A_27, %dma_start3A_28] : memref<40x125xi32, #tpu.memory_space<vmem>> -> memref<1x125xi32, #tpu.memory_space<vmem>>
    %dma_start3A_30 = tpu.memref_squeeze %dma_start3A_29 : memref<1x125xi32, #tpu.memory_space<vmem>> -> memref<125xi32, #tpu.memory_space<vmem>>
    %dma_start3A_31 = arith.constant 0 : i32
    %dma_start3A_32 = arith.constant 0 : i32
    %dma_start3A_33 = tpu.memref_slice %arg2[%dma_start3A_31, %dma_start3A_32] : memref<30000x128xf32, #tpu.memory_space<hbm>> -> memref<30000x128xf32, #tpu.memory_space<hbm>>
    tpu.enqueue_indirect_dma source(%dma_start3A_33 : memref<30000x128xf32, #tpu.memory_space<hbm>>) target(%arg9 : memref<125x128xf32, #tpu.memory_space<vmem>>) offsets(%dma_start3A_30 : memref<125xi32, #tpu.memory_space<vmem>>) semaphore(%arg11 : memref<!tpu.dma_semaphore, #tpu.memory_space<semaphore_mem>>)
    %dma_start3A_34 = arith.constant 1 : i32
    %dma_start3A_35 = arith.constant 0 : i32
    %dma_start3A_36 = tpu.memref_slice %arg7[%dma_start3A_34, %dma_start3A_35] : memref<40x125xi32, #tpu.memory_space<vmem>> -> memref<1x125xi32, #tpu.memory_space<vmem>>
    %dma_start3A_37 = tpu.memref_squeeze %dma_start3A_36 : memref<1x125xi32, #tpu.memory_space<vmem>> -> memref<125xi32, #tpu.memory_space<vmem>>
    %dma_start3A_38 = arith.constant 0 : i32
    %dma_start3A_39 = arith.constant 0 : i32
    %dma_start3A_40 = tpu.memref_slice %arg2[%dma_start3A_38, %dma_start3A_39] : memref<30000x128xf32, #tpu.memory_space<hbm>> -> memref<30000x128xf32, #tpu.memory_space<hbm>>
    tpu.enqueue_indirect_dma source(%dma_start3A_40 : memref<30000x128xf32, #tpu.memory_space<hbm>>) target(%arg10 : memref<125x128xf32, #tpu.memory_space<vmem>>) offsets(%dma_start3A_37 : memref<125xi32, #tpu.memory_space<vmem>>) semaphore(%arg12 : memref<!tpu.dma_semaphore, #tpu.memory_space<semaphore_mem>>)
    %scan3A_41 = arith.constant 0 : i32
    %scan3A_42 = arith.constant 0 : i32
    %scan3A_43 = arith.constant 20 : i32
    %scan3A_44 = arith.addi %scan3A_42, %scan3A_43 : i32
    %scan3A_45 = arith.constant 1 : i32
    scf.for %scan3A_58 = %scan3A_42 to %scan3A_44 step %scan3A_45  : i32 {
      %mul3A_59 = arith.constant 2 : i32
      %mul3A_60 = arith.muli %mul3A_59, %scan3A_58 : i32
      %dma_wait3A = arith.constant 0 : i32
      %dma_wait3A_61 = tpu.memref_slice %arg7[%mul3A_60, %dma_wait3A] : memref<40x125xi32, #tpu.memory_space<vmem>> -> memref<1x125xi32, #tpu.memory_space<vmem>>
      %dma_wait3A_62 = tpu.memref_squeeze %dma_wait3A_61 : memref<1x125xi32, #tpu.memory_space<vmem>> -> memref<125xi32, #tpu.memory_space<vmem>>
      %dma_wait3A_63 = arith.constant 0 : i32
      %dma_wait3A_64 = arith.constant 0 : i32
      %dma_wait3A_65 = tpu.memref_slice %arg2[%dma_wait3A_63, %dma_wait3A_64] : memref<30000x128xf32, #tpu.memory_space<hbm>> -> memref<30000x128xf32, #tpu.memory_space<hbm>>
      tpu.wait_indirect_dma semaphore(%arg11 : memref<!tpu.dma_semaphore, #tpu.memory_space<semaphore_mem>>) src(%dma_wait3A_65 : memref<30000x128xf32, #tpu.memory_space<hbm>>) dst(%arg9 : memref<125x128xf32, #tpu.memory_space<vmem>>)
      %mul3A_66 = arith.constant 2 : i32
      %mul3A_67 = arith.muli %mul3A_66, %scan3A_58 : i32
      "tpu.region"() ({
        %run_scoped3A = tpu.sem_alloc : memref<!tpu.dma_semaphore, #tpu.memory_space<semaphore_mem>>
        %dma_start3A_100 = arith.constant 0 : i32
        %dma_start3A_101 = tpu.memref_slice %arg8[%mul3A_67, %dma_start3A_100] : memref<40x125xi32, #tpu.memory_space<vmem>> -> memref<1x125xi32, #tpu.memory_space<vmem>>
        %dma_start3A_102 = tpu.memref_squeeze %dma_start3A_101 : memref<1x125xi32, #tpu.memory_space<vmem>> -> memref<125xi32, #tpu.memory_space<vmem>>
        %dma_start3A_103 = arith.constant 0 : i32
        %dma_start3A_104 = arith.constant 0 : i32
        %dma_start3A_105 = tpu.memref_slice %arg13[%dma_start3A_103, %dma_start3A_104] : memref<10000x128xf32, #tpu.memory_space<vmem_shared>> -> memref<10000x128xf32, #tpu.memory_space<vmem_shared>>
        tpu.enqueue_indirect_dma source(%arg9 : memref<125x128xf32, #tpu.memory_space<vmem>>) target(%dma_start3A_105 : memref<10000x128xf32, #tpu.memory_space<vmem_shared>>) offsets(%dma_start3A_102 : memref<125xi32, #tpu.memory_space<vmem>>) semaphore(%run_scoped3A : memref<!tpu.dma_semaphore, #tpu.memory_space<semaphore_mem>>) {add = true}
        %dma_wait3A_106 = arith.constant 0 : i32
        %dma_wait3A_107 = tpu.memref_slice %arg8[%mul3A_67, %dma_wait3A_106] : memref<40x125xi32, #tpu.memory_space<vmem>> -> memref<1x125xi32, #tpu.memory_space<vmem>>
        %dma_wait3A_108 = tpu.memref_squeeze %dma_wait3A_107 : memref<1x125xi32, #tpu.memory_space<vmem>> -> memref<125xi32, #tpu.memory_space<vmem>>
        %dma_wait3A_109 = arith.constant 0 : i32
        %dma_wait3A_110 = arith.constant 0 : i32
        %dma_wait3A_111 = tpu.memref_slice %arg13[%dma_wait3A_109, %dma_wait3A_110] : memref<10000x128xf32, #tpu.memory_space<vmem_shared>> -> memref<10000x128xf32, #tpu.memory_space<vmem_shared>>
        tpu.wait_indirect_dma semaphore(%run_scoped3A : memref<!tpu.dma_semaphore, #tpu.memory_space<semaphore_mem>>) src(%arg9 : memref<125x128xf32, #tpu.memory_space<vmem>>) dst(%dma_wait3A_111 : memref<10000x128xf32, #tpu.memory_space<vmem_shared>>)
        tpu.yield
      }) : () -> ()
      %mul3A_68 = arith.constant 2 : i32
      %mul3A_69 = arith.muli %mul3A_68, %scan3A_58 : i32
      %add3A_70 = arith.constant 2 : i32
      %add3A_71 = arith.addi %mul3A_69, %add3A_70 : i32
      %lt3A_72 = arith.constant 40 : i32
      %lt3A_73 = arith.cmpi slt, %add3A_71, %lt3A_72 : i32
      %convert_element_type3A_74 = arith.extui %lt3A_73 : i1 to i32
      %cond3A_75 = arith.constant 0 : i32
      %cond3A_76 = arith.cmpi ne, %convert_element_type3A_74, %cond3A_75 : i32
      scf.if %cond3A_76 {
        %mul3A_100 = arith.constant 2 : i32
        %mul3A_101 = arith.muli %mul3A_100, %scan3A_58 : i32
        %add3A_102 = arith.constant 2 : i32
        %add3A_103 = arith.addi %mul3A_101, %add3A_102 : i32
        %dma_start3A_104 = arith.constant 0 : i32
        %dma_start3A_105 = tpu.memref_slice %arg7[%add3A_103, %dma_start3A_104] : memref<40x125xi32, #tpu.memory_space<vmem>> -> memref<1x125xi32, #tpu.memory_space<vmem>>
        %dma_start3A_106 = tpu.memref_squeeze %dma_start3A_105 : memref<1x125xi32, #tpu.memory_space<vmem>> -> memref<125xi32, #tpu.memory_space<vmem>>
        %dma_start3A_107 = arith.constant 0 : i32
        %dma_start3A_108 = arith.constant 0 : i32
        %dma_start3A_109 = tpu.memref_slice %arg2[%dma_start3A_107, %dma_start3A_108] : memref<30000x128xf32, #tpu.memory_space<hbm>> -> memref<30000x128xf32, #tpu.memory_space<hbm>>
        tpu.enqueue_indirect_dma source(%dma_start3A_109 : memref<30000x128xf32, #tpu.memory_space<hbm>>) target(%arg9 : memref<125x128xf32, #tpu.memory_space<vmem>>) offsets(%dma_start3A_106 : memref<125xi32, #tpu.memory_space<vmem>>) semaphore(%arg11 : memref<!tpu.dma_semaphore, #tpu.memory_space<semaphore_mem>>)
      } else {
      }
      %mul3A_77 = arith.constant 2 : i32
      %mul3A_78 = arith.muli %mul3A_77, %scan3A_58 : i32
      %add3A_79 = arith.constant 1 : i32
      %add3A_80 = arith.addi %mul3A_78, %add3A_79 : i32
      %dma_wait3A_81 = arith.constant 0 : i32
      %dma_wait3A_82 = tpu.memref_slice %arg7[%add3A_80, %dma_wait3A_81] : memref<40x125xi32, #tpu.memory_space<vmem>> -> memref<1x125xi32, #tpu.memory_space<vmem>>
      %dma_wait3A_83 = tpu.memref_squeeze %dma_wait3A_82 : memref<1x125xi32, #tpu.memory_space<vmem>> -> memref<125xi32, #tpu.memory_space<vmem>>
      %dma_wait3A_84 = arith.constant 0 : i32
      %dma_wait3A_85 = arith.constant 0 : i32
      %dma_wait3A_86 = tpu.memref_slice %arg2[%dma_wait3A_84, %dma_wait3A_85] : memref<30000x128xf32, #tpu.memory_space<hbm>> -> memref<30000x128xf32, #tpu.memory_space<hbm>>
      tpu.wait_indirect_dma semaphore(%arg12 : memref<!tpu.dma_semaphore, #tpu.memory_space<semaphore_mem>>) src(%dma_wait3A_86 : memref<30000x128xf32, #tpu.memory_space<hbm>>) dst(%arg10 : memref<125x128xf32, #tpu.memory_space<vmem>>)
      %mul3A_87 = arith.constant 2 : i32
      %mul3A_88 = arith.muli %mul3A_87, %scan3A_58 : i32
      %add3A_89 = arith.constant 1 : i32
      %add3A_90 = arith.addi %mul3A_88, %add3A_89 : i32
      "tpu.region"() ({
        %run_scoped3A = tpu.sem_alloc : memref<!tpu.dma_semaphore, #tpu.memory_space<semaphore_mem>>
        %dma_start3A_100 = arith.constant 0 : i32
        %dma_start3A_101 = tpu.memref_slice %arg8[%add3A_90, %dma_start3A_100] : memref<40x125xi32, #tpu.memory_space<vmem>> -> memref<1x125xi32, #tpu.memory_space<vmem>>
        %dma_start3A_102 = tpu.memref_squeeze %dma_start3A_101 : memref<1x125xi32, #tpu.memory_space<vmem>> -> memref<125xi32, #tpu.memory_space<vmem>>
        %dma_start3A_103 = arith.constant 0 : i32
        %dma_start3A_104 = arith.constant 0 : i32
        %dma_start3A_105 = tpu.memref_slice %arg13[%dma_start3A_103, %dma_start3A_104] : memref<10000x128xf32, #tpu.memory_space<vmem_shared>> -> memref<10000x128xf32, #tpu.memory_space<vmem_shared>>
        tpu.enqueue_indirect_dma source(%arg10 : memref<125x128xf32, #tpu.memory_space<vmem>>) target(%dma_start3A_105 : memref<10000x128xf32, #tpu.memory_space<vmem_shared>>) offsets(%dma_start3A_102 : memref<125xi32, #tpu.memory_space<vmem>>) semaphore(%run_scoped3A : memref<!tpu.dma_semaphore, #tpu.memory_space<semaphore_mem>>) {add = true}
        %dma_wait3A_106 = arith.constant 0 : i32
        %dma_wait3A_107 = tpu.memref_slice %arg8[%add3A_90, %dma_wait3A_106] : memref<40x125xi32, #tpu.memory_space<vmem>> -> memref<1x125xi32, #tpu.memory_space<vmem>>
        %dma_wait3A_108 = tpu.memref_squeeze %dma_wait3A_107 : memref<1x125xi32, #tpu.memory_space<vmem>> -> memref<125xi32, #tpu.memory_space<vmem>>
        %dma_wait3A_109 = arith.constant 0 : i32
        %dma_wait3A_110 = arith.constant 0 : i32
        %dma_wait3A_111 = tpu.memref_slice %arg13[%dma_wait3A_109, %dma_wait3A_110] : memref<10000x128xf32, #tpu.memory_space<vmem_shared>> -> memref<10000x128xf32, #tpu.memory_space<vmem_shared>>
        tpu.wait_indirect_dma semaphore(%run_scoped3A : memref<!tpu.dma_semaphore, #tpu.memory_space<semaphore_mem>>) src(%arg10 : memref<125x128xf32, #tpu.memory_space<vmem>>) dst(%dma_wait3A_111 : memref<10000x128xf32, #tpu.memory_space<vmem_shared>>)
        tpu.yield
      }) : () -> ()
      %mul3A_91 = arith.constant 2 : i32
      %mul3A_92 = arith.muli %mul3A_91, %scan3A_58 : i32
      %add3A_93 = arith.constant 3 : i32
      %add3A_94 = arith.addi %mul3A_92, %add3A_93 : i32
      %lt3A_95 = arith.constant 40 : i32
      %lt3A_96 = arith.cmpi slt, %add3A_94, %lt3A_95 : i32
      %convert_element_type3A_97 = arith.extui %lt3A_96 : i1 to i32
      %cond3A_98 = arith.constant 0 : i32
      %cond3A_99 = arith.cmpi ne, %convert_element_type3A_97, %cond3A_98 : i32
      scf.if %cond3A_99 {
        %mul3A_100 = arith.constant 2 : i32
        %mul3A_101 = arith.muli %mul3A_100, %scan3A_58 : i32
        %add3A_102 = arith.constant 3 : i32
        %add3A_103 = arith.addi %mul3A_101, %add3A_102 : i32
        %dma_start3A_104 = arith.constant 0 : i32
        %dma_start3A_105 = tpu.memref_slice %arg7[%add3A_103, %dma_start3A_104] : memref<40x125xi32, #tpu.memory_space<vmem>> -> memref<1x125xi32, #tpu.memory_space<vmem>>
        %dma_start3A_106 = tpu.memref_squeeze %dma_start3A_105 : memref<1x125xi32, #tpu.memory_space<vmem>> -> memref<125xi32, #tpu.memory_space<vmem>>
        %dma_start3A_107 = arith.constant 0 : i32
        %dma_start3A_108 = arith.constant 0 : i32
        %dma_start3A_109 = tpu.memref_slice %arg2[%dma_start3A_107, %dma_start3A_108] : memref<30000x128xf32, #tpu.memory_space<hbm>> -> memref<30000x128xf32, #tpu.memory_space<hbm>>
        tpu.enqueue_indirect_dma source(%dma_start3A_109 : memref<30000x128xf32, #tpu.memory_space<hbm>>) target(%arg10 : memref<125x128xf32, #tpu.memory_space<vmem>>) offsets(%dma_start3A_106 : memref<125xi32, #tpu.memory_space<vmem>>) semaphore(%arg12 : memref<!tpu.dma_semaphore, #tpu.memory_space<semaphore_mem>>)
      } else {
      }
    }
    %scan3A_46 = arith.constant 20 : i32
    %barrier3A_47 = arith.constant 0 : index
    tpu.barrier barrier_id(%barrier3A_47)
    %lt3A_48 = arith.constant 15 : i32
    %lt3A_49 = arith.cmpi slt, %arg1, %lt3A_48 : i32
    %convert_element_type3A_50 = arith.extui %lt3A_49 : i1 to i32
    %cond3A_51 = arith.constant 0 : i32
    %cond3A_52 = arith.cmpi ne, %convert_element_type3A_50, %cond3A_51 : i32
    scf.if %cond3A_52 {
      "tpu.region"() ({
        %run_scoped3A = tpu.sem_alloc : memref<!tpu.dma_semaphore, #tpu.memory_space<semaphore_mem>>
        %dma_start3A_58 = arith.constant 0 : i32
        %dma_start3A_59 = tpu.memref_slice %arg6[%arg0, %multiple_of3A, %dma_start3A_58] : memref<2x10000x128xf32, #tpu.memory_space<hbm>> -> memref<1x624x128xf32, #tpu.memory_space<hbm>>
        %dma_start3A_60 = tpu.memref_squeeze %dma_start3A_59 : memref<1x624x128xf32, #tpu.memory_space<hbm>> -> memref<624x128xf32, #tpu.memory_space<hbm>>
        %dma_start3A_61 = arith.constant 0 : i32
        %dma_start3A_62 = tpu.memref_slice %arg13[%multiple_of3A, %dma_start3A_61] : memref<10000x128xf32, #tpu.memory_space<vmem_shared>> -> memref<624x128xf32, #tpu.memory_space<vmem_shared>>
        tpu.enqueue_dma source(%dma_start3A_62 : memref<624x128xf32, #tpu.memory_space<vmem_shared>>) target(%dma_start3A_60 : memref<624x128xf32, #tpu.memory_space<hbm>>) target_semaphore(%run_scoped3A : memref<!tpu.dma_semaphore, #tpu.memory_space<semaphore_mem>>)
        %dma_wait3A = arith.constant 0 : i32
        %dma_wait3A_63 = tpu.memref_slice %arg6[%arg0, %multiple_of3A, %dma_wait3A] : memref<2x10000x128xf32, #tpu.memory_space<hbm>> -> memref<1x624x128xf32, #tpu.memory_space<hbm>>
        %dma_wait3A_64 = tpu.memref_squeeze %dma_wait3A_63 : memref<1x624x128xf32, #tpu.memory_space<hbm>> -> memref<624x128xf32, #tpu.memory_space<hbm>>
        %dma_wait3A_65 = arith.constant 0 : i32
        %dma_wait3A_66 = tpu.memref_slice %arg13[%multiple_of3A, %dma_wait3A_65] : memref<10000x128xf32, #tpu.memory_space<vmem_shared>> -> memref<624x128xf32, #tpu.memory_space<vmem_shared>>
        tpu.wait_dma2 semaphore(%run_scoped3A : memref<!tpu.dma_semaphore, #tpu.memory_space<semaphore_mem>>) src(%dma_wait3A_66 : memref<624x128xf32, #tpu.memory_space<vmem_shared>>) dst(%dma_wait3A_64 : memref<624x128xf32, #tpu.memory_space<hbm>>)
        tpu.yield
      }) : () -> ()
    } else {
    }
    %eq3A_53 = arith.constant 15 : i32
    %eq3A_54 = arith.cmpi eq, %arg1, %eq3A_53 : i32
    %convert_element_type3A_55 = arith.extui %eq3A_54 : i1 to i32
    %cond3A_56 = arith.constant 0 : i32
    %cond3A_57 = arith.cmpi ne, %convert_element_type3A_55, %cond3A_56 : i32
    scf.if %cond3A_57 {
      "tpu.region"() ({
        %run_scoped3A = tpu.sem_alloc : memref<!tpu.dma_semaphore, #tpu.memory_space<semaphore_mem>>
        %dma_start3A_58 = arith.constant 9360 : i32
        %dma_start3A_59 = arith.constant 0 : i32
        %dma_start3A_60 = tpu.memref_slice %arg6[%arg0, %dma_start3A_58, %dma_start3A_59] : memref<2x10000x128xf32, #tpu.memory_space<hbm>> -> memref<1x640x128xf32, #tpu.memory_space<hbm>>
        %dma_start3A_61 = tpu.memref_squeeze %dma_start3A_60 : memref<1x640x128xf32, #tpu.memory_space<hbm>> -> memref<640x128xf32, #tpu.memory_space<hbm>>
        %dma_start3A_62 = arith.constant 9360 : i32
        %dma_start3A_63 = arith.constant 0 : i32
        %dma_start3A_64 = tpu.memref_slice %arg13[%dma_start3A_62, %dma_start3A_63] : memref<10000x128xf32, #tpu.memory_space<vmem_shared>> -> memref<640x128xf32, #tpu.memory_space<vmem_shared>>
        tpu.enqueue_dma source(%dma_start3A_64 : memref<640x128xf32, #tpu.memory_space<vmem_shared>>) target(%dma_start3A_61 : memref<640x128xf32, #tpu.memory_space<hbm>>) target_semaphore(%run_scoped3A : memref<!tpu.dma_semaphore, #tpu.memory_space<semaphore_mem>>)
        %dma_wait3A = arith.constant 9360 : i32
        %dma_wait3A_65 = arith.constant 0 : i32
        %dma_wait3A_66 = tpu.memref_slice %arg6[%arg0, %dma_wait3A, %dma_wait3A_65] : memref<2x10000x128xf32, #tpu.memory_space<hbm>> -> memref<1x640x128xf32, #tpu.memory_space<hbm>>
        %dma_wait3A_67 = tpu.memref_squeeze %dma_wait3A_66 : memref<1x640x128xf32, #tpu.memory_space<hbm>> -> memref<640x128xf32, #tpu.memory_space<hbm>>
        %dma_wait3A_68 = arith.constant 9360 : i32
        %dma_wait3A_69 = arith.constant 0 : i32
        %dma_wait3A_70 = tpu.memref_slice %arg13[%dma_wait3A_68, %dma_wait3A_69] : memref<10000x128xf32, #tpu.memory_space<vmem_shared>> -> memref<640x128xf32, #tpu.memory_space<vmem_shared>>
        tpu.wait_dma2 semaphore(%run_scoped3A : memref<!tpu.dma_semaphore, #tpu.memory_space<semaphore_mem>>) src(%dma_wait3A_70 : memref<640x128xf32, #tpu.memory_space<vmem_shared>>) dst(%dma_wait3A_67 : memref<640x128xf32, #tpu.memory_space<hbm>>)
        tpu.yield
      }) : () -> ()
    } else {
    }
    return
  }
}

#map = affine_map<(d0, d1) -> (0, 0)>
#map1 = affine_map<(d0, d1) -> (0, 0, 0)>
module attributes {stable_mosaic.version = 14 : i64} {
  func.func @_segsum_k(%arg0: i32, %arg1: i32, %arg2: memref<30000x128xf32, #tpu.memory_space<hbm>>, %arg3: memref<32x80x125xi32, #tpu.memory_space<hbm>>, %arg4: memref<32x80x125xi32, #tpu.memory_space<hbm>>, %arg5: memref<10000x128xf32, #tpu.memory_space<hbm>>, %arg6: memref<2x10000x128xf32, #tpu.memory_space<hbm>>, %arg7: memref<40x125xi32, #tpu.memory_space<vmem>>, %arg8: memref<40x125xi32, #tpu.memory_space<vmem>>, %arg9: memref<125x128xf32, #tpu.memory_space<vmem>>, %arg10: memref<125x128xf32, #tpu.memory_space<vmem>>, %arg11: memref<!tpu.dma_semaphore, #tpu.memory_space<semaphore_mem>>, %arg12: memref<!tpu.dma_semaphore, #tpu.memory_space<semaphore_mem>>, %arg13: memref<10000x128xf32, #tpu.memory_space<vmem_shared>>) attributes {dimension_semantics = [#tpu.dimension_semantics<core_parallel>, #tpu.dimension_semantics<subcore_parallel>], iteration_bounds = array<i64: 2, 16>, scalar_prefetch = 0 : i64, scratch_operands = 7 : i64, tpu.core_type = #tpu.core_type<sc_vector_subcore>, window_params = [{transform_indices = #map}, {transform_indices = #map1}, {transform_indices = #map1}, {transform_indices = #map}, {transform_indices = #map1}]} {
    %mul3A = arith.constant 2 : i32
    %mul3A_0 = arith.muli %arg1, %mul3A : i32
    %add3A = arith.addi %mul3A_0, %arg0 : i32
    %mul3A_1 = arith.constant 624 : i32
    %mul3A_2 = arith.muli %arg1, %mul3A_1 : i32
    %multiple_of3A = tpu.assume_multiple %mul3A_2, 8 : i32
    %lt3A = arith.constant 15 : i32
    %lt3A_3 = arith.cmpi slt, %arg1, %lt3A : i32
    %convert_element_type3A = arith.extui %lt3A_3 : i1 to i32
    %cond3A = arith.constant 0 : i32
    %cond3A_4 = arith.cmpi ne, %convert_element_type3A, %cond3A : i32
    scf.if %cond3A_4 {
      "tpu.region"() ({
        %run_scoped3A = tpu.sem_alloc : memref<!tpu.dma_semaphore, #tpu.memory_space<semaphore_mem>>
        %dma_start3A_58 = arith.constant 0 : i32
        %dma_start3A_59 = tpu.memref_slice %arg13[%multiple_of3A, %dma_start3A_58] : memref<10000x128xf32, #tpu.memory_space<vmem_shared>> -> memref<624x128xf32, #tpu.memory_space<vmem_shared>>
        %dma_start3A_60 = arith.constant 0 : i32
        %dma_start3A_61 = tpu.memref_slice %arg5[%multiple_of3A, %dma_start3A_60] : memref<10000x128xf32, #tpu.memory_space<hbm>> -> memref<624x128xf32, #tpu.memory_space<hbm>>
        tpu.enqueue_dma source(%dma_start3A_61 : memref<624x128xf32, #tpu.memory_space<hbm>>) target(%dma_start3A_59 : memref<624x128xf32, #tpu.memory_space<vmem_shared>>) target_semaphore(%run_scoped3A : memref<!tpu.dma_semaphore, #tpu.memory_space<semaphore_mem>>)
        %dma_wait3A = arith.constant 0 : i32
        %dma_wait3A_62 = tpu.memref_slice %arg13[%multiple_of3A, %dma_wait3A] : memref<10000x128xf32, #tpu.memory_space<vmem_shared>> -> memref<624x128xf32, #tpu.memory_space<vmem_shared>>
        %dma_wait3A_63 = arith.constant 0 : i32
        %dma_wait3A_64 = tpu.memref_slice %arg5[%multiple_of3A, %dma_wait3A_63] : memref<10000x128xf32, #tpu.memory_space<hbm>> -> memref<624x128xf32, #tpu.memory_space<hbm>>
        tpu.wait_dma2 semaphore(%run_scoped3A : memref<!tpu.dma_semaphore, #tpu.memory_space<semaphore_mem>>) src(%dma_wait3A_64 : memref<624x128xf32, #tpu.memory_space<hbm>>) dst(%dma_wait3A_62 : memref<624x128xf32, #tpu.memory_space<vmem_shared>>)
        tpu.yield
      }) : () -> ()
    } else {
    }
    %eq3A = arith.constant 15 : i32
    %eq3A_5 = arith.cmpi eq, %arg1, %eq3A : i32
    %convert_element_type3A_6 = arith.extui %eq3A_5 : i1 to i32
    %cond3A_7 = arith.constant 0 : i32
    %cond3A_8 = arith.cmpi ne, %convert_element_type3A_6, %cond3A_7 : i32
    scf.if %cond3A_8 {
      "tpu.region"() ({
        %run_scoped3A = tpu.sem_alloc : memref<!tpu.dma_semaphore, #tpu.memory_space<semaphore_mem>>
        %dma_start3A_58 = arith.constant 9360 : i32
        %dma_start3A_59 = arith.constant 0 : i32
        %dma_start3A_60 = tpu.memref_slice %arg13[%dma_start3A_58, %dma_start3A_59] : memref<10000x128xf32, #tpu.memory_space<vmem_shared>> -> memref<640x128xf32, #tpu.memory_space<vmem_shared>>
        %dma_start3A_61 = arith.constant 9360 : i32
        %dma_start3A_62 = arith.constant 0 : i32
        %dma_start3A_63 = tpu.memref_slice %arg5[%dma_start3A_61, %dma_start3A_62] : memref<10000x128xf32, #tpu.memory_space<hbm>> -> memref<640x128xf32, #tpu.memory_space<hbm>>
        tpu.enqueue_dma source(%dma_start3A_63 : memref<640x128xf32, #tpu.memory_space<hbm>>) target(%dma_start3A_60 : memref<640x128xf32, #tpu.memory_space<vmem_shared>>) target_semaphore(%run_scoped3A : memref<!tpu.dma_semaphore, #tpu.memory_space<semaphore_mem>>)
        %dma_wait3A = arith.constant 9360 : i32
        %dma_wait3A_64 = arith.constant 0 : i32
        %dma_wait3A_65 = tpu.memref_slice %arg13[%dma_wait3A, %dma_wait3A_64] : memref<10000x128xf32, #tpu.memory_space<vmem_shared>> -> memref<640x128xf32, #tpu.memory_space<vmem_shared>>
        %dma_wait3A_66 = arith.constant 9360 : i32
        %dma_wait3A_67 = arith.constant 0 : i32
        %dma_wait3A_68 = tpu.memref_slice %arg5[%dma_wait3A_66, %dma_wait3A_67] : memref<10000x128xf32, #tpu.memory_space<hbm>> -> memref<640x128xf32, #tpu.memory_space<hbm>>
        tpu.wait_dma2 semaphore(%run_scoped3A : memref<!tpu.dma_semaphore, #tpu.memory_space<semaphore_mem>>) src(%dma_wait3A_68 : memref<640x128xf32, #tpu.memory_space<hbm>>) dst(%dma_wait3A_65 : memref<640x128xf32, #tpu.memory_space<vmem_shared>>)
        tpu.yield
      }) : () -> ()
    } else {
    }
    %barrier3A = arith.constant 0 : index
    tpu.barrier barrier_id(%barrier3A)
    "tpu.region"() ({
      %run_scoped3A = tpu.sem_alloc : memref<!tpu.dma_semaphore, #tpu.memory_space<semaphore_mem>>
      %dma_start3A_58 = arith.constant 0 : i32
      %dma_start3A_59 = arith.constant 0 : i32
      %dma_start3A_60 = tpu.memref_slice %arg3[%add3A, %dma_start3A_58, %dma_start3A_59] : memref<32x80x125xi32, #tpu.memory_space<hbm>> -> memref<1x40x125xi32, #tpu.memory_space<hbm>>
      %dma_start3A_61 = tpu.memref_squeeze %dma_start3A_60 : memref<1x40x125xi32, #tpu.memory_space<hbm>> -> memref<40x125xi32, #tpu.memory_space<hbm>>
      %dma_start3A_62 = arith.constant 0 : i32
      %dma_start3A_63 = arith.constant 0 : i32
      %dma_start3A_64 = tpu.memref_slice %arg3[%add3A, %dma_start3A_62, %dma_start3A_63] : memref<32x80x125xi32, #tpu.memory_space<hbm>> -> memref<1x40x125xi32, #tpu.memory_space<hbm>>
      %dma_start3A_65 = tpu.memref_squeeze %dma_start3A_64 : memref<1x40x125xi32, #tpu.memory_space<hbm>> -> memref<40x125xi32, #tpu.memory_space<hbm>>
      tpu.enqueue_dma source(%dma_start3A_65 : memref<40x125xi32, #tpu.memory_space<hbm>>) target(%arg7 : memref<40x125xi32, #tpu.memory_space<vmem>>) target_semaphore(%run_scoped3A : memref<!tpu.dma_semaphore, #tpu.memory_space<semaphore_mem>>)
      %dma_wait3A = arith.constant 0 : i32
      %dma_wait3A_66 = arith.constant 0 : i32
      %dma_wait3A_67 = tpu.memref_slice %arg3[%add3A, %dma_wait3A, %dma_wait3A_66] : memref<32x80x125xi32, #tpu.memory_space<hbm>> -> memref<1x40x125xi32, #tpu.memory_space<hbm>>
      %dma_wait3A_68 = tpu.memref_squeeze %dma_wait3A_67 : memref<1x40x125xi32, #tpu.memory_space<hbm>> -> memref<40x125xi32, #tpu.memory_space<hbm>>
      %dma_wait3A_69 = arith.constant 0 : i32
      %dma_wait3A_70 = arith.constant 0 : i32
      %dma_wait3A_71 = tpu.memref_slice %arg3[%add3A, %dma_wait3A_69, %dma_wait3A_70] : memref<32x80x125xi32, #tpu.memory_space<hbm>> -> memref<1x40x125xi32, #tpu.memory_space<hbm>>
      %dma_wait3A_72 = tpu.memref_squeeze %dma_wait3A_71 : memref<1x40x125xi32, #tpu.memory_space<hbm>> -> memref<40x125xi32, #tpu.memory_space<hbm>>
      tpu.wait_dma2 semaphore(%run_scoped3A : memref<!tpu.dma_semaphore, #tpu.memory_space<semaphore_mem>>) src(%dma_wait3A_72 : memref<40x125xi32, #tpu.memory_space<hbm>>) dst(%arg7 : memref<40x125xi32, #tpu.memory_space<vmem>>)
      tpu.yield
    }) : () -> ()
    "tpu.region"() ({
      %run_scoped3A = tpu.sem_alloc : memref<!tpu.dma_semaphore, #tpu.memory_space<semaphore_mem>>
      %dma_start3A_58 = arith.constant 0 : i32
      %dma_start3A_59 = arith.constant 0 : i32
      %dma_start3A_60 = tpu.memref_slice %arg4[%add3A, %dma_start3A_58, %dma_start3A_59] : memref<32x80x125xi32, #tpu.memory_space<hbm>> -> memref<1x40x125xi32, #tpu.memory_space<hbm>>
      %dma_start3A_61 = tpu.memref_squeeze %dma_start3A_60 : memref<1x40x125xi32, #tpu.memory_space<hbm>> -> memref<40x125xi32, #tpu.memory_space<hbm>>
      %dma_start3A_62 = arith.constant 0 : i32
      %dma_start3A_63 = arith.constant 0 : i32
      %dma_start3A_64 = tpu.memref_slice %arg4[%add3A, %dma_start3A_62, %dma_start3A_63] : memref<32x80x125xi32, #tpu.memory_space<hbm>> -> memref<1x40x125xi32, #tpu.memory_space<hbm>>
      %dma_start3A_65 = tpu.memref_squeeze %dma_start3A_64 : memref<1x40x125xi32, #tpu.memory_space<hbm>> -> memref<40x125xi32, #tpu.memory_space<hbm>>
      tpu.enqueue_dma source(%dma_start3A_65 : memref<40x125xi32, #tpu.memory_space<hbm>>) target(%arg8 : memref<40x125xi32, #tpu.memory_space<vmem>>) target_semaphore(%run_scoped3A : memref<!tpu.dma_semaphore, #tpu.memory_space<semaphore_mem>>)
      %dma_wait3A = arith.constant 0 : i32
      %dma_wait3A_66 = arith.constant 0 : i32
      %dma_wait3A_67 = tpu.memref_slice %arg4[%add3A, %dma_wait3A, %dma_wait3A_66] : memref<32x80x125xi32, #tpu.memory_space<hbm>> -> memref<1x40x125xi32, #tpu.memory_space<hbm>>
      %dma_wait3A_68 = tpu.memref_squeeze %dma_wait3A_67 : memref<1x40x125xi32, #tpu.memory_space<hbm>> -> memref<40x125xi32, #tpu.memory_space<hbm>>
      %dma_wait3A_69 = arith.constant 0 : i32
      %dma_wait3A_70 = arith.constant 0 : i32
      %dma_wait3A_71 = tpu.memref_slice %arg4[%add3A, %dma_wait3A_69, %dma_wait3A_70] : memref<32x80x125xi32, #tpu.memory_space<hbm>> -> memref<1x40x125xi32, #tpu.memory_space<hbm>>
      %dma_wait3A_72 = tpu.memref_squeeze %dma_wait3A_71 : memref<1x40x125xi32, #tpu.memory_space<hbm>> -> memref<40x125xi32, #tpu.memory_space<hbm>>
      tpu.wait_dma2 semaphore(%run_scoped3A : memref<!tpu.dma_semaphore, #tpu.memory_space<semaphore_mem>>) src(%dma_wait3A_72 : memref<40x125xi32, #tpu.memory_space<hbm>>) dst(%arg8 : memref<40x125xi32, #tpu.memory_space<vmem>>)
      tpu.yield
    }) : () -> ()
    %dma_start3A = arith.constant 0 : i32
    %dma_start3A_9 = arith.constant 0 : i32
    %dma_start3A_10 = tpu.memref_slice %arg7[%dma_start3A, %dma_start3A_9] : memref<40x125xi32, #tpu.memory_space<vmem>> -> memref<1x125xi32, #tpu.memory_space<vmem>>
    %dma_start3A_11 = tpu.memref_squeeze %dma_start3A_10 : memref<1x125xi32, #tpu.memory_space<vmem>> -> memref<125xi32, #tpu.memory_space<vmem>>
    %dma_start3A_12 = arith.constant 0 : i32
    %dma_start3A_13 = arith.constant 0 : i32
    %dma_start3A_14 = tpu.memref_slice %arg2[%dma_start3A_12, %dma_start3A_13] : memref<30000x128xf32, #tpu.memory_space<hbm>> -> memref<30000x128xf32, #tpu.memory_space<hbm>>
    tpu.enqueue_indirect_dma source(%dma_start3A_14 : memref<30000x128xf32, #tpu.memory_space<hbm>>) target(%arg9 : memref<125x128xf32, #tpu.memory_space<vmem>>) offsets(%dma_start3A_11 : memref<125xi32, #tpu.memory_space<vmem>>) semaphore(%arg11 : memref<!tpu.dma_semaphore, #tpu.memory_space<semaphore_mem>>)
    %dma_start3A_15 = arith.constant 1 : i32
    %dma_start3A_16 = arith.constant 0 : i32
    %dma_start3A_17 = tpu.memref_slice %arg7[%dma_start3A_15, %dma_start3A_16] : memref<40x125xi32, #tpu.memory_space<vmem>> -> memref<1x125xi32, #tpu.memory_space<vmem>>
    %dma_start3A_18 = tpu.memref_squeeze %dma_start3A_17 : memref<1x125xi32, #tpu.memory_space<vmem>> -> memref<125xi32, #tpu.memory_space<vmem>>
    %dma_start3A_19 = arith.constant 0 : i32
    %dma_start3A_20 = arith.constant 0 : i32
    %dma_start3A_21 = tpu.memref_slice %arg2[%dma_start3A_19, %dma_start3A_20] : memref<30000x128xf32, #tpu.memory_space<hbm>> -> memref<30000x128xf32, #tpu.memory_space<hbm>>
    tpu.enqueue_indirect_dma source(%dma_start3A_21 : memref<30000x128xf32, #tpu.memory_space<hbm>>) target(%arg10 : memref<125x128xf32, #tpu.memory_space<vmem>>) offsets(%dma_start3A_18 : memref<125xi32, #tpu.memory_space<vmem>>) semaphore(%arg12 : memref<!tpu.dma_semaphore, #tpu.memory_space<semaphore_mem>>)
    %scan3A = arith.constant 0 : i32
    %scan3A_22 = arith.constant 0 : i32
    %scan3A_23 = arith.constant 20 : i32
    %scan3A_24 = arith.addi %scan3A_22, %scan3A_23 : i32
    %scan3A_25 = arith.constant 1 : i32
    scf.for %scan3A_58 = %scan3A_22 to %scan3A_24 step %scan3A_25  : i32 {
      %mul3A_59 = arith.constant 2 : i32
      %mul3A_60 = arith.muli %mul3A_59, %scan3A_58 : i32
      %dma_wait3A = arith.constant 0 : i32
      %dma_wait3A_61 = tpu.memref_slice %arg7[%mul3A_60, %dma_wait3A] : memref<40x125xi32, #tpu.memory_space<vmem>> -> memref<1x125xi32, #tpu.memory_space<vmem>>
      %dma_wait3A_62 = tpu.memref_squeeze %dma_wait3A_61 : memref<1x125xi32, #tpu.memory_space<vmem>> -> memref<125xi32, #tpu.memory_space<vmem>>
      %dma_wait3A_63 = arith.constant 0 : i32
      %dma_wait3A_64 = arith.constant 0 : i32
      %dma_wait3A_65 = tpu.memref_slice %arg2[%dma_wait3A_63, %dma_wait3A_64] : memref<30000x128xf32, #tpu.memory_space<hbm>> -> memref<30000x128xf32, #tpu.memory_space<hbm>>
      tpu.wait_indirect_dma semaphore(%arg11 : memref<!tpu.dma_semaphore, #tpu.memory_space<semaphore_mem>>) src(%dma_wait3A_65 : memref<30000x128xf32, #tpu.memory_space<hbm>>) dst(%arg9 : memref<125x128xf32, #tpu.memory_space<vmem>>)
      %mul3A_66 = arith.constant 2 : i32
      %mul3A_67 = arith.muli %mul3A_66, %scan3A_58 : i32
      "tpu.region"() ({
        %run_scoped3A = tpu.sem_alloc : memref<!tpu.dma_semaphore, #tpu.memory_space<semaphore_mem>>
        %dma_start3A_100 = arith.constant 0 : i32
        %dma_start3A_101 = tpu.memref_slice %arg8[%mul3A_67, %dma_start3A_100] : memref<40x125xi32, #tpu.memory_space<vmem>> -> memref<1x125xi32, #tpu.memory_space<vmem>>
        %dma_start3A_102 = tpu.memref_squeeze %dma_start3A_101 : memref<1x125xi32, #tpu.memory_space<vmem>> -> memref<125xi32, #tpu.memory_space<vmem>>
        %dma_start3A_103 = arith.constant 0 : i32
        %dma_start3A_104 = arith.constant 0 : i32
        %dma_start3A_105 = tpu.memref_slice %arg13[%dma_start3A_103, %dma_start3A_104] : memref<10000x128xf32, #tpu.memory_space<vmem_shared>> -> memref<10000x128xf32, #tpu.memory_space<vmem_shared>>
        tpu.enqueue_indirect_dma source(%arg9 : memref<125x128xf32, #tpu.memory_space<vmem>>) target(%dma_start3A_105 : memref<10000x128xf32, #tpu.memory_space<vmem_shared>>) offsets(%dma_start3A_102 : memref<125xi32, #tpu.memory_space<vmem>>) semaphore(%run_scoped3A : memref<!tpu.dma_semaphore, #tpu.memory_space<semaphore_mem>>) {add = true}
        %dma_wait3A_106 = arith.constant 0 : i32
        %dma_wait3A_107 = tpu.memref_slice %arg8[%mul3A_67, %dma_wait3A_106] : memref<40x125xi32, #tpu.memory_space<vmem>> -> memref<1x125xi32, #tpu.memory_space<vmem>>
        %dma_wait3A_108 = tpu.memref_squeeze %dma_wait3A_107 : memref<1x125xi32, #tpu.memory_space<vmem>> -> memref<125xi32, #tpu.memory_space<vmem>>
        %dma_wait3A_109 = arith.constant 0 : i32
        %dma_wait3A_110 = arith.constant 0 : i32
        %dma_wait3A_111 = tpu.memref_slice %arg13[%dma_wait3A_109, %dma_wait3A_110] : memref<10000x128xf32, #tpu.memory_space<vmem_shared>> -> memref<10000x128xf32, #tpu.memory_space<vmem_shared>>
        tpu.wait_indirect_dma semaphore(%run_scoped3A : memref<!tpu.dma_semaphore, #tpu.memory_space<semaphore_mem>>) src(%arg9 : memref<125x128xf32, #tpu.memory_space<vmem>>) dst(%dma_wait3A_111 : memref<10000x128xf32, #tpu.memory_space<vmem_shared>>)
        tpu.yield
      }) : () -> ()
      %mul3A_68 = arith.constant 2 : i32
      %mul3A_69 = arith.muli %mul3A_68, %scan3A_58 : i32
      %add3A_70 = arith.constant 2 : i32
      %add3A_71 = arith.addi %mul3A_69, %add3A_70 : i32
      %lt3A_72 = arith.constant 40 : i32
      %lt3A_73 = arith.cmpi slt, %add3A_71, %lt3A_72 : i32
      %convert_element_type3A_74 = arith.extui %lt3A_73 : i1 to i32
      %cond3A_75 = arith.constant 0 : i32
      %cond3A_76 = arith.cmpi ne, %convert_element_type3A_74, %cond3A_75 : i32
      scf.if %cond3A_76 {
        %mul3A_100 = arith.constant 2 : i32
        %mul3A_101 = arith.muli %mul3A_100, %scan3A_58 : i32
        %add3A_102 = arith.constant 2 : i32
        %add3A_103 = arith.addi %mul3A_101, %add3A_102 : i32
        %dma_start3A_104 = arith.constant 0 : i32
        %dma_start3A_105 = tpu.memref_slice %arg7[%add3A_103, %dma_start3A_104] : memref<40x125xi32, #tpu.memory_space<vmem>> -> memref<1x125xi32, #tpu.memory_space<vmem>>
        %dma_start3A_106 = tpu.memref_squeeze %dma_start3A_105 : memref<1x125xi32, #tpu.memory_space<vmem>> -> memref<125xi32, #tpu.memory_space<vmem>>
        %dma_start3A_107 = arith.constant 0 : i32
        %dma_start3A_108 = arith.constant 0 : i32
        %dma_start3A_109 = tpu.memref_slice %arg2[%dma_start3A_107, %dma_start3A_108] : memref<30000x128xf32, #tpu.memory_space<hbm>> -> memref<30000x128xf32, #tpu.memory_space<hbm>>
        tpu.enqueue_indirect_dma source(%dma_start3A_109 : memref<30000x128xf32, #tpu.memory_space<hbm>>) target(%arg9 : memref<125x128xf32, #tpu.memory_space<vmem>>) offsets(%dma_start3A_106 : memref<125xi32, #tpu.memory_space<vmem>>) semaphore(%arg11 : memref<!tpu.dma_semaphore, #tpu.memory_space<semaphore_mem>>)
      } else {
      }
      %mul3A_77 = arith.constant 2 : i32
      %mul3A_78 = arith.muli %mul3A_77, %scan3A_58 : i32
      %add3A_79 = arith.constant 1 : i32
      %add3A_80 = arith.addi %mul3A_78, %add3A_79 : i32
      %dma_wait3A_81 = arith.constant 0 : i32
      %dma_wait3A_82 = tpu.memref_slice %arg7[%add3A_80, %dma_wait3A_81] : memref<40x125xi32, #tpu.memory_space<vmem>> -> memref<1x125xi32, #tpu.memory_space<vmem>>
      %dma_wait3A_83 = tpu.memref_squeeze %dma_wait3A_82 : memref<1x125xi32, #tpu.memory_space<vmem>> -> memref<125xi32, #tpu.memory_space<vmem>>
      %dma_wait3A_84 = arith.constant 0 : i32
      %dma_wait3A_85 = arith.constant 0 : i32
      %dma_wait3A_86 = tpu.memref_slice %arg2[%dma_wait3A_84, %dma_wait3A_85] : memref<30000x128xf32, #tpu.memory_space<hbm>> -> memref<30000x128xf32, #tpu.memory_space<hbm>>
      tpu.wait_indirect_dma semaphore(%arg12 : memref<!tpu.dma_semaphore, #tpu.memory_space<semaphore_mem>>) src(%dma_wait3A_86 : memref<30000x128xf32, #tpu.memory_space<hbm>>) dst(%arg10 : memref<125x128xf32, #tpu.memory_space<vmem>>)
      %mul3A_87 = arith.constant 2 : i32
      %mul3A_88 = arith.muli %mul3A_87, %scan3A_58 : i32
      %add3A_89 = arith.constant 1 : i32
      %add3A_90 = arith.addi %mul3A_88, %add3A_89 : i32
      "tpu.region"() ({
        %run_scoped3A = tpu.sem_alloc : memref<!tpu.dma_semaphore, #tpu.memory_space<semaphore_mem>>
        %dma_start3A_100 = arith.constant 0 : i32
        %dma_start3A_101 = tpu.memref_slice %arg8[%add3A_90, %dma_start3A_100] : memref<40x125xi32, #tpu.memory_space<vmem>> -> memref<1x125xi32, #tpu.memory_space<vmem>>
        %dma_start3A_102 = tpu.memref_squeeze %dma_start3A_101 : memref<1x125xi32, #tpu.memory_space<vmem>> -> memref<125xi32, #tpu.memory_space<vmem>>
        %dma_start3A_103 = arith.constant 0 : i32
        %dma_start3A_104 = arith.constant 0 : i32
        %dma_start3A_105 = tpu.memref_slice %arg13[%dma_start3A_103, %dma_start3A_104] : memref<10000x128xf32, #tpu.memory_space<vmem_shared>> -> memref<10000x128xf32, #tpu.memory_space<vmem_shared>>
        tpu.enqueue_indirect_dma source(%arg10 : memref<125x128xf32, #tpu.memory_space<vmem>>) target(%dma_start3A_105 : memref<10000x128xf32, #tpu.memory_space<vmem_shared>>) offsets(%dma_start3A_102 : memref<125xi32, #tpu.memory_space<vmem>>) semaphore(%run_scoped3A : memref<!tpu.dma_semaphore, #tpu.memory_space<semaphore_mem>>) {add = true}
        %dma_wait3A_106 = arith.constant 0 : i32
        %dma_wait3A_107 = tpu.memref_slice %arg8[%add3A_90, %dma_wait3A_106] : memref<40x125xi32, #tpu.memory_space<vmem>> -> memref<1x125xi32, #tpu.memory_space<vmem>>
        %dma_wait3A_108 = tpu.memref_squeeze %dma_wait3A_107 : memref<1x125xi32, #tpu.memory_space<vmem>> -> memref<125xi32, #tpu.memory_space<vmem>>
        %dma_wait3A_109 = arith.constant 0 : i32
        %dma_wait3A_110 = arith.constant 0 : i32
        %dma_wait3A_111 = tpu.memref_slice %arg13[%dma_wait3A_109, %dma_wait3A_110] : memref<10000x128xf32, #tpu.memory_space<vmem_shared>> -> memref<10000x128xf32, #tpu.memory_space<vmem_shared>>
        tpu.wait_indirect_dma semaphore(%run_scoped3A : memref<!tpu.dma_semaphore, #tpu.memory_space<semaphore_mem>>) src(%arg10 : memref<125x128xf32, #tpu.memory_space<vmem>>) dst(%dma_wait3A_111 : memref<10000x128xf32, #tpu.memory_space<vmem_shared>>)
        tpu.yield
      }) : () -> ()
      %mul3A_91 = arith.constant 2 : i32
      %mul3A_92 = arith.muli %mul3A_91, %scan3A_58 : i32
      %add3A_93 = arith.constant 3 : i32
      %add3A_94 = arith.addi %mul3A_92, %add3A_93 : i32
      %lt3A_95 = arith.constant 40 : i32
      %lt3A_96 = arith.cmpi slt, %add3A_94, %lt3A_95 : i32
      %convert_element_type3A_97 = arith.extui %lt3A_96 : i1 to i32
      %cond3A_98 = arith.constant 0 : i32
      %cond3A_99 = arith.cmpi ne, %convert_element_type3A_97, %cond3A_98 : i32
      scf.if %cond3A_99 {
        %mul3A_100 = arith.constant 2 : i32
        %mul3A_101 = arith.muli %mul3A_100, %scan3A_58 : i32
        %add3A_102 = arith.constant 3 : i32
        %add3A_103 = arith.addi %mul3A_101, %add3A_102 : i32
        %dma_start3A_104 = arith.constant 0 : i32
        %dma_start3A_105 = tpu.memref_slice %arg7[%add3A_103, %dma_start3A_104] : memref<40x125xi32, #tpu.memory_space<vmem>> -> memref<1x125xi32, #tpu.memory_space<vmem>>
        %dma_start3A_106 = tpu.memref_squeeze %dma_start3A_105 : memref<1x125xi32, #tpu.memory_space<vmem>> -> memref<125xi32, #tpu.memory_space<vmem>>
        %dma_start3A_107 = arith.constant 0 : i32
        %dma_start3A_108 = arith.constant 0 : i32
        %dma_start3A_109 = tpu.memref_slice %arg2[%dma_start3A_107, %dma_start3A_108] : memref<30000x128xf32, #tpu.memory_space<hbm>> -> memref<30000x128xf32, #tpu.memory_space<hbm>>
        tpu.enqueue_indirect_dma source(%dma_start3A_109 : memref<30000x128xf32, #tpu.memory_space<hbm>>) target(%arg10 : memref<125x128xf32, #tpu.memory_space<vmem>>) offsets(%dma_start3A_106 : memref<125xi32, #tpu.memory_space<vmem>>) semaphore(%arg12 : memref<!tpu.dma_semaphore, #tpu.memory_space<semaphore_mem>>)
      } else {
      }
    }
    %scan3A_26 = arith.constant 20 : i32
    "tpu.region"() ({
      %run_scoped3A = tpu.sem_alloc : memref<!tpu.dma_semaphore, #tpu.memory_space<semaphore_mem>>
      %dma_start3A_58 = arith.constant 40 : i32
      %dma_start3A_59 = arith.constant 0 : i32
      %dma_start3A_60 = tpu.memref_slice %arg3[%add3A, %dma_start3A_58, %dma_start3A_59] : memref<32x80x125xi32, #tpu.memory_space<hbm>> -> memref<1x40x125xi32, #tpu.memory_space<hbm>>
      %dma_start3A_61 = tpu.memref_squeeze %dma_start3A_60 : memref<1x40x125xi32, #tpu.memory_space<hbm>> -> memref<40x125xi32, #tpu.memory_space<hbm>>
      %dma_start3A_62 = arith.constant 40 : i32
      %dma_start3A_63 = arith.constant 0 : i32
      %dma_start3A_64 = tpu.memref_slice %arg3[%add3A, %dma_start3A_62, %dma_start3A_63] : memref<32x80x125xi32, #tpu.memory_space<hbm>> -> memref<1x40x125xi32, #tpu.memory_space<hbm>>
      %dma_start3A_65 = tpu.memref_squeeze %dma_start3A_64 : memref<1x40x125xi32, #tpu.memory_space<hbm>> -> memref<40x125xi32, #tpu.memory_space<hbm>>
      tpu.enqueue_dma source(%dma_start3A_65 : memref<40x125xi32, #tpu.memory_space<hbm>>) target(%arg7 : memref<40x125xi32, #tpu.memory_space<vmem>>) target_semaphore(%run_scoped3A : memref<!tpu.dma_semaphore, #tpu.memory_space<semaphore_mem>>)
      %dma_wait3A = arith.constant 40 : i32
      %dma_wait3A_66 = arith.constant 0 : i32
      %dma_wait3A_67 = tpu.memref_slice %arg3[%add3A, %dma_wait3A, %dma_wait3A_66] : memref<32x80x125xi32, #tpu.memory_space<hbm>> -> memref<1x40x125xi32, #tpu.memory_space<hbm>>
      %dma_wait3A_68 = tpu.memref_squeeze %dma_wait3A_67 : memref<1x40x125xi32, #tpu.memory_space<hbm>> -> memref<40x125xi32, #tpu.memory_space<hbm>>
      %dma_wait3A_69 = arith.constant 40 : i32
      %dma_wait3A_70 = arith.constant 0 : i32
      %dma_wait3A_71 = tpu.memref_slice %arg3[%add3A, %dma_wait3A_69, %dma_wait3A_70] : memref<32x80x125xi32, #tpu.memory_space<hbm>> -> memref<1x40x125xi32, #tpu.memory_space<hbm>>
      %dma_wait3A_72 = tpu.memref_squeeze %dma_wait3A_71 : memref<1x40x125xi32, #tpu.memory_space<hbm>> -> memref<40x125xi32, #tpu.memory_space<hbm>>
      tpu.wait_dma2 semaphore(%run_scoped3A : memref<!tpu.dma_semaphore, #tpu.memory_space<semaphore_mem>>) src(%dma_wait3A_72 : memref<40x125xi32, #tpu.memory_space<hbm>>) dst(%arg7 : memref<40x125xi32, #tpu.memory_space<vmem>>)
      tpu.yield
    }) : () -> ()
    "tpu.region"() ({
      %run_scoped3A = tpu.sem_alloc : memref<!tpu.dma_semaphore, #tpu.memory_space<semaphore_mem>>
      %dma_start3A_58 = arith.constant 40 : i32
      %dma_start3A_59 = arith.constant 0 : i32
      %dma_start3A_60 = tpu.memref_slice %arg4[%add3A, %dma_start3A_58, %dma_start3A_59] : memref<32x80x125xi32, #tpu.memory_space<hbm>> -> memref<1x40x125xi32, #tpu.memory_space<hbm>>
      %dma_start3A_61 = tpu.memref_squeeze %dma_start3A_60 : memref<1x40x125xi32, #tpu.memory_space<hbm>> -> memref<40x125xi32, #tpu.memory_space<hbm>>
      %dma_start3A_62 = arith.constant 40 : i32
      %dma_start3A_63 = arith.constant 0 : i32
      %dma_start3A_64 = tpu.memref_slice %arg4[%add3A, %dma_start3A_62, %dma_start3A_63] : memref<32x80x125xi32, #tpu.memory_space<hbm>> -> memref<1x40x125xi32, #tpu.memory_space<hbm>>
      %dma_start3A_65 = tpu.memref_squeeze %dma_start3A_64 : memref<1x40x125xi32, #tpu.memory_space<hbm>> -> memref<40x125xi32, #tpu.memory_space<hbm>>
      tpu.enqueue_dma source(%dma_start3A_65 : memref<40x125xi32, #tpu.memory_space<hbm>>) target(%arg8 : memref<40x125xi32, #tpu.memory_space<vmem>>) target_semaphore(%run_scoped3A : memref<!tpu.dma_semaphore, #tpu.memory_space<semaphore_mem>>)
      %dma_wait3A = arith.constant 40 : i32
      %dma_wait3A_66 = arith.constant 0 : i32
      %dma_wait3A_67 = tpu.memref_slice %arg4[%add3A, %dma_wait3A, %dma_wait3A_66] : memref<32x80x125xi32, #tpu.memory_space<hbm>> -> memref<1x40x125xi32, #tpu.memory_space<hbm>>
      %dma_wait3A_68 = tpu.memref_squeeze %dma_wait3A_67 : memref<1x40x125xi32, #tpu.memory_space<hbm>> -> memref<40x125xi32, #tpu.memory_space<hbm>>
      %dma_wait3A_69 = arith.constant 40 : i32
      %dma_wait3A_70 = arith.constant 0 : i32
      %dma_wait3A_71 = tpu.memref_slice %arg4[%add3A, %dma_wait3A_69, %dma_wait3A_70] : memref<32x80x125xi32, #tpu.memory_space<hbm>> -> memref<1x40x125xi32, #tpu.memory_space<hbm>>
      %dma_wait3A_72 = tpu.memref_squeeze %dma_wait3A_71 : memref<1x40x125xi32, #tpu.memory_space<hbm>> -> memref<40x125xi32, #tpu.memory_space<hbm>>
      tpu.wait_dma2 semaphore(%run_scoped3A : memref<!tpu.dma_semaphore, #tpu.memory_space<semaphore_mem>>) src(%dma_wait3A_72 : memref<40x125xi32, #tpu.memory_space<hbm>>) dst(%arg8 : memref<40x125xi32, #tpu.memory_space<vmem>>)
      tpu.yield
    }) : () -> ()
    %dma_start3A_27 = arith.constant 0 : i32
    %dma_start3A_28 = arith.constant 0 : i32
    %dma_start3A_29 = tpu.memref_slice %arg7[%dma_start3A_27, %dma_start3A_28] : memref<40x125xi32, #tpu.memory_space<vmem>> -> memref<1x125xi32, #tpu.memory_space<vmem>>
    %dma_start3A_30 = tpu.memref_squeeze %dma_start3A_29 : memref<1x125xi32, #tpu.memory_space<vmem>> -> memref<125xi32, #tpu.memory_space<vmem>>
    %dma_start3A_31 = arith.constant 0 : i32
    %dma_start3A_32 = arith.constant 0 : i32
    %dma_start3A_33 = tpu.memref_slice %arg2[%dma_start3A_31, %dma_start3A_32] : memref<30000x128xf32, #tpu.memory_space<hbm>> -> memref<30000x128xf32, #tpu.memory_space<hbm>>
    tpu.enqueue_indirect_dma source(%dma_start3A_33 : memref<30000x128xf32, #tpu.memory_space<hbm>>) target(%arg9 : memref<125x128xf32, #tpu.memory_space<vmem>>) offsets(%dma_start3A_30 : memref<125xi32, #tpu.memory_space<vmem>>) semaphore(%arg11 : memref<!tpu.dma_semaphore, #tpu.memory_space<semaphore_mem>>)
    %dma_start3A_34 = arith.constant 1 : i32
    %dma_start3A_35 = arith.constant 0 : i32
    %dma_start3A_36 = tpu.memref_slice %arg7[%dma_start3A_34, %dma_start3A_35] : memref<40x125xi32, #tpu.memory_space<vmem>> -> memref<1x125xi32, #tpu.memory_space<vmem>>
    %dma_start3A_37 = tpu.memref_squeeze %dma_start3A_36 : memref<1x125xi32, #tpu.memory_space<vmem>> -> memref<125xi32, #tpu.memory_space<vmem>>
    %dma_start3A_38 = arith.constant 0 : i32
    %dma_start3A_39 = arith.constant 0 : i32
    %dma_start3A_40 = tpu.memref_slice %arg2[%dma_start3A_38, %dma_start3A_39] : memref<30000x128xf32, #tpu.memory_space<hbm>> -> memref<30000x128xf32, #tpu.memory_space<hbm>>
    tpu.enqueue_indirect_dma source(%dma_start3A_40 : memref<30000x128xf32, #tpu.memory_space<hbm>>) target(%arg10 : memref<125x128xf32, #tpu.memory_space<vmem>>) offsets(%dma_start3A_37 : memref<125xi32, #tpu.memory_space<vmem>>) semaphore(%arg12 : memref<!tpu.dma_semaphore, #tpu.memory_space<semaphore_mem>>)
    %scan3A_41 = arith.constant 0 : i32
    %scan3A_42 = arith.constant 0 : i32
    %scan3A_43 = arith.constant 20 : i32
    %scan3A_44 = arith.addi %scan3A_42, %scan3A_43 : i32
    %scan3A_45 = arith.constant 1 : i32
    scf.for %scan3A_58 = %scan3A_42 to %scan3A_44 step %scan3A_45  : i32 {
      %mul3A_59 = arith.constant 2 : i32
      %mul3A_60 = arith.muli %mul3A_59, %scan3A_58 : i32
      %dma_wait3A = arith.constant 0 : i32
      %dma_wait3A_61 = tpu.memref_slice %arg7[%mul3A_60, %dma_wait3A] : memref<40x125xi32, #tpu.memory_space<vmem>> -> memref<1x125xi32, #tpu.memory_space<vmem>>
      %dma_wait3A_62 = tpu.memref_squeeze %dma_wait3A_61 : memref<1x125xi32, #tpu.memory_space<vmem>> -> memref<125xi32, #tpu.memory_space<vmem>>
      %dma_wait3A_63 = arith.constant 0 : i32
      %dma_wait3A_64 = arith.constant 0 : i32
      %dma_wait3A_65 = tpu.memref_slice %arg2[%dma_wait3A_63, %dma_wait3A_64] : memref<30000x128xf32, #tpu.memory_space<hbm>> -> memref<30000x128xf32, #tpu.memory_space<hbm>>
      tpu.wait_indirect_dma semaphore(%arg11 : memref<!tpu.dma_semaphore, #tpu.memory_space<semaphore_mem>>) src(%dma_wait3A_65 : memref<30000x128xf32, #tpu.memory_space<hbm>>) dst(%arg9 : memref<125x128xf32, #tpu.memory_space<vmem>>)
      %mul3A_66 = arith.constant 2 : i32
      %mul3A_67 = arith.muli %mul3A_66, %scan3A_58 : i32
      "tpu.region"() ({
        %run_scoped3A = tpu.sem_alloc : memref<!tpu.dma_semaphore, #tpu.memory_space<semaphore_mem>>
        %dma_start3A_100 = arith.constant 0 : i32
        %dma_start3A_101 = tpu.memref_slice %arg8[%mul3A_67, %dma_start3A_100] : memref<40x125xi32, #tpu.memory_space<vmem>> -> memref<1x125xi32, #tpu.memory_space<vmem>>
        %dma_start3A_102 = tpu.memref_squeeze %dma_start3A_101 : memref<1x125xi32, #tpu.memory_space<vmem>> -> memref<125xi32, #tpu.memory_space<vmem>>
        %dma_start3A_103 = arith.constant 0 : i32
        %dma_start3A_104 = arith.constant 0 : i32
        %dma_start3A_105 = tpu.memref_slice %arg13[%dma_start3A_103, %dma_start3A_104] : memref<10000x128xf32, #tpu.memory_space<vmem_shared>> -> memref<10000x128xf32, #tpu.memory_space<vmem_shared>>
        tpu.enqueue_indirect_dma source(%arg9 : memref<125x128xf32, #tpu.memory_space<vmem>>) target(%dma_start3A_105 : memref<10000x128xf32, #tpu.memory_space<vmem_shared>>) offsets(%dma_start3A_102 : memref<125xi32, #tpu.memory_space<vmem>>) semaphore(%run_scoped3A : memref<!tpu.dma_semaphore, #tpu.memory_space<semaphore_mem>>) {add = true}
        %dma_wait3A_106 = arith.constant 0 : i32
        %dma_wait3A_107 = tpu.memref_slice %arg8[%mul3A_67, %dma_wait3A_106] : memref<40x125xi32, #tpu.memory_space<vmem>> -> memref<1x125xi32, #tpu.memory_space<vmem>>
        %dma_wait3A_108 = tpu.memref_squeeze %dma_wait3A_107 : memref<1x125xi32, #tpu.memory_space<vmem>> -> memref<125xi32, #tpu.memory_space<vmem>>
        %dma_wait3A_109 = arith.constant 0 : i32
        %dma_wait3A_110 = arith.constant 0 : i32
        %dma_wait3A_111 = tpu.memref_slice %arg13[%dma_wait3A_109, %dma_wait3A_110] : memref<10000x128xf32, #tpu.memory_space<vmem_shared>> -> memref<10000x128xf32, #tpu.memory_space<vmem_shared>>
        tpu.wait_indirect_dma semaphore(%run_scoped3A : memref<!tpu.dma_semaphore, #tpu.memory_space<semaphore_mem>>) src(%arg9 : memref<125x128xf32, #tpu.memory_space<vmem>>) dst(%dma_wait3A_111 : memref<10000x128xf32, #tpu.memory_space<vmem_shared>>)
        tpu.yield
      }) : () -> ()
      %mul3A_68 = arith.constant 2 : i32
      %mul3A_69 = arith.muli %mul3A_68, %scan3A_58 : i32
      %add3A_70 = arith.constant 2 : i32
      %add3A_71 = arith.addi %mul3A_69, %add3A_70 : i32
      %lt3A_72 = arith.constant 40 : i32
      %lt3A_73 = arith.cmpi slt, %add3A_71, %lt3A_72 : i32
      %convert_element_type3A_74 = arith.extui %lt3A_73 : i1 to i32
      %cond3A_75 = arith.constant 0 : i32
      %cond3A_76 = arith.cmpi ne, %convert_element_type3A_74, %cond3A_75 : i32
      scf.if %cond3A_76 {
        %mul3A_100 = arith.constant 2 : i32
        %mul3A_101 = arith.muli %mul3A_100, %scan3A_58 : i32
        %add3A_102 = arith.constant 2 : i32
        %add3A_103 = arith.addi %mul3A_101, %add3A_102 : i32
        %dma_start3A_104 = arith.constant 0 : i32
        %dma_start3A_105 = tpu.memref_slice %arg7[%add3A_103, %dma_start3A_104] : memref<40x125xi32, #tpu.memory_space<vmem>> -> memref<1x125xi32, #tpu.memory_space<vmem>>
        %dma_start3A_106 = tpu.memref_squeeze %dma_start3A_105 : memref<1x125xi32, #tpu.memory_space<vmem>> -> memref<125xi32, #tpu.memory_space<vmem>>
        %dma_start3A_107 = arith.constant 0 : i32
        %dma_start3A_108 = arith.constant 0 : i32
        %dma_start3A_109 = tpu.memref_slice %arg2[%dma_start3A_107, %dma_start3A_108] : memref<30000x128xf32, #tpu.memory_space<hbm>> -> memref<30000x128xf32, #tpu.memory_space<hbm>>
        tpu.enqueue_indirect_dma source(%dma_start3A_109 : memref<30000x128xf32, #tpu.memory_space<hbm>>) target(%arg9 : memref<125x128xf32, #tpu.memory_space<vmem>>) offsets(%dma_start3A_106 : memref<125xi32, #tpu.memory_space<vmem>>) semaphore(%arg11 : memref<!tpu.dma_semaphore, #tpu.memory_space<semaphore_mem>>)
      } else {
      }
      %mul3A_77 = arith.constant 2 : i32
      %mul3A_78 = arith.muli %mul3A_77, %scan3A_58 : i32
      %add3A_79 = arith.constant 1 : i32
      %add3A_80 = arith.addi %mul3A_78, %add3A_79 : i32
      %dma_wait3A_81 = arith.constant 0 : i32
      %dma_wait3A_82 = tpu.memref_slice %arg7[%add3A_80, %dma_wait3A_81] : memref<40x125xi32, #tpu.memory_space<vmem>> -> memref<1x125xi32, #tpu.memory_space<vmem>>
      %dma_wait3A_83 = tpu.memref_squeeze %dma_wait3A_82 : memref<1x125xi32, #tpu.memory_space<vmem>> -> memref<125xi32, #tpu.memory_space<vmem>>
      %dma_wait3A_84 = arith.constant 0 : i32
      %dma_wait3A_85 = arith.constant 0 : i32
      %dma_wait3A_86 = tpu.memref_slice %arg2[%dma_wait3A_84, %dma_wait3A_85] : memref<30000x128xf32, #tpu.memory_space<hbm>> -> memref<30000x128xf32, #tpu.memory_space<hbm>>
      tpu.wait_indirect_dma semaphore(%arg12 : memref<!tpu.dma_semaphore, #tpu.memory_space<semaphore_mem>>) src(%dma_wait3A_86 : memref<30000x128xf32, #tpu.memory_space<hbm>>) dst(%arg10 : memref<125x128xf32, #tpu.memory_space<vmem>>)
      %mul3A_87 = arith.constant 2 : i32
      %mul3A_88 = arith.muli %mul3A_87, %scan3A_58 : i32
      %add3A_89 = arith.constant 1 : i32
      %add3A_90 = arith.addi %mul3A_88, %add3A_89 : i32
      "tpu.region"() ({
        %run_scoped3A = tpu.sem_alloc : memref<!tpu.dma_semaphore, #tpu.memory_space<semaphore_mem>>
        %dma_start3A_100 = arith.constant 0 : i32
        %dma_start3A_101 = tpu.memref_slice %arg8[%add3A_90, %dma_start3A_100] : memref<40x125xi32, #tpu.memory_space<vmem>> -> memref<1x125xi32, #tpu.memory_space<vmem>>
        %dma_start3A_102 = tpu.memref_squeeze %dma_start3A_101 : memref<1x125xi32, #tpu.memory_space<vmem>> -> memref<125xi32, #tpu.memory_space<vmem>>
        %dma_start3A_103 = arith.constant 0 : i32
        %dma_start3A_104 = arith.constant 0 : i32
        %dma_start3A_105 = tpu.memref_slice %arg13[%dma_start3A_103, %dma_start3A_104] : memref<10000x128xf32, #tpu.memory_space<vmem_shared>> -> memref<10000x128xf32, #tpu.memory_space<vmem_shared>>
        tpu.enqueue_indirect_dma source(%arg10 : memref<125x128xf32, #tpu.memory_space<vmem>>) target(%dma_start3A_105 : memref<10000x128xf32, #tpu.memory_space<vmem_shared>>) offsets(%dma_start3A_102 : memref<125xi32, #tpu.memory_space<vmem>>) semaphore(%run_scoped3A : memref<!tpu.dma_semaphore, #tpu.memory_space<semaphore_mem>>) {add = true}
        %dma_wait3A_106 = arith.constant 0 : i32
        %dma_wait3A_107 = tpu.memref_slice %arg8[%add3A_90, %dma_wait3A_106] : memref<40x125xi32, #tpu.memory_space<vmem>> -> memref<1x125xi32, #tpu.memory_space<vmem>>
        %dma_wait3A_108 = tpu.memref_squeeze %dma_wait3A_107 : memref<1x125xi32, #tpu.memory_space<vmem>> -> memref<125xi32, #tpu.memory_space<vmem>>
        %dma_wait3A_109 = arith.constant 0 : i32
        %dma_wait3A_110 = arith.constant 0 : i32
        %dma_wait3A_111 = tpu.memref_slice %arg13[%dma_wait3A_109, %dma_wait3A_110] : memref<10000x128xf32, #tpu.memory_space<vmem_shared>> -> memref<10000x128xf32, #tpu.memory_space<vmem_shared>>
        tpu.wait_indirect_dma semaphore(%run_scoped3A : memref<!tpu.dma_semaphore, #tpu.memory_space<semaphore_mem>>) src(%arg10 : memref<125x128xf32, #tpu.memory_space<vmem>>) dst(%dma_wait3A_111 : memref<10000x128xf32, #tpu.memory_space<vmem_shared>>)
        tpu.yield
      }) : () -> ()
      %mul3A_91 = arith.constant 2 : i32
      %mul3A_92 = arith.muli %mul3A_91, %scan3A_58 : i32
      %add3A_93 = arith.constant 3 : i32
      %add3A_94 = arith.addi %mul3A_92, %add3A_93 : i32
      %lt3A_95 = arith.constant 40 : i32
      %lt3A_96 = arith.cmpi slt, %add3A_94, %lt3A_95 : i32
      %convert_element_type3A_97 = arith.extui %lt3A_96 : i1 to i32
      %cond3A_98 = arith.constant 0 : i32
      %cond3A_99 = arith.cmpi ne, %convert_element_type3A_97, %cond3A_98 : i32
      scf.if %cond3A_99 {
        %mul3A_100 = arith.constant 2 : i32
        %mul3A_101 = arith.muli %mul3A_100, %scan3A_58 : i32
        %add3A_102 = arith.constant 3 : i32
        %add3A_103 = arith.addi %mul3A_101, %add3A_102 : i32
        %dma_start3A_104 = arith.constant 0 : i32
        %dma_start3A_105 = tpu.memref_slice %arg7[%add3A_103, %dma_start3A_104] : memref<40x125xi32, #tpu.memory_space<vmem>> -> memref<1x125xi32, #tpu.memory_space<vmem>>
        %dma_start3A_106 = tpu.memref_squeeze %dma_start3A_105 : memref<1x125xi32, #tpu.memory_space<vmem>> -> memref<125xi32, #tpu.memory_space<vmem>>
        %dma_start3A_107 = arith.constant 0 : i32
        %dma_start3A_108 = arith.constant 0 : i32
        %dma_start3A_109 = tpu.memref_slice %arg2[%dma_start3A_107, %dma_start3A_108] : memref<30000x128xf32, #tpu.memory_space<hbm>> -> memref<30000x128xf32, #tpu.memory_space<hbm>>
        tpu.enqueue_indirect_dma source(%dma_start3A_109 : memref<30000x128xf32, #tpu.memory_space<hbm>>) target(%arg10 : memref<125x128xf32, #tpu.memory_space<vmem>>) offsets(%dma_start3A_106 : memref<125xi32, #tpu.memory_space<vmem>>) semaphore(%arg12 : memref<!tpu.dma_semaphore, #tpu.memory_space<semaphore_mem>>)
      } else {
      }
    }
    %scan3A_46 = arith.constant 20 : i32
    %barrier3A_47 = arith.constant 0 : index
    tpu.barrier barrier_id(%barrier3A_47)
    %lt3A_48 = arith.constant 15 : i32
    %lt3A_49 = arith.cmpi slt, %arg1, %lt3A_48 : i32
    %convert_element_type3A_50 = arith.extui %lt3A_49 : i1 to i32
    %cond3A_51 = arith.constant 0 : i32
    %cond3A_52 = arith.cmpi ne, %convert_element_type3A_50, %cond3A_51 : i32
    scf.if %cond3A_52 {
      "tpu.region"() ({
        %run_scoped3A = tpu.sem_alloc : memref<!tpu.dma_semaphore, #tpu.memory_space<semaphore_mem>>
        %dma_start3A_58 = arith.constant 0 : i32
        %dma_start3A_59 = tpu.memref_slice %arg6[%arg0, %multiple_of3A, %dma_start3A_58] : memref<2x10000x128xf32, #tpu.memory_space<hbm>> -> memref<1x624x128xf32, #tpu.memory_space<hbm>>
        %dma_start3A_60 = tpu.memref_squeeze %dma_start3A_59 : memref<1x624x128xf32, #tpu.memory_space<hbm>> -> memref<624x128xf32, #tpu.memory_space<hbm>>
        %dma_start3A_61 = arith.constant 0 : i32
        %dma_start3A_62 = tpu.memref_slice %arg13[%multiple_of3A, %dma_start3A_61] : memref<10000x128xf32, #tpu.memory_space<vmem_shared>> -> memref<624x128xf32, #tpu.memory_space<vmem_shared>>
        tpu.enqueue_dma source(%dma_start3A_62 : memref<624x128xf32, #tpu.memory_space<vmem_shared>>) target(%dma_start3A_60 : memref<624x128xf32, #tpu.memory_space<hbm>>) target_semaphore(%run_scoped3A : memref<!tpu.dma_semaphore, #tpu.memory_space<semaphore_mem>>)
        %dma_wait3A = arith.constant 0 : i32
        %dma_wait3A_63 = tpu.memref_slice %arg6[%arg0, %multiple_of3A, %dma_wait3A] : memref<2x10000x128xf32, #tpu.memory_space<hbm>> -> memref<1x624x128xf32, #tpu.memory_space<hbm>>
        %dma_wait3A_64 = tpu.memref_squeeze %dma_wait3A_63 : memref<1x624x128xf32, #tpu.memory_space<hbm>> -> memref<624x128xf32, #tpu.memory_space<hbm>>
        %dma_wait3A_65 = arith.constant 0 : i32
        %dma_wait3A_66 = tpu.memref_slice %arg13[%multiple_of3A, %dma_wait3A_65] : memref<10000x128xf32, #tpu.memory_space<vmem_shared>> -> memref<624x128xf32, #tpu.memory_space<vmem_shared>>
        tpu.wait_dma2 semaphore(%run_scoped3A : memref<!tpu.dma_semaphore, #tpu.memory_space<semaphore_mem>>) src(%dma_wait3A_66 : memref<624x128xf32, #tpu.memory_space<vmem_shared>>) dst(%dma_wait3A_64 : memref<624x128xf32, #tpu.memory_space<hbm>>)
        tpu.yield
      }) : () -> ()
    } else {
    }
    %eq3A_53 = arith.constant 15 : i32
    %eq3A_54 = arith.cmpi eq, %arg1, %eq3A_53 : i32
    %convert_element_type3A_55 = arith.extui %eq3A_54 : i1 to i32
    %cond3A_56 = arith.constant 0 : i32
    %cond3A_57 = arith.cmpi ne, %convert_element_type3A_55, %cond3A_56 : i32
    scf.if %cond3A_57 {
      "tpu.region"() ({
        %run_scoped3A = tpu.sem_alloc : memref<!tpu.dma_semaphore, #tpu.memory_space<semaphore_mem>>
        %dma_start3A_58 = arith.constant 9360 : i32
        %dma_start3A_59 = arith.constant 0 : i32
        %dma_start3A_60 = tpu.memref_slice %arg6[%arg0, %dma_start3A_58, %dma_start3A_59] : memref<2x10000x128xf32, #tpu.memory_space<hbm>> -> memref<1x640x128xf32, #tpu.memory_space<hbm>>
        %dma_start3A_61 = tpu.memref_squeeze %dma_start3A_60 : memref<1x640x128xf32, #tpu.memory_space<hbm>> -> memref<640x128xf32, #tpu.memory_space<hbm>>
        %dma_start3A_62 = arith.constant 9360 : i32
        %dma_start3A_63 = arith.constant 0 : i32
        %dma_start3A_64 = tpu.memref_slice %arg13[%dma_start3A_62, %dma_start3A_63] : memref<10000x128xf32, #tpu.memory_space<vmem_shared>> -> memref<640x128xf32, #tpu.memory_space<vmem_shared>>
        tpu.enqueue_dma source(%dma_start3A_64 : memref<640x128xf32, #tpu.memory_space<vmem_shared>>) target(%dma_start3A_61 : memref<640x128xf32, #tpu.memory_space<hbm>>) target_semaphore(%run_scoped3A : memref<!tpu.dma_semaphore, #tpu.memory_space<semaphore_mem>>)
        %dma_wait3A = arith.constant 9360 : i32
        %dma_wait3A_65 = arith.constant 0 : i32
        %dma_wait3A_66 = tpu.memref_slice %arg6[%arg0, %dma_wait3A, %dma_wait3A_65] : memref<2x10000x128xf32, #tpu.memory_space<hbm>> -> memref<1x640x128xf32, #tpu.memory_space<hbm>>
        %dma_wait3A_67 = tpu.memref_squeeze %dma_wait3A_66 : memref<1x640x128xf32, #tpu.memory_space<hbm>> -> memref<640x128xf32, #tpu.memory_space<hbm>>
        %dma_wait3A_68 = arith.constant 9360 : i32
        %dma_wait3A_69 = arith.constant 0 : i32
        %dma_wait3A_70 = tpu.memref_slice %arg13[%dma_wait3A_68, %dma_wait3A_69] : memref<10000x128xf32, #tpu.memory_space<vmem_shared>> -> memref<640x128xf32, #tpu.memory_space<vmem_shared>>
        tpu.wait_dma2 semaphore(%run_scoped3A : memref<!tpu.dma_semaphore, #tpu.memory_space<semaphore_mem>>) src(%dma_wait3A_70 : memref<640x128xf32, #tpu.memory_space<vmem_shared>>) dst(%dma_wait3A_67 : memref<640x128xf32, #tpu.memory_space<hbm>>)
        tpu.yield
      }) : () -> ()
    } else {
    }
    return
  }
}

#map = affine_map<(d0, d1) -> (0, 0)>
#map1 = affine_map<(d0, d1) -> (0, 0, 0)>
module attributes {stable_mosaic.version = 14 : i64} {
  func.func @_segsum_k(%arg0: i32, %arg1: i32, %arg2: memref<30000x128xf32, #tpu.memory_space<hbm>>, %arg3: memref<32x80x125xi32, #tpu.memory_space<hbm>>, %arg4: memref<32x80x125xi32, #tpu.memory_space<hbm>>, %arg5: memref<10000x128xf32, #tpu.memory_space<hbm>>, %arg6: memref<2x10000x128xf32, #tpu.memory_space<hbm>>, %arg7: memref<40x125xi32, #tpu.memory_space<vmem>>, %arg8: memref<40x125xi32, #tpu.memory_space<vmem>>, %arg9: memref<125x128xf32, #tpu.memory_space<vmem>>, %arg10: memref<125x128xf32, #tpu.memory_space<vmem>>, %arg11: memref<!tpu.dma_semaphore, #tpu.memory_space<semaphore_mem>>, %arg12: memref<!tpu.dma_semaphore, #tpu.memory_space<semaphore_mem>>, %arg13: memref<10000x128xf32, #tpu.memory_space<vmem_shared>>) attributes {dimension_semantics = [#tpu.dimension_semantics<core_parallel>, #tpu.dimension_semantics<subcore_parallel>], iteration_bounds = array<i64: 2, 16>, scalar_prefetch = 0 : i64, scratch_operands = 7 : i64, tpu.core_type = #tpu.core_type<sc_vector_subcore>, window_params = [{transform_indices = #map}, {transform_indices = #map1}, {transform_indices = #map1}, {transform_indices = #map}, {transform_indices = #map1}]} {
    %mul3A = arith.constant 2 : i32
    %mul3A_0 = arith.muli %arg1, %mul3A : i32
    %add3A = arith.addi %mul3A_0, %arg0 : i32
    %mul3A_1 = arith.constant 624 : i32
    %mul3A_2 = arith.muli %arg1, %mul3A_1 : i32
    %multiple_of3A = tpu.assume_multiple %mul3A_2, 8 : i32
    %lt3A = arith.constant 15 : i32
    %lt3A_3 = arith.cmpi slt, %arg1, %lt3A : i32
    %convert_element_type3A = arith.extui %lt3A_3 : i1 to i32
    %cond3A = arith.constant 0 : i32
    %cond3A_4 = arith.cmpi ne, %convert_element_type3A, %cond3A : i32
    scf.if %cond3A_4 {
      "tpu.region"() ({
        %run_scoped3A = tpu.sem_alloc : memref<!tpu.dma_semaphore, #tpu.memory_space<semaphore_mem>>
        %dma_start3A_58 = arith.constant 0 : i32
        %dma_start3A_59 = tpu.memref_slice %arg13[%multiple_of3A, %dma_start3A_58] : memref<10000x128xf32, #tpu.memory_space<vmem_shared>> -> memref<624x128xf32, #tpu.memory_space<vmem_shared>>
        %dma_start3A_60 = arith.constant 0 : i32
        %dma_start3A_61 = tpu.memref_slice %arg5[%multiple_of3A, %dma_start3A_60] : memref<10000x128xf32, #tpu.memory_space<hbm>> -> memref<624x128xf32, #tpu.memory_space<hbm>>
        tpu.enqueue_dma source(%dma_start3A_61 : memref<624x128xf32, #tpu.memory_space<hbm>>) target(%dma_start3A_59 : memref<624x128xf32, #tpu.memory_space<vmem_shared>>) target_semaphore(%run_scoped3A : memref<!tpu.dma_semaphore, #tpu.memory_space<semaphore_mem>>)
        %dma_wait3A = arith.constant 0 : i32
        %dma_wait3A_62 = tpu.memref_slice %arg13[%multiple_of3A, %dma_wait3A] : memref<10000x128xf32, #tpu.memory_space<vmem_shared>> -> memref<624x128xf32, #tpu.memory_space<vmem_shared>>
        %dma_wait3A_63 = arith.constant 0 : i32
        %dma_wait3A_64 = tpu.memref_slice %arg5[%multiple_of3A, %dma_wait3A_63] : memref<10000x128xf32, #tpu.memory_space<hbm>> -> memref<624x128xf32, #tpu.memory_space<hbm>>
        tpu.wait_dma2 semaphore(%run_scoped3A : memref<!tpu.dma_semaphore, #tpu.memory_space<semaphore_mem>>) src(%dma_wait3A_64 : memref<624x128xf32, #tpu.memory_space<hbm>>) dst(%dma_wait3A_62 : memref<624x128xf32, #tpu.memory_space<vmem_shared>>)
        tpu.yield
      }) : () -> ()
    } else {
    }
    %eq3A = arith.constant 15 : i32
    %eq3A_5 = arith.cmpi eq, %arg1, %eq3A : i32
    %convert_element_type3A_6 = arith.extui %eq3A_5 : i1 to i32
    %cond3A_7 = arith.constant 0 : i32
    %cond3A_8 = arith.cmpi ne, %convert_element_type3A_6, %cond3A_7 : i32
    scf.if %cond3A_8 {
      "tpu.region"() ({
        %run_scoped3A = tpu.sem_alloc : memref<!tpu.dma_semaphore, #tpu.memory_space<semaphore_mem>>
        %dma_start3A_58 = arith.constant 9360 : i32
        %dma_start3A_59 = arith.constant 0 : i32
        %dma_start3A_60 = tpu.memref_slice %arg13[%dma_start3A_58, %dma_start3A_59] : memref<10000x128xf32, #tpu.memory_space<vmem_shared>> -> memref<640x128xf32, #tpu.memory_space<vmem_shared>>
        %dma_start3A_61 = arith.constant 9360 : i32
        %dma_start3A_62 = arith.constant 0 : i32
        %dma_start3A_63 = tpu.memref_slice %arg5[%dma_start3A_61, %dma_start3A_62] : memref<10000x128xf32, #tpu.memory_space<hbm>> -> memref<640x128xf32, #tpu.memory_space<hbm>>
        tpu.enqueue_dma source(%dma_start3A_63 : memref<640x128xf32, #tpu.memory_space<hbm>>) target(%dma_start3A_60 : memref<640x128xf32, #tpu.memory_space<vmem_shared>>) target_semaphore(%run_scoped3A : memref<!tpu.dma_semaphore, #tpu.memory_space<semaphore_mem>>)
        %dma_wait3A = arith.constant 9360 : i32
        %dma_wait3A_64 = arith.constant 0 : i32
        %dma_wait3A_65 = tpu.memref_slice %arg13[%dma_wait3A, %dma_wait3A_64] : memref<10000x128xf32, #tpu.memory_space<vmem_shared>> -> memref<640x128xf32, #tpu.memory_space<vmem_shared>>
        %dma_wait3A_66 = arith.constant 9360 : i32
        %dma_wait3A_67 = arith.constant 0 : i32
        %dma_wait3A_68 = tpu.memref_slice %arg5[%dma_wait3A_66, %dma_wait3A_67] : memref<10000x128xf32, #tpu.memory_space<hbm>> -> memref<640x128xf32, #tpu.memory_space<hbm>>
        tpu.wait_dma2 semaphore(%run_scoped3A : memref<!tpu.dma_semaphore, #tpu.memory_space<semaphore_mem>>) src(%dma_wait3A_68 : memref<640x128xf32, #tpu.memory_space<hbm>>) dst(%dma_wait3A_65 : memref<640x128xf32, #tpu.memory_space<vmem_shared>>)
        tpu.yield
      }) : () -> ()
    } else {
    }
    %barrier3A = arith.constant 0 : index
    tpu.barrier barrier_id(%barrier3A)
    "tpu.region"() ({
      %run_scoped3A = tpu.sem_alloc : memref<!tpu.dma_semaphore, #tpu.memory_space<semaphore_mem>>
      %dma_start3A_58 = arith.constant 0 : i32
      %dma_start3A_59 = arith.constant 0 : i32
      %dma_start3A_60 = tpu.memref_slice %arg3[%add3A, %dma_start3A_58, %dma_start3A_59] : memref<32x80x125xi32, #tpu.memory_space<hbm>> -> memref<1x40x125xi32, #tpu.memory_space<hbm>>
      %dma_start3A_61 = tpu.memref_squeeze %dma_start3A_60 : memref<1x40x125xi32, #tpu.memory_space<hbm>> -> memref<40x125xi32, #tpu.memory_space<hbm>>
      %dma_start3A_62 = arith.constant 0 : i32
      %dma_start3A_63 = arith.constant 0 : i32
      %dma_start3A_64 = tpu.memref_slice %arg3[%add3A, %dma_start3A_62, %dma_start3A_63] : memref<32x80x125xi32, #tpu.memory_space<hbm>> -> memref<1x40x125xi32, #tpu.memory_space<hbm>>
      %dma_start3A_65 = tpu.memref_squeeze %dma_start3A_64 : memref<1x40x125xi32, #tpu.memory_space<hbm>> -> memref<40x125xi32, #tpu.memory_space<hbm>>
      tpu.enqueue_dma source(%dma_start3A_65 : memref<40x125xi32, #tpu.memory_space<hbm>>) target(%arg7 : memref<40x125xi32, #tpu.memory_space<vmem>>) target_semaphore(%run_scoped3A : memref<!tpu.dma_semaphore, #tpu.memory_space<semaphore_mem>>)
      %dma_wait3A = arith.constant 0 : i32
      %dma_wait3A_66 = arith.constant 0 : i32
      %dma_wait3A_67 = tpu.memref_slice %arg3[%add3A, %dma_wait3A, %dma_wait3A_66] : memref<32x80x125xi32, #tpu.memory_space<hbm>> -> memref<1x40x125xi32, #tpu.memory_space<hbm>>
      %dma_wait3A_68 = tpu.memref_squeeze %dma_wait3A_67 : memref<1x40x125xi32, #tpu.memory_space<hbm>> -> memref<40x125xi32, #tpu.memory_space<hbm>>
      %dma_wait3A_69 = arith.constant 0 : i32
      %dma_wait3A_70 = arith.constant 0 : i32
      %dma_wait3A_71 = tpu.memref_slice %arg3[%add3A, %dma_wait3A_69, %dma_wait3A_70] : memref<32x80x125xi32, #tpu.memory_space<hbm>> -> memref<1x40x125xi32, #tpu.memory_space<hbm>>
      %dma_wait3A_72 = tpu.memref_squeeze %dma_wait3A_71 : memref<1x40x125xi32, #tpu.memory_space<hbm>> -> memref<40x125xi32, #tpu.memory_space<hbm>>
      tpu.wait_dma2 semaphore(%run_scoped3A : memref<!tpu.dma_semaphore, #tpu.memory_space<semaphore_mem>>) src(%dma_wait3A_72 : memref<40x125xi32, #tpu.memory_space<hbm>>) dst(%arg7 : memref<40x125xi32, #tpu.memory_space<vmem>>)
      tpu.yield
    }) : () -> ()
    "tpu.region"() ({
      %run_scoped3A = tpu.sem_alloc : memref<!tpu.dma_semaphore, #tpu.memory_space<semaphore_mem>>
      %dma_start3A_58 = arith.constant 0 : i32
      %dma_start3A_59 = arith.constant 0 : i32
      %dma_start3A_60 = tpu.memref_slice %arg4[%add3A, %dma_start3A_58, %dma_start3A_59] : memref<32x80x125xi32, #tpu.memory_space<hbm>> -> memref<1x40x125xi32, #tpu.memory_space<hbm>>
      %dma_start3A_61 = tpu.memref_squeeze %dma_start3A_60 : memref<1x40x125xi32, #tpu.memory_space<hbm>> -> memref<40x125xi32, #tpu.memory_space<hbm>>
      %dma_start3A_62 = arith.constant 0 : i32
      %dma_start3A_63 = arith.constant 0 : i32
      %dma_start3A_64 = tpu.memref_slice %arg4[%add3A, %dma_start3A_62, %dma_start3A_63] : memref<32x80x125xi32, #tpu.memory_space<hbm>> -> memref<1x40x125xi32, #tpu.memory_space<hbm>>
      %dma_start3A_65 = tpu.memref_squeeze %dma_start3A_64 : memref<1x40x125xi32, #tpu.memory_space<hbm>> -> memref<40x125xi32, #tpu.memory_space<hbm>>
      tpu.enqueue_dma source(%dma_start3A_65 : memref<40x125xi32, #tpu.memory_space<hbm>>) target(%arg8 : memref<40x125xi32, #tpu.memory_space<vmem>>) target_semaphore(%run_scoped3A : memref<!tpu.dma_semaphore, #tpu.memory_space<semaphore_mem>>)
      %dma_wait3A = arith.constant 0 : i32
      %dma_wait3A_66 = arith.constant 0 : i32
      %dma_wait3A_67 = tpu.memref_slice %arg4[%add3A, %dma_wait3A, %dma_wait3A_66] : memref<32x80x125xi32, #tpu.memory_space<hbm>> -> memref<1x40x125xi32, #tpu.memory_space<hbm>>
      %dma_wait3A_68 = tpu.memref_squeeze %dma_wait3A_67 : memref<1x40x125xi32, #tpu.memory_space<hbm>> -> memref<40x125xi32, #tpu.memory_space<hbm>>
      %dma_wait3A_69 = arith.constant 0 : i32
      %dma_wait3A_70 = arith.constant 0 : i32
      %dma_wait3A_71 = tpu.memref_slice %arg4[%add3A, %dma_wait3A_69, %dma_wait3A_70] : memref<32x80x125xi32, #tpu.memory_space<hbm>> -> memref<1x40x125xi32, #tpu.memory_space<hbm>>
      %dma_wait3A_72 = tpu.memref_squeeze %dma_wait3A_71 : memref<1x40x125xi32, #tpu.memory_space<hbm>> -> memref<40x125xi32, #tpu.memory_space<hbm>>
      tpu.wait_dma2 semaphore(%run_scoped3A : memref<!tpu.dma_semaphore, #tpu.memory_space<semaphore_mem>>) src(%dma_wait3A_72 : memref<40x125xi32, #tpu.memory_space<hbm>>) dst(%arg8 : memref<40x125xi32, #tpu.memory_space<vmem>>)
      tpu.yield
    }) : () -> ()
    %dma_start3A = arith.constant 0 : i32
    %dma_start3A_9 = arith.constant 0 : i32
    %dma_start3A_10 = tpu.memref_slice %arg7[%dma_start3A, %dma_start3A_9] : memref<40x125xi32, #tpu.memory_space<vmem>> -> memref<1x125xi32, #tpu.memory_space<vmem>>
    %dma_start3A_11 = tpu.memref_squeeze %dma_start3A_10 : memref<1x125xi32, #tpu.memory_space<vmem>> -> memref<125xi32, #tpu.memory_space<vmem>>
    %dma_start3A_12 = arith.constant 0 : i32
    %dma_start3A_13 = arith.constant 0 : i32
    %dma_start3A_14 = tpu.memref_slice %arg2[%dma_start3A_12, %dma_start3A_13] : memref<30000x128xf32, #tpu.memory_space<hbm>> -> memref<30000x128xf32, #tpu.memory_space<hbm>>
    tpu.enqueue_indirect_dma source(%dma_start3A_14 : memref<30000x128xf32, #tpu.memory_space<hbm>>) target(%arg9 : memref<125x128xf32, #tpu.memory_space<vmem>>) offsets(%dma_start3A_11 : memref<125xi32, #tpu.memory_space<vmem>>) semaphore(%arg11 : memref<!tpu.dma_semaphore, #tpu.memory_space<semaphore_mem>>)
    %dma_start3A_15 = arith.constant 1 : i32
    %dma_start3A_16 = arith.constant 0 : i32
    %dma_start3A_17 = tpu.memref_slice %arg7[%dma_start3A_15, %dma_start3A_16] : memref<40x125xi32, #tpu.memory_space<vmem>> -> memref<1x125xi32, #tpu.memory_space<vmem>>
    %dma_start3A_18 = tpu.memref_squeeze %dma_start3A_17 : memref<1x125xi32, #tpu.memory_space<vmem>> -> memref<125xi32, #tpu.memory_space<vmem>>
    %dma_start3A_19 = arith.constant 0 : i32
    %dma_start3A_20 = arith.constant 0 : i32
    %dma_start3A_21 = tpu.memref_slice %arg2[%dma_start3A_19, %dma_start3A_20] : memref<30000x128xf32, #tpu.memory_space<hbm>> -> memref<30000x128xf32, #tpu.memory_space<hbm>>
    tpu.enqueue_indirect_dma source(%dma_start3A_21 : memref<30000x128xf32, #tpu.memory_space<hbm>>) target(%arg10 : memref<125x128xf32, #tpu.memory_space<vmem>>) offsets(%dma_start3A_18 : memref<125xi32, #tpu.memory_space<vmem>>) semaphore(%arg12 : memref<!tpu.dma_semaphore, #tpu.memory_space<semaphore_mem>>)
    %scan3A = arith.constant 0 : i32
    %scan3A_22 = arith.constant 0 : i32
    %scan3A_23 = arith.constant 20 : i32
    %scan3A_24 = arith.addi %scan3A_22, %scan3A_23 : i32
    %scan3A_25 = arith.constant 1 : i32
    scf.for %scan3A_58 = %scan3A_22 to %scan3A_24 step %scan3A_25  : i32 {
      %mul3A_59 = arith.constant 2 : i32
      %mul3A_60 = arith.muli %mul3A_59, %scan3A_58 : i32
      %dma_wait3A = arith.constant 0 : i32
      %dma_wait3A_61 = tpu.memref_slice %arg7[%mul3A_60, %dma_wait3A] : memref<40x125xi32, #tpu.memory_space<vmem>> -> memref<1x125xi32, #tpu.memory_space<vmem>>
      %dma_wait3A_62 = tpu.memref_squeeze %dma_wait3A_61 : memref<1x125xi32, #tpu.memory_space<vmem>> -> memref<125xi32, #tpu.memory_space<vmem>>
      %dma_wait3A_63 = arith.constant 0 : i32
      %dma_wait3A_64 = arith.constant 0 : i32
      %dma_wait3A_65 = tpu.memref_slice %arg2[%dma_wait3A_63, %dma_wait3A_64] : memref<30000x128xf32, #tpu.memory_space<hbm>> -> memref<30000x128xf32, #tpu.memory_space<hbm>>
      tpu.wait_indirect_dma semaphore(%arg11 : memref<!tpu.dma_semaphore, #tpu.memory_space<semaphore_mem>>) src(%dma_wait3A_65 : memref<30000x128xf32, #tpu.memory_space<hbm>>) dst(%arg9 : memref<125x128xf32, #tpu.memory_space<vmem>>)
      %mul3A_66 = arith.constant 2 : i32
      %mul3A_67 = arith.muli %mul3A_66, %scan3A_58 : i32
      "tpu.region"() ({
        %run_scoped3A = tpu.sem_alloc : memref<!tpu.dma_semaphore, #tpu.memory_space<semaphore_mem>>
        %dma_start3A_100 = arith.constant 0 : i32
        %dma_start3A_101 = tpu.memref_slice %arg8[%mul3A_67, %dma_start3A_100] : memref<40x125xi32, #tpu.memory_space<vmem>> -> memref<1x125xi32, #tpu.memory_space<vmem>>
        %dma_start3A_102 = tpu.memref_squeeze %dma_start3A_101 : memref<1x125xi32, #tpu.memory_space<vmem>> -> memref<125xi32, #tpu.memory_space<vmem>>
        %dma_start3A_103 = arith.constant 0 : i32
        %dma_start3A_104 = arith.constant 0 : i32
        %dma_start3A_105 = tpu.memref_slice %arg13[%dma_start3A_103, %dma_start3A_104] : memref<10000x128xf32, #tpu.memory_space<vmem_shared>> -> memref<10000x128xf32, #tpu.memory_space<vmem_shared>>
        tpu.enqueue_indirect_dma source(%arg9 : memref<125x128xf32, #tpu.memory_space<vmem>>) target(%dma_start3A_105 : memref<10000x128xf32, #tpu.memory_space<vmem_shared>>) offsets(%dma_start3A_102 : memref<125xi32, #tpu.memory_space<vmem>>) semaphore(%run_scoped3A : memref<!tpu.dma_semaphore, #tpu.memory_space<semaphore_mem>>) {add = true}
        %dma_wait3A_106 = arith.constant 0 : i32
        %dma_wait3A_107 = tpu.memref_slice %arg8[%mul3A_67, %dma_wait3A_106] : memref<40x125xi32, #tpu.memory_space<vmem>> -> memref<1x125xi32, #tpu.memory_space<vmem>>
        %dma_wait3A_108 = tpu.memref_squeeze %dma_wait3A_107 : memref<1x125xi32, #tpu.memory_space<vmem>> -> memref<125xi32, #tpu.memory_space<vmem>>
        %dma_wait3A_109 = arith.constant 0 : i32
        %dma_wait3A_110 = arith.constant 0 : i32
        %dma_wait3A_111 = tpu.memref_slice %arg13[%dma_wait3A_109, %dma_wait3A_110] : memref<10000x128xf32, #tpu.memory_space<vmem_shared>> -> memref<10000x128xf32, #tpu.memory_space<vmem_shared>>
        tpu.wait_indirect_dma semaphore(%run_scoped3A : memref<!tpu.dma_semaphore, #tpu.memory_space<semaphore_mem>>) src(%arg9 : memref<125x128xf32, #tpu.memory_space<vmem>>) dst(%dma_wait3A_111 : memref<10000x128xf32, #tpu.memory_space<vmem_shared>>)
        tpu.yield
      }) : () -> ()
      %mul3A_68 = arith.constant 2 : i32
      %mul3A_69 = arith.muli %mul3A_68, %scan3A_58 : i32
      %add3A_70 = arith.constant 2 : i32
      %add3A_71 = arith.addi %mul3A_69, %add3A_70 : i32
      %lt3A_72 = arith.constant 40 : i32
      %lt3A_73 = arith.cmpi slt, %add3A_71, %lt3A_72 : i32
      %convert_element_type3A_74 = arith.extui %lt3A_73 : i1 to i32
      %cond3A_75 = arith.constant 0 : i32
      %cond3A_76 = arith.cmpi ne, %convert_element_type3A_74, %cond3A_75 : i32
      scf.if %cond3A_76 {
        %mul3A_100 = arith.constant 2 : i32
        %mul3A_101 = arith.muli %mul3A_100, %scan3A_58 : i32
        %add3A_102 = arith.constant 2 : i32
        %add3A_103 = arith.addi %mul3A_101, %add3A_102 : i32
        %dma_start3A_104 = arith.constant 0 : i32
        %dma_start3A_105 = tpu.memref_slice %arg7[%add3A_103, %dma_start3A_104] : memref<40x125xi32, #tpu.memory_space<vmem>> -> memref<1x125xi32, #tpu.memory_space<vmem>>
        %dma_start3A_106 = tpu.memref_squeeze %dma_start3A_105 : memref<1x125xi32, #tpu.memory_space<vmem>> -> memref<125xi32, #tpu.memory_space<vmem>>
        %dma_start3A_107 = arith.constant 0 : i32
        %dma_start3A_108 = arith.constant 0 : i32
        %dma_start3A_109 = tpu.memref_slice %arg2[%dma_start3A_107, %dma_start3A_108] : memref<30000x128xf32, #tpu.memory_space<hbm>> -> memref<30000x128xf32, #tpu.memory_space<hbm>>
        tpu.enqueue_indirect_dma source(%dma_start3A_109 : memref<30000x128xf32, #tpu.memory_space<hbm>>) target(%arg9 : memref<125x128xf32, #tpu.memory_space<vmem>>) offsets(%dma_start3A_106 : memref<125xi32, #tpu.memory_space<vmem>>) semaphore(%arg11 : memref<!tpu.dma_semaphore, #tpu.memory_space<semaphore_mem>>)
      } else {
      }
      %mul3A_77 = arith.constant 2 : i32
      %mul3A_78 = arith.muli %mul3A_77, %scan3A_58 : i32
      %add3A_79 = arith.constant 1 : i32
      %add3A_80 = arith.addi %mul3A_78, %add3A_79 : i32
      %dma_wait3A_81 = arith.constant 0 : i32
      %dma_wait3A_82 = tpu.memref_slice %arg7[%add3A_80, %dma_wait3A_81] : memref<40x125xi32, #tpu.memory_space<vmem>> -> memref<1x125xi32, #tpu.memory_space<vmem>>
      %dma_wait3A_83 = tpu.memref_squeeze %dma_wait3A_82 : memref<1x125xi32, #tpu.memory_space<vmem>> -> memref<125xi32, #tpu.memory_space<vmem>>
      %dma_wait3A_84 = arith.constant 0 : i32
      %dma_wait3A_85 = arith.constant 0 : i32
      %dma_wait3A_86 = tpu.memref_slice %arg2[%dma_wait3A_84, %dma_wait3A_85] : memref<30000x128xf32, #tpu.memory_space<hbm>> -> memref<30000x128xf32, #tpu.memory_space<hbm>>
      tpu.wait_indirect_dma semaphore(%arg12 : memref<!tpu.dma_semaphore, #tpu.memory_space<semaphore_mem>>) src(%dma_wait3A_86 : memref<30000x128xf32, #tpu.memory_space<hbm>>) dst(%arg10 : memref<125x128xf32, #tpu.memory_space<vmem>>)
      %mul3A_87 = arith.constant 2 : i32
      %mul3A_88 = arith.muli %mul3A_87, %scan3A_58 : i32
      %add3A_89 = arith.constant 1 : i32
      %add3A_90 = arith.addi %mul3A_88, %add3A_89 : i32
      "tpu.region"() ({
        %run_scoped3A = tpu.sem_alloc : memref<!tpu.dma_semaphore, #tpu.memory_space<semaphore_mem>>
        %dma_start3A_100 = arith.constant 0 : i32
        %dma_start3A_101 = tpu.memref_slice %arg8[%add3A_90, %dma_start3A_100] : memref<40x125xi32, #tpu.memory_space<vmem>> -> memref<1x125xi32, #tpu.memory_space<vmem>>
        %dma_start3A_102 = tpu.memref_squeeze %dma_start3A_101 : memref<1x125xi32, #tpu.memory_space<vmem>> -> memref<125xi32, #tpu.memory_space<vmem>>
        %dma_start3A_103 = arith.constant 0 : i32
        %dma_start3A_104 = arith.constant 0 : i32
        %dma_start3A_105 = tpu.memref_slice %arg13[%dma_start3A_103, %dma_start3A_104] : memref<10000x128xf32, #tpu.memory_space<vmem_shared>> -> memref<10000x128xf32, #tpu.memory_space<vmem_shared>>
        tpu.enqueue_indirect_dma source(%arg10 : memref<125x128xf32, #tpu.memory_space<vmem>>) target(%dma_start3A_105 : memref<10000x128xf32, #tpu.memory_space<vmem_shared>>) offsets(%dma_start3A_102 : memref<125xi32, #tpu.memory_space<vmem>>) semaphore(%run_scoped3A : memref<!tpu.dma_semaphore, #tpu.memory_space<semaphore_mem>>) {add = true}
        %dma_wait3A_106 = arith.constant 0 : i32
        %dma_wait3A_107 = tpu.memref_slice %arg8[%add3A_90, %dma_wait3A_106] : memref<40x125xi32, #tpu.memory_space<vmem>> -> memref<1x125xi32, #tpu.memory_space<vmem>>
        %dma_wait3A_108 = tpu.memref_squeeze %dma_wait3A_107 : memref<1x125xi32, #tpu.memory_space<vmem>> -> memref<125xi32, #tpu.memory_space<vmem>>
        %dma_wait3A_109 = arith.constant 0 : i32
        %dma_wait3A_110 = arith.constant 0 : i32
        %dma_wait3A_111 = tpu.memref_slice %arg13[%dma_wait3A_109, %dma_wait3A_110] : memref<10000x128xf32, #tpu.memory_space<vmem_shared>> -> memref<10000x128xf32, #tpu.memory_space<vmem_shared>>
        tpu.wait_indirect_dma semaphore(%run_scoped3A : memref<!tpu.dma_semaphore, #tpu.memory_space<semaphore_mem>>) src(%arg10 : memref<125x128xf32, #tpu.memory_space<vmem>>) dst(%dma_wait3A_111 : memref<10000x128xf32, #tpu.memory_space<vmem_shared>>)
        tpu.yield
      }) : () -> ()
      %mul3A_91 = arith.constant 2 : i32
      %mul3A_92 = arith.muli %mul3A_91, %scan3A_58 : i32
      %add3A_93 = arith.constant 3 : i32
      %add3A_94 = arith.addi %mul3A_92, %add3A_93 : i32
      %lt3A_95 = arith.constant 40 : i32
      %lt3A_96 = arith.cmpi slt, %add3A_94, %lt3A_95 : i32
      %convert_element_type3A_97 = arith.extui %lt3A_96 : i1 to i32
      %cond3A_98 = arith.constant 0 : i32
      %cond3A_99 = arith.cmpi ne, %convert_element_type3A_97, %cond3A_98 : i32
      scf.if %cond3A_99 {
        %mul3A_100 = arith.constant 2 : i32
        %mul3A_101 = arith.muli %mul3A_100, %scan3A_58 : i32
        %add3A_102 = arith.constant 3 : i32
        %add3A_103 = arith.addi %mul3A_101, %add3A_102 : i32
        %dma_start3A_104 = arith.constant 0 : i32
        %dma_start3A_105 = tpu.memref_slice %arg7[%add3A_103, %dma_start3A_104] : memref<40x125xi32, #tpu.memory_space<vmem>> -> memref<1x125xi32, #tpu.memory_space<vmem>>
        %dma_start3A_106 = tpu.memref_squeeze %dma_start3A_105 : memref<1x125xi32, #tpu.memory_space<vmem>> -> memref<125xi32, #tpu.memory_space<vmem>>
        %dma_start3A_107 = arith.constant 0 : i32
        %dma_start3A_108 = arith.constant 0 : i32
        %dma_start3A_109 = tpu.memref_slice %arg2[%dma_start3A_107, %dma_start3A_108] : memref<30000x128xf32, #tpu.memory_space<hbm>> -> memref<30000x128xf32, #tpu.memory_space<hbm>>
        tpu.enqueue_indirect_dma source(%dma_start3A_109 : memref<30000x128xf32, #tpu.memory_space<hbm>>) target(%arg10 : memref<125x128xf32, #tpu.memory_space<vmem>>) offsets(%dma_start3A_106 : memref<125xi32, #tpu.memory_space<vmem>>) semaphore(%arg12 : memref<!tpu.dma_semaphore, #tpu.memory_space<semaphore_mem>>)
      } else {
      }
    }
    %scan3A_26 = arith.constant 20 : i32
    "tpu.region"() ({
      %run_scoped3A = tpu.sem_alloc : memref<!tpu.dma_semaphore, #tpu.memory_space<semaphore_mem>>
      %dma_start3A_58 = arith.constant 40 : i32
      %dma_start3A_59 = arith.constant 0 : i32
      %dma_start3A_60 = tpu.memref_slice %arg3[%add3A, %dma_start3A_58, %dma_start3A_59] : memref<32x80x125xi32, #tpu.memory_space<hbm>> -> memref<1x40x125xi32, #tpu.memory_space<hbm>>
      %dma_start3A_61 = tpu.memref_squeeze %dma_start3A_60 : memref<1x40x125xi32, #tpu.memory_space<hbm>> -> memref<40x125xi32, #tpu.memory_space<hbm>>
      %dma_start3A_62 = arith.constant 40 : i32
      %dma_start3A_63 = arith.constant 0 : i32
      %dma_start3A_64 = tpu.memref_slice %arg3[%add3A, %dma_start3A_62, %dma_start3A_63] : memref<32x80x125xi32, #tpu.memory_space<hbm>> -> memref<1x40x125xi32, #tpu.memory_space<hbm>>
      %dma_start3A_65 = tpu.memref_squeeze %dma_start3A_64 : memref<1x40x125xi32, #tpu.memory_space<hbm>> -> memref<40x125xi32, #tpu.memory_space<hbm>>
      tpu.enqueue_dma source(%dma_start3A_65 : memref<40x125xi32, #tpu.memory_space<hbm>>) target(%arg7 : memref<40x125xi32, #tpu.memory_space<vmem>>) target_semaphore(%run_scoped3A : memref<!tpu.dma_semaphore, #tpu.memory_space<semaphore_mem>>)
      %dma_wait3A = arith.constant 40 : i32
      %dma_wait3A_66 = arith.constant 0 : i32
      %dma_wait3A_67 = tpu.memref_slice %arg3[%add3A, %dma_wait3A, %dma_wait3A_66] : memref<32x80x125xi32, #tpu.memory_space<hbm>> -> memref<1x40x125xi32, #tpu.memory_space<hbm>>
      %dma_wait3A_68 = tpu.memref_squeeze %dma_wait3A_67 : memref<1x40x125xi32, #tpu.memory_space<hbm>> -> memref<40x125xi32, #tpu.memory_space<hbm>>
      %dma_wait3A_69 = arith.constant 40 : i32
      %dma_wait3A_70 = arith.constant 0 : i32
      %dma_wait3A_71 = tpu.memref_slice %arg3[%add3A, %dma_wait3A_69, %dma_wait3A_70] : memref<32x80x125xi32, #tpu.memory_space<hbm>> -> memref<1x40x125xi32, #tpu.memory_space<hbm>>
      %dma_wait3A_72 = tpu.memref_squeeze %dma_wait3A_71 : memref<1x40x125xi32, #tpu.memory_space<hbm>> -> memref<40x125xi32, #tpu.memory_space<hbm>>
      tpu.wait_dma2 semaphore(%run_scoped3A : memref<!tpu.dma_semaphore, #tpu.memory_space<semaphore_mem>>) src(%dma_wait3A_72 : memref<40x125xi32, #tpu.memory_space<hbm>>) dst(%arg7 : memref<40x125xi32, #tpu.memory_space<vmem>>)
      tpu.yield
    }) : () -> ()
    "tpu.region"() ({
      %run_scoped3A = tpu.sem_alloc : memref<!tpu.dma_semaphore, #tpu.memory_space<semaphore_mem>>
      %dma_start3A_58 = arith.constant 40 : i32
      %dma_start3A_59 = arith.constant 0 : i32
      %dma_start3A_60 = tpu.memref_slice %arg4[%add3A, %dma_start3A_58, %dma_start3A_59] : memref<32x80x125xi32, #tpu.memory_space<hbm>> -> memref<1x40x125xi32, #tpu.memory_space<hbm>>
      %dma_start3A_61 = tpu.memref_squeeze %dma_start3A_60 : memref<1x40x125xi32, #tpu.memory_space<hbm>> -> memref<40x125xi32, #tpu.memory_space<hbm>>
      %dma_start3A_62 = arith.constant 40 : i32
      %dma_start3A_63 = arith.constant 0 : i32
      %dma_start3A_64 = tpu.memref_slice %arg4[%add3A, %dma_start3A_62, %dma_start3A_63] : memref<32x80x125xi32, #tpu.memory_space<hbm>> -> memref<1x40x125xi32, #tpu.memory_space<hbm>>
      %dma_start3A_65 = tpu.memref_squeeze %dma_start3A_64 : memref<1x40x125xi32, #tpu.memory_space<hbm>> -> memref<40x125xi32, #tpu.memory_space<hbm>>
      tpu.enqueue_dma source(%dma_start3A_65 : memref<40x125xi32, #tpu.memory_space<hbm>>) target(%arg8 : memref<40x125xi32, #tpu.memory_space<vmem>>) target_semaphore(%run_scoped3A : memref<!tpu.dma_semaphore, #tpu.memory_space<semaphore_mem>>)
      %dma_wait3A = arith.constant 40 : i32
      %dma_wait3A_66 = arith.constant 0 : i32
      %dma_wait3A_67 = tpu.memref_slice %arg4[%add3A, %dma_wait3A, %dma_wait3A_66] : memref<32x80x125xi32, #tpu.memory_space<hbm>> -> memref<1x40x125xi32, #tpu.memory_space<hbm>>
      %dma_wait3A_68 = tpu.memref_squeeze %dma_wait3A_67 : memref<1x40x125xi32, #tpu.memory_space<hbm>> -> memref<40x125xi32, #tpu.memory_space<hbm>>
      %dma_wait3A_69 = arith.constant 40 : i32
      %dma_wait3A_70 = arith.constant 0 : i32
      %dma_wait3A_71 = tpu.memref_slice %arg4[%add3A, %dma_wait3A_69, %dma_wait3A_70] : memref<32x80x125xi32, #tpu.memory_space<hbm>> -> memref<1x40x125xi32, #tpu.memory_space<hbm>>
      %dma_wait3A_72 = tpu.memref_squeeze %dma_wait3A_71 : memref<1x40x125xi32, #tpu.memory_space<hbm>> -> memref<40x125xi32, #tpu.memory_space<hbm>>
      tpu.wait_dma2 semaphore(%run_scoped3A : memref<!tpu.dma_semaphore, #tpu.memory_space<semaphore_mem>>) src(%dma_wait3A_72 : memref<40x125xi32, #tpu.memory_space<hbm>>) dst(%arg8 : memref<40x125xi32, #tpu.memory_space<vmem>>)
      tpu.yield
    }) : () -> ()
    %dma_start3A_27 = arith.constant 0 : i32
    %dma_start3A_28 = arith.constant 0 : i32
    %dma_start3A_29 = tpu.memref_slice %arg7[%dma_start3A_27, %dma_start3A_28] : memref<40x125xi32, #tpu.memory_space<vmem>> -> memref<1x125xi32, #tpu.memory_space<vmem>>
    %dma_start3A_30 = tpu.memref_squeeze %dma_start3A_29 : memref<1x125xi32, #tpu.memory_space<vmem>> -> memref<125xi32, #tpu.memory_space<vmem>>
    %dma_start3A_31 = arith.constant 0 : i32
    %dma_start3A_32 = arith.constant 0 : i32
    %dma_start3A_33 = tpu.memref_slice %arg2[%dma_start3A_31, %dma_start3A_32] : memref<30000x128xf32, #tpu.memory_space<hbm>> -> memref<30000x128xf32, #tpu.memory_space<hbm>>
    tpu.enqueue_indirect_dma source(%dma_start3A_33 : memref<30000x128xf32, #tpu.memory_space<hbm>>) target(%arg9 : memref<125x128xf32, #tpu.memory_space<vmem>>) offsets(%dma_start3A_30 : memref<125xi32, #tpu.memory_space<vmem>>) semaphore(%arg11 : memref<!tpu.dma_semaphore, #tpu.memory_space<semaphore_mem>>)
    %dma_start3A_34 = arith.constant 1 : i32
    %dma_start3A_35 = arith.constant 0 : i32
    %dma_start3A_36 = tpu.memref_slice %arg7[%dma_start3A_34, %dma_start3A_35] : memref<40x125xi32, #tpu.memory_space<vmem>> -> memref<1x125xi32, #tpu.memory_space<vmem>>
    %dma_start3A_37 = tpu.memref_squeeze %dma_start3A_36 : memref<1x125xi32, #tpu.memory_space<vmem>> -> memref<125xi32, #tpu.memory_space<vmem>>
    %dma_start3A_38 = arith.constant 0 : i32
    %dma_start3A_39 = arith.constant 0 : i32
    %dma_start3A_40 = tpu.memref_slice %arg2[%dma_start3A_38, %dma_start3A_39] : memref<30000x128xf32, #tpu.memory_space<hbm>> -> memref<30000x128xf32, #tpu.memory_space<hbm>>
    tpu.enqueue_indirect_dma source(%dma_start3A_40 : memref<30000x128xf32, #tpu.memory_space<hbm>>) target(%arg10 : memref<125x128xf32, #tpu.memory_space<vmem>>) offsets(%dma_start3A_37 : memref<125xi32, #tpu.memory_space<vmem>>) semaphore(%arg12 : memref<!tpu.dma_semaphore, #tpu.memory_space<semaphore_mem>>)
    %scan3A_41 = arith.constant 0 : i32
    %scan3A_42 = arith.constant 0 : i32
    %scan3A_43 = arith.constant 20 : i32
    %scan3A_44 = arith.addi %scan3A_42, %scan3A_43 : i32
    %scan3A_45 = arith.constant 1 : i32
    scf.for %scan3A_58 = %scan3A_42 to %scan3A_44 step %scan3A_45  : i32 {
      %mul3A_59 = arith.constant 2 : i32
      %mul3A_60 = arith.muli %mul3A_59, %scan3A_58 : i32
      %dma_wait3A = arith.constant 0 : i32
      %dma_wait3A_61 = tpu.memref_slice %arg7[%mul3A_60, %dma_wait3A] : memref<40x125xi32, #tpu.memory_space<vmem>> -> memref<1x125xi32, #tpu.memory_space<vmem>>
      %dma_wait3A_62 = tpu.memref_squeeze %dma_wait3A_61 : memref<1x125xi32, #tpu.memory_space<vmem>> -> memref<125xi32, #tpu.memory_space<vmem>>
      %dma_wait3A_63 = arith.constant 0 : i32
      %dma_wait3A_64 = arith.constant 0 : i32
      %dma_wait3A_65 = tpu.memref_slice %arg2[%dma_wait3A_63, %dma_wait3A_64] : memref<30000x128xf32, #tpu.memory_space<hbm>> -> memref<30000x128xf32, #tpu.memory_space<hbm>>
      tpu.wait_indirect_dma semaphore(%arg11 : memref<!tpu.dma_semaphore, #tpu.memory_space<semaphore_mem>>) src(%dma_wait3A_65 : memref<30000x128xf32, #tpu.memory_space<hbm>>) dst(%arg9 : memref<125x128xf32, #tpu.memory_space<vmem>>)
      %mul3A_66 = arith.constant 2 : i32
      %mul3A_67 = arith.muli %mul3A_66, %scan3A_58 : i32
      "tpu.region"() ({
        %run_scoped3A = tpu.sem_alloc : memref<!tpu.dma_semaphore, #tpu.memory_space<semaphore_mem>>
        %dma_start3A_100 = arith.constant 0 : i32
        %dma_start3A_101 = tpu.memref_slice %arg8[%mul3A_67, %dma_start3A_100] : memref<40x125xi32, #tpu.memory_space<vmem>> -> memref<1x125xi32, #tpu.memory_space<vmem>>
        %dma_start3A_102 = tpu.memref_squeeze %dma_start3A_101 : memref<1x125xi32, #tpu.memory_space<vmem>> -> memref<125xi32, #tpu.memory_space<vmem>>
        %dma_start3A_103 = arith.constant 0 : i32
        %dma_start3A_104 = arith.constant 0 : i32
        %dma_start3A_105 = tpu.memref_slice %arg13[%dma_start3A_103, %dma_start3A_104] : memref<10000x128xf32, #tpu.memory_space<vmem_shared>> -> memref<10000x128xf32, #tpu.memory_space<vmem_shared>>
        tpu.enqueue_indirect_dma source(%arg9 : memref<125x128xf32, #tpu.memory_space<vmem>>) target(%dma_start3A_105 : memref<10000x128xf32, #tpu.memory_space<vmem_shared>>) offsets(%dma_start3A_102 : memref<125xi32, #tpu.memory_space<vmem>>) semaphore(%run_scoped3A : memref<!tpu.dma_semaphore, #tpu.memory_space<semaphore_mem>>) {add = true}
        %dma_wait3A_106 = arith.constant 0 : i32
        %dma_wait3A_107 = tpu.memref_slice %arg8[%mul3A_67, %dma_wait3A_106] : memref<40x125xi32, #tpu.memory_space<vmem>> -> memref<1x125xi32, #tpu.memory_space<vmem>>
        %dma_wait3A_108 = tpu.memref_squeeze %dma_wait3A_107 : memref<1x125xi32, #tpu.memory_space<vmem>> -> memref<125xi32, #tpu.memory_space<vmem>>
        %dma_wait3A_109 = arith.constant 0 : i32
        %dma_wait3A_110 = arith.constant 0 : i32
        %dma_wait3A_111 = tpu.memref_slice %arg13[%dma_wait3A_109, %dma_wait3A_110] : memref<10000x128xf32, #tpu.memory_space<vmem_shared>> -> memref<10000x128xf32, #tpu.memory_space<vmem_shared>>
        tpu.wait_indirect_dma semaphore(%run_scoped3A : memref<!tpu.dma_semaphore, #tpu.memory_space<semaphore_mem>>) src(%arg9 : memref<125x128xf32, #tpu.memory_space<vmem>>) dst(%dma_wait3A_111 : memref<10000x128xf32, #tpu.memory_space<vmem_shared>>)
        tpu.yield
      }) : () -> ()
      %mul3A_68 = arith.constant 2 : i32
      %mul3A_69 = arith.muli %mul3A_68, %scan3A_58 : i32
      %add3A_70 = arith.constant 2 : i32
      %add3A_71 = arith.addi %mul3A_69, %add3A_70 : i32
      %lt3A_72 = arith.constant 40 : i32
      %lt3A_73 = arith.cmpi slt, %add3A_71, %lt3A_72 : i32
      %convert_element_type3A_74 = arith.extui %lt3A_73 : i1 to i32
      %cond3A_75 = arith.constant 0 : i32
      %cond3A_76 = arith.cmpi ne, %convert_element_type3A_74, %cond3A_75 : i32
      scf.if %cond3A_76 {
        %mul3A_100 = arith.constant 2 : i32
        %mul3A_101 = arith.muli %mul3A_100, %scan3A_58 : i32
        %add3A_102 = arith.constant 2 : i32
        %add3A_103 = arith.addi %mul3A_101, %add3A_102 : i32
        %dma_start3A_104 = arith.constant 0 : i32
        %dma_start3A_105 = tpu.memref_slice %arg7[%add3A_103, %dma_start3A_104] : memref<40x125xi32, #tpu.memory_space<vmem>> -> memref<1x125xi32, #tpu.memory_space<vmem>>
        %dma_start3A_106 = tpu.memref_squeeze %dma_start3A_105 : memref<1x125xi32, #tpu.memory_space<vmem>> -> memref<125xi32, #tpu.memory_space<vmem>>
        %dma_start3A_107 = arith.constant 0 : i32
        %dma_start3A_108 = arith.constant 0 : i32
        %dma_start3A_109 = tpu.memref_slice %arg2[%dma_start3A_107, %dma_start3A_108] : memref<30000x128xf32, #tpu.memory_space<hbm>> -> memref<30000x128xf32, #tpu.memory_space<hbm>>
        tpu.enqueue_indirect_dma source(%dma_start3A_109 : memref<30000x128xf32, #tpu.memory_space<hbm>>) target(%arg9 : memref<125x128xf32, #tpu.memory_space<vmem>>) offsets(%dma_start3A_106 : memref<125xi32, #tpu.memory_space<vmem>>) semaphore(%arg11 : memref<!tpu.dma_semaphore, #tpu.memory_space<semaphore_mem>>)
      } else {
      }
      %mul3A_77 = arith.constant 2 : i32
      %mul3A_78 = arith.muli %mul3A_77, %scan3A_58 : i32
      %add3A_79 = arith.constant 1 : i32
      %add3A_80 = arith.addi %mul3A_78, %add3A_79 : i32
      %dma_wait3A_81 = arith.constant 0 : i32
      %dma_wait3A_82 = tpu.memref_slice %arg7[%add3A_80, %dma_wait3A_81] : memref<40x125xi32, #tpu.memory_space<vmem>> -> memref<1x125xi32, #tpu.memory_space<vmem>>
      %dma_wait3A_83 = tpu.memref_squeeze %dma_wait3A_82 : memref<1x125xi32, #tpu.memory_space<vmem>> -> memref<125xi32, #tpu.memory_space<vmem>>
      %dma_wait3A_84 = arith.constant 0 : i32
      %dma_wait3A_85 = arith.constant 0 : i32
      %dma_wait3A_86 = tpu.memref_slice %arg2[%dma_wait3A_84, %dma_wait3A_85] : memref<30000x128xf32, #tpu.memory_space<hbm>> -> memref<30000x128xf32, #tpu.memory_space<hbm>>
      tpu.wait_indirect_dma semaphore(%arg12 : memref<!tpu.dma_semaphore, #tpu.memory_space<semaphore_mem>>) src(%dma_wait3A_86 : memref<30000x128xf32, #tpu.memory_space<hbm>>) dst(%arg10 : memref<125x128xf32, #tpu.memory_space<vmem>>)
      %mul3A_87 = arith.constant 2 : i32
      %mul3A_88 = arith.muli %mul3A_87, %scan3A_58 : i32
      %add3A_89 = arith.constant 1 : i32
      %add3A_90 = arith.addi %mul3A_88, %add3A_89 : i32
      "tpu.region"() ({
        %run_scoped3A = tpu.sem_alloc : memref<!tpu.dma_semaphore, #tpu.memory_space<semaphore_mem>>
        %dma_start3A_100 = arith.constant 0 : i32
        %dma_start3A_101 = tpu.memref_slice %arg8[%add3A_90, %dma_start3A_100] : memref<40x125xi32, #tpu.memory_space<vmem>> -> memref<1x125xi32, #tpu.memory_space<vmem>>
        %dma_start3A_102 = tpu.memref_squeeze %dma_start3A_101 : memref<1x125xi32, #tpu.memory_space<vmem>> -> memref<125xi32, #tpu.memory_space<vmem>>
        %dma_start3A_103 = arith.constant 0 : i32
        %dma_start3A_104 = arith.constant 0 : i32
        %dma_start3A_105 = tpu.memref_slice %arg13[%dma_start3A_103, %dma_start3A_104] : memref<10000x128xf32, #tpu.memory_space<vmem_shared>> -> memref<10000x128xf32, #tpu.memory_space<vmem_shared>>
        tpu.enqueue_indirect_dma source(%arg10 : memref<125x128xf32, #tpu.memory_space<vmem>>) target(%dma_start3A_105 : memref<10000x128xf32, #tpu.memory_space<vmem_shared>>) offsets(%dma_start3A_102 : memref<125xi32, #tpu.memory_space<vmem>>) semaphore(%run_scoped3A : memref<!tpu.dma_semaphore, #tpu.memory_space<semaphore_mem>>) {add = true}
        %dma_wait3A_106 = arith.constant 0 : i32
        %dma_wait3A_107 = tpu.memref_slice %arg8[%add3A_90, %dma_wait3A_106] : memref<40x125xi32, #tpu.memory_space<vmem>> -> memref<1x125xi32, #tpu.memory_space<vmem>>
        %dma_wait3A_108 = tpu.memref_squeeze %dma_wait3A_107 : memref<1x125xi32, #tpu.memory_space<vmem>> -> memref<125xi32, #tpu.memory_space<vmem>>
        %dma_wait3A_109 = arith.constant 0 : i32
        %dma_wait3A_110 = arith.constant 0 : i32
        %dma_wait3A_111 = tpu.memref_slice %arg13[%dma_wait3A_109, %dma_wait3A_110] : memref<10000x128xf32, #tpu.memory_space<vmem_shared>> -> memref<10000x128xf32, #tpu.memory_space<vmem_shared>>
        tpu.wait_indirect_dma semaphore(%run_scoped3A : memref<!tpu.dma_semaphore, #tpu.memory_space<semaphore_mem>>) src(%arg10 : memref<125x128xf32, #tpu.memory_space<vmem>>) dst(%dma_wait3A_111 : memref<10000x128xf32, #tpu.memory_space<vmem_shared>>)
        tpu.yield
      }) : () -> ()
      %mul3A_91 = arith.constant 2 : i32
      %mul3A_92 = arith.muli %mul3A_91, %scan3A_58 : i32
      %add3A_93 = arith.constant 3 : i32
      %add3A_94 = arith.addi %mul3A_92, %add3A_93 : i32
      %lt3A_95 = arith.constant 40 : i32
      %lt3A_96 = arith.cmpi slt, %add3A_94, %lt3A_95 : i32
      %convert_element_type3A_97 = arith.extui %lt3A_96 : i1 to i32
      %cond3A_98 = arith.constant 0 : i32
      %cond3A_99 = arith.cmpi ne, %convert_element_type3A_97, %cond3A_98 : i32
      scf.if %cond3A_99 {
        %mul3A_100 = arith.constant 2 : i32
        %mul3A_101 = arith.muli %mul3A_100, %scan3A_58 : i32
        %add3A_102 = arith.constant 3 : i32
        %add3A_103 = arith.addi %mul3A_101, %add3A_102 : i32
        %dma_start3A_104 = arith.constant 0 : i32
        %dma_start3A_105 = tpu.memref_slice %arg7[%add3A_103, %dma_start3A_104] : memref<40x125xi32, #tpu.memory_space<vmem>> -> memref<1x125xi32, #tpu.memory_space<vmem>>
        %dma_start3A_106 = tpu.memref_squeeze %dma_start3A_105 : memref<1x125xi32, #tpu.memory_space<vmem>> -> memref<125xi32, #tpu.memory_space<vmem>>
        %dma_start3A_107 = arith.constant 0 : i32
        %dma_start3A_108 = arith.constant 0 : i32
        %dma_start3A_109 = tpu.memref_slice %arg2[%dma_start3A_107, %dma_start3A_108] : memref<30000x128xf32, #tpu.memory_space<hbm>> -> memref<30000x128xf32, #tpu.memory_space<hbm>>
        tpu.enqueue_indirect_dma source(%dma_start3A_109 : memref<30000x128xf32, #tpu.memory_space<hbm>>) target(%arg10 : memref<125x128xf32, #tpu.memory_space<vmem>>) offsets(%dma_start3A_106 : memref<125xi32, #tpu.memory_space<vmem>>) semaphore(%arg12 : memref<!tpu.dma_semaphore, #tpu.memory_space<semaphore_mem>>)
      } else {
      }
    }
    %scan3A_46 = arith.constant 20 : i32
    %barrier3A_47 = arith.constant 0 : index
    tpu.barrier barrier_id(%barrier3A_47)
    %lt3A_48 = arith.constant 15 : i32
    %lt3A_49 = arith.cmpi slt, %arg1, %lt3A_48 : i32
    %convert_element_type3A_50 = arith.extui %lt3A_49 : i1 to i32
    %cond3A_51 = arith.constant 0 : i32
    %cond3A_52 = arith.cmpi ne, %convert_element_type3A_50, %cond3A_51 : i32
    scf.if %cond3A_52 {
      "tpu.region"() ({
        %run_scoped3A = tpu.sem_alloc : memref<!tpu.dma_semaphore, #tpu.memory_space<semaphore_mem>>
        %dma_start3A_58 = arith.constant 0 : i32
        %dma_start3A_59 = tpu.memref_slice %arg6[%arg0, %multiple_of3A, %dma_start3A_58] : memref<2x10000x128xf32, #tpu.memory_space<hbm>> -> memref<1x624x128xf32, #tpu.memory_space<hbm>>
        %dma_start3A_60 = tpu.memref_squeeze %dma_start3A_59 : memref<1x624x128xf32, #tpu.memory_space<hbm>> -> memref<624x128xf32, #tpu.memory_space<hbm>>
        %dma_start3A_61 = arith.constant 0 : i32
        %dma_start3A_62 = tpu.memref_slice %arg13[%multiple_of3A, %dma_start3A_61] : memref<10000x128xf32, #tpu.memory_space<vmem_shared>> -> memref<624x128xf32, #tpu.memory_space<vmem_shared>>
        tpu.enqueue_dma source(%dma_start3A_62 : memref<624x128xf32, #tpu.memory_space<vmem_shared>>) target(%dma_start3A_60 : memref<624x128xf32, #tpu.memory_space<hbm>>) target_semaphore(%run_scoped3A : memref<!tpu.dma_semaphore, #tpu.memory_space<semaphore_mem>>)
        %dma_wait3A = arith.constant 0 : i32
        %dma_wait3A_63 = tpu.memref_slice %arg6[%arg0, %multiple_of3A, %dma_wait3A] : memref<2x10000x128xf32, #tpu.memory_space<hbm>> -> memref<1x624x128xf32, #tpu.memory_space<hbm>>
        %dma_wait3A_64 = tpu.memref_squeeze %dma_wait3A_63 : memref<1x624x128xf32, #tpu.memory_space<hbm>> -> memref<624x128xf32, #tpu.memory_space<hbm>>
        %dma_wait3A_65 = arith.constant 0 : i32
        %dma_wait3A_66 = tpu.memref_slice %arg13[%multiple_of3A, %dma_wait3A_65] : memref<10000x128xf32, #tpu.memory_space<vmem_shared>> -> memref<624x128xf32, #tpu.memory_space<vmem_shared>>
        tpu.wait_dma2 semaphore(%run_scoped3A : memref<!tpu.dma_semaphore, #tpu.memory_space<semaphore_mem>>) src(%dma_wait3A_66 : memref<624x128xf32, #tpu.memory_space<vmem_shared>>) dst(%dma_wait3A_64 : memref<624x128xf32, #tpu.memory_space<hbm>>)
        tpu.yield
      }) : () -> ()
    } else {
    }
    %eq3A_53 = arith.constant 15 : i32
    %eq3A_54 = arith.cmpi eq, %arg1, %eq3A_53 : i32
    %convert_element_type3A_55 = arith.extui %eq3A_54 : i1 to i32
    %cond3A_56 = arith.constant 0 : i32
    %cond3A_57 = arith.cmpi ne, %convert_element_type3A_55, %cond3A_56 : i32
    scf.if %cond3A_57 {
      "tpu.region"() ({
        %run_scoped3A = tpu.sem_alloc : memref<!tpu.dma_semaphore, #tpu.memory_space<semaphore_mem>>
        %dma_start3A_58 = arith.constant 9360 : i32
        %dma_start3A_59 = arith.constant 0 : i32
        %dma_start3A_60 = tpu.memref_slice %arg6[%arg0, %dma_start3A_58, %dma_start3A_59] : memref<2x10000x128xf32, #tpu.memory_space<hbm>> -> memref<1x640x128xf32, #tpu.memory_space<hbm>>
        %dma_start3A_61 = tpu.memref_squeeze %dma_start3A_60 : memref<1x640x128xf32, #tpu.memory_space<hbm>> -> memref<640x128xf32, #tpu.memory_space<hbm>>
        %dma_start3A_62 = arith.constant 9360 : i32
        %dma_start3A_63 = arith.constant 0 : i32
        %dma_start3A_64 = tpu.memref_slice %arg13[%dma_start3A_62, %dma_start3A_63] : memref<10000x128xf32, #tpu.memory_space<vmem_shared>> -> memref<640x128xf32, #tpu.memory_space<vmem_shared>>
        tpu.enqueue_dma source(%dma_start3A_64 : memref<640x128xf32, #tpu.memory_space<vmem_shared>>) target(%dma_start3A_61 : memref<640x128xf32, #tpu.memory_space<hbm>>) target_semaphore(%run_scoped3A : memref<!tpu.dma_semaphore, #tpu.memory_space<semaphore_mem>>)
        %dma_wait3A = arith.constant 9360 : i32
        %dma_wait3A_65 = arith.constant 0 : i32
        %dma_wait3A_66 = tpu.memref_slice %arg6[%arg0, %dma_wait3A, %dma_wait3A_65] : memref<2x10000x128xf32, #tpu.memory_space<hbm>> -> memref<1x640x128xf32, #tpu.memory_space<hbm>>
        %dma_wait3A_67 = tpu.memref_squeeze %dma_wait3A_66 : memref<1x640x128xf32, #tpu.memory_space<hbm>> -> memref<640x128xf32, #tpu.memory_space<hbm>>
        %dma_wait3A_68 = arith.constant 9360 : i32
        %dma_wait3A_69 = arith.constant 0 : i32
        %dma_wait3A_70 = tpu.memref_slice %arg13[%dma_wait3A_68, %dma_wait3A_69] : memref<10000x128xf32, #tpu.memory_space<vmem_shared>> -> memref<640x128xf32, #tpu.memory_space<vmem_shared>>
        tpu.wait_dma2 semaphore(%run_scoped3A : memref<!tpu.dma_semaphore, #tpu.memory_space<semaphore_mem>>) src(%dma_wait3A_70 : memref<640x128xf32, #tpu.memory_space<vmem_shared>>) dst(%dma_wait3A_67 : memref<640x128xf32, #tpu.memory_space<hbm>>)
        tpu.yield
      }) : () -> ()
    } else {
    }
    return
  }
}

module attributes {stable_mosaic.version = 14 : i64} {
  func.func @_proj_first_body(%arg0: i32, %arg1: i32, %arg2: memref<5000x128xf32, #tpu.memory_space<vmem>>, %arg3: memref<1x128x128xf32, #tpu.memory_space<vmem>>, %arg4: memref<1x1x128xf32, #tpu.memory_space<vmem>>, %arg5: memref<1x5000x128xf32, #tpu.memory_space<vmem>>, %arg6: memref<1x128xf32, #tpu.memory_space<vmem>>) attributes {dimension_semantics = [#tpu.dimension_semantics<arbitrary>, #tpu.dimension_semantics<arbitrary>], iteration_bounds = array<i64: 3, 2>, scalar_prefetch = 0 : i64, scratch_operands = 0 : i64, tpu.core_type = #tpu.core_type<tc>, window_params = [{transform_indices = @transform_0, window_bounds = array<i64: 5000, 128>}, {transform_indices = @transform_1, window_bounds = array<i64: 1, 128, 128>}, {transform_indices = @transform_2, window_bounds = array<i64: 1, 1, 128>}, {transform_indices = @transform_3, window_bounds = array<i64: 1, 5000, 128>}, {pipeline_mode = #tpu.pipeline_mode<synchronous>, transform_indices = @transform_4, window_bounds = array<i64: 1, 128>}]} {
    %get3A = arith.constant 0 : index
    %get3A_0 = arith.constant 0 : index
    %get3A_1 = vector.load %arg2[%get3A, %get3A_0] : memref<5000x128xf32, #tpu.memory_space<vmem>>, vector<5000x128xf32>
    %get3A_2 = arith.constant 0 : index
    %get3A_3 = arith.constant 0 : index
    %get3A_4 = arith.constant 0 : index
    %get3A_5 = vector.load %arg3[%get3A_2, %get3A_3, %get3A_4] : memref<1x128x128xf32, #tpu.memory_space<vmem>>, vector<1x128x128xf32>
    %get3A_6 = vector.shape_cast %get3A_5 : vector<1x128x128xf32> to vector<128x128xf32>
    %dot_general3A = arith.constant dense<0.000000e+00> : vector<5000x128xf32>
    %dot_general3A_7 = tpu.matmul %get3A_1, %get3A_6, %dot_general3A {dimension_numbers = #tpu.dot_dimension_numbers<[1], [0], [0], [1], [0, 0, 1, 1], [], []>, transpose_lhs_hint = false} : vector<5000x128xf32>, vector<128x128xf32>, vector<5000x128xf32> -> vector<5000x128xf32>
    %get3A_8 = arith.constant 0 : index
    %get3A_9 = arith.constant 0 : index
    %get3A_10 = arith.constant 0 : index
    %get3A_11 = vector.load %arg4[%get3A_8, %get3A_9, %get3A_10] : memref<1x1x128xf32, #tpu.memory_space<vmem>>, vector<1x1x128xf32>
    %get3A_12 = vector.shape_cast %get3A_11 : vector<1x1x128xf32> to vector<1x128xf32>
    %add3A = vector.broadcast %get3A_12 : vector<1x128xf32> to vector<5000x128xf32>
    %add3A_13 = arith.addf %dot_general3A_7, %add3A : vector<5000x128xf32>
    %swap3A = arith.constant 0 : index
    %swap3A_14 = arith.constant 0 : index
    %swap3A_15 = arith.constant 0 : index
    %swap3A_16 = vector.load %arg5[%swap3A, %swap3A_14, %swap3A_15] : memref<1x5000x128xf32, #tpu.memory_space<vmem>>, vector<1x5000x128xf32>
    %swap3A_17 = vector.shape_cast %swap3A_16 : vector<1x5000x128xf32> to vector<5000x128xf32>
    %swap3A_18 = vector.shape_cast %add3A_13 : vector<5000x128xf32> to vector<1x5000x128xf32>
    tpu.vector_store %arg5[%swap3A, %swap3A_14, %swap3A_15], %swap3A_18 {strides = array<i32>} : memref<1x5000x128xf32, #tpu.memory_space<vmem>>, vector<1x5000x128xf32>,
    %eq3A = arith.constant 0 : i32
    %eq3A_19 = arith.cmpi eq, %arg0, %eq3A : i32
    %eq3A_20 = arith.constant 0 : i32
    %eq3A_21 = arith.cmpi eq, %arg1, %eq3A_20 : i32
    %and3A = arith.andi %eq3A_19, %eq3A_21 : i1
    %convert_element_type3A = arith.extui %and3A : i1 to i32
    %cond3A = arith.constant 0 : i32
    %cond3A_22 = arith.cmpi ne, %convert_element_type3A, %cond3A : i32
    scf.if %cond3A_22 {
      %get3A_38 = arith.constant 0 : index
      %get3A_39 = arith.constant 0 : index
      %get3A_40 = vector.load %arg2[%get3A_38, %get3A_39] : memref<5000x128xf32, #tpu.memory_space<vmem>>, vector<5000x128xf32>
      %reduce_sum3A = arith.constant dense<0.000000e+00> : vector<128xf32>
      %reduce_sum3A_41 = vector.multi_reduction <add>, %get3A_40, %reduce_sum3A [0] : vector<5000x128xf32> to vector<128xf32>
      %broadcast_in_dim3A = vector.shape_cast %reduce_sum3A_41 : vector<128xf32> to vector<1x128xf32>
      %swap3A_42 = arith.constant 0 : index
      %swap3A_43 = arith.constant 0 : index
      %swap3A_44 = vector.load %arg6[%swap3A_42, %swap3A_43] : memref<1x128xf32, #tpu.memory_space<vmem>>, vector<1x128xf32>
      tpu.vector_store %arg6[%swap3A_42, %swap3A_43], %broadcast_in_dim3A {strides = array<i32>} : memref<1x128xf32, #tpu.memory_space<vmem>>, vector<1x128xf32>,
    } else {
    }
    %eq3A_23 = arith.constant 0 : i32
    %eq3A_24 = arith.cmpi eq, %arg0, %eq3A_23 : i32
    %ne3A = arith.constant 0 : i32
    %ne3A_25 = arith.cmpi ne, %arg1, %ne3A : i32
    %and3A_26 = arith.andi %eq3A_24, %ne3A_25 : i1
    %convert_element_type3A_27 = arith.extui %and3A_26 : i1 to i32
    %cond3A_28 = arith.constant 0 : i32
    %cond3A_29 = arith.cmpi ne, %convert_element_type3A_27, %cond3A_28 : i32
    scf.if %cond3A_29 {
      %get3A_38 = arith.constant 0 : index
      %get3A_39 = arith.constant 0 : index
      %get3A_40 = vector.load %arg6[%get3A_38, %get3A_39] : memref<1x128xf32, #tpu.memory_space<vmem>>, vector<1x128xf32>
      %get3A_41 = arith.constant 0 : index
      %get3A_42 = arith.constant 0 : index
      %get3A_43 = vector.load %arg2[%get3A_41, %get3A_42] : memref<5000x128xf32, #tpu.memory_space<vmem>>, vector<5000x128xf32>
      %reduce_sum3A = arith.constant dense<0.000000e+00> : vector<128xf32>
      %reduce_sum3A_44 = vector.multi_reduction <add>, %get3A_43, %reduce_sum3A [0] : vector<5000x128xf32> to vector<128xf32>
      %broadcast_in_dim3A = vector.shape_cast %reduce_sum3A_44 : vector<128xf32> to vector<1x128xf32>
      %add3A_45 = arith.addf %get3A_40, %broadcast_in_dim3A : vector<1x128xf32>
      %swap3A_46 = arith.constant 0 : index
      %swap3A_47 = arith.constant 0 : index
      %swap3A_48 = vector.load %arg6[%swap3A_46, %swap3A_47] : memref<1x128xf32, #tpu.memory_space<vmem>>, vector<1x128xf32>
      tpu.vector_store %arg6[%swap3A_46, %swap3A_47], %add3A_45 {strides = array<i32>} : memref<1x128xf32, #tpu.memory_space<vmem>>, vector<1x128xf32>,
    } else {
    }
    %eq3A_30 = arith.constant 0 : i32
    %eq3A_31 = arith.cmpi eq, %arg0, %eq3A_30 : i32
    %eq3A_32 = arith.constant 1 : i32
    %eq3A_33 = arith.cmpi eq, %arg1, %eq3A_32 : i32
    %and3A_34 = arith.andi %eq3A_31, %eq3A_33 : i1
    %convert_element_type3A_35 = arith.extui %and3A_34 : i1 to i32
    %cond3A_36 = arith.constant 0 : i32
    %cond3A_37 = arith.cmpi ne, %convert_element_type3A_35, %cond3A_36 : i32
    scf.if %cond3A_37 {
      %get3A_38 = arith.constant 0 : index
      %get3A_39 = arith.constant 0 : index
      %get3A_40 = vector.load %arg6[%get3A_38, %get3A_39] : memref<1x128xf32, #tpu.memory_space<vmem>>, vector<1x128xf32>
      %mul3A = arith.constant 9.99999974E-5 : f32
      %mul3A_41 = vector.broadcast %mul3A : f32 to vector<1x128xf32>
      %mul3A_42 = arith.mulf %get3A_40, %mul3A_41 : vector<1x128xf32>
      %swap3A_43 = arith.constant 0 : index
      %swap3A_44 = arith.constant 0 : index
      %swap3A_45 = vector.load %arg6[%swap3A_43, %swap3A_44] : memref<1x128xf32, #tpu.memory_space<vmem>>, vector<1x128xf32>
      tpu.vector_store %arg6[%swap3A_43, %swap3A_44], %mul3A_42 {strides = array<i32>} : memref<1x128xf32, #tpu.memory_space<vmem>>, vector<1x128xf32>,
    } else {
    }
    return
  }
  func.func @transform_0(%arg0: i32, %arg1: i32) -> (i32, i32) {
    %c0_i32 = arith.constant 0 : i32
    %c0_i32_0 = arith.constant 0 : i32
    return %arg1, %c0_i32 : i32, i32
  }
  func.func @transform_1(%arg0: i32, %arg1: i32) -> (i32, i32, i32) {
    %c0_i32 = arith.constant 0 : i32
    %c0_i32_0 = arith.constant 0 : i32
    %c0_i32_1 = arith.constant 0 : i32
    return %arg0, %c0_i32, %c0_i32_0 : i32, i32, i32
  }
  func.func @transform_2(%arg0: i32, %arg1: i32) -> (i32, i32, i32) {
    %c0_i32 = arith.constant 0 : i32
    %c0_i32_0 = arith.constant 0 : i32
    %c0_i32_1 = arith.constant 0 : i32
    return %arg0, %c0_i32, %c0_i32_0 : i32, i32, i32
  }
  func.func @transform_3(%arg0: i32, %arg1: i32) -> (i32, i32, i32) {
    %c0_i32 = arith.constant 0 : i32
    %c0_i32_0 = arith.constant 0 : i32
    return %arg0, %arg1, %c0_i32 : i32, i32, i32
  }
  func.func @transform_4(%arg0: i32, %arg1: i32) -> (i32, i32) {
    %c0_i32 = arith.constant 0 : i32
    %c0_i32_0 = arith.constant 0 : i32
    %c0_i32_1 = arith.constant 0 : i32
    return %c0_i32, %c0_i32_0 : i32, i32
  }
}

module attributes {stable_mosaic.version = 14 : i64} {
  func.func @_gru_proj_body(%arg0: i32, %arg1: memref<2x5000x128xf32, #tpu.memory_space<vmem>>, %arg2: memref<5000x128xf32, #tpu.memory_space<vmem>>, %arg3: memref<128x384xf32, #tpu.memory_space<vmem>>, %arg4: memref<128x384xf32, #tpu.memory_space<vmem>>, %arg5: memref<1x384xf32, #tpu.memory_space<vmem>>, %arg6: memref<1x384xf32, #tpu.memory_space<vmem>>, %arg7: memref<3x128x128xf32, #tpu.memory_space<vmem>>, %arg8: memref<3x1x128xf32, #tpu.memory_space<vmem>>, %arg9: memref<5000x128xf32, #tpu.memory_space<vmem>>, %arg10: memref<1x128xf32, #tpu.memory_space<vmem>>, %arg11: memref<3x5000x128xf32, #tpu.memory_space<vmem>>) attributes {dimension_semantics = [#tpu.dimension_semantics<arbitrary>], iteration_bounds = array<i64: 2>, scalar_prefetch = 0 : i64, scratch_operands = 0 : i64, tpu.core_type = #tpu.core_type<tc>, window_params = [{transform_indices = @transform_0, window_bounds = array<i64: 2, 5000, 128>}, {transform_indices = @transform_1, window_bounds = array<i64: 5000, 128>}, {pipeline_mode = #tpu.pipeline_mode<synchronous>, transform_indices = @transform_2, window_bounds = array<i64: 128, 384>}, {pipeline_mode = #tpu.pipeline_mode<synchronous>, transform_indices = @transform_3, window_bounds = array<i64: 128, 384>}, {pipeline_mode = #tpu.pipeline_mode<synchronous>, transform_indices = @transform_4, window_bounds = array<i64: 1, 384>}, {pipeline_mode = #tpu.pipeline_mode<synchronous>, transform_indices = @transform_5, window_bounds = array<i64: 1, 384>}, {pipeline_mode = #tpu.pipeline_mode<synchronous>, transform_indices = @transform_6, window_bounds = array<i64: 3, 128, 128>}, {pipeline_mode = #tpu.pipeline_mode<synchronous>, transform_indices = @transform_7, window_bounds = array<i64: 3, 1, 128>}, {transform_indices = @transform_8, window_bounds = array<i64: 5000, 128>}, {pipeline_mode = #tpu.pipeline_mode<synchronous>, transform_indices = @transform_9, window_bounds = array<i64: 1, 128>}, {transform_indices = @transform_10, window_bounds = array<i64: 3, 5000, 128>}]} {
    %get3A = arith.constant 0 : index
    %get3A_0 = arith.constant 0 : index
    %get3A_1 = arith.constant 0 : index
    %get3A_2 = vector.load %arg1[%get3A, %get3A_0, %get3A_1] : memref<2x5000x128xf32, #tpu.memory_space<vmem>>, vector<1x5000x128xf32>
    %get3A_3 = vector.shape_cast %get3A_2 : vector<1x5000x128xf32> to vector<5000x128xf32>
    %get3A_4 = arith.constant 1 : index
    %get3A_5 = arith.constant 0 : index
    %get3A_6 = arith.constant 0 : index
    %get3A_7 = vector.load %arg1[%get3A_4, %get3A_5, %get3A_6] : memref<2x5000x128xf32, #tpu.memory_space<vmem>>, vector<1x5000x128xf32>
    %get3A_8 = vector.shape_cast %get3A_7 : vector<1x5000x128xf32> to vector<5000x128xf32>
    %add3A = arith.addf %get3A_3, %get3A_8 : vector<5000x128xf32>
    %get3A_9 = arith.constant 0 : index
    %get3A_10 = arith.constant 0 : index
    %get3A_11 = vector.load %arg2[%get3A_9, %get3A_10] : memref<5000x128xf32, #tpu.memory_space<vmem>>, vector<5000x128xf32>
    %get3A_12 = arith.constant 0 : index
    %get3A_13 = arith.constant 0 : index
    %get3A_14 = vector.load %arg3[%get3A_12, %get3A_13] : memref<128x384xf32, #tpu.memory_space<vmem>>, vector<128x384xf32>
    %dot_general3A = arith.constant dense<0.000000e+00> : vector<5000x384xf32>
    %dot_general3A_15 = tpu.matmul %add3A, %get3A_14, %dot_general3A {dimension_numbers = #tpu.dot_dimension_numbers<[1], [0], [0], [1], [0, 0, 1, 1], [], []>, transpose_lhs_hint = false} : vector<5000x128xf32>, vector<128x384xf32>, vector<5000x384xf32> -> vector<5000x384xf32>
    %get3A_16 = arith.constant 0 : index
    %get3A_17 = arith.constant 0 : index
    %get3A_18 = vector.load %arg5[%get3A_16, %get3A_17] : memref<1x384xf32, #tpu.memory_space<vmem>>, vector<1x384xf32>
    %add3A_19 = vector.broadcast %get3A_18 : vector<1x384xf32> to vector<5000x384xf32>
    %add3A_20 = arith.addf %dot_general3A_15, %add3A_19 : vector<5000x384xf32>
    %get3A_21 = arith.constant 0 : index
    %get3A_22 = arith.constant 0 : index
    %get3A_23 = vector.load %arg4[%get3A_21, %get3A_22] : memref<128x384xf32, #tpu.memory_space<vmem>>, vector<128x384xf32>
    %dot_general3A_24 = arith.constant dense<0.000000e+00> : vector<5000x384xf32>
    %dot_general3A_25 = tpu.matmul %get3A_11, %get3A_23, %dot_general3A_24 {dimension_numbers = #tpu.dot_dimension_numbers<[1], [0], [0], [1], [0, 0, 1, 1], [], []>, transpose_lhs_hint = false} : vector<5000x128xf32>, vector<128x384xf32>, vector<5000x384xf32> -> vector<5000x384xf32>
    %get3A_26 = arith.constant 0 : index
    %get3A_27 = arith.constant 0 : index
    %get3A_28 = vector.load %arg6[%get3A_26, %get3A_27] : memref<1x384xf32, #tpu.memory_space<vmem>>, vector<1x384xf32>
    %add3A_29 = vector.broadcast %get3A_28 : vector<1x384xf32> to vector<5000x384xf32>
    %add3A_30 = arith.addf %dot_general3A_25, %add3A_29 : vector<5000x384xf32>
    %slice3A = vector.extract_strided_slice %add3A_20 {offsets = [0, 0], sizes = [5000, 128], strides = [1, 1]} : vector<5000x384xf32> to vector<5000x128xf32>
    %slice3A_31 = vector.extract_strided_slice %add3A_30 {offsets = [0, 0], sizes = [5000, 128], strides = [1, 1]} : vector<5000x384xf32> to vector<5000x128xf32>
    %add3A_32 = arith.addf %slice3A, %slice3A_31 : vector<5000x128xf32>
    %logistic3A = arith.negf %add3A_32 : vector<5000x128xf32>
    %logistic3A_33 = math.exp %logistic3A : vector<5000x128xf32>
    %logistic3A_34 = arith.constant 1.000000e+00 : f32
    %logistic3A_35 = vector.broadcast %logistic3A_34 : f32 to vector<5000x128xf32>
    %logistic3A_36 = arith.addf %logistic3A_35, %logistic3A_33 : vector<5000x128xf32>
    %logistic3A_37 = arith.divf %logistic3A_35, %logistic3A_36 : vector<5000x128xf32>
    %slice3A_38 = vector.extract_strided_slice %add3A_20 {offsets = [0, 128], sizes = [5000, 128], strides = [1, 1]} : vector<5000x384xf32> to vector<5000x128xf32>
    %slice3A_39 = vector.extract_strided_slice %add3A_30 {offsets = [0, 128], sizes = [5000, 128], strides = [1, 1]} : vector<5000x384xf32> to vector<5000x128xf32>
    %add3A_40 = arith.addf %slice3A_38, %slice3A_39 : vector<5000x128xf32>
    %logistic3A_41 = arith.negf %add3A_40 : vector<5000x128xf32>
    %logistic3A_42 = math.exp %logistic3A_41 : vector<5000x128xf32>
    %logistic3A_43 = arith.constant 1.000000e+00 : f32
    %logistic3A_44 = vector.broadcast %logistic3A_43 : f32 to vector<5000x128xf32>
    %logistic3A_45 = arith.addf %logistic3A_44, %logistic3A_42 : vector<5000x128xf32>
    %logistic3A_46 = arith.divf %logistic3A_44, %logistic3A_45 : vector<5000x128xf32>
    %slice3A_47 = vector.extract_strided_slice %add3A_20 {offsets = [0, 256], sizes = [5000, 128], strides = [1, 1]} : vector<5000x384xf32> to vector<5000x128xf32>
    %slice3A_48 = vector.extract_strided_slice %add3A_30 {offsets = [0, 256], sizes = [5000, 128], strides = [1, 1]} : vector<5000x384xf32> to vector<5000x128xf32>
    %mul3A = arith.mulf %logistic3A_37, %slice3A_48 : vector<5000x128xf32>
    %add3A_49 = arith.addf %slice3A_47, %mul3A : vector<5000x128xf32>
    %tanh3A = math.tanh %add3A_49 : vector<5000x128xf32>
    %sub3A = arith.constant 1.000000e+00 : f32
    %sub3A_50 = vector.broadcast %sub3A : f32 to vector<5000x128xf32>
    %sub3A_51 = arith.subf %sub3A_50, %logistic3A_46 : vector<5000x128xf32>
    %mul3A_52 = arith.mulf %sub3A_51, %tanh3A : vector<5000x128xf32>
    %mul3A_53 = arith.mulf %logistic3A_46, %get3A_11 : vector<5000x128xf32>
    %add3A_54 = arith.addf %mul3A_52, %mul3A_53 : vector<5000x128xf32>
    %swap3A = arith.constant 0 : index
    %swap3A_55 = arith.constant 0 : index
    %swap3A_56 = vector.load %arg9[%swap3A, %swap3A_55] : memref<5000x128xf32, #tpu.memory_space<vmem>>, vector<5000x128xf32>
    tpu.vector_store %arg9[%swap3A, %swap3A_55], %add3A_54 {strides = array<i32>} : memref<5000x128xf32, #tpu.memory_space<vmem>>, vector<5000x128xf32>,
    %reduce_sum3A = arith.constant dense<0.000000e+00> : vector<128xf32>
    %reduce_sum3A_57 = vector.multi_reduction <add>, %add3A_54, %reduce_sum3A [0] : vector<5000x128xf32> to vector<128xf32>
    %broadcast_in_dim3A = vector.shape_cast %reduce_sum3A_57 : vector<128xf32> to vector<1x128xf32>
    %eq3A = arith.constant 0 : i32
    %eq3A_58 = arith.cmpi eq, %arg0, %eq3A : i32
    %convert_element_type3A = arith.extui %eq3A_58 : i1 to i32
    %cond3A = arith.constant 0 : i32
    %cond3A_59 = arith.cmpi ne, %convert_element_type3A, %cond3A : i32
    scf.if %cond3A_59 {
      %swap3A_129 = arith.constant 0 : index
      %swap3A_130 = arith.constant 0 : index
      %swap3A_131 = vector.load %arg10[%swap3A_129, %swap3A_130] : memref<1x128xf32, #tpu.memory_space<vmem>>, vector<1x128xf32>
      tpu.vector_store %arg10[%swap3A_129, %swap3A_130], %broadcast_in_dim3A {strides = array<i32>} : memref<1x128xf32, #tpu.memory_space<vmem>>, vector<1x128xf32>,
    } else {
    }
    %ne3A = arith.constant 0 : i32
    %ne3A_60 = arith.cmpi ne, %arg0, %ne3A : i32
    %convert_element_type3A_61 = arith.extui %ne3A_60 : i1 to i32
    %cond3A_62 = arith.constant 0 : i32
    %cond3A_63 = arith.cmpi ne, %convert_element_type3A_61, %cond3A_62 : i32
    scf.if %cond3A_63 {
      %get3A_129 = arith.constant 0 : index
      %get3A_130 = arith.constant 0 : index
      %get3A_131 = vector.load %arg10[%get3A_129, %get3A_130] : memref<1x128xf32, #tpu.memory_space<vmem>>, vector<1x128xf32>
      %add3A_132 = arith.addf %get3A_131, %broadcast_in_dim3A : vector<1x128xf32>
      %swap3A_133 = arith.constant 0 : index
      %swap3A_134 = arith.constant 0 : index
      %swap3A_135 = vector.load %arg10[%swap3A_133, %swap3A_134] : memref<1x128xf32, #tpu.memory_space<vmem>>, vector<1x128xf32>
      tpu.vector_store %arg10[%swap3A_133, %swap3A_134], %add3A_132 {strides = array<i32>} : memref<1x128xf32, #tpu.memory_space<vmem>>, vector<1x128xf32>,
    } else {
    }
    %eq3A_64 = arith.constant 1 : i32
    %eq3A_65 = arith.cmpi eq, %arg0, %eq3A_64 : i32
    %convert_element_type3A_66 = arith.extui %eq3A_65 : i1 to i32
    %cond3A_67 = arith.constant 0 : i32
    %cond3A_68 = arith.cmpi ne, %convert_element_type3A_66, %cond3A_67 : i32
    scf.if %cond3A_68 {
      %get3A_129 = arith.constant 0 : index
      %get3A_130 = arith.constant 0 : index
      %get3A_131 = vector.load %arg10[%get3A_129, %get3A_130] : memref<1x128xf32, #tpu.memory_space<vmem>>, vector<1x128xf32>
      %mul3A_132 = arith.constant 9.99999974E-5 : f32
      %mul3A_133 = vector.broadcast %mul3A_132 : f32 to vector<1x128xf32>
      %mul3A_134 = arith.mulf %get3A_131, %mul3A_133 : vector<1x128xf32>
      %swap3A_135 = arith.constant 0 : index
      %swap3A_136 = arith.constant 0 : index
      %swap3A_137 = vector.load %arg10[%swap3A_135, %swap3A_136] : memref<1x128xf32, #tpu.memory_space<vmem>>, vector<1x128xf32>
      tpu.vector_store %arg10[%swap3A_135, %swap3A_136], %mul3A_134 {strides = array<i32>} : memref<1x128xf32, #tpu.memory_space<vmem>>, vector<1x128xf32>,
    } else {
    }
    %get3A_69 = arith.constant 0 : index
    %get3A_70 = arith.constant 0 : index
    %get3A_71 = arith.constant 0 : index
    %get3A_72 = vector.load %arg7[%get3A_69, %get3A_70, %get3A_71] : memref<3x128x128xf32, #tpu.memory_space<vmem>>, vector<1x128x128xf32>
    %get3A_73 = vector.shape_cast %get3A_72 : vector<1x128x128xf32> to vector<128x128xf32>
    %dot_general3A_74 = arith.constant dense<0.000000e+00> : vector<5000x128xf32>
    %dot_general3A_75 = tpu.matmul %add3A_54, %get3A_73, %dot_general3A_74 {dimension_numbers = #tpu.dot_dimension_numbers<[1], [0], [0], [1], [0, 0, 1, 1], [], []>, transpose_lhs_hint = false} : vector<5000x128xf32>, vector<128x128xf32>, vector<5000x128xf32> -> vector<5000x128xf32>
    %get3A_76 = arith.constant 0 : index
    %get3A_77 = arith.constant 0 : index
    %get3A_78 = arith.constant 0 : index
    %get3A_79 = vector.load %arg8[%get3A_76, %get3A_77, %get3A_78] : memref<3x1x128xf32, #tpu.memory_space<vmem>>, vector<1x1x128xf32>
    %get3A_80 = vector.shape_cast %get3A_79 : vector<1x1x128xf32> to vector<1x128xf32>
    %add3A_81 = vector.broadcast %get3A_80 : vector<1x128xf32> to vector<5000x128xf32>
    %add3A_82 = arith.addf %dot_general3A_75, %add3A_81 : vector<5000x128xf32>
    %swap3A_83 = arith.constant 0 : index
    %swap3A_84 = arith.constant 0 : index
    %swap3A_85 = arith.constant 0 : index
    %swap3A_86 = vector.load %arg11[%swap3A_83, %swap3A_84, %swap3A_85] : memref<3x5000x128xf32, #tpu.memory_space<vmem>>, vector<1x5000x128xf32>
    %swap3A_87 = vector.shape_cast %swap3A_86 : vector<1x5000x128xf32> to vector<5000x128xf32>
    %swap3A_88 = vector.shape_cast %add3A_82 : vector<5000x128xf32> to vector<1x5000x128xf32>
    tpu.vector_store %arg11[%swap3A_83, %swap3A_84, %swap3A_85], %swap3A_88 {strides = array<i32>} : memref<3x5000x128xf32, #tpu.memory_space<vmem>>, vector<1x5000x128xf32>,
    %get3A_89 = arith.constant 1 : index
    %get3A_90 = arith.constant 0 : index
    %get3A_91 = arith.constant 0 : index
    %get3A_92 = vector.load %arg7[%get3A_89, %get3A_90, %get3A_91] : memref<3x128x128xf32, #tpu.memory_space<vmem>>, vector<1x128x128xf32>
    %get3A_93 = vector.shape_cast %get3A_92 : vector<1x128x128xf32> to vector<128x128xf32>
    %dot_general3A_94 = arith.constant dense<0.000000e+00> : vector<5000x128xf32>
    %dot_general3A_95 = tpu.matmul %add3A_54, %get3A_93, %dot_general3A_94 {dimension_numbers = #tpu.dot_dimension_numbers<[1], [0], [0], [1], [0, 0, 1, 1], [], []>, transpose_lhs_hint = false} : vector<5000x128xf32>, vector<128x128xf32>, vector<5000x128xf32> -> vector<5000x128xf32>
    %get3A_96 = arith.constant 1 : index
    %get3A_97 = arith.constant 0 : index
    %get3A_98 = arith.constant 0 : index
    %get3A_99 = vector.load %arg8[%get3A_96, %get3A_97, %get3A_98] : memref<3x1x128xf32, #tpu.memory_space<vmem>>, vector<1x1x128xf32>
    %get3A_100 = vector.shape_cast %get3A_99 : vector<1x1x128xf32> to vector<1x128xf32>
    %add3A_101 = vector.broadcast %get3A_100 : vector<1x128xf32> to vector<5000x128xf32>
    %add3A_102 = arith.addf %dot_general3A_95, %add3A_101 : vector<5000x128xf32>
    %swap3A_103 = arith.constant 1 : index
    %swap3A_104 = arith.constant 0 : index
    %swap3A_105 = arith.constant 0 : index
    %swap3A_106 = vector.load %arg11[%swap3A_103, %swap3A_104, %swap3A_105] : memref<3x5000x128xf32, #tpu.memory_space<vmem>>, vector<1x5000x128xf32>
    %swap3A_107 = vector.shape_cast %swap3A_106 : vector<1x5000x128xf32> to vector<5000x128xf32>
    %swap3A_108 = vector.shape_cast %add3A_102 : vector<5000x128xf32> to vector<1x5000x128xf32>
    tpu.vector_store %arg11[%swap3A_103, %swap3A_104, %swap3A_105], %swap3A_108 {strides = array<i32>} : memref<3x5000x128xf32, #tpu.memory_space<vmem>>, vector<1x5000x128xf32>,
    %get3A_109 = arith.constant 2 : index
    %get3A_110 = arith.constant 0 : index
    %get3A_111 = arith.constant 0 : index
    %get3A_112 = vector.load %arg7[%get3A_109, %get3A_110, %get3A_111] : memref<3x128x128xf32, #tpu.memory_space<vmem>>, vector<1x128x128xf32>
    %get3A_113 = vector.shape_cast %get3A_112 : vector<1x128x128xf32> to vector<128x128xf32>
    %dot_general3A_114 = arith.constant dense<0.000000e+00> : vector<5000x128xf32>
    %dot_general3A_115 = tpu.matmul %add3A_54, %get3A_113, %dot_general3A_114 {dimension_numbers = #tpu.dot_dimension_numbers<[1], [0], [0], [1], [0, 0, 1, 1], [], []>, transpose_lhs_hint = false} : vector<5000x128xf32>, vector<128x128xf32>, vector<5000x128xf32> -> vector<5000x128xf32>
    %get3A_116 = arith.constant 2 : index
    %get3A_117 = arith.constant 0 : index
    %get3A_118 = arith.constant 0 : index
    %get3A_119 = vector.load %arg8[%get3A_116, %get3A_117, %get3A_118] : memref<3x1x128xf32, #tpu.memory_space<vmem>>, vector<1x1x128xf32>
    %get3A_120 = vector.shape_cast %get3A_119 : vector<1x1x128xf32> to vector<1x128xf32>
    %add3A_121 = vector.broadcast %get3A_120 : vector<1x128xf32> to vector<5000x128xf32>
    %add3A_122 = arith.addf %dot_general3A_115, %add3A_121 : vector<5000x128xf32>
    %swap3A_123 = arith.constant 2 : index
    %swap3A_124 = arith.constant 0 : index
    %swap3A_125 = arith.constant 0 : index
    %swap3A_126 = vector.load %arg11[%swap3A_123, %swap3A_124, %swap3A_125] : memref<3x5000x128xf32, #tpu.memory_space<vmem>>, vector<1x5000x128xf32>
    %swap3A_127 = vector.shape_cast %swap3A_126 : vector<1x5000x128xf32> to vector<5000x128xf32>
    %swap3A_128 = vector.shape_cast %add3A_122 : vector<5000x128xf32> to vector<1x5000x128xf32>
    tpu.vector_store %arg11[%swap3A_123, %swap3A_124, %swap3A_125], %swap3A_128 {strides = array<i32>} : memref<3x5000x128xf32, #tpu.memory_space<vmem>>, vector<1x5000x128xf32>,
    return
  }
  func.func @transform_0(%arg0: i32) -> (i32, i32, i32) {
    %c0_i32 = arith.constant 0 : i32
    %c0_i32_0 = arith.constant 0 : i32
    %c0_i32_1 = arith.constant 0 : i32
    return %c0_i32, %arg0, %c0_i32_0 : i32, i32, i32
  }
  func.func @transform_1(%arg0: i32) -> (i32, i32) {
    %c0_i32 = arith.constant 0 : i32
    %c0_i32_0 = arith.constant 0 : i32
    return %arg0, %c0_i32 : i32, i32
  }
  func.func @transform_2(%arg0: i32) -> (i32, i32) {
    %c0_i32 = arith.constant 0 : i32
    %c0_i32_0 = arith.constant 0 : i32
    %c0_i32_1 = arith.constant 0 : i32
    return %c0_i32, %c0_i32_0 : i32, i32
  }
  func.func @transform_3(%arg0: i32) -> (i32, i32) {
    %c0_i32 = arith.constant 0 : i32
    %c0_i32_0 = arith.constant 0 : i32
    %c0_i32_1 = arith.constant 0 : i32
    return %c0_i32, %c0_i32_0 : i32, i32
  }
  func.func @transform_4(%arg0: i32) -> (i32, i32) {
    %c0_i32 = arith.constant 0 : i32
    %c0_i32_0 = arith.constant 0 : i32
    %c0_i32_1 = arith.constant 0 : i32
    return %c0_i32, %c0_i32_0 : i32, i32
  }
  func.func @transform_5(%arg0: i32) -> (i32, i32) {
    %c0_i32 = arith.constant 0 : i32
    %c0_i32_0 = arith.constant 0 : i32
    %c0_i32_1 = arith.constant 0 : i32
    return %c0_i32, %c0_i32_0 : i32, i32
  }
  func.func @transform_6(%arg0: i32) -> (i32, i32, i32) {
    %c0_i32 = arith.constant 0 : i32
    %c0_i32_0 = arith.constant 0 : i32
    %c0_i32_1 = arith.constant 0 : i32
    %c0_i32_2 = arith.constant 0 : i32
    return %c0_i32, %c0_i32_0, %c0_i32_1 : i32, i32, i32
  }
  func.func @transform_7(%arg0: i32) -> (i32, i32, i32) {
    %c0_i32 = arith.constant 0 : i32
    %c0_i32_0 = arith.constant 0 : i32
    %c0_i32_1 = arith.constant 0 : i32
    %c0_i32_2 = arith.constant 0 : i32
    return %c0_i32, %c0_i32_0, %c0_i32_1 : i32, i32, i32
  }
  func.func @transform_8(%arg0: i32) -> (i32, i32) {
    %c0_i32 = arith.constant 0 : i32
    %c0_i32_0 = arith.constant 0 : i32
    return %arg0, %c0_i32 : i32, i32
  }
  func.func @transform_9(%arg0: i32) -> (i32, i32) {
    %c0_i32 = arith.constant 0 : i32
    %c0_i32_0 = arith.constant 0 : i32
    %c0_i32_1 = arith.constant 0 : i32
    return %c0_i32, %c0_i32_0 : i32, i32
  }
  func.func @transform_10(%arg0: i32) -> (i32, i32, i32) {
    %c0_i32 = arith.constant 0 : i32
    %c0_i32_0 = arith.constant 0 : i32
    %c0_i32_1 = arith.constant 0 : i32
    return %c0_i32, %arg0, %c0_i32_0 : i32, i32, i32
  }
}

module attributes {stable_mosaic.version = 14 : i64} {
  func.func @_gru_proj_body(%arg0: i32, %arg1: memref<2x5000x128xf32, #tpu.memory_space<vmem>>, %arg2: memref<5000x128xf32, #tpu.memory_space<vmem>>, %arg3: memref<128x384xf32, #tpu.memory_space<vmem>>, %arg4: memref<128x384xf32, #tpu.memory_space<vmem>>, %arg5: memref<1x384xf32, #tpu.memory_space<vmem>>, %arg6: memref<1x384xf32, #tpu.memory_space<vmem>>, %arg7: memref<3x128x128xf32, #tpu.memory_space<vmem>>, %arg8: memref<3x1x128xf32, #tpu.memory_space<vmem>>, %arg9: memref<5000x128xf32, #tpu.memory_space<vmem>>, %arg10: memref<1x128xf32, #tpu.memory_space<vmem>>, %arg11: memref<3x5000x128xf32, #tpu.memory_space<vmem>>) attributes {dimension_semantics = [#tpu.dimension_semantics<arbitrary>], iteration_bounds = array<i64: 2>, scalar_prefetch = 0 : i64, scratch_operands = 0 : i64, tpu.core_type = #tpu.core_type<tc>, window_params = [{transform_indices = @transform_0, window_bounds = array<i64: 2, 5000, 128>}, {transform_indices = @transform_1, window_bounds = array<i64: 5000, 128>}, {pipeline_mode = #tpu.pipeline_mode<synchronous>, transform_indices = @transform_2, window_bounds = array<i64: 128, 384>}, {pipeline_mode = #tpu.pipeline_mode<synchronous>, transform_indices = @transform_3, window_bounds = array<i64: 128, 384>}, {pipeline_mode = #tpu.pipeline_mode<synchronous>, transform_indices = @transform_4, window_bounds = array<i64: 1, 384>}, {pipeline_mode = #tpu.pipeline_mode<synchronous>, transform_indices = @transform_5, window_bounds = array<i64: 1, 384>}, {pipeline_mode = #tpu.pipeline_mode<synchronous>, transform_indices = @transform_6, window_bounds = array<i64: 3, 128, 128>}, {pipeline_mode = #tpu.pipeline_mode<synchronous>, transform_indices = @transform_7, window_bounds = array<i64: 3, 1, 128>}, {transform_indices = @transform_8, window_bounds = array<i64: 5000, 128>}, {pipeline_mode = #tpu.pipeline_mode<synchronous>, transform_indices = @transform_9, window_bounds = array<i64: 1, 128>}, {transform_indices = @transform_10, window_bounds = array<i64: 3, 5000, 128>}]} {
    %get3A = arith.constant 0 : index
    %get3A_0 = arith.constant 0 : index
    %get3A_1 = arith.constant 0 : index
    %get3A_2 = vector.load %arg1[%get3A, %get3A_0, %get3A_1] : memref<2x5000x128xf32, #tpu.memory_space<vmem>>, vector<1x5000x128xf32>
    %get3A_3 = vector.shape_cast %get3A_2 : vector<1x5000x128xf32> to vector<5000x128xf32>
    %get3A_4 = arith.constant 1 : index
    %get3A_5 = arith.constant 0 : index
    %get3A_6 = arith.constant 0 : index
    %get3A_7 = vector.load %arg1[%get3A_4, %get3A_5, %get3A_6] : memref<2x5000x128xf32, #tpu.memory_space<vmem>>, vector<1x5000x128xf32>
    %get3A_8 = vector.shape_cast %get3A_7 : vector<1x5000x128xf32> to vector<5000x128xf32>
    %add3A = arith.addf %get3A_3, %get3A_8 : vector<5000x128xf32>
    %get3A_9 = arith.constant 0 : index
    %get3A_10 = arith.constant 0 : index
    %get3A_11 = vector.load %arg2[%get3A_9, %get3A_10] : memref<5000x128xf32, #tpu.memory_space<vmem>>, vector<5000x128xf32>
    %get3A_12 = arith.constant 0 : index
    %get3A_13 = arith.constant 0 : index
    %get3A_14 = vector.load %arg3[%get3A_12, %get3A_13] : memref<128x384xf32, #tpu.memory_space<vmem>>, vector<128x384xf32>
    %dot_general3A = arith.constant dense<0.000000e+00> : vector<5000x384xf32>
    %dot_general3A_15 = tpu.matmul %add3A, %get3A_14, %dot_general3A {dimension_numbers = #tpu.dot_dimension_numbers<[1], [0], [0], [1], [0, 0, 1, 1], [], []>, transpose_lhs_hint = false} : vector<5000x128xf32>, vector<128x384xf32>, vector<5000x384xf32> -> vector<5000x384xf32>
    %get3A_16 = arith.constant 0 : index
    %get3A_17 = arith.constant 0 : index
    %get3A_18 = vector.load %arg5[%get3A_16, %get3A_17] : memref<1x384xf32, #tpu.memory_space<vmem>>, vector<1x384xf32>
    %add3A_19 = vector.broadcast %get3A_18 : vector<1x384xf32> to vector<5000x384xf32>
    %add3A_20 = arith.addf %dot_general3A_15, %add3A_19 : vector<5000x384xf32>
    %get3A_21 = arith.constant 0 : index
    %get3A_22 = arith.constant 0 : index
    %get3A_23 = vector.load %arg4[%get3A_21, %get3A_22] : memref<128x384xf32, #tpu.memory_space<vmem>>, vector<128x384xf32>
    %dot_general3A_24 = arith.constant dense<0.000000e+00> : vector<5000x384xf32>
    %dot_general3A_25 = tpu.matmul %get3A_11, %get3A_23, %dot_general3A_24 {dimension_numbers = #tpu.dot_dimension_numbers<[1], [0], [0], [1], [0, 0, 1, 1], [], []>, transpose_lhs_hint = false} : vector<5000x128xf32>, vector<128x384xf32>, vector<5000x384xf32> -> vector<5000x384xf32>
    %get3A_26 = arith.constant 0 : index
    %get3A_27 = arith.constant 0 : index
    %get3A_28 = vector.load %arg6[%get3A_26, %get3A_27] : memref<1x384xf32, #tpu.memory_space<vmem>>, vector<1x384xf32>
    %add3A_29 = vector.broadcast %get3A_28 : vector<1x384xf32> to vector<5000x384xf32>
    %add3A_30 = arith.addf %dot_general3A_25, %add3A_29 : vector<5000x384xf32>
    %slice3A = vector.extract_strided_slice %add3A_20 {offsets = [0, 0], sizes = [5000, 128], strides = [1, 1]} : vector<5000x384xf32> to vector<5000x128xf32>
    %slice3A_31 = vector.extract_strided_slice %add3A_30 {offsets = [0, 0], sizes = [5000, 128], strides = [1, 1]} : vector<5000x384xf32> to vector<5000x128xf32>
    %add3A_32 = arith.addf %slice3A, %slice3A_31 : vector<5000x128xf32>
    %logistic3A = arith.negf %add3A_32 : vector<5000x128xf32>
    %logistic3A_33 = math.exp %logistic3A : vector<5000x128xf32>
    %logistic3A_34 = arith.constant 1.000000e+00 : f32
    %logistic3A_35 = vector.broadcast %logistic3A_34 : f32 to vector<5000x128xf32>
    %logistic3A_36 = arith.addf %logistic3A_35, %logistic3A_33 : vector<5000x128xf32>
    %logistic3A_37 = arith.divf %logistic3A_35, %logistic3A_36 : vector<5000x128xf32>
    %slice3A_38 = vector.extract_strided_slice %add3A_20 {offsets = [0, 128], sizes = [5000, 128], strides = [1, 1]} : vector<5000x384xf32> to vector<5000x128xf32>
    %slice3A_39 = vector.extract_strided_slice %add3A_30 {offsets = [0, 128], sizes = [5000, 128], strides = [1, 1]} : vector<5000x384xf32> to vector<5000x128xf32>
    %add3A_40 = arith.addf %slice3A_38, %slice3A_39 : vector<5000x128xf32>
    %logistic3A_41 = arith.negf %add3A_40 : vector<5000x128xf32>
    %logistic3A_42 = math.exp %logistic3A_41 : vector<5000x128xf32>
    %logistic3A_43 = arith.constant 1.000000e+00 : f32
    %logistic3A_44 = vector.broadcast %logistic3A_43 : f32 to vector<5000x128xf32>
    %logistic3A_45 = arith.addf %logistic3A_44, %logistic3A_42 : vector<5000x128xf32>
    %logistic3A_46 = arith.divf %logistic3A_44, %logistic3A_45 : vector<5000x128xf32>
    %slice3A_47 = vector.extract_strided_slice %add3A_20 {offsets = [0, 256], sizes = [5000, 128], strides = [1, 1]} : vector<5000x384xf32> to vector<5000x128xf32>
    %slice3A_48 = vector.extract_strided_slice %add3A_30 {offsets = [0, 256], sizes = [5000, 128], strides = [1, 1]} : vector<5000x384xf32> to vector<5000x128xf32>
    %mul3A = arith.mulf %logistic3A_37, %slice3A_48 : vector<5000x128xf32>
    %add3A_49 = arith.addf %slice3A_47, %mul3A : vector<5000x128xf32>
    %tanh3A = math.tanh %add3A_49 : vector<5000x128xf32>
    %sub3A = arith.constant 1.000000e+00 : f32
    %sub3A_50 = vector.broadcast %sub3A : f32 to vector<5000x128xf32>
    %sub3A_51 = arith.subf %sub3A_50, %logistic3A_46 : vector<5000x128xf32>
    %mul3A_52 = arith.mulf %sub3A_51, %tanh3A : vector<5000x128xf32>
    %mul3A_53 = arith.mulf %logistic3A_46, %get3A_11 : vector<5000x128xf32>
    %add3A_54 = arith.addf %mul3A_52, %mul3A_53 : vector<5000x128xf32>
    %swap3A = arith.constant 0 : index
    %swap3A_55 = arith.constant 0 : index
    %swap3A_56 = vector.load %arg9[%swap3A, %swap3A_55] : memref<5000x128xf32, #tpu.memory_space<vmem>>, vector<5000x128xf32>
    tpu.vector_store %arg9[%swap3A, %swap3A_55], %add3A_54 {strides = array<i32>} : memref<5000x128xf32, #tpu.memory_space<vmem>>, vector<5000x128xf32>,
    %reduce_sum3A = arith.constant dense<0.000000e+00> : vector<128xf32>
    %reduce_sum3A_57 = vector.multi_reduction <add>, %add3A_54, %reduce_sum3A [0] : vector<5000x128xf32> to vector<128xf32>
    %broadcast_in_dim3A = vector.shape_cast %reduce_sum3A_57 : vector<128xf32> to vector<1x128xf32>
    %eq3A = arith.constant 0 : i32
    %eq3A_58 = arith.cmpi eq, %arg0, %eq3A : i32
    %convert_element_type3A = arith.extui %eq3A_58 : i1 to i32
    %cond3A = arith.constant 0 : i32
    %cond3A_59 = arith.cmpi ne, %convert_element_type3A, %cond3A : i32
    scf.if %cond3A_59 {
      %swap3A_129 = arith.constant 0 : index
      %swap3A_130 = arith.constant 0 : index
      %swap3A_131 = vector.load %arg10[%swap3A_129, %swap3A_130] : memref<1x128xf32, #tpu.memory_space<vmem>>, vector<1x128xf32>
      tpu.vector_store %arg10[%swap3A_129, %swap3A_130], %broadcast_in_dim3A {strides = array<i32>} : memref<1x128xf32, #tpu.memory_space<vmem>>, vector<1x128xf32>,
    } else {
    }
    %ne3A = arith.constant 0 : i32
    %ne3A_60 = arith.cmpi ne, %arg0, %ne3A : i32
    %convert_element_type3A_61 = arith.extui %ne3A_60 : i1 to i32
    %cond3A_62 = arith.constant 0 : i32
    %cond3A_63 = arith.cmpi ne, %convert_element_type3A_61, %cond3A_62 : i32
    scf.if %cond3A_63 {
      %get3A_129 = arith.constant 0 : index
      %get3A_130 = arith.constant 0 : index
      %get3A_131 = vector.load %arg10[%get3A_129, %get3A_130] : memref<1x128xf32, #tpu.memory_space<vmem>>, vector<1x128xf32>
      %add3A_132 = arith.addf %get3A_131, %broadcast_in_dim3A : vector<1x128xf32>
      %swap3A_133 = arith.constant 0 : index
      %swap3A_134 = arith.constant 0 : index
      %swap3A_135 = vector.load %arg10[%swap3A_133, %swap3A_134] : memref<1x128xf32, #tpu.memory_space<vmem>>, vector<1x128xf32>
      tpu.vector_store %arg10[%swap3A_133, %swap3A_134], %add3A_132 {strides = array<i32>} : memref<1x128xf32, #tpu.memory_space<vmem>>, vector<1x128xf32>,
    } else {
    }
    %eq3A_64 = arith.constant 1 : i32
    %eq3A_65 = arith.cmpi eq, %arg0, %eq3A_64 : i32
    %convert_element_type3A_66 = arith.extui %eq3A_65 : i1 to i32
    %cond3A_67 = arith.constant 0 : i32
    %cond3A_68 = arith.cmpi ne, %convert_element_type3A_66, %cond3A_67 : i32
    scf.if %cond3A_68 {
      %get3A_129 = arith.constant 0 : index
      %get3A_130 = arith.constant 0 : index
      %get3A_131 = vector.load %arg10[%get3A_129, %get3A_130] : memref<1x128xf32, #tpu.memory_space<vmem>>, vector<1x128xf32>
      %mul3A_132 = arith.constant 9.99999974E-5 : f32
      %mul3A_133 = vector.broadcast %mul3A_132 : f32 to vector<1x128xf32>
      %mul3A_134 = arith.mulf %get3A_131, %mul3A_133 : vector<1x128xf32>
      %swap3A_135 = arith.constant 0 : index
      %swap3A_136 = arith.constant 0 : index
      %swap3A_137 = vector.load %arg10[%swap3A_135, %swap3A_136] : memref<1x128xf32, #tpu.memory_space<vmem>>, vector<1x128xf32>
      tpu.vector_store %arg10[%swap3A_135, %swap3A_136], %mul3A_134 {strides = array<i32>} : memref<1x128xf32, #tpu.memory_space<vmem>>, vector<1x128xf32>,
    } else {
    }
    %get3A_69 = arith.constant 0 : index
    %get3A_70 = arith.constant 0 : index
    %get3A_71 = arith.constant 0 : index
    %get3A_72 = vector.load %arg7[%get3A_69, %get3A_70, %get3A_71] : memref<3x128x128xf32, #tpu.memory_space<vmem>>, vector<1x128x128xf32>
    %get3A_73 = vector.shape_cast %get3A_72 : vector<1x128x128xf32> to vector<128x128xf32>
    %dot_general3A_74 = arith.constant dense<0.000000e+00> : vector<5000x128xf32>
    %dot_general3A_75 = tpu.matmul %add3A_54, %get3A_73, %dot_general3A_74 {dimension_numbers = #tpu.dot_dimension_numbers<[1], [0], [0], [1], [0, 0, 1, 1], [], []>, transpose_lhs_hint = false} : vector<5000x128xf32>, vector<128x128xf32>, vector<5000x128xf32> -> vector<5000x128xf32>
    %get3A_76 = arith.constant 0 : index
    %get3A_77 = arith.constant 0 : index
    %get3A_78 = arith.constant 0 : index
    %get3A_79 = vector.load %arg8[%get3A_76, %get3A_77, %get3A_78] : memref<3x1x128xf32, #tpu.memory_space<vmem>>, vector<1x1x128xf32>
    %get3A_80 = vector.shape_cast %get3A_79 : vector<1x1x128xf32> to vector<1x128xf32>
    %add3A_81 = vector.broadcast %get3A_80 : vector<1x128xf32> to vector<5000x128xf32>
    %add3A_82 = arith.addf %dot_general3A_75, %add3A_81 : vector<5000x128xf32>
    %swap3A_83 = arith.constant 0 : index
    %swap3A_84 = arith.constant 0 : index
    %swap3A_85 = arith.constant 0 : index
    %swap3A_86 = vector.load %arg11[%swap3A_83, %swap3A_84, %swap3A_85] : memref<3x5000x128xf32, #tpu.memory_space<vmem>>, vector<1x5000x128xf32>
    %swap3A_87 = vector.shape_cast %swap3A_86 : vector<1x5000x128xf32> to vector<5000x128xf32>
    %swap3A_88 = vector.shape_cast %add3A_82 : vector<5000x128xf32> to vector<1x5000x128xf32>
    tpu.vector_store %arg11[%swap3A_83, %swap3A_84, %swap3A_85], %swap3A_88 {strides = array<i32>} : memref<3x5000x128xf32, #tpu.memory_space<vmem>>, vector<1x5000x128xf32>,
    %get3A_89 = arith.constant 1 : index
    %get3A_90 = arith.constant 0 : index
    %get3A_91 = arith.constant 0 : index
    %get3A_92 = vector.load %arg7[%get3A_89, %get3A_90, %get3A_91] : memref<3x128x128xf32, #tpu.memory_space<vmem>>, vector<1x128x128xf32>
    %get3A_93 = vector.shape_cast %get3A_92 : vector<1x128x128xf32> to vector<128x128xf32>
    %dot_general3A_94 = arith.constant dense<0.000000e+00> : vector<5000x128xf32>
    %dot_general3A_95 = tpu.matmul %add3A_54, %get3A_93, %dot_general3A_94 {dimension_numbers = #tpu.dot_dimension_numbers<[1], [0], [0], [1], [0, 0, 1, 1], [], []>, transpose_lhs_hint = false} : vector<5000x128xf32>, vector<128x128xf32>, vector<5000x128xf32> -> vector<5000x128xf32>
    %get3A_96 = arith.constant 1 : index
    %get3A_97 = arith.constant 0 : index
    %get3A_98 = arith.constant 0 : index
    %get3A_99 = vector.load %arg8[%get3A_96, %get3A_97, %get3A_98] : memref<3x1x128xf32, #tpu.memory_space<vmem>>, vector<1x1x128xf32>
    %get3A_100 = vector.shape_cast %get3A_99 : vector<1x1x128xf32> to vector<1x128xf32>
    %add3A_101 = vector.broadcast %get3A_100 : vector<1x128xf32> to vector<5000x128xf32>
    %add3A_102 = arith.addf %dot_general3A_95, %add3A_101 : vector<5000x128xf32>
    %swap3A_103 = arith.constant 1 : index
    %swap3A_104 = arith.constant 0 : index
    %swap3A_105 = arith.constant 0 : index
    %swap3A_106 = vector.load %arg11[%swap3A_103, %swap3A_104, %swap3A_105] : memref<3x5000x128xf32, #tpu.memory_space<vmem>>, vector<1x5000x128xf32>
    %swap3A_107 = vector.shape_cast %swap3A_106 : vector<1x5000x128xf32> to vector<5000x128xf32>
    %swap3A_108 = vector.shape_cast %add3A_102 : vector<5000x128xf32> to vector<1x5000x128xf32>
    tpu.vector_store %arg11[%swap3A_103, %swap3A_104, %swap3A_105], %swap3A_108 {strides = array<i32>} : memref<3x5000x128xf32, #tpu.memory_space<vmem>>, vector<1x5000x128xf32>,
    %get3A_109 = arith.constant 2 : index
    %get3A_110 = arith.constant 0 : index
    %get3A_111 = arith.constant 0 : index
    %get3A_112 = vector.load %arg7[%get3A_109, %get3A_110, %get3A_111] : memref<3x128x128xf32, #tpu.memory_space<vmem>>, vector<1x128x128xf32>
    %get3A_113 = vector.shape_cast %get3A_112 : vector<1x128x128xf32> to vector<128x128xf32>
    %dot_general3A_114 = arith.constant dense<0.000000e+00> : vector<5000x128xf32>
    %dot_general3A_115 = tpu.matmul %add3A_54, %get3A_113, %dot_general3A_114 {dimension_numbers = #tpu.dot_dimension_numbers<[1], [0], [0], [1], [0, 0, 1, 1], [], []>, transpose_lhs_hint = false} : vector<5000x128xf32>, vector<128x128xf32>, vector<5000x128xf32> -> vector<5000x128xf32>
    %get3A_116 = arith.constant 2 : index
    %get3A_117 = arith.constant 0 : index
    %get3A_118 = arith.constant 0 : index
    %get3A_119 = vector.load %arg8[%get3A_116, %get3A_117, %get3A_118] : memref<3x1x128xf32, #tpu.memory_space<vmem>>, vector<1x1x128xf32>
    %get3A_120 = vector.shape_cast %get3A_119 : vector<1x1x128xf32> to vector<1x128xf32>
    %add3A_121 = vector.broadcast %get3A_120 : vector<1x128xf32> to vector<5000x128xf32>
    %add3A_122 = arith.addf %dot_general3A_115, %add3A_121 : vector<5000x128xf32>
    %swap3A_123 = arith.constant 2 : index
    %swap3A_124 = arith.constant 0 : index
    %swap3A_125 = arith.constant 0 : index
    %swap3A_126 = vector.load %arg11[%swap3A_123, %swap3A_124, %swap3A_125] : memref<3x5000x128xf32, #tpu.memory_space<vmem>>, vector<1x5000x128xf32>
    %swap3A_127 = vector.shape_cast %swap3A_126 : vector<1x5000x128xf32> to vector<5000x128xf32>
    %swap3A_128 = vector.shape_cast %add3A_122 : vector<5000x128xf32> to vector<1x5000x128xf32>
    tpu.vector_store %arg11[%swap3A_123, %swap3A_124, %swap3A_125], %swap3A_128 {strides = array<i32>} : memref<3x5000x128xf32, #tpu.memory_space<vmem>>, vector<1x5000x128xf32>,
    return
  }
  func.func @transform_0(%arg0: i32) -> (i32, i32, i32) {
    %c0_i32 = arith.constant 0 : i32
    %c0_i32_0 = arith.constant 0 : i32
    %c0_i32_1 = arith.constant 0 : i32
    return %c0_i32, %arg0, %c0_i32_0 : i32, i32, i32
  }
  func.func @transform_1(%arg0: i32) -> (i32, i32) {
    %c0_i32 = arith.constant 0 : i32
    %c0_i32_0 = arith.constant 0 : i32
    return %arg0, %c0_i32 : i32, i32
  }
  func.func @transform_2(%arg0: i32) -> (i32, i32) {
    %c0_i32 = arith.constant 0 : i32
    %c0_i32_0 = arith.constant 0 : i32
    %c0_i32_1 = arith.constant 0 : i32
    return %c0_i32, %c0_i32_0 : i32, i32
  }
  func.func @transform_3(%arg0: i32) -> (i32, i32) {
    %c0_i32 = arith.constant 0 : i32
    %c0_i32_0 = arith.constant 0 : i32
    %c0_i32_1 = arith.constant 0 : i32
    return %c0_i32, %c0_i32_0 : i32, i32
  }
  func.func @transform_4(%arg0: i32) -> (i32, i32) {
    %c0_i32 = arith.constant 0 : i32
    %c0_i32_0 = arith.constant 0 : i32
    %c0_i32_1 = arith.constant 0 : i32
    return %c0_i32, %c0_i32_0 : i32, i32
  }
  func.func @transform_5(%arg0: i32) -> (i32, i32) {
    %c0_i32 = arith.constant 0 : i32
    %c0_i32_0 = arith.constant 0 : i32
    %c0_i32_1 = arith.constant 0 : i32
    return %c0_i32, %c0_i32_0 : i32, i32
  }
  func.func @transform_6(%arg0: i32) -> (i32, i32, i32) {
    %c0_i32 = arith.constant 0 : i32
    %c0_i32_0 = arith.constant 0 : i32
    %c0_i32_1 = arith.constant 0 : i32
    %c0_i32_2 = arith.constant 0 : i32
    return %c0_i32, %c0_i32_0, %c0_i32_1 : i32, i32, i32
  }
  func.func @transform_7(%arg0: i32) -> (i32, i32, i32) {
    %c0_i32 = arith.constant 0 : i32
    %c0_i32_0 = arith.constant 0 : i32
    %c0_i32_1 = arith.constant 0 : i32
    %c0_i32_2 = arith.constant 0 : i32
    return %c0_i32, %c0_i32_0, %c0_i32_1 : i32, i32, i32
  }
  func.func @transform_8(%arg0: i32) -> (i32, i32) {
    %c0_i32 = arith.constant 0 : i32
    %c0_i32_0 = arith.constant 0 : i32
    return %arg0, %c0_i32 : i32, i32
  }
  func.func @transform_9(%arg0: i32) -> (i32, i32) {
    %c0_i32 = arith.constant 0 : i32
    %c0_i32_0 = arith.constant 0 : i32
    %c0_i32_1 = arith.constant 0 : i32
    return %c0_i32, %c0_i32_0 : i32, i32
  }
  func.func @transform_10(%arg0: i32) -> (i32, i32, i32) {
    %c0_i32 = arith.constant 0 : i32
    %c0_i32_0 = arith.constant 0 : i32
    %c0_i32_1 = arith.constant 0 : i32
    return %c0_i32, %arg0, %c0_i32_0 : i32, i32, i32
  }
}

module attributes {stable_mosaic.version = 14 : i64} {
  func.func @_gru_body(%arg0: i32, %arg1: memref<2x5000x128xf32, #tpu.memory_space<vmem>>, %arg2: memref<5000x128xf32, #tpu.memory_space<vmem>>, %arg3: memref<128x384xf32, #tpu.memory_space<vmem>>, %arg4: memref<128x384xf32, #tpu.memory_space<vmem>>, %arg5: memref<1x384xf32, #tpu.memory_space<vmem>>, %arg6: memref<1x384xf32, #tpu.memory_space<vmem>>, %arg7: memref<5000x128xf32, #tpu.memory_space<vmem>>, %arg8: memref<1x128xf32, #tpu.memory_space<vmem>>) attributes {dimension_semantics = [#tpu.dimension_semantics<arbitrary>], iteration_bounds = array<i64: 2>, scalar_prefetch = 0 : i64, scratch_operands = 0 : i64, tpu.core_type = #tpu.core_type<tc>, window_params = [{transform_indices = @transform_0, window_bounds = array<i64: 2, 5000, 128>}, {transform_indices = @transform_1, window_bounds = array<i64: 5000, 128>}, {pipeline_mode = #tpu.pipeline_mode<synchronous>, transform_indices = @transform_2, window_bounds = array<i64: 128, 384>}, {pipeline_mode = #tpu.pipeline_mode<synchronous>, transform_indices = @transform_3, window_bounds = array<i64: 128, 384>}, {pipeline_mode = #tpu.pipeline_mode<synchronous>, transform_indices = @transform_4, window_bounds = array<i64: 1, 384>}, {pipeline_mode = #tpu.pipeline_mode<synchronous>, transform_indices = @transform_5, window_bounds = array<i64: 1, 384>}, {transform_indices = @transform_6, window_bounds = array<i64: 5000, 128>}, {pipeline_mode = #tpu.pipeline_mode<synchronous>, transform_indices = @transform_7, window_bounds = array<i64: 1, 128>}]} {
    %get3A = arith.constant 0 : index
    %get3A_0 = arith.constant 0 : index
    %get3A_1 = arith.constant 0 : index
    %get3A_2 = vector.load %arg1[%get3A, %get3A_0, %get3A_1] : memref<2x5000x128xf32, #tpu.memory_space<vmem>>, vector<1x5000x128xf32>
    %get3A_3 = vector.shape_cast %get3A_2 : vector<1x5000x128xf32> to vector<5000x128xf32>
    %get3A_4 = arith.constant 1 : index
    %get3A_5 = arith.constant 0 : index
    %get3A_6 = arith.constant 0 : index
    %get3A_7 = vector.load %arg1[%get3A_4, %get3A_5, %get3A_6] : memref<2x5000x128xf32, #tpu.memory_space<vmem>>, vector<1x5000x128xf32>
    %get3A_8 = vector.shape_cast %get3A_7 : vector<1x5000x128xf32> to vector<5000x128xf32>
    %add3A = arith.addf %get3A_3, %get3A_8 : vector<5000x128xf32>
    %get3A_9 = arith.constant 0 : index
    %get3A_10 = arith.constant 0 : index
    %get3A_11 = vector.load %arg2[%get3A_9, %get3A_10] : memref<5000x128xf32, #tpu.memory_space<vmem>>, vector<5000x128xf32>
    %get3A_12 = arith.constant 0 : index
    %get3A_13 = arith.constant 0 : index
    %get3A_14 = vector.load %arg3[%get3A_12, %get3A_13] : memref<128x384xf32, #tpu.memory_space<vmem>>, vector<128x384xf32>
    %dot_general3A = arith.constant dense<0.000000e+00> : vector<5000x384xf32>
    %dot_general3A_15 = tpu.matmul %add3A, %get3A_14, %dot_general3A {dimension_numbers = #tpu.dot_dimension_numbers<[1], [0], [0], [1], [0, 0, 1, 1], [], []>, transpose_lhs_hint = false} : vector<5000x128xf32>, vector<128x384xf32>, vector<5000x384xf32> -> vector<5000x384xf32>
    %get3A_16 = arith.constant 0 : index
    %get3A_17 = arith.constant 0 : index
    %get3A_18 = vector.load %arg5[%get3A_16, %get3A_17] : memref<1x384xf32, #tpu.memory_space<vmem>>, vector<1x384xf32>
    %add3A_19 = vector.broadcast %get3A_18 : vector<1x384xf32> to vector<5000x384xf32>
    %add3A_20 = arith.addf %dot_general3A_15, %add3A_19 : vector<5000x384xf32>
    %get3A_21 = arith.constant 0 : index
    %get3A_22 = arith.constant 0 : index
    %get3A_23 = vector.load %arg4[%get3A_21, %get3A_22] : memref<128x384xf32, #tpu.memory_space<vmem>>, vector<128x384xf32>
    %dot_general3A_24 = arith.constant dense<0.000000e+00> : vector<5000x384xf32>
    %dot_general3A_25 = tpu.matmul %get3A_11, %get3A_23, %dot_general3A_24 {dimension_numbers = #tpu.dot_dimension_numbers<[1], [0], [0], [1], [0, 0, 1, 1], [], []>, transpose_lhs_hint = false} : vector<5000x128xf32>, vector<128x384xf32>, vector<5000x384xf32> -> vector<5000x384xf32>
    %get3A_26 = arith.constant 0 : index
    %get3A_27 = arith.constant 0 : index
    %get3A_28 = vector.load %arg6[%get3A_26, %get3A_27] : memref<1x384xf32, #tpu.memory_space<vmem>>, vector<1x384xf32>
    %add3A_29 = vector.broadcast %get3A_28 : vector<1x384xf32> to vector<5000x384xf32>
    %add3A_30 = arith.addf %dot_general3A_25, %add3A_29 : vector<5000x384xf32>
    %slice3A = vector.extract_strided_slice %add3A_20 {offsets = [0, 0], sizes = [5000, 128], strides = [1, 1]} : vector<5000x384xf32> to vector<5000x128xf32>
    %slice3A_31 = vector.extract_strided_slice %add3A_30 {offsets = [0, 0], sizes = [5000, 128], strides = [1, 1]} : vector<5000x384xf32> to vector<5000x128xf32>
    %add3A_32 = arith.addf %slice3A, %slice3A_31 : vector<5000x128xf32>
    %logistic3A = arith.negf %add3A_32 : vector<5000x128xf32>
    %logistic3A_33 = math.exp %logistic3A : vector<5000x128xf32>
    %logistic3A_34 = arith.constant 1.000000e+00 : f32
    %logistic3A_35 = vector.broadcast %logistic3A_34 : f32 to vector<5000x128xf32>
    %logistic3A_36 = arith.addf %logistic3A_35, %logistic3A_33 : vector<5000x128xf32>
    %logistic3A_37 = arith.divf %logistic3A_35, %logistic3A_36 : vector<5000x128xf32>
    %slice3A_38 = vector.extract_strided_slice %add3A_20 {offsets = [0, 128], sizes = [5000, 128], strides = [1, 1]} : vector<5000x384xf32> to vector<5000x128xf32>
    %slice3A_39 = vector.extract_strided_slice %add3A_30 {offsets = [0, 128], sizes = [5000, 128], strides = [1, 1]} : vector<5000x384xf32> to vector<5000x128xf32>
    %add3A_40 = arith.addf %slice3A_38, %slice3A_39 : vector<5000x128xf32>
    %logistic3A_41 = arith.negf %add3A_40 : vector<5000x128xf32>
    %logistic3A_42 = math.exp %logistic3A_41 : vector<5000x128xf32>
    %logistic3A_43 = arith.constant 1.000000e+00 : f32
    %logistic3A_44 = vector.broadcast %logistic3A_43 : f32 to vector<5000x128xf32>
    %logistic3A_45 = arith.addf %logistic3A_44, %logistic3A_42 : vector<5000x128xf32>
    %logistic3A_46 = arith.divf %logistic3A_44, %logistic3A_45 : vector<5000x128xf32>
    %slice3A_47 = vector.extract_strided_slice %add3A_20 {offsets = [0, 256], sizes = [5000, 128], strides = [1, 1]} : vector<5000x384xf32> to vector<5000x128xf32>
    %slice3A_48 = vector.extract_strided_slice %add3A_30 {offsets = [0, 256], sizes = [5000, 128], strides = [1, 1]} : vector<5000x384xf32> to vector<5000x128xf32>
    %mul3A = arith.mulf %logistic3A_37, %slice3A_48 : vector<5000x128xf32>
    %add3A_49 = arith.addf %slice3A_47, %mul3A : vector<5000x128xf32>
    %tanh3A = math.tanh %add3A_49 : vector<5000x128xf32>
    %sub3A = arith.constant 1.000000e+00 : f32
    %sub3A_50 = vector.broadcast %sub3A : f32 to vector<5000x128xf32>
    %sub3A_51 = arith.subf %sub3A_50, %logistic3A_46 : vector<5000x128xf32>
    %mul3A_52 = arith.mulf %sub3A_51, %tanh3A : vector<5000x128xf32>
    %mul3A_53 = arith.mulf %logistic3A_46, %get3A_11 : vector<5000x128xf32>
    %add3A_54 = arith.addf %mul3A_52, %mul3A_53 : vector<5000x128xf32>
    %swap3A = arith.constant 0 : index
    %swap3A_55 = arith.constant 0 : index
    %swap3A_56 = vector.load %arg7[%swap3A, %swap3A_55] : memref<5000x128xf32, #tpu.memory_space<vmem>>, vector<5000x128xf32>
    tpu.vector_store %arg7[%swap3A, %swap3A_55], %add3A_54 {strides = array<i32>} : memref<5000x128xf32, #tpu.memory_space<vmem>>, vector<5000x128xf32>,
    %reduce_sum3A = arith.constant dense<0.000000e+00> : vector<128xf32>
    %reduce_sum3A_57 = vector.multi_reduction <add>, %add3A_54, %reduce_sum3A [0] : vector<5000x128xf32> to vector<128xf32>
    %broadcast_in_dim3A = vector.shape_cast %reduce_sum3A_57 : vector<128xf32> to vector<1x128xf32>
    %eq3A = arith.constant 0 : i32
    %eq3A_58 = arith.cmpi eq, %arg0, %eq3A : i32
    %convert_element_type3A = arith.extui %eq3A_58 : i1 to i32
    %cond3A = arith.constant 0 : i32
    %cond3A_59 = arith.cmpi ne, %convert_element_type3A, %cond3A : i32
    scf.if %cond3A_59 {
      %swap3A_69 = arith.constant 0 : index
      %swap3A_70 = arith.constant 0 : index
      %swap3A_71 = vector.load %arg8[%swap3A_69, %swap3A_70] : memref<1x128xf32, #tpu.memory_space<vmem>>, vector<1x128xf32>
      tpu.vector_store %arg8[%swap3A_69, %swap3A_70], %broadcast_in_dim3A {strides = array<i32>} : memref<1x128xf32, #tpu.memory_space<vmem>>, vector<1x128xf32>,
    } else {
    }
    %ne3A = arith.constant 0 : i32
    %ne3A_60 = arith.cmpi ne, %arg0, %ne3A : i32
    %convert_element_type3A_61 = arith.extui %ne3A_60 : i1 to i32
    %cond3A_62 = arith.constant 0 : i32
    %cond3A_63 = arith.cmpi ne, %convert_element_type3A_61, %cond3A_62 : i32
    scf.if %cond3A_63 {
      %get3A_69 = arith.constant 0 : index
      %get3A_70 = arith.constant 0 : index
      %get3A_71 = vector.load %arg8[%get3A_69, %get3A_70] : memref<1x128xf32, #tpu.memory_space<vmem>>, vector<1x128xf32>
      %add3A_72 = arith.addf %get3A_71, %broadcast_in_dim3A : vector<1x128xf32>
      %swap3A_73 = arith.constant 0 : index
      %swap3A_74 = arith.constant 0 : index
      %swap3A_75 = vector.load %arg8[%swap3A_73, %swap3A_74] : memref<1x128xf32, #tpu.memory_space<vmem>>, vector<1x128xf32>
      tpu.vector_store %arg8[%swap3A_73, %swap3A_74], %add3A_72 {strides = array<i32>} : memref<1x128xf32, #tpu.memory_space<vmem>>, vector<1x128xf32>,
    } else {
    }
    %eq3A_64 = arith.constant 1 : i32
    %eq3A_65 = arith.cmpi eq, %arg0, %eq3A_64 : i32
    %convert_element_type3A_66 = arith.extui %eq3A_65 : i1 to i32
    %cond3A_67 = arith.constant 0 : i32
    %cond3A_68 = arith.cmpi ne, %convert_element_type3A_66, %cond3A_67 : i32
    scf.if %cond3A_68 {
      %get3A_69 = arith.constant 0 : index
      %get3A_70 = arith.constant 0 : index
      %get3A_71 = vector.load %arg8[%get3A_69, %get3A_70] : memref<1x128xf32, #tpu.memory_space<vmem>>, vector<1x128xf32>
      %mul3A_72 = arith.constant 9.99999974E-5 : f32
      %mul3A_73 = vector.broadcast %mul3A_72 : f32 to vector<1x128xf32>
      %mul3A_74 = arith.mulf %get3A_71, %mul3A_73 : vector<1x128xf32>
      %swap3A_75 = arith.constant 0 : index
      %swap3A_76 = arith.constant 0 : index
      %swap3A_77 = vector.load %arg8[%swap3A_75, %swap3A_76] : memref<1x128xf32, #tpu.memory_space<vmem>>, vector<1x128xf32>
      tpu.vector_store %arg8[%swap3A_75, %swap3A_76], %mul3A_74 {strides = array<i32>} : memref<1x128xf32, #tpu.memory_space<vmem>>, vector<1x128xf32>,
    } else {
    }
    return
  }
  func.func @transform_0(%arg0: i32) -> (i32, i32, i32) {
    %c0_i32 = arith.constant 0 : i32
    %c0_i32_0 = arith.constant 0 : i32
    %c0_i32_1 = arith.constant 0 : i32
    return %c0_i32, %arg0, %c0_i32_0 : i32, i32, i32
  }
  func.func @transform_1(%arg0: i32) -> (i32, i32) {
    %c0_i32 = arith.constant 0 : i32
    %c0_i32_0 = arith.constant 0 : i32
    return %arg0, %c0_i32 : i32, i32
  }
  func.func @transform_2(%arg0: i32) -> (i32, i32) {
    %c0_i32 = arith.constant 0 : i32
    %c0_i32_0 = arith.constant 0 : i32
    %c0_i32_1 = arith.constant 0 : i32
    return %c0_i32, %c0_i32_0 : i32, i32
  }
  func.func @transform_3(%arg0: i32) -> (i32, i32) {
    %c0_i32 = arith.constant 0 : i32
    %c0_i32_0 = arith.constant 0 : i32
    %c0_i32_1 = arith.constant 0 : i32
    return %c0_i32, %c0_i32_0 : i32, i32
  }
  func.func @transform_4(%arg0: i32) -> (i32, i32) {
    %c0_i32 = arith.constant 0 : i32
    %c0_i32_0 = arith.constant 0 : i32
    %c0_i32_1 = arith.constant 0 : i32
    return %c0_i32, %c0_i32_0 : i32, i32
  }
  func.func @transform_5(%arg0: i32) -> (i32, i32) {
    %c0_i32 = arith.constant 0 : i32
    %c0_i32_0 = arith.constant 0 : i32
    %c0_i32_1 = arith.constant 0 : i32
    return %c0_i32, %c0_i32_0 : i32, i32
  }
  func.func @transform_6(%arg0: i32) -> (i32, i32) {
    %c0_i32 = arith.constant 0 : i32
    %c0_i32_0 = arith.constant 0 : i32
    return %arg0, %c0_i32 : i32, i32
  }
  func.func @transform_7(%arg0: i32) -> (i32, i32) {
    %c0_i32 = arith.constant 0 : i32
    %c0_i32_0 = arith.constant 0 : i32
    %c0_i32_1 = arith.constant 0 : i32
    return %c0_i32, %c0_i32_0 : i32, i32
  }
}

module attributes {stable_mosaic.version = 14 : i64} {
  func.func @_head_body(%arg0: memref<1x384xf32, #tpu.memory_space<vmem>>, %arg1: memref<384x128xf32, #tpu.memory_space<vmem>>, %arg2: memref<1x128xf32, #tpu.memory_space<vmem>>, %arg3: memref<1x128xf32, #tpu.memory_space<vmem>>, %arg4: memref<1x1xf32, #tpu.memory_space<vmem>>, %arg5: memref<1x1xf32, #tpu.memory_space<vmem>>) attributes {dimension_semantics = [], scalar_prefetch = 0 : i64, scratch_operands = 0 : i64, tpu.core_type = #tpu.core_type<tc>} {
    %get3A = arith.constant 0 : index
    %get3A_0 = arith.constant 0 : index
    %get3A_1 = vector.load %arg0[%get3A, %get3A_0] : memref<1x384xf32, #tpu.memory_space<vmem>>, vector<1x384xf32>
    %get3A_2 = arith.constant 0 : index
    %get3A_3 = arith.constant 0 : index
    %get3A_4 = vector.load %arg1[%get3A_2, %get3A_3] : memref<384x128xf32, #tpu.memory_space<vmem>>, vector<384x128xf32>
    %dot_general3A = arith.constant dense<0.000000e+00> : vector<1x128xf32>
    %dot_general3A_5 = tpu.matmul %get3A_1, %get3A_4, %dot_general3A {dimension_numbers = #tpu.dot_dimension_numbers<[1], [0], [0], [1], [0, 0, 1, 1], [], []>, transpose_lhs_hint = false} : vector<1x384xf32>, vector<384x128xf32>, vector<1x128xf32> -> vector<1x128xf32>
    %get3A_6 = arith.constant 0 : index
    %get3A_7 = arith.constant 0 : index
    %get3A_8 = vector.load %arg2[%get3A_6, %get3A_7] : memref<1x128xf32, #tpu.memory_space<vmem>>, vector<1x128xf32>
    %add3A = arith.addf %dot_general3A_5, %get3A_8 : vector<1x128xf32>
    %max3A = arith.constant 0.000000e+00 : f32
    %max3A_9 = vector.broadcast %max3A : f32 to vector<1x128xf32>
    %max3A_10 = arith.maximumf %add3A, %max3A_9 : vector<1x128xf32>
    %get3A_11 = arith.constant 0 : index
    %get3A_12 = arith.constant 0 : index
    %get3A_13 = vector.load %arg3[%get3A_11, %get3A_12] : memref<1x128xf32, #tpu.memory_space<vmem>>, vector<1x128xf32>
    %mul3A = arith.mulf %max3A_10, %get3A_13 : vector<1x128xf32>
    %reduce_sum3A = arith.constant dense<0.000000e+00> : vector<1xf32>
    %reduce_sum3A_14 = vector.multi_reduction <add>, %mul3A, %reduce_sum3A [1] : vector<1x128xf32> to vector<1xf32>
    %broadcast_in_dim3A = vector.shape_cast %reduce_sum3A_14 : vector<1xf32> to vector<1x1xf32>
    %get3A_15 = arith.constant 0 : index
    %get3A_16 = arith.constant 0 : index
    %get3A_17 = vector.load %arg4[%get3A_15, %get3A_16] : memref<1x1xf32, #tpu.memory_space<vmem>>, vector<1x1xf32>
    %add3A_18 = arith.addf %broadcast_in_dim3A, %get3A_17 : vector<1x1xf32>
    %swap3A = arith.constant 0 : index
    %swap3A_19 = arith.constant 0 : index
    %swap3A_20 = vector.load %arg5[%swap3A, %swap3A_19] : memref<1x1xf32, #tpu.memory_space<vmem>>, vector<1x1xf32>
    tpu.vector_store %arg5[%swap3A, %swap3A_19], %add3A_18 {strides = array<i32>} : memref<1x1xf32, #tpu.memory_space<vmem>>, vector<1x1xf32>,
    return
  }
}

</mosaic_0001>

<sc_bundles>
// kernel: kernel.13.cloned.1.call-start
scs
__scs_entry_jumppad:
0x0: {  	(pc) =	sbr.rel $0x88, $3  }
0x1: {  	(tag) =	ssettag $0x0;
	lr =	simm.s32 $0x1  }
0x2: {  	[smem:$0x3F92] =	sst lr;
	_ =	strace $0xD0000000  }
0x3: {  	_ = 	snop  }
0x4: {  	_ = 	snop  }
0x5: {  	_ = 	snop  }
0x6: {  	_ = 	snop  }
0x7: {  	_ = 	snop  }
__scs_overlays_trampoline_lowered:
0x8: {  	[smem:$0x3FA1] =	sst s0  }
0x9: {  	[smem:$0x3FA2] =	sst s1  }
0xa: {  	[smem:$0x3FA3] =	sst s2  }
0xb: {  	[smem:$0x3FA4] =	sst s3  }
0xc: {  	[smem:$0x3FA5] =	sst s4  }
0xd: {  	[smem:$0x3FA6] =	sst s5  }
0xe: {  	[smem:$0x3FA7] =	sst s6  }
0xf: {  	[smem:$0x3FA8] =	sst s7  }
0x10: {  	[smem:$0x3FA9] =	sst s8  }
0x11: {  	[smem:$0x3FAA] =	sst s9;
	s0 =	simm.s32 @!p0 $0x0  }
0x12: {  	s1 =	sld [smem:$0x3F90];
	s0 =	simm.s32 @p0 $0x1  }
0x13: {  	[smem:$0x3FAB] =	sst s0;
	s0 =	simm.s32 @!p1 $0x0  }
0x14: {  	s2 =	sld [smem:$0x3F8F];
	s0 =	simm.s32 @p1 $0x1  }
0x15: {  	[smem:$0x3FAC] =	sst s0;
	s0 =	simm.s32 @!p2 $0x0  }
0x16: {  	s3 =	sld [smem:$0x3FDB];
	s0 =	simm.s32 @p2 $0x1  }
0x17: {  	s4 =	simm.s32 $0x1BF5;
	[smem:$0x3FAE] =	sst s0  }
0x18: {  	s0 =	sld [smem:$0x3F91];
	_ =	swait.ge [sflag:s4], $0x0  }
0x19: {  	s7 =	sld [smem:$0x3F92]  }
0x1a: {  	s8 =	sadd.s32 $0xFFFFE003, lr  }
0x1b: {  	s9 =	sadd.s32 $0xFFFFFEF7, lr;
	s5 =	simm.s32 $0xFFFFFFFF;
	p2 =	slt.u32 s8, $0xFFFFF086  }
0x1c: {  	p1 =	slt.u32 s9, $0xF7A;
	s5 =	simm.s32 @!p2 $0x0  }
0x1d: {  	s5 =	simm.s32 @p1 $0x1;
	p0 =	seq.s32 s7, s2  }
0x1e: {  	s7 =	smul.u32 @!p0 $0xF7A, s2;
	p2 =	seq.s32 @!p0 s5, $0x0  }
0x1f: {  	s9 =	smul.u32 $0xF7A, s1;
	s8 =	simm.s32 @!p0 $0x1BF5;
	p2 =	por !p2, p0  }
0x20: {  	[sflag:s8] =	ssyncset.s32 @!p0 $0xFFFFF086;
	s6 =	sadd.s32 @!p0 s3, s7;
	s7 =	simm.s32 @!p0 $0x108  }
0x21: {  	s3 =	sadd.s32 s3, s9;
	s6 =	sadd.s32 @!p0 $0x88, s6;
	s7 =	simm.s32 @p2 $0x1082  }
0x22: {  	[simem:s7], [sflag:s8] =	dma.local @!p0 [hbm:s6], $0xF7A  }
0x23: {  	s9 =	sor.u32 $0xD0000000, s2;
	s6 =	simm.s32 $0x108;
	_ =	swait.ge @!p0 [sflag:s8], $0x0  }
0x24: {  	s3 =	sadd.s32 $0x88, s3;
	s6 =	simm.s32 @!p1 $0x1082;
	[sflag:s4] =	ssyncset.s32 $0xFFFFF086  }
0x25: {  	[simem:s6], [sflag:s4] =	dma.local [hbm:s3], $0xF7A  }
0x26: {  	[smem:$0x3F92] =	sst s1;
	(tag) =	ssettag s2;
	_ =	strace s9  }
0x27: {  	s1 =	sld [smem:$0x3FA2]  }
0x28: {  	s2 =	sld [smem:$0x3FA3]  }
0x29: {  	s4 =	sld [smem:$0x3FA5]  }
0x2a: {  	p0 =	seq.s32 s5, $0x0;
	s5 =	sld [smem:$0x3FA6]  }
0x2b: {  	s6 =	sld [smem:$0x3FA7]  }
0x2c: {  	s7 =	sld [smem:$0x3FA8]  }
0x2d: {  	s3 =	simm.s32 $0x108;
	s8 =	sld [smem:$0x3FA9]  }
0x2e: {  	s3 =	simm.s32 @!p0 $0x1082;
	s9 =	sld [smem:$0x3FAA]  }
0x2f: {  	lr =	sadd.s32 s0, s3;
	s0 =	sld [smem:$0x3FA1]  }
0x30: {  	s3 =	sld [smem:$0x3FA4]  }
0x31: {  	[smem:$0x3FAD] =	sst s10  }
0x32: {  	s10 =	sld [smem:$0x3FAB];
	_ =	sdelay $0x3  }
0x33: {  	p0 =	seq.s32 s10, $0x1;
	s10 =	sld [smem:$0x3FAD];
	_ =	sdelay $0x3  }
0x34: {  	[smem:$0x3FAD] =	sst s10  }
0x35: {  	s10 =	sld [smem:$0x3FAC];
	_ =	sdelay $0x3  }
0x36: {  	p1 =	seq.s32 s10, $0x1;
	s10 =	sld [smem:$0x3FAD];
	_ =	sdelay $0x3  }
0x37: {  	[smem:$0x3FAD] =	sst s10  }
0x38: {  	s10 =	sld [smem:$0x3FAE]  }
0x39: {  	_ = 	snop;
	(pc) =	sbr.ind lr, $3  }
0x3a: {  	_ = 	snop  }
0x3b: {  	_ = 	snop  }
0x3c: {  	p2 =	seq.s32 s10, $0x1;
	s10 =	sld [smem:$0x3FAD]  }
0x3d: {  	_ =	shalt  }
0x3e: {  	_ =	shalt  }
0x3f: {  	_ =	shalt  }
0x40: {  	_ =	shalt  }
0x41: {  	_ =	shalt  }
0x42: {  	_ =	shalt  }
0x43: {  	_ =	shalt  }
0x44: {  	_ =	shalt  }
0x45: {  	_ =	shalt  }
0x46: {  	_ =	shalt  }
0x47: {  	_ =	shalt  }
0x48: {  	_ =	shalt  }
0x49: {  	_ =	shalt  }
0x4a: {  	_ =	shalt  }
0x4b: {  	_ =	shalt  }
0x4c: {  	_ =	shalt  }
0x4d: {  	_ =	shalt  }
0x4e: {  	_ =	shalt  }
0x4f: {  	_ =	shalt  }
0x50: {  	_ =	shalt  }
0x51: {  	_ =	shalt  }
0x52: {  	_ =	shalt  }
0x53: {  	_ =	shalt  }
0x54: {  	_ =	shalt  }
0x55: {  	_ =	shalt  }
0x56: {  	_ =	shalt  }
0x57: {  	_ =	shalt  }
0x58: {  	_ =	shalt  }
0x59: {  	_ =	shalt  }
0x5a: {  	_ =	shalt  }
0x5b: {  	_ =	shalt  }
0x5c: {  	_ =	shalt  }
0x5d: {  	_ =	shalt  }
0x5e: {  	_ =	shalt  }
0x5f: {  	_ =	shalt  }
0x60: {  	_ =	shalt  }
0x61: {  	_ =	shalt  }
0x62: {  	_ =	shalt  }
0x63: {  	_ =	shalt  }
0x64: {  	_ =	shalt  }
0x65: {  	_ =	shalt  }
0x66: {  	_ =	shalt  }
0x67: {  	_ =	shalt  }
0x68: {  	_ =	shalt  }
0x69: {  	_ =	shalt  }
0x6a: {  	_ =	shalt  }
0x6b: {  	_ =	shalt  }
0x6c: {  	_ =	shalt  }
0x6d: {  	_ =	shalt  }
0x6e: {  	_ =	shalt  }
0x6f: {  	_ =	shalt  }
0x70: {  	_ =	shalt  }
0x71: {  	_ =	shalt  }
0x72: {  	_ =	shalt  }
0x73: {  	_ =	shalt  }
0x74: {  	_ =	shalt  }
0x75: {  	_ =	shalt  }
0x76: {  	_ =	shalt  }
0x77: {  	_ =	shalt  }
0x78: {  	_ =	shalt  }
0x79: {  	_ =	shalt  }
0x7a: {  	_ =	shalt  }
0x7b: {  	_ =	shalt  }
0x7c: {  	_ =	shalt  }
0x7d: {  	_ =	shalt  }
0x7e: {  	_ =	shalt  }
0x7f: {  	_ =	shalt  }
0x80: {  	_ =	shalt  }
0x81: {  	_ =	shalt  }
0x82: {  	_ =	shalt  }
0x83: {  	_ =	shalt  }
0x84: {  	_ =	shalt  }
0x85: {  	_ =	shalt  }
0x86: {  	_ =	shalt  }
0x87: {  	_ =	shalt  }
.Lfunc_end0:
.L_simem_size_0:
called_computation_lowered:
.L_overlay_start_0:
0x88: {  	s2 =	sld [smem:$0x3FD9]  }
0x89: {  	s3 =	sld [smem:$0x3FFE];
	_ =	sdelay $0x1  }
0x8a: {  	s1 =	srdreg.scid  }
0x8b: {  	s0 =	sand.u32 $0x1, s1  }
0x8c: {  	s17 =	sshll.u32 s0, $0xA;
	s2 =	sadd.s32 s3, s2  }
0x8d: {  	s2 =	sadd.s32 s2, s17  }
0x8e: {  	[smem:$0x3FB9] =	sst s2  }
0x8f: {  	_ = 	snop  }
0x90: {  	s2 =	sld [smem:$0x3FC5];
	(tm) =	ssettm $0x1  }
0x91: {  	s18 =	sld [smem:$0x3FFB];
	_ =	sdelay $0x3  }
0x92: {  	_ =	strace s18  }
0x93: {  	s3 =	sld [smem:$0x3FFC];
	_ =	sdelay $0x3  }
0x94: {  	_ =	strace s3  }
0x95: {  	s3 =	sld [smem:$0x3FFD];
	_ =	sdelay $0x3  }
0x96: {  	_ =	strace s3  }
0x97: {  	_ =	strace $0x8FFFFFFF  }
0x98: {  	s19 =	sld [smem:$0x3FDB];
	_ =	sdelay $0x1  }
0x99: {  	s4 =	simm.s32 $_scs_section_size  }
0x9a: {  	s5 =	simm.s32 $_size__tile_overlayer_lowered;
	s6 =	simm.s32 $_tile_overlayer_lowered  }
0x9b: {  	s22 =	simm.s32 $0x1BFF;
	s21 =	sshll.u32 s6, $0x1;
	s3 =	sadd.s32 s4, s19  }
0x9c: {  	s7 =	simm.s32 $0x0;
	s20 =	sshll.u32 s5, $0x1;
	s5 =	sadd.s32 s21, s3  }
0x9d: {  	[timem:s7], [sflag:s22] =	dma.local [hbm:s5], s20  }
0x9e: {  	_ =	swait.ge [sflag:s22], s20  }
0x9f: {  	s4 =	ssub.s32 $0x0, s20;
	[sflag:s22] =	ssyncset.done $0x0  }
0xa0: {  	[sflag:s22] =	ssyncadd.s32 s4;
	_ =	sdelay $0x1  }
0xa1: {  	s23 =	simm.s32 $0x1B8B  }
0xa2: {  	_ =	swait.ge [sflag:s23], $0x1  }
0xa3: {  	[sflag:s23] =	ssyncset.done $0x0  }
0xa4: {  	s25 =	simm.s32 $0x1B8E;
	s24 =	sld [smem:$0x3FFE];
	[sflag:s23] =	ssyncadd.s32 $0xFFFFFFFF  }
0xa5: {  	s26 =	simm.s32 $execute0_lowered;
	[smem:$0x3FD2] =	sst s25  }
0xa6: {  	s5 =	sshll.u32 s26, $0x1;
	_ =	strace $0x80000046;
	[dreg:$0x1] =	wrdreg $0xFFFFFFFF  }
0xa7: {  	s28 =	simm.s32 $_size_execute0_lowered;
	s3 =	sadd.s32 s3, s5;
	[dreg:$0x0] =	wrdreg $0x0  }
0xa8: {  	s5 =	sshll.u32 s28, $0x1;
	[dreg:$0x2] =	wrdreg s3  }
0xa9: {  	[dreg:$0x3] =	wrdreg s5  }
0xaa: {  	[dreg:$0x4] =	wrdreg $0xC0  }
0xab: {  	_ =	task [dreg:s7], $0x5FFFF  }
0xac: {  	[dreg:$0x1] =	wrdreg $0xFFFFFFFF  }
0xad: {  	[dreg:$0x0] =	wrdreg $0x60  }
0xae: {  	[dreg:$0x2] =	wrdreg s2  }
0xaf: {  	[dreg:$0x3] =	wrdreg s24  }
0xb0: {  	[dreg:$0x4] =	wrdreg $0x9  }
0xb1: {  	_ =	task.clear_ibuf [dreg:s7], $0x5FFFF;
	_ =	strace $0x90000046  }
0xb2: {  	s29 =	simm.s32 $0x9;
	_ =	strace $0x80000048  }
0xb3: {  	_ =	swait.ge [sflag:s29], $0x1  }
0xb4: {  	[sflag:s29] =	ssyncadd.s32 $0xFFFFFFFF  }
0xb5: {  	_ =	strace $0x90000048  }
0xb6: {  	_ =	sfence  }
0xb7: {  	s30 =	sld [smem:$0x0];
	_ =	sdelay $0x2  }
0xb8: {  	s31 =	sshll.u32 s1, $0xD;
	s1 =	sshrl.u32 s1, $0x2  }
0xb9: {  	s3 =	sand.u32 $0x4000, s31;
	s1 =	sadd.s32 s1, s30  }
0xba: {  	s0 =	sor.u32 s3, s0;
	s1 =	sshll.u32 s1, $0x11  }
0xbb: {  	s0 =	sor.u32 s1, s0  }
0xbc: {  	s0 =	sadd.s32 $0x8F2B, s0  }
0xbd: {  	[sflag:s0] =	ssyncadd.remote.s32 $0x1  }
0xbe: {  	_ =	sfence.sel $0xFFFF  }
0xbf: {  	[dreg:$0x0] =	wrdreg $0xFFFFFFFF;
	(pc) =	sbr.abs _section_cstart, $3  }
0xc0: {  	[dreg:$0x1] =	wrdreg $0xFFFFFFFF  }
0xc1: {  	_ =	task.clear_ibuf [dreg:s7], $0x2FFFF;
	_ =	strace $0x9FFFFFFF  }
0xc2: {  	(tm) =	ssettm $0x7FFFFFFF  }
0xc3: {  	_ =	shalt  }
tec
execute0_lowered:
.L_overlay_start_1:
0x0: {  	(tag) =	ssettag $0x1  }
0x1: {  	s0 =	srdreg.scid  }
0x2: {  	s1 =	stileid.u32;
	s0 =	sand.u32 $0x1, s0  }
0x3: {  	s2 =	rddreg [dreg:$0x0];
	s1 =	sshll.u32 s1, $0x3;
	s4 =	sshll.u32 s0, $0x2  }
0x4: {  	s5 =	rddreg [dreg:$0x1];
	s14 =	sor.u32 s4, s1  }
0x5: {  	s3 =	simm.s32 $0x0;
	s1 =	sadd.s32 $0x4E00, s5;
	s4 =	sshll.u32 s14, $0x4  }
0x6: {  	[smem:$0x7FF] =	sst s3;
	s4 =	sadd.s32 s1, s4  }
0x7: {  	_ =	strace $0x80000047;
	[dreg:$0x3] =	wrdreg s4  }
0x8: {  	s4 =	simm.s32 $0x3;
	s6 =	rddreg [dreg:$0x3]  }
0x9: {  	[tilespmem:s3], [sflag:$0x3] =	stream.linear.gather [hbm4b:s6+s3], $0x80, $0x38;
	[tilespmem:$0x2880] =	vst v63  }
0xa: {  	_ =	swait.ge [sflag:s4], $0x80  }
0xb: {  	s9 =	simm.s32 $0x50;
	[sflag:s4] =	ssyncset.done $0x0  }
0xc: {  	s7 =	simm.s32 $0x1;
	s6 =	simm.s32 $0x80;
	[sflag:s4] =	ssyncadd.s32 $0xFFFFFF80  }
0xd: {  	[tilespmem:s6], [sflag:$0x1] =	stream.indirect.gather [hbm4b:s2+s9], $0x80, s3, s9, $0xb8;
	[tilespmem:$0x2880] =	vst v63  }
0xe: {  	s8 =	smul.u32 $0x500, s14;
	_ =	swait.ge [sflag:s7], $0x2800  }
0xf: {  	s21 =	sadd.s32 $0x5600, s5;
	[sflag:s7] =	ssyncset.done $0x0  }
0x10: {  	s8 =	sadd.s32 s21, s8;
	s9 =	simm.s32 $0x2;
	[sflag:s7] =	ssyncadd.s32 $0xFFFFD800  }
0x11: {  	[hbm4b:s8+s3] =	stream.linear.scatter [tilespmem:s6], [sflag:$0x2], $0x2800, $0x38;
	[tilespmem:$0x2880] =	vst v63  }
0x12: {  	s13 =	sor.u32 $0x1, s14;
	p0 =	seq.s32 s14, $0x7C;
	_ =	swait.ge [sflag:s9], $0x2800  }
0x13: {  	s10 =	sshll.u32 s13, $0x4;
	s11 =	simm.s32 @!p0 $0x0;
	[sflag:s9] =	ssyncset.done $0x0  }
0x14: {  	s12 =	simm.s32 @!p0 $0x3;
	s10 =	sadd.s32 s1, s10;
	[sflag:s9] =	ssyncadd.s32 $0xFFFFD800  }
0x15: {  	[tilespmem:s11], [sflag:$0x3] =	stream.linear.gather @!p0 [hbm4b:s10+s11], $0x80, $0x38;
	[tilespmem:$0x2880] =	vst v63  }
0x16: {  	_ =	swait.ge @!p0 [sflag:s12], $0x80  }
0x17: {  	s16 =	smul.u32 $0x500, s13;
	s13 =	simm.s32 @!p0 $0x1;
	[sflag:s12] =	ssyncset.done @!p0 $0x0  }
0x18: {  	s5 =	simm.s32 @!p0 $0x50;
	s15 =	simm.s32 @!p0 $0x80;
	[sflag:s12] =	ssyncadd.s32 @!p0 $0xFFFFFF80  }
0x19: {  	[tilespmem:s15], [sflag:$0x1] =	stream.indirect.gather @!p0 [hbm4b:s2+s5], $0x80, s11, s5, $0xb8;
	[tilespmem:$0x2880] =	vst v63  }
0x1a: {  	_ =	swait.ge @!p0 [sflag:s13], $0x2800  }
0x1b: {  	s24 =	sor.u32 $0x2, s14;
	[sflag:s13] =	ssyncset.done @!p0 $0x0  }
0x1c: {  	s17 =	simm.s32 @!p0 $0x2;
	s16 =	sadd.s32 s21, s16;
	[sflag:s13] =	ssyncadd.s32 @!p0 $0xFFFFD800  }
0x1d: {  	[hbm4b:s16+s11] =	stream.linear.scatter @!p0 [tilespmem:s15], [sflag:$0x2], $0x2800, $0x38;
	[tilespmem:$0x2880] =	vst v63  }
0x1e: {  	s18 =	sshll.u32 s24, $0x4;
	p1 =	sgt.u32 @!p0 s24, $0x7C;
	_ =	swait.ge @!p0 [sflag:s17], $0x2800  }
0x1f: {  	s18 =	sadd.s32 s1, s18;
	p1 =	por p1, p0;
	[sflag:s17] =	ssyncset.done @!p0 $0x0  }
0x20: {  	s19 =	simm.s32 @!p1 $0x0;
	s20 =	simm.s32 @!p1 $0x3;
	[sflag:s17] =	ssyncadd.s32 @!p0 $0xFFFFD800  }
0x21: {  	[tilespmem:s19], [sflag:$0x3] =	stream.linear.gather @!p1 [hbm4b:s18+s19], $0x80, $0x38;
	[tilespmem:$0x2880] =	vst v63  }
0x22: {  	s0 =	ssub.s32 $0x2, s0;
	s14 =	sor.u32 $0x3, s14;
	_ =	swait.ge @!p1 [sflag:s20], $0x80  }
0x23: {  	s24 =	smul.u32 $0x500, s24;
	s22 =	simm.s32 @!p1 $0x80;
	[sflag:s20] =	ssyncset.done @!p1 $0x0  }
0x24: {  	s23 =	simm.s32 @!p1 $0x1;
	s5 =	simm.s32 @!p1 $0x50;
	[sflag:s20] =	ssyncadd.s32 @!p1 $0xFFFFFF80  }
0x25: {  	[tilespmem:s22], [sflag:$0x1] =	stream.indirect.gather @!p1 [hbm4b:s2+s5], $0x80, s19, s5, $0xb8;
	[tilespmem:$0x2880] =	vst v63  }
0x26: {  	p2 =	sgt.u32 @!p0 s14, $0x7C;
	s26 =	sshll.u32 s14, $0x4;
	_ =	swait.ge @!p1 [sflag:s23], $0x2800  }
0x27: {  	s14 =	smul.u32 $0x500, s14;
	p2 =	por p2, p0;
	[sflag:s23] =	ssyncset.done @!p1 $0x0  }
0x28: {  	s24 =	sadd.s32 s21, s24;
	s25 =	simm.s32 @!p1 $0x2;
	[sflag:s23] =	ssyncadd.s32 @!p1 $0xFFFFD800  }
0x29: {  	[hbm4b:s24+s19] =	stream.linear.scatter @!p1 [tilespmem:s22], [sflag:$0x2], $0x2800, $0x38;
	[tilespmem:$0x2880] =	vst v63  }
0x2a: {  	s26 =	sadd.s32 s1, s26;
	s28 =	simm.s32 @!p2 $0x0;
	_ =	swait.ge @!p1 [sflag:s25], $0x2800  }
0x2b: {  	s29 =	simm.s32 @!p2 $0x3;
	s5 =	sshrl.u32 s0, $0x1;
	[sflag:s25] =	ssyncset.done @!p1 $0x0  }
0x2c: {  	s30 =	simm.s32 @!p2 $0x50;
	s0 =	ssub.s32 s0, s5;
	[sflag:s25] =	ssyncadd.s32 @!p1 $0xFFFFD800  }
0x2d: {  	[tilespmem:s28], [sflag:$0x3] =	stream.linear.gather @!p2 [hbm4b:s26+s28], $0x80, $0x38;
	[tilespmem:$0x2880] =	vst v63  }
0x2e: {  	s31 =	simm.s32 @!p2 $0x80;
	s0 =	smax.u32 s0, $0x1;
	_ =	swait.ge @!p2 [sflag:s29], $0x80  }
0x2f: {  	s5 =	sadd.s32 s21, s14;
	s14 =	sadd.s32 $0xFFFFFFFF, s0;
	[sflag:s29] =	ssyncset.done @!p2 $0x0  }
0x30: {  	s1 =	simm.s32 @!p2 $0x1;
	p3 =	sne.s32 s14, $0x0;
	[sflag:s29] =	ssyncadd.s32 @!p2 $0xFFFFFF80  }
0x31: {  	[tilespmem:s31], [sflag:$0x1] =	stream.indirect.gather @!p2 [hbm4b:s2+s30], $0x80, s28, s30, $0xb8;
	[tilespmem:$0x2880] =	vst v63  }
.Ltmp0:
0x32: {  	_ =	swait.ge @!p2 [sflag:s1], $0x2800;
	(pc) =	sbr.rel @!p3 .LBB2_2-.Ltmp0, $4  }
0x33: {  	[sflag:s1] =	ssyncset.done @!p2 $0x0  }
0x34: {  	s0 =	simm.s32 @!p2 $0x2;
	[sflag:s1] =	ssyncadd.s32 @!p2 $0xFFFFD800  }
0x35: {  	[hbm4b:s5+s28] =	stream.linear.scatter @!p2 [tilespmem:s31], [sflag:$0x2], $0x2800, $0x38;
	[tilespmem:$0x2880] =	vst v63  }
0x36: {  	_ =	swait.ge @!p2 [sflag:s0], $0x2800  }
.LBB2_1:
0x37: {  	[sflag:s0] =	ssyncset.done @!p2 $0x0  }
0x38: {  	s21 =	rddreg [dreg:$0x3];
	[sflag:s0] =	ssyncadd.s32 @!p2 $0xFFFFD800  }
0x39: {  	[tilespmem:s3], [sflag:$0x3] =	stream.linear.gather [hbm4b:s21+s3], $0x80, $0x38;
	[tilespmem:$0x2880] =	vst v63  }
0x3a: {  	_ =	swait.ge [sflag:s4], $0x80  }
0x3b: {  	[sflag:s4] =	ssyncset.done $0x0  }
0x3c: {  	s21 =	simm.s32 $0x50;
	[sflag:s4] =	ssyncadd.s32 $0xFFFFFF80  }
0x3d: {  	[tilespmem:s6], [sflag:$0x1] =	stream.indirect.gather [hbm4b:s2+s21], $0x80, s3, s21, $0xb8;
	[tilespmem:$0x2880] =	vst v63  }
0x3e: {  	_ =	swait.ge [sflag:s7], $0x2800  }
0x3f: {  	[sflag:s7] =	ssyncset.done $0x0  }
0x40: {  	[sflag:s7] =	ssyncadd.s32 $0xFFFFD800  }
0x41: {  	[hbm4b:s8+s3] =	stream.linear.scatter [tilespmem:s6], [sflag:$0x2], $0x2800, $0x38;
	[tilespmem:$0x2880] =	vst v63  }
0x42: {  	_ =	swait.ge [sflag:s9], $0x2800  }
0x43: {  	[sflag:s9] =	ssyncset.done $0x0  }
0x44: {  	[sflag:s9] =	ssyncadd.s32 $0xFFFFD800  }
0x45: {  	[tilespmem:s11], [sflag:$0x3] =	stream.linear.gather @!p0 [hbm4b:s10+s11], $0x80, $0x38;
	[tilespmem:$0x2880] =	vst v63  }
0x46: {  	_ =	swait.ge @!p0 [sflag:s12], $0x80  }
0x47: {  	[sflag:s12] =	ssyncset.done @!p0 $0x0  }
0x48: {  	s21 =	simm.s32 @!p0 $0x50;
	[sflag:s12] =	ssyncadd.s32 @!p0 $0xFFFFFF80  }
0x49: {  	[tilespmem:s15], [sflag:$0x1] =	stream.indirect.gather @!p0 [hbm4b:s2+s21], $0x80, s11, s21, $0xb8;
	[tilespmem:$0x2880] =	vst v63  }
0x4a: {  	_ =	swait.ge @!p0 [sflag:s13], $0x2800  }
0x4b: {  	[sflag:s13] =	ssyncset.done @!p0 $0x0  }
0x4c: {  	[sflag:s13] =	ssyncadd.s32 @!p0 $0xFFFFD800  }
0x4d: {  	[hbm4b:s16+s11] =	stream.linear.scatter @!p0 [tilespmem:s15], [sflag:$0x2], $0x2800, $0x38;
	[tilespmem:$0x2880] =	vst v63  }
0x4e: {  	_ =	swait.ge @!p0 [sflag:s17], $0x2800  }
0x4f: {  	[sflag:s17] =	ssyncset.done @!p0 $0x0  }
0x50: {  	[sflag:s17] =	ssyncadd.s32 @!p0 $0xFFFFD800  }
0x51: {  	[tilespmem:s19], [sflag:$0x3] =	stream.linear.gather @!p1 [hbm4b:s18+s19], $0x80, $0x38;
	[tilespmem:$0x2880] =	vst v63  }
0x52: {  	_ =	swait.ge @!p1 [sflag:s20], $0x80  }
0x53: {  	[sflag:s20] =	ssyncset.done @!p1 $0x0  }
0x54: {  	s21 =	simm.s32 @!p1 $0x50;
	[sflag:s20] =	ssyncadd.s32 @!p1 $0xFFFFFF80  }
0x55: {  	[tilespmem:s22], [sflag:$0x1] =	stream.indirect.gather @!p1 [hbm4b:s2+s21], $0x80, s19, s21, $0xb8;
	[tilespmem:$0x2880] =	vst v63  }
0x56: {  	_ =	swait.ge @!p1 [sflag:s23], $0x2800  }
0x57: {  	[sflag:s23] =	ssyncset.done @!p1 $0x0  }
0x58: {  	[sflag:s23] =	ssyncadd.s32 @!p1 $0xFFFFD800  }
0x59: {  	[hbm4b:s24+s19] =	stream.linear.scatter @!p1 [tilespmem:s22], [sflag:$0x2], $0x2800, $0x38;
	[tilespmem:$0x2880] =	vst v63  }
0x5a: {  	_ =	swait.ge @!p1 [sflag:s25], $0x2800  }
0x5b: {  	[sflag:s25] =	ssyncset.done @!p1 $0x0  }
0x5c: {  	[sflag:s25] =	ssyncadd.s32 @!p1 $0xFFFFD800  }
0x5d: {  	[tilespmem:s28], [sflag:$0x3] =	stream.linear.gather @!p2 [hbm4b:s26+s28], $0x80, $0x38;
	[tilespmem:$0x2880] =	vst v63  }
0x5e: {  	_ =	swait.ge @!p2 [sflag:s29], $0x80  }
0x5f: {  	s14 =	sadd.s32 $0xFFFFFFFF, s14;
	[sflag:s29] =	ssyncset.done @!p2 $0x0  }
0x60: {  	p3 =	sne.s32 s14, $0x0;
	[sflag:s29] =	ssyncadd.s32 @!p2 $0xFFFFFF80  }
0x61: {  	[tilespmem:s31], [sflag:$0x1] =	stream.indirect.gather @!p2 [hbm4b:s2+s30], $0x80, s28, s30, $0xb8;
	[tilespmem:$0x2880] =	vst v63  }
.Ltmp1:
0x62: {  	_ =	swait.ge @!p2 [sflag:s1], $0x2800;
	(pc) =	sbr.rel @p3 .LBB2_1-.Ltmp1, $4  }
0x63: {  	[sflag:s1] =	ssyncset.done @!p2 $0x0  }
0x64: {  	[sflag:s1] =	ssyncadd.s32 @!p2 $0xFFFFD800  }
0x65: {  	[hbm4b:s5+s28] =	stream.linear.scatter @!p2 [tilespmem:s31], [sflag:$0x2], $0x2800, $0x38;
	[tilespmem:$0x2880] =	vst v63  }
0x66: {  	_ =	swait.ge @!p2 [sflag:s0], $0x2800  }
.LBB2_2:
0x67: {  	[sflag:s0] =	ssyncset.done @!p2 $0x0  }
0x68: {  	[sflag:s0] =	ssyncadd.s32 @!p2 $0xFFFFD800  }
0x69: {  	_ =	sfence.sel $0x180000  }
0x6a: {  	[bflag:$0x0] =	sbarrier.arrive $0xFFFF  }
0x6b: {  	_ =	strace $0x90000047  }
0x6c: {  	s31 =	stileid.u32;
	[bflag:$0x2] =	sbarrier.arrive $0xFFFF  }
0x6d: {  	p0 =	sne.s32 s31, $0x0;
	s0 =	rddreg [dreg:$0x2]  }
0x6e: {  	s0 =	sadd.s32 @!p0 $0x100000, s0  }
0x6f: {  	[sflag:s0] =	ssyncadd.tile.s32 @!p0 $0x1;
	_ =	shalt  }
.Lfunc_end2:
_tile_overlayer_lowered:
.L_overlay_start_2:
0x70: {  	(tag) =	ssettag $0x2  }
0x71: {  	s0 =	rddreg [dreg:$0x0];
	s2 =	stileid.u32  }
0x72: {  	s1 =	rddreg [dreg:$0x1];
	p0 =	sne.s32 s2, $0x0  }
0x73: {  	s3 =	rddreg [dreg:$0x2];
	[bflag:$0x3] =	sbarrier.arrive $0xFFFF;
	s2 =	simm.s32 @!p0 $0x1C02  }
0x74: {  	[timem:s3], [sflag:s2] =	dma.local @!p0 [hbm:s0], s1  }
0x75: {  	s0 =	simm.s32 @!p0 $0x2  }
0x76: {  	_ =	swait.ge @!p0 [sflag:s0], s1  }
0x77: {  	s1 =	ssub.s32 @!p0 $0x0, s1;
	[sflag:s0] =	ssyncset.done @!p0 $0x0  }
0x78: {  	[sflag:s0] =	ssyncadd.s32 @!p0 s1  }
0x79: {  	[bflag:$0x3] =	sbarrier.arrive $0xFFFF  }
0x7a: {  	_ =	shalt  }

// kernel: kernel.16.cloned.1.call-start
scs
__scs_entry_jumppad:
0x0: {  	(pc) =	sbr.rel $0x88, $3  }
0x1: {  	(tag) =	ssettag $0x0;
	lr =	simm.s32 $0x1  }
0x2: {  	[smem:$0x3F92] =	sst lr;
	_ =	strace $0xD0000000  }
0x3: {  	_ = 	snop  }
0x4: {  	_ = 	snop  }
0x5: {  	_ = 	snop  }
0x6: {  	_ = 	snop  }
0x7: {  	_ = 	snop  }
__scs_overlays_trampoline_lowered:
0x8: {  	[smem:$0x3FA1] =	sst s0  }
0x9: {  	[smem:$0x3FA2] =	sst s1  }
0xa: {  	[smem:$0x3FA3] =	sst s2  }
0xb: {  	[smem:$0x3FA4] =	sst s3  }
0xc: {  	[smem:$0x3FA5] =	sst s4  }
0xd: {  	[smem:$0x3FA6] =	sst s5  }
0xe: {  	[smem:$0x3FA7] =	sst s6  }
0xf: {  	[smem:$0x3FA8] =	sst s7  }
0x10: {  	[smem:$0x3FA9] =	sst s8  }
0x11: {  	[smem:$0x3FAA] =	sst s9;
	s0 =	simm.s32 @!p0 $0x0  }
0x12: {  	s1 =	sld [smem:$0x3F90];
	s0 =	simm.s32 @p0 $0x1  }
0x13: {  	[smem:$0x3FAB] =	sst s0;
	s0 =	simm.s32 @!p1 $0x0  }
0x14: {  	s2 =	sld [smem:$0x3F8F];
	s0 =	simm.s32 @p1 $0x1  }
0x15: {  	[smem:$0x3FAC] =	sst s0;
	s0 =	simm.s32 @!p2 $0x0  }
0x16: {  	s3 =	sld [smem:$0x3FDB];
	s0 =	simm.s32 @p2 $0x1  }
0x17: {  	s4 =	simm.s32 $0x1BF5;
	[smem:$0x3FAE] =	sst s0  }
0x18: {  	s0 =	sld [smem:$0x3F91];
	_ =	swait.ge [sflag:s4], $0x0  }
0x19: {  	s7 =	sld [smem:$0x3F92]  }
0x1a: {  	s8 =	sadd.s32 $0xFFFFE003, lr  }
0x1b: {  	s9 =	sadd.s32 $0xFFFFFEF7, lr;
	s5 =	simm.s32 $0xFFFFFFFF;
	p2 =	slt.u32 s8, $0xFFFFF086  }
0x1c: {  	p1 =	slt.u32 s9, $0xF7A;
	s5 =	simm.s32 @!p2 $0x0  }
0x1d: {  	s5 =	simm.s32 @p1 $0x1;
	p0 =	seq.s32 s7, s2  }
0x1e: {  	s7 =	smul.u32 @!p0 $0xF7A, s2;
	p2 =	seq.s32 @!p0 s5, $0x0  }
0x1f: {  	s9 =	smul.u32 $0xF7A, s1;
	s8 =	simm.s32 @!p0 $0x1BF5;
	p2 =	por !p2, p0  }
0x20: {  	[sflag:s8] =	ssyncset.s32 @!p0 $0xFFFFF086;
	s6 =	sadd.s32 @!p0 s3, s7;
	s7 =	simm.s32 @!p0 $0x108  }
0x21: {  	s3 =	sadd.s32 s3, s9;
	s6 =	sadd.s32 @!p0 $0x88, s6;
	s7 =	simm.s32 @p2 $0x1082  }
0x22: {  	[simem:s7], [sflag:s8] =	dma.local @!p0 [hbm:s6], $0xF7A  }
0x23: {  	s9 =	sor.u32 $0xD0000000, s2;
	s6 =	simm.s32 $0x108;
	_ =	swait.ge @!p0 [sflag:s8], $0x0  }
0x24: {  	s3 =	sadd.s32 $0x88, s3;
	s6 =	simm.s32 @!p1 $0x1082;
	[sflag:s4] =	ssyncset.s32 $0xFFFFF086  }
0x25: {  	[simem:s6], [sflag:s4] =	dma.local [hbm:s3], $0xF7A  }
0x26: {  	[smem:$0x3F92] =	sst s1;
	(tag) =	ssettag s2;
	_ =	strace s9  }
0x27: {  	s1 =	sld [smem:$0x3FA2]  }
0x28: {  	s2 =	sld [smem:$0x3FA3]  }
0x29: {  	s4 =	sld [smem:$0x3FA5]  }
0x2a: {  	p0 =	seq.s32 s5, $0x0;
	s5 =	sld [smem:$0x3FA6]  }
0x2b: {  	s6 =	sld [smem:$0x3FA7]  }
0x2c: {  	s7 =	sld [smem:$0x3FA8]  }
0x2d: {  	s3 =	simm.s32 $0x108;
	s8 =	sld [smem:$0x3FA9]  }
0x2e: {  	s3 =	simm.s32 @!p0 $0x1082;
	s9 =	sld [smem:$0x3FAA]  }
0x2f: {  	lr =	sadd.s32 s0, s3;
	s0 =	sld [smem:$0x3FA1]  }
0x30: {  	s3 =	sld [smem:$0x3FA4]  }
0x31: {  	[smem:$0x3FAD] =	sst s10  }
0x32: {  	s10 =	sld [smem:$0x3FAB];
	_ =	sdelay $0x3  }
0x33: {  	p0 =	seq.s32 s10, $0x1;
	s10 =	sld [smem:$0x3FAD];
	_ =	sdelay $0x3  }
0x34: {  	[smem:$0x3FAD] =	sst s10  }
0x35: {  	s10 =	sld [smem:$0x3FAC];
	_ =	sdelay $0x3  }
0x36: {  	p1 =	seq.s32 s10, $0x1;
	s10 =	sld [smem:$0x3FAD];
	_ =	sdelay $0x3  }
0x37: {  	[smem:$0x3FAD] =	sst s10  }
0x38: {  	s10 =	sld [smem:$0x3FAE]  }
0x39: {  	_ = 	snop;
	(pc) =	sbr.ind lr, $3  }
0x3a: {  	_ = 	snop  }
0x3b: {  	_ = 	snop  }
0x3c: {  	p2 =	seq.s32 s10, $0x1;
	s10 =	sld [smem:$0x3FAD]  }
0x3d: {  	_ =	shalt  }
0x3e: {  	_ =	shalt  }
0x3f: {  	_ =	shalt  }
0x40: {  	_ =	shalt  }
0x41: {  	_ =	shalt  }
0x42: {  	_ =	shalt  }
0x43: {  	_ =	shalt  }
0x44: {  	_ =	shalt  }
0x45: {  	_ =	shalt  }
0x46: {  	_ =	shalt  }
0x47: {  	_ =	shalt  }
0x48: {  	_ =	shalt  }
0x49: {  	_ =	shalt  }
0x4a: {  	_ =	shalt  }
0x4b: {  	_ =	shalt  }
0x4c: {  	_ =	shalt  }
0x4d: {  	_ =	shalt  }
0x4e: {  	_ =	shalt  }
0x4f: {  	_ =	shalt  }
0x50: {  	_ =	shalt  }
0x51: {  	_ =	shalt  }
0x52: {  	_ =	shalt  }
0x53: {  	_ =	shalt  }
0x54: {  	_ =	shalt  }
0x55: {  	_ =	shalt  }
0x56: {  	_ =	shalt  }
0x57: {  	_ =	shalt  }
0x58: {  	_ =	shalt  }
0x59: {  	_ =	shalt  }
0x5a: {  	_ =	shalt  }
0x5b: {  	_ =	shalt  }
0x5c: {  	_ =	shalt  }
0x5d: {  	_ =	shalt  }
0x5e: {  	_ =	shalt  }
0x5f: {  	_ =	shalt  }
0x60: {  	_ =	shalt  }
0x61: {  	_ =	shalt  }
0x62: {  	_ =	shalt  }
0x63: {  	_ =	shalt  }
0x64: {  	_ =	shalt  }
0x65: {  	_ =	shalt  }
0x66: {  	_ =	shalt  }
0x67: {  	_ =	shalt  }
0x68: {  	_ =	shalt  }
0x69: {  	_ =	shalt  }
0x6a: {  	_ =	shalt  }
0x6b: {  	_ =	shalt  }
0x6c: {  	_ =	shalt  }
0x6d: {  	_ =	shalt  }
0x6e: {  	_ =	shalt  }
0x6f: {  	_ =	shalt  }
0x70: {  	_ =	shalt  }
0x71: {  	_ =	shalt  }
0x72: {  	_ =	shalt  }
0x73: {  	_ =	shalt  }
0x74: {  	_ =	shalt  }
0x75: {  	_ =	shalt  }
0x76: {  	_ =	shalt  }
0x77: {  	_ =	shalt  }
0x78: {  	_ =	shalt  }
0x79: {  	_ =	shalt  }
0x7a: {  	_ =	shalt  }
0x7b: {  	_ =	shalt  }
0x7c: {  	_ =	shalt  }
0x7d: {  	_ =	shalt  }
0x7e: {  	_ =	shalt  }
0x7f: {  	_ =	shalt  }
0x80: {  	_ =	shalt  }
0x81: {  	_ =	shalt  }
0x82: {  	_ =	shalt  }
0x83: {  	_ =	shalt  }
0x84: {  	_ =	shalt  }
0x85: {  	_ =	shalt  }
0x86: {  	_ =	shalt  }
0x87: {  	_ =	shalt  }
.Lfunc_end0:
.L_simem_size_0:
called_computation.1_lowered:
.L_overlay_start_0:
0x88: {  	s2 =	sld [smem:$0x3FD9]  }
0x89: {  	s3 =	sld [smem:$0x3FFE];
	_ =	sdelay $0x1  }
0x8a: {  	s1 =	srdreg.scid  }
0x8b: {  	s0 =	sand.u32 $0x1, s1  }
0x8c: {  	s16 =	sshll.u32 s0, $0xA;
	s2 =	sadd.s32 s3, s2  }
0x8d: {  	s2 =	sadd.s32 s2, s16  }
0x8e: {  	[smem:$0x3FB9] =	sst s2  }
0x8f: {  	_ = 	snop  }
0x90: {  	(tm) =	ssettm $0x1  }
0x91: {  	s17 =	sld [smem:$0x3FFB];
	_ =	sdelay $0x3  }
0x92: {  	_ =	strace s17  }
0x93: {  	s2 =	sld [smem:$0x3FFC];
	_ =	sdelay $0x3  }
0x94: {  	_ =	strace s2  }
0x95: {  	s2 =	sld [smem:$0x3FFD];
	_ =	sdelay $0x3  }
0x96: {  	_ =	strace s2  }
0x97: {  	_ =	strace $0x8FFFFFFF  }
0x98: {  	s18 =	sld [smem:$0x3FDB];
	_ =	sdelay $0x1  }
0x99: {  	s19 =	simm.s32 $_scs_section_size  }
0x9a: {  	s4 =	simm.s32 $_size__tile_overlayer_lowered;
	s5 =	simm.s32 $_tile_overlayer_lowered  }
0x9b: {  	s22 =	simm.s32 $0x1BFF;
	s21 =	sshll.u32 s5, $0x1;
	s2 =	sadd.s32 s19, s18  }
0x9c: {  	s6 =	simm.s32 $0x0;
	s20 =	sshll.u32 s4, $0x1;
	s4 =	sadd.s32 s21, s2  }
0x9d: {  	[timem:s6], [sflag:s22] =	dma.local [hbm:s4], s20  }
0x9e: {  	_ =	swait.ge [sflag:s22], s20  }
0x9f: {  	s3 =	ssub.s32 $0x0, s20;
	[sflag:s22] =	ssyncset.done $0x0  }
0xa0: {  	[sflag:s22] =	ssyncadd.s32 s3;
	_ =	sdelay $0x1  }
0xa1: {  	s23 =	simm.s32 $0x1B8B  }
0xa2: {  	_ =	swait.ge [sflag:s23], $0x1  }
0xa3: {  	[sflag:s23] =	ssyncset.done $0x0  }
0xa4: {  	s25 =	simm.s32 $0x1B8E;
	s24 =	sld [smem:$0x3FFE];
	[sflag:s23] =	ssyncadd.s32 $0xFFFFFFFF  }
0xa5: {  	s26 =	simm.s32 $execute0_lowered;
	[smem:$0x3FD2] =	sst s25  }
0xa6: {  	s4 =	sshll.u32 s26, $0x1;
	_ =	strace $0x80000049;
	[dreg:$0x1] =	wrdreg $0xFFFFFFFF  }
0xa7: {  	s28 =	simm.s32 $_size_execute0_lowered;
	s2 =	sadd.s32 s2, s4;
	[dreg:$0x0] =	wrdreg $0x0  }
0xa8: {  	s4 =	sshll.u32 s28, $0x1;
	[dreg:$0x2] =	wrdreg s2  }
0xa9: {  	[dreg:$0x3] =	wrdreg s4  }
0xaa: {  	[dreg:$0x4] =	wrdreg $0xC0  }
0xab: {  	_ =	task [dreg:s6], $0x5FFFF  }
0xac: {  	[dreg:$0x1] =	wrdreg $0xFFFFFFFF  }
0xad: {  	[dreg:$0x0] =	wrdreg $0x60  }
0xae: {  	[dreg:$0x2] =	wrdreg s24  }
0xaf: {  	[dreg:$0x3] =	wrdreg $0xA8000  }
0xb0: {  	[dreg:$0x4] =	wrdreg $0x9  }
0xb1: {  	_ =	task.clear_ibuf [dreg:s6], $0x5FFFF;
	_ =	strace $0x90000049  }
0xb2: {  	s29 =	simm.s32 $0x9;
	_ =	strace $0x8000004B  }
0xb3: {  	_ =	swait.ge [sflag:s29], $0x1  }
0xb4: {  	[sflag:s29] =	ssyncadd.s32 $0xFFFFFFFF  }
0xb5: {  	_ =	strace $0x9000004B  }
0xb6: {  	_ =	sfence  }
0xb7: {  	s30 =	sld [smem:$0x0];
	_ =	sdelay $0x2  }
0xb8: {  	s31 =	sshll.u32 s1, $0xD;
	s1 =	sshrl.u32 s1, $0x2  }
0xb9: {  	s3 =	sand.u32 $0x4000, s31;
	s1 =	sadd.s32 s1, s30  }
0xba: {  	s0 =	sor.u32 s3, s0;
	s1 =	sshll.u32 s1, $0x11  }
0xbb: {  	s0 =	sor.u32 s1, s0  }
0xbc: {  	s0 =	sadd.s32 $0x8F2B, s0  }
0xbd: {  	[sflag:s0] =	ssyncadd.remote.s32 $0x1  }
0xbe: {  	_ =	sfence.sel $0xFFFF  }
0xbf: {  	[dreg:$0x0] =	wrdreg $0xFFFFFFFF;
	(pc) =	sbr.abs _section_cstart, $3  }
0xc0: {  	[dreg:$0x1] =	wrdreg $0xFFFFFFFF  }
0xc1: {  	_ =	task.clear_ibuf [dreg:s6], $0x2FFFF;
	_ =	strace $0x9FFFFFFF  }
0xc2: {  	(tm) =	ssettm $0x7FFFFFFF  }
0xc3: {  	_ =	shalt  }
tec
execute0_lowered:
.L_overlay_start_1:
0x0: {  	(tag) =	ssettag $0x1  }
0x1: {  	s6 =	rddreg [dreg:$0x0]  }
0x2: {  	s2 =	rddreg [dreg:$0x1]  }
0x3: {  	s0 =	rddreg [dreg:$0x2];
	s3 =	simm.s32 $0x0  }
0x4: {  	s1 =	stileid.u32;
	s7 =	srdreg.scid;
	s18 =	simm.s32 $0x1400  }
0x5: {  	s19 =	simm.s32 $0x7D;
	s20 =	simm.s32 $0x2800;
	s21 =	simm.s32 $0x80  }
0x6: {  	s22 =	simm.s32 $0x6800;
	s23 =	simm.s32 $0x1;
	s24 =	simm.s32 $0x2  }
0x7: {  	s25 =	simm.s32 $0x2700;
	s26 =	simm.s32 $0x2780;
	s28 =	simm.s32 $0x0  }
0x8: {  	[smem:$0x7FF] =	sst s3;
	s5 =	smul.u32 $0x2700, s1;
	s4 =	sadd.s32 $0x40800, s6  }
0x9: {  	s9 =	sadd.s32 $0x2C800, s6;
	s10 =	sadd.s32 $0x36800, s6;
	s7 =	sand.u32 $0x1, s7  }
0xa: {  	s8 =	sshll.u32 s1, $0x1;
	s11 =	smul.u32 $0x4E000, s1;
	s12 =	sadd.s32 $0xB5C00, s6  }
0xb: {  	s17 =	smul.u32 $0x13800, s1;
	p0 =	seq.s32 s1, $0xF;
	_ =	strace $0x8000004A  }
0xc: {  	s13 =	ssub.s32 $0x2, s7;
	s8 =	sor.u32 s7, s8;
	s29 =	smul.u32 $0x138800, s7  }
0xd: {  	s5 =	sadd.s32 s5, s6;
	s14 =	sshrl.u32 s13, $0x1;
	s11 =	sshrl.u32 s11, $0x2  }
0xe: {  	s8 =	smul.u32 $0x2800, s8;
	s6 =	sadd.s32 $0x29700, s6;
	s13 =	ssub.s32 s13, s14  }
0xf: {  	s16 =	sadd.s32 s11, s2;
	s5 =	sadd.s32 $0x4E00, s5;
	s14 =	sadd.s32 $0x124800, s2  }
0x10: {  	s30 =	sadd.s32 s17, s29;
	s11 =	sshrl.u32 s29, $0x3;
	s17 =	simm.s32 $0x3  }
0x11: {  	s8 =	sshrl.u32 s8, $0x3;
	s31 =	sadd.s32 s12, s11;
	s13 =	smax.u32 s13, $0x1  }
0x12: {  	s15 =	sadd.s32 $0x280, s8;
	s7 =	sadd.s32 s9, s8;
	s8 =	sadd.s32 s10, s8  }
0x13: {  	s9 =	sadd.s32 s9, s15;
	s10 =	sadd.s32 s10, s15;
	s15 =	sshrl.u32 s30, $0x3  }
0x14: {  	s14 =	sshrl.u32 @p0 s14, $0x3;
	s11 =	sadd.s32 s12, s15;
	s15 =	sshll.u32 @!p0 s1, $0x6  }
0x15: {  	s16 =	sshrl.u32 @!p0 s16, $0x3;
	s12 =	sadd.s32 $0x24900, s31;
	s15 =	sor.u32 @!p0 $0x1C03, s15  }
.LBB2_1:
0x16: {  	s29 =	simm.s32 @p0 $0x1FC3  }
0x17: {  	[spmem:s14], [sflag:s29] =	dma.local @p0 [hbm:s6], $0x2800  }
0x18: {  	s29 =	simm.s32 @p0 $0x3  }
0x19: {  	_ =	swait.ge @p0 [sflag:s29], $0x2800  }
0x1a: {  	[sflag:s29] =	ssyncset.done @p0 $0x0  }
0x1b: {  	[sflag:s29] =	ssyncadd.s32 @p0 $0xFFFFD800;
	s29 =	simm.s32 @!p0 $0x3  }
0x1c: {  	[spmem:s16], [sflag:s15] =	dma.local @!p0 [hbm:s5], $0x2700  }
0x1d: {  	_ =	swait.ge @!p0 [sflag:s29], $0x2700  }
0x1e: {  	[sflag:s29] =	ssyncset.done @!p0 $0x0  }
0x1f: {  	[sflag:s29] =	ssyncadd.s32 @!p0 $0xFFFFD900  }
0x20: {  	[bflag:$0x0] =	sbarrier.arrive $0xFFFF  }
0x21: {  	[tilespmem:s3], [sflag:$0x3] =	stream.linear.gather [hbm4b:s7+s3], $0x1400, $0x38;
	[tilespmem:$0x1E080] =	vst v63  }
0x22: {  	_ =	swait.ge [sflag:s17], $0x1400  }
0x23: {  	[sflag:s17] =	ssyncset.done $0x0  }
0x24: {  	[sflag:s17] =	ssyncadd.s32 $0xFFFFEC00  }
0x25: {  	[tilespmem:s18], [sflag:$0x3] =	stream.linear.gather [hbm4b:s8+s3], $0x1400, $0x38;
	[tilespmem:$0x1E080] =	vst v63  }
0x26: {  	_ =	swait.ge [sflag:s17], $0x1400  }
0x27: {  	[sflag:s17] =	ssyncset.done $0x0  }
0x28: {  	[sflag:s17] =	ssyncadd.s32 $0xFFFFEC00  }
0x29: {  	[tilespmem:s20], [sflag:$0x1] =	stream.indirect.gather [hbm4b:s4+s19], $0x80, s3, s19, $0xb8;
	[tilespmem:$0x1E080] =	vst v63  }
0x2a: {  	_ = 	snop  }
0x2b: {  	[tilespmem:s22], [sflag:$0x2] =	stream.indirect.gather [hbm4b:s4+s19], $0x80, s21, s19, $0xb8;
	[tilespmem:$0x1E080] =	vst v63  }
0x2c: {  	_ =	swait.ge [sflag:s23], $0x3E80  }
0x2d: {  	[sflag:s23] =	ssyncset.done $0x0  }
0x2e: {  	s29 =	simm.s32 $0x1400;
	[sflag:s23] =	ssyncadd.s32 $0xFFFFC180  }
0x2f: {  	[spmem:s2] =	stream.indirect.scatter.add.f32 [tilespmem:s20], [sflag:$0x3], $0x80, s29, s19, $0xb8;
	[tilespmem:$0x1E080] =	vst v63  }
0x30: {  	_ =	swait.ge [sflag:s17], $0x3E80  }
0x31: {  	[sflag:s17] =	ssyncset.done $0x0  }
0x32: {  	s29 =	simm.s32 $0x100;
	[sflag:s17] =	ssyncadd.s32 $0xFFFFC180  }
0x33: {  	[tilespmem:s20], [sflag:$0x1] =	stream.indirect.gather [hbm4b:s4+s19], $0x80, s29, s19, $0xb8;
	[tilespmem:$0x1E080] =	vst v63  }
0x34: {  	_ =	swait.ge [sflag:s24], $0x3E80  }
0x35: {  	[sflag:s24] =	ssyncset.done $0x0  }
0x36: {  	s29 =	simm.s32 $0x1480;
	[sflag:s24] =	ssyncadd.s32 $0xFFFFC180  }
0x37: {  	[spmem:s2] =	stream.indirect.scatter.add.f32 [tilespmem:s22], [sflag:$0x3], $0x80, s29, s19, $0xb8;
	[tilespmem:$0x1E080] =	vst v63  }
0x38: {  	_ =	swait.ge [sflag:s17], $0x3E80  }
0x39: {  	[sflag:s17] =	ssyncset.done $0x0  }
0x3a: {  	s30 =	simm.s32 $0x180;
	s29 =	simm.s32 $0x400;
	[sflag:s17] =	ssyncadd.s32 $0xFFFFC180  }
.LBB2_2:
0x3b: {  	[tilespmem:s22], [sflag:$0x2] =	stream.indirect.gather [hbm4b:s4+s19], $0x80, s30, s19, $0xb8;
	[tilespmem:$0x1E080] =	vst v63  }
0x3c: {  	s30 =	smov.u32 s29  }
0x3d: {  	p1 =	sne.s32 s29, $0x4800;
	s29 =	sadd.s32 $0x400, s29;
	_ =	swait.ge [sflag:s23], $0x3E80  }
0x3e: {  	s30 =	sshra.s32 s30, $0x2;
	[sflag:s23] =	ssyncset.done $0x0  }
0x3f: {  	s31 =	sadd.s32 $0x1400, s30;
	[sflag:s23] =	ssyncadd.s32 $0xFFFFC180  }
0x40: {  	[spmem:s2] =	stream.indirect.scatter.add.f32 [tilespmem:s20], [sflag:$0x3], $0x80, s31, s19, $0xb8;
	[tilespmem:$0x1E080] =	vst v63  }
0x41: {  	_ =	swait.ge [sflag:s17], $0x3E80  }
0x42: {  	[sflag:s17] =	ssyncset.done $0x0  }
0x43: {  	s31 =	sadd.s32 $0x100, s30;
	[sflag:s17] =	ssyncadd.s32 $0xFFFFC180  }
0x44: {  	[tilespmem:s20], [sflag:$0x1] =	stream.indirect.gather [hbm4b:s4+s19], $0x80, s31, s19, $0xb8;
	[tilespmem:$0x1E080] =	vst v63  }
0x45: {  	_ =	swait.ge [sflag:s24], $0x3E80  }
0x46: {  	[sflag:s24] =	ssyncset.done $0x0  }
.Ltmp0:
0x47: {  	s31 =	sadd.s32 $0x1480, s30;
	[sflag:s24] =	ssyncadd.s32 $0xFFFFC180;
	(pc) =	sbr.rel @p1 .LBB2_2-.Ltmp0, $4  }
0x48: {  	[spmem:s2] =	stream.indirect.scatter.add.f32 [tilespmem:s22], [sflag:$0x3], $0x80, s31, s19, $0xb8;
	[tilespmem:$0x1E080] =	vst v63  }
0x49: {  	_ =	swait.ge [sflag:s17], $0x3E80  }
0x4a: {  	[sflag:s17] =	ssyncset.done $0x0  }
0x4b: {  	s30 =	sadd.s32 $0x180, s30;
	[sflag:s17] =	ssyncadd.s32 $0xFFFFC180  }
0x4c: {  	[tilespmem:s22], [sflag:$0x2] =	stream.indirect.gather [hbm4b:s4+s19], $0x80, s30, s19, $0xb8;
	[tilespmem:$0x1E080] =	vst v63  }
0x4d: {  	_ =	swait.ge [sflag:s23], $0x3E80  }
0x4e: {  	[sflag:s23] =	ssyncset.done $0x0  }
0x4f: {  	[sflag:s23] =	ssyncadd.s32 $0xFFFFC180  }
0x50: {  	[spmem:s2] =	stream.indirect.scatter.add.f32 [tilespmem:s20], [sflag:$0x3], $0x80, s25, s19, $0xb8;
	[tilespmem:$0x1E080] =	vst v63  }
0x51: {  	_ =	swait.ge [sflag:s17], $0x3E80  }
0x52: {  	[sflag:s17] =	ssyncset.done $0x0  }
0x53: {  	[sflag:s17] =	ssyncadd.s32 $0xFFFFC180  }
0x54: {  	_ =	swait.ge [sflag:s24], $0x3E80  }
0x55: {  	[sflag:s24] =	ssyncset.done $0x0  }
0x56: {  	[sflag:s24] =	ssyncadd.s32 $0xFFFFC180  }
0x57: {  	[spmem:s2] =	stream.indirect.scatter.add.f32 [tilespmem:s22], [sflag:$0x3], $0x80, s26, s19, $0xb8;
	[tilespmem:$0x1E080] =	vst v63  }
0x58: {  	_ =	swait.ge [sflag:s17], $0x3E80  }
0x59: {  	[sflag:s17] =	ssyncset.done $0x0  }
0x5a: {  	s29 =	simm.s32 $0x0;
	[sflag:s17] =	ssyncadd.s32 $0xFFFFC180  }
0x5b: {  	[tilespmem:s29], [sflag:$0x3] =	stream.linear.gather [hbm4b:s9+s29], $0x1400, $0x38;
	[tilespmem:$0x1E080] =	vst v63  }
0x5c: {  	_ =	swait.ge [sflag:s17], $0x1400  }
0x5d: {  	[sflag:s17] =	ssyncset.done $0x0  }
0x5e: {  	[sflag:s17] =	ssyncadd.s32 $0xFFFFEC00  }
0x5f: {  	[tilespmem:s18], [sflag:$0x3] =	stream.linear.gather [hbm4b:s10+s29], $0x1400, $0x38;
	[tilespmem:$0x1E080] =	vst v63  }
0x60: {  	_ =	swait.ge [sflag:s17], $0x1400  }
0x61: {  	[sflag:s17] =	ssyncset.done $0x0  }
0x62: {  	[sflag:s17] =	ssyncadd.s32 $0xFFFFEC00  }
0x63: {  	[tilespmem:s20], [sflag:$0x1] =	stream.indirect.gather [hbm4b:s4+s19], $0x80, s29, s19, $0xb8;
	[tilespmem:$0x1E080] =	vst v63  }
0x64: {  	_ = 	snop  }
0x65: {  	[tilespmem:s22], [sflag:$0x2] =	stream.indirect.gather [hbm4b:s4+s19], $0x80, s21, s19, $0xb8;
	[tilespmem:$0x1E080] =	vst v63  }
0x66: {  	_ =	swait.ge [sflag:s23], $0x3E80  }
0x67: {  	[sflag:s23] =	ssyncset.done $0x0  }
0x68: {  	s29 =	simm.s32 $0x1400;
	[sflag:s23] =	ssyncadd.s32 $0xFFFFC180  }
0x69: {  	[spmem:s2] =	stream.indirect.scatter.add.f32 [tilespmem:s20], [sflag:$0x3], $0x80, s29, s19, $0xb8;
	[tilespmem:$0x1E080] =	vst v63  }
0x6a: {  	_ =	swait.ge [sflag:s17], $0x3E80  }
0x6b: {  	[sflag:s17] =	ssyncset.done $0x0  }
0x6c: {  	s29 =	simm.s32 $0x100;
	[sflag:s17] =	ssyncadd.s32 $0xFFFFC180  }
0x6d: {  	[tilespmem:s20], [sflag:$0x1] =	stream.indirect.gather [hbm4b:s4+s19], $0x80, s29, s19, $0xb8;
	[tilespmem:$0x1E080] =	vst v63  }
0x6e: {  	_ =	swait.ge [sflag:s24], $0x3E80  }
0x6f: {  	[sflag:s24] =	ssyncset.done $0x0  }
0x70: {  	s29 =	simm.s32 $0x1480;
	[sflag:s24] =	ssyncadd.s32 $0xFFFFC180  }
0x71: {  	[spmem:s2] =	stream.indirect.scatter.add.f32 [tilespmem:s22], [sflag:$0x3], $0x80, s29, s19, $0xb8;
	[tilespmem:$0x1E080] =	vst v63  }
0x72: {  	_ =	swait.ge [sflag:s17], $0x3E80  }
0x73: {  	[sflag:s17] =	ssyncset.done $0x0  }
0x74: {  	s30 =	simm.s32 $0x180;
	s29 =	simm.s32 $0x400;
	[sflag:s17] =	ssyncadd.s32 $0xFFFFC180  }
.LBB2_4:
0x75: {  	[tilespmem:s22], [sflag:$0x2] =	stream.indirect.gather [hbm4b:s4+s19], $0x80, s30, s19, $0xb8;
	[tilespmem:$0x1E080] =	vst v63  }
0x76: {  	s30 =	smov.u32 s29  }
0x77: {  	p1 =	sne.s32 s29, $0x4800;
	s29 =	sadd.s32 $0x400, s29;
	_ =	swait.ge [sflag:s23], $0x3E80  }
0x78: {  	s30 =	sshra.s32 s30, $0x2;
	[sflag:s23] =	ssyncset.done $0x0  }
0x79: {  	s31 =	sadd.s32 $0x1400, s30;
	[sflag:s23] =	ssyncadd.s32 $0xFFFFC180  }
0x7a: {  	[spmem:s2] =	stream.indirect.scatter.add.f32 [tilespmem:s20], [sflag:$0x3], $0x80, s31, s19, $0xb8;
	[tilespmem:$0x1E080] =	vst v63  }
0x7b: {  	_ =	swait.ge [sflag:s17], $0x3E80  }
0x7c: {  	[sflag:s17] =	ssyncset.done $0x0  }
0x7d: {  	s31 =	sadd.s32 $0x100, s30;
	[sflag:s17] =	ssyncadd.s32 $0xFFFFC180  }
0x7e: {  	[tilespmem:s20], [sflag:$0x1] =	stream.indirect.gather [hbm4b:s4+s19], $0x80, s31, s19, $0xb8;
	[tilespmem:$0x1E080] =	vst v63  }
0x7f: {  	_ =	swait.ge [sflag:s24], $0x3E80  }
0x80: {  	[sflag:s24] =	ssyncset.done $0x0  }
.Ltmp1:
0x81: {  	s31 =	sadd.s32 $0x1480, s30;
	[sflag:s24] =	ssyncadd.s32 $0xFFFFC180;
	(pc) =	sbr.rel @p1 .LBB2_4-.Ltmp1, $4  }
0x82: {  	[spmem:s2] =	stream.indirect.scatter.add.f32 [tilespmem:s22], [sflag:$0x3], $0x80, s31, s19, $0xb8;
	[tilespmem:$0x1E080] =	vst v63  }
0x83: {  	_ =	swait.ge [sflag:s17], $0x3E80  }
0x84: {  	[sflag:s17] =	ssyncset.done $0x0  }
0x85: {  	s30 =	sadd.s32 $0x180, s30;
	[sflag:s17] =	ssyncadd.s32 $0xFFFFC180  }
0x86: {  	[tilespmem:s22], [sflag:$0x2] =	stream.indirect.gather [hbm4b:s4+s19], $0x80, s30, s19, $0xb8;
	[tilespmem:$0x1E080] =	vst v63  }
0x87: {  	_ =	swait.ge [sflag:s23], $0x3E80  }
0x88: {  	[sflag:s23] =	ssyncset.done $0x0  }
0x89: {  	[sflag:s23] =	ssyncadd.s32 $0xFFFFC180  }
0x8a: {  	[spmem:s2] =	stream.indirect.scatter.add.f32 [tilespmem:s20], [sflag:$0x3], $0x80, s25, s19, $0xb8;
	[tilespmem:$0x1E080] =	vst v63  }
0x8b: {  	_ =	swait.ge [sflag:s17], $0x3E80  }
0x8c: {  	[sflag:s17] =	ssyncset.done $0x0  }
0x8d: {  	[sflag:s17] =	ssyncadd.s32 $0xFFFFC180  }
0x8e: {  	_ =	swait.ge [sflag:s24], $0x3E80  }
0x8f: {  	[sflag:s24] =	ssyncset.done $0x0  }
0x90: {  	[sflag:s24] =	ssyncadd.s32 $0xFFFFC180  }
0x91: {  	[spmem:s2] =	stream.indirect.scatter.add.f32 [tilespmem:s22], [sflag:$0x3], $0x80, s26, s19, $0xb8;
	[tilespmem:$0x1E080] =	vst v63  }
0x92: {  	_ =	swait.ge [sflag:s17], $0x3E80  }
0x93: {  	[sflag:s17] =	ssyncset.done $0x0  }
0x94: {  	[sflag:s17] =	ssyncadd.s32 $0xFFFFC180  }
0x95: {  	s29 =	simm.s32 @p0 $0x1FC3;
	[bflag:$0x0] =	sbarrier.arrive $0xFFFF  }
0x96: {  	[hbm:s12], [sflag:s29] =	dma.local @p0 [spmem:s14], $0x2800  }
0x97: {  	s29 =	simm.s32 @p0 $0x3  }
0x98: {  	s28 =	sadd.s32 $0x1, s28;
	_ =	swait.ge @p0 [sflag:s29], $0x2800  }
0x99: {  	p1 =	sne.s32 s28, s13;
	[sflag:s29] =	ssyncset.done @p0 $0x0  }
.Ltmp2:
0x9a: {  	[sflag:s29] =	ssyncadd.s32 @p0 $0xFFFFD800;
	s29 =	simm.s32 @!p0 $0x3;
	(pc) =	sbr.rel @p1 .LBB2_1-.Ltmp2, $4  }
0x9b: {  	[hbm:s11], [sflag:s15] =	dma.local @!p0 [spmem:s16], $0x2700  }
0x9c: {  	_ =	swait.ge @!p0 [sflag:s29], $0x2700  }
0x9d: {  	[sflag:s29] =	ssyncset.done @!p0 $0x0  }
0x9e: {  	[sflag:s29] =	ssyncadd.s32 @!p0 $0xFFFFD900  }
0x9f: {  	_ =	sfence.sel $0x180000  }
0xa0: {  	[bflag:$0x0] =	sbarrier.arrive $0xFFFF  }
0xa1: {  	p0 =	sne.s32 s1, $0x0;
	_ =	strace $0x9000004A  }
0xa2: {  	s0 =	sadd.s32 @!p0 $0x100000, s0;
	[bflag:$0x2] =	sbarrier.arrive $0xFFFF  }
0xa3: {  	[sflag:s0] =	ssyncadd.tile.s32 @!p0 $0x1;
	_ =	shalt  }
.Lfunc_end2:
_tile_overlayer_lowered:
.L_overlay_start_2:
0xa4: {  	(tag) =	ssettag $0x2  }
0xa5: {  	s0 =	rddreg [dreg:$0x0];
	s2 =	stileid.u32  }
0xa6: {  	s1 =	rddreg [dreg:$0x1];
	p0 =	sne.s32 s2, $0x0  }
0xa7: {  	s3 =	rddreg [dreg:$0x2];
	[bflag:$0x3] =	sbarrier.arrive $0xFFFF;
	s2 =	simm.s32 @!p0 $0x1C03  }
0xa8: {  	[timem:s3], [sflag:s2] =	dma.local @!p0 [hbm:s0], s1  }
0xa9: {  	s0 =	simm.s32 @!p0 $0x3  }
0xaa: {  	_ =	swait.ge @!p0 [sflag:s0], s1  }
0xab: {  	s1 =	ssub.s32 @!p0 $0x0, s1;
	[sflag:s0] =	ssyncset.done @!p0 $0x0  }
0xac: {  	[sflag:s0] =	ssyncadd.s32 @!p0 s1  }
0xad: {  	[bflag:$0x3] =	sbarrier.arrive $0xFFFF  }
0xae: {  	_ =	shalt  }

// kernel: kernel.19.cloned.1.call-start
scs
__scs_entry_jumppad:
0x0: {  	(pc) =	sbr.rel $0x88, $3  }
0x1: {  	(tag) =	ssettag $0x0;
	lr =	simm.s32 $0x1  }
0x2: {  	[smem:$0x3F92] =	sst lr;
	_ =	strace $0xD0000000  }
0x3: {  	_ = 	snop  }
0x4: {  	_ = 	snop  }
0x5: {  	_ = 	snop  }
0x6: {  	_ = 	snop  }
0x7: {  	_ = 	snop  }
__scs_overlays_trampoline_lowered:
0x8: {  	[smem:$0x3FA1] =	sst s0  }
0x9: {  	[smem:$0x3FA2] =	sst s1  }
0xa: {  	[smem:$0x3FA3] =	sst s2  }
0xb: {  	[smem:$0x3FA4] =	sst s3  }
0xc: {  	[smem:$0x3FA5] =	sst s4  }
0xd: {  	[smem:$0x3FA6] =	sst s5  }
0xe: {  	[smem:$0x3FA7] =	sst s6  }
0xf: {  	[smem:$0x3FA8] =	sst s7  }
0x10: {  	[smem:$0x3FA9] =	sst s8  }
0x11: {  	[smem:$0x3FAA] =	sst s9;
	s0 =	simm.s32 @!p0 $0x0  }
0x12: {  	s1 =	sld [smem:$0x3F90];
	s0 =	simm.s32 @p0 $0x1  }
0x13: {  	[smem:$0x3FAB] =	sst s0;
	s0 =	simm.s32 @!p1 $0x0  }
0x14: {  	s2 =	sld [smem:$0x3F8F];
	s0 =	simm.s32 @p1 $0x1  }
0x15: {  	[smem:$0x3FAC] =	sst s0;
	s0 =	simm.s32 @!p2 $0x0  }
0x16: {  	s3 =	sld [smem:$0x3FDB];
	s0 =	simm.s32 @p2 $0x1  }
0x17: {  	s4 =	simm.s32 $0x1BF5;
	[smem:$0x3FAE] =	sst s0  }
0x18: {  	s0 =	sld [smem:$0x3F91];
	_ =	swait.ge [sflag:s4], $0x0  }
0x19: {  	s7 =	sld [smem:$0x3F92]  }
0x1a: {  	s8 =	sadd.s32 $0xFFFFE003, lr  }
0x1b: {  	s9 =	sadd.s32 $0xFFFFFEF7, lr;
	s5 =	simm.s32 $0xFFFFFFFF;
	p2 =	slt.u32 s8, $0xFFFFF086  }
0x1c: {  	p1 =	slt.u32 s9, $0xF7A;
	s5 =	simm.s32 @!p2 $0x0  }
0x1d: {  	s5 =	simm.s32 @p1 $0x1;
	p0 =	seq.s32 s7, s2  }
0x1e: {  	s7 =	smul.u32 @!p0 $0xF7A, s2;
	p2 =	seq.s32 @!p0 s5, $0x0  }
0x1f: {  	s9 =	smul.u32 $0xF7A, s1;
	s8 =	simm.s32 @!p0 $0x1BF5;
	p2 =	por !p2, p0  }
0x20: {  	[sflag:s8] =	ssyncset.s32 @!p0 $0xFFFFF086;
	s6 =	sadd.s32 @!p0 s3, s7;
	s7 =	simm.s32 @!p0 $0x108  }
0x21: {  	s3 =	sadd.s32 s3, s9;
	s6 =	sadd.s32 @!p0 $0x88, s6;
	s7 =	simm.s32 @p2 $0x1082  }
0x22: {  	[simem:s7], [sflag:s8] =	dma.local @!p0 [hbm:s6], $0xF7A  }
0x23: {  	s9 =	sor.u32 $0xD0000000, s2;
	s6 =	simm.s32 $0x108;
	_ =	swait.ge @!p0 [sflag:s8], $0x0  }
0x24: {  	s3 =	sadd.s32 $0x88, s3;
	s6 =	simm.s32 @!p1 $0x1082;
	[sflag:s4] =	ssyncset.s32 $0xFFFFF086  }
0x25: {  	[simem:s6], [sflag:s4] =	dma.local [hbm:s3], $0xF7A  }
0x26: {  	[smem:$0x3F92] =	sst s1;
	(tag) =	ssettag s2;
	_ =	strace s9  }
0x27: {  	s1 =	sld [smem:$0x3FA2]  }
0x28: {  	s2 =	sld [smem:$0x3FA3]  }
0x29: {  	s4 =	sld [smem:$0x3FA5]  }
0x2a: {  	p0 =	seq.s32 s5, $0x0;
	s5 =	sld [smem:$0x3FA6]  }
0x2b: {  	s6 =	sld [smem:$0x3FA7]  }
0x2c: {  	s7 =	sld [smem:$0x3FA8]  }
0x2d: {  	s3 =	simm.s32 $0x108;
	s8 =	sld [smem:$0x3FA9]  }
0x2e: {  	s3 =	simm.s32 @!p0 $0x1082;
	s9 =	sld [smem:$0x3FAA]  }
0x2f: {  	lr =	sadd.s32 s0, s3;
	s0 =	sld [smem:$0x3FA1]  }
0x30: {  	s3 =	sld [smem:$0x3FA4]  }
0x31: {  	[smem:$0x3FAD] =	sst s10  }
0x32: {  	s10 =	sld [smem:$0x3FAB];
	_ =	sdelay $0x3  }
0x33: {  	p0 =	seq.s32 s10, $0x1;
	s10 =	sld [smem:$0x3FAD];
	_ =	sdelay $0x3  }
0x34: {  	[smem:$0x3FAD] =	sst s10  }
0x35: {  	s10 =	sld [smem:$0x3FAC];
	_ =	sdelay $0x3  }
0x36: {  	p1 =	seq.s32 s10, $0x1;
	s10 =	sld [smem:$0x3FAD];
	_ =	sdelay $0x3  }
0x37: {  	[smem:$0x3FAD] =	sst s10  }
0x38: {  	s10 =	sld [smem:$0x3FAE]  }
0x39: {  	_ = 	snop;
	(pc) =	sbr.ind lr, $3  }
0x3a: {  	_ = 	snop  }
0x3b: {  	_ = 	snop  }
0x3c: {  	p2 =	seq.s32 s10, $0x1;
	s10 =	sld [smem:$0x3FAD]  }
0x3d: {  	_ =	shalt  }
0x3e: {  	_ =	shalt  }
0x3f: {  	_ =	shalt  }
0x40: {  	_ =	shalt  }
0x41: {  	_ =	shalt  }
0x42: {  	_ =	shalt  }
0x43: {  	_ =	shalt  }
0x44: {  	_ =	shalt  }
0x45: {  	_ =	shalt  }
0x46: {  	_ =	shalt  }
0x47: {  	_ =	shalt  }
0x48: {  	_ =	shalt  }
0x49: {  	_ =	shalt  }
0x4a: {  	_ =	shalt  }
0x4b: {  	_ =	shalt  }
0x4c: {  	_ =	shalt  }
0x4d: {  	_ =	shalt  }
0x4e: {  	_ =	shalt  }
0x4f: {  	_ =	shalt  }
0x50: {  	_ =	shalt  }
0x51: {  	_ =	shalt  }
0x52: {  	_ =	shalt  }
0x53: {  	_ =	shalt  }
0x54: {  	_ =	shalt  }
0x55: {  	_ =	shalt  }
0x56: {  	_ =	shalt  }
0x57: {  	_ =	shalt  }
0x58: {  	_ =	shalt  }
0x59: {  	_ =	shalt  }
0x5a: {  	_ =	shalt  }
0x5b: {  	_ =	shalt  }
0x5c: {  	_ =	shalt  }
0x5d: {  	_ =	shalt  }
0x5e: {  	_ =	shalt  }
0x5f: {  	_ =	shalt  }
0x60: {  	_ =	shalt  }
0x61: {  	_ =	shalt  }
0x62: {  	_ =	shalt  }
0x63: {  	_ =	shalt  }
0x64: {  	_ =	shalt  }
0x65: {  	_ =	shalt  }
0x66: {  	_ =	shalt  }
0x67: {  	_ =	shalt  }
0x68: {  	_ =	shalt  }
0x69: {  	_ =	shalt  }
0x6a: {  	_ =	shalt  }
0x6b: {  	_ =	shalt  }
0x6c: {  	_ =	shalt  }
0x6d: {  	_ =	shalt  }
0x6e: {  	_ =	shalt  }
0x6f: {  	_ =	shalt  }
0x70: {  	_ =	shalt  }
0x71: {  	_ =	shalt  }
0x72: {  	_ =	shalt  }
0x73: {  	_ =	shalt  }
0x74: {  	_ =	shalt  }
0x75: {  	_ =	shalt  }
0x76: {  	_ =	shalt  }
0x77: {  	_ =	shalt  }
0x78: {  	_ =	shalt  }
0x79: {  	_ =	shalt  }
0x7a: {  	_ =	shalt  }
0x7b: {  	_ =	shalt  }
0x7c: {  	_ =	shalt  }
0x7d: {  	_ =	shalt  }
0x7e: {  	_ =	shalt  }
0x7f: {  	_ =	shalt  }
0x80: {  	_ =	shalt  }
0x81: {  	_ =	shalt  }
0x82: {  	_ =	shalt  }
0x83: {  	_ =	shalt  }
0x84: {  	_ =	shalt  }
0x85: {  	_ =	shalt  }
0x86: {  	_ =	shalt  }
0x87: {  	_ =	shalt  }
.Lfunc_end0:
.L_simem_size_0:
called_computation.2_lowered:
.L_overlay_start_0:
0x88: {  	s2 =	sld [smem:$0x3FD9]  }
0x89: {  	s3 =	sld [smem:$0x3FFE];
	_ =	sdelay $0x1  }
0x8a: {  	s1 =	srdreg.scid  }
0x8b: {  	s0 =	sand.u32 $0x1, s1  }
0x8c: {  	s16 =	sshll.u32 s0, $0xA;
	s2 =	sadd.s32 s3, s2  }
0x8d: {  	s2 =	sadd.s32 s2, s16  }
0x8e: {  	[smem:$0x3FB9] =	sst s2  }
0x8f: {  	_ = 	snop  }
0x90: {  	(tm) =	ssettm $0x1  }
0x91: {  	s17 =	sld [smem:$0x3FFB];
	_ =	sdelay $0x3  }
0x92: {  	_ =	strace s17  }
0x93: {  	s2 =	sld [smem:$0x3FFC];
	_ =	sdelay $0x3  }
0x94: {  	_ =	strace s2  }
0x95: {  	s2 =	sld [smem:$0x3FFD];
	_ =	sdelay $0x3  }
0x96: {  	_ =	strace s2  }
0x97: {  	_ =	strace $0x8FFFFFFF  }
0x98: {  	s18 =	sld [smem:$0x3FDB];
	_ =	sdelay $0x1  }
0x99: {  	s19 =	simm.s32 $_scs_section_size  }
0x9a: {  	s4 =	simm.s32 $_size__tile_overlayer_lowered;
	s5 =	simm.s32 $_tile_overlayer_lowered  }
0x9b: {  	s22 =	simm.s32 $0x1BFF;
	s21 =	sshll.u32 s5, $0x1;
	s2 =	sadd.s32 s19, s18  }
0x9c: {  	s6 =	simm.s32 $0x0;
	s20 =	sshll.u32 s4, $0x1;
	s4 =	sadd.s32 s21, s2  }
0x9d: {  	[timem:s6], [sflag:s22] =	dma.local [hbm:s4], s20  }
0x9e: {  	_ =	swait.ge [sflag:s22], s20  }
0x9f: {  	s3 =	ssub.s32 $0x0, s20;
	[sflag:s22] =	ssyncset.done $0x0  }
0xa0: {  	[sflag:s22] =	ssyncadd.s32 s3;
	_ =	sdelay $0x1  }
0xa1: {  	s23 =	simm.s32 $0x1B8B  }
0xa2: {  	_ =	swait.ge [sflag:s23], $0x1  }
0xa3: {  	[sflag:s23] =	ssyncset.done $0x0  }
0xa4: {  	s25 =	simm.s32 $0x1B8E;
	s24 =	sld [smem:$0x3FFE];
	[sflag:s23] =	ssyncadd.s32 $0xFFFFFFFF  }
0xa5: {  	s26 =	simm.s32 $execute0_lowered;
	[smem:$0x3FD2] =	sst s25  }
0xa6: {  	s4 =	sshll.u32 s26, $0x1;
	_ =	strace $0x8000004C;
	[dreg:$0x1] =	wrdreg $0xFFFFFFFF  }
0xa7: {  	s28 =	simm.s32 $_size_execute0_lowered;
	s2 =	sadd.s32 s2, s4;
	[dreg:$0x0] =	wrdreg $0x0  }
0xa8: {  	s4 =	sshll.u32 s28, $0x1;
	[dreg:$0x2] =	wrdreg s2  }
0xa9: {  	[dreg:$0x3] =	wrdreg s4  }
0xaa: {  	[dreg:$0x4] =	wrdreg $0xC0  }
0xab: {  	_ =	task [dreg:s6], $0x5FFFF  }
0xac: {  	[dreg:$0x1] =	wrdreg $0xFFFFFFFF  }
0xad: {  	[dreg:$0x0] =	wrdreg $0x60  }
0xae: {  	[dreg:$0x2] =	wrdreg s24  }
0xaf: {  	[dreg:$0x3] =	wrdreg $0xA8000  }
0xb0: {  	[dreg:$0x4] =	wrdreg $0x9  }
0xb1: {  	_ =	task.clear_ibuf [dreg:s6], $0x5FFFF;
	_ =	strace $0x9000004C  }
0xb2: {  	s29 =	simm.s32 $0x9;
	_ =	strace $0x8000004E  }
0xb3: {  	_ =	swait.ge [sflag:s29], $0x1  }
0xb4: {  	[sflag:s29] =	ssyncadd.s32 $0xFFFFFFFF  }
0xb5: {  	_ =	strace $0x9000004E  }
0xb6: {  	_ =	sfence  }
0xb7: {  	s30 =	sld [smem:$0x0];
	_ =	sdelay $0x2  }
0xb8: {  	s31 =	sshll.u32 s1, $0xD;
	s1 =	sshrl.u32 s1, $0x2  }
0xb9: {  	s3 =	sand.u32 $0x4000, s31;
	s1 =	sadd.s32 s1, s30  }
0xba: {  	s0 =	sor.u32 s3, s0;
	s1 =	sshll.u32 s1, $0x11  }
0xbb: {  	s0 =	sor.u32 s1, s0  }
0xbc: {  	s0 =	sadd.s32 $0x8F2B, s0  }
0xbd: {  	[sflag:s0] =	ssyncadd.remote.s32 $0x1  }
0xbe: {  	_ =	sfence.sel $0xFFFF  }
0xbf: {  	[dreg:$0x0] =	wrdreg $0xFFFFFFFF;
	(pc) =	sbr.abs _section_cstart, $3  }
0xc0: {  	[dreg:$0x1] =	wrdreg $0xFFFFFFFF  }
0xc1: {  	_ =	task.clear_ibuf [dreg:s6], $0x2FFFF;
	_ =	strace $0x9FFFFFFF  }
0xc2: {  	(tm) =	ssettm $0x7FFFFFFF  }
0xc3: {  	_ =	shalt  }
tec
execute0_lowered:
.L_overlay_start_1:
0x0: {  	(tag) =	ssettag $0x1  }
0x1: {  	s6 =	rddreg [dreg:$0x0]  }
0x2: {  	s2 =	rddreg [dreg:$0x1]  }
0x3: {  	s0 =	rddreg [dreg:$0x2];
	s3 =	simm.s32 $0x0  }
0x4: {  	s1 =	stileid.u32;
	s7 =	srdreg.scid;
	s18 =	simm.s32 $0x1400  }
0x5: {  	s19 =	simm.s32 $0x7D;
	s20 =	simm.s32 $0x2800;
	s21 =	simm.s32 $0x80  }
0x6: {  	s22 =	simm.s32 $0x6800;
	s23 =	simm.s32 $0x1;
	s24 =	simm.s32 $0x2  }
0x7: {  	s25 =	simm.s32 $0x2700;
	s26 =	simm.s32 $0x2780;
	s28 =	simm.s32 $0x0  }
0x8: {  	[smem:$0x7FF] =	sst s3;
	s5 =	smul.u32 $0x2700, s1;
	s4 =	sadd.s32 $0x40800, s6  }
0x9: {  	s9 =	sadd.s32 $0x2C800, s6;
	s10 =	sadd.s32 $0x36800, s6;
	s7 =	sand.u32 $0x1, s7  }
0xa: {  	s8 =	sshll.u32 s1, $0x1;
	s11 =	smul.u32 $0x4E000, s1;
	s12 =	sadd.s32 $0xB5C00, s6  }
0xb: {  	s17 =	smul.u32 $0x13800, s1;
	p0 =	seq.s32 s1, $0xF;
	_ =	strace $0x8000004D  }
0xc: {  	s13 =	ssub.s32 $0x2, s7;
	s8 =	sor.u32 s7, s8;
	s29 =	smul.u32 $0x138800, s7  }
0xd: {  	s5 =	sadd.s32 s5, s6;
	s14 =	sshrl.u32 s13, $0x1;
	s11 =	sshrl.u32 s11, $0x2  }
0xe: {  	s8 =	smul.u32 $0x2800, s8;
	s6 =	sadd.s32 $0x29700, s6;
	s13 =	ssub.s32 s13, s14  }
0xf: {  	s16 =	sadd.s32 s11, s2;
	s5 =	sadd.s32 $0x4E00, s5;
	s14 =	sadd.s32 $0x124800, s2  }
0x10: {  	s30 =	sadd.s32 s17, s29;
	s11 =	sshrl.u32 s29, $0x3;
	s17 =	simm.s32 $0x3  }
0x11: {  	s8 =	sshrl.u32 s8, $0x3;
	s31 =	sadd.s32 s12, s11;
	s13 =	smax.u32 s13, $0x1  }
0x12: {  	s15 =	sadd.s32 $0x280, s8;
	s7 =	sadd.s32 s9, s8;
	s8 =	sadd.s32 s10, s8  }
0x13: {  	s9 =	sadd.s32 s9, s15;
	s10 =	sadd.s32 s10, s15;
	s15 =	sshrl.u32 s30, $0x3  }
0x14: {  	s14 =	sshrl.u32 @p0 s14, $0x3;
	s11 =	sadd.s32 s12, s15;
	s15 =	sshll.u32 @!p0 s1, $0x6  }
0x15: {  	s16 =	sshrl.u32 @!p0 s16, $0x3;
	s12 =	sadd.s32 $0x24900, s31;
	s15 =	sor.u32 @!p0 $0x1C03, s15  }
.LBB2_1:
0x16: {  	s29 =	simm.s32 @p0 $0x1FC3  }
0x17: {  	[spmem:s14], [sflag:s29] =	dma.local @p0 [hbm:s6], $0x2800  }
0x18: {  	s29 =	simm.s32 @p0 $0x3  }
0x19: {  	_ =	swait.ge @p0 [sflag:s29], $0x2800  }
0x1a: {  	[sflag:s29] =	ssyncset.done @p0 $0x0  }
0x1b: {  	[sflag:s29] =	ssyncadd.s32 @p0 $0xFFFFD800;
	s29 =	simm.s32 @!p0 $0x3  }
0x1c: {  	[spmem:s16], [sflag:s15] =	dma.local @!p0 [hbm:s5], $0x2700  }
0x1d: {  	_ =	swait.ge @!p0 [sflag:s29], $0x2700  }
0x1e: {  	[sflag:s29] =	ssyncset.done @!p0 $0x0  }
0x1f: {  	[sflag:s29] =	ssyncadd.s32 @!p0 $0xFFFFD900  }
0x20: {  	[bflag:$0x0] =	sbarrier.arrive $0xFFFF  }
0x21: {  	[tilespmem:s3], [sflag:$0x3] =	stream.linear.gather [hbm4b:s7+s3], $0x1400, $0x38;
	[tilespmem:$0x1E080] =	vst v63  }
0x22: {  	_ =	swait.ge [sflag:s17], $0x1400  }
0x23: {  	[sflag:s17] =	ssyncset.done $0x0  }
0x24: {  	[sflag:s17] =	ssyncadd.s32 $0xFFFFEC00  }
0x25: {  	[tilespmem:s18], [sflag:$0x3] =	stream.linear.gather [hbm4b:s8+s3], $0x1400, $0x38;
	[tilespmem:$0x1E080] =	vst v63  }
0x26: {  	_ =	swait.ge [sflag:s17], $0x1400  }
0x27: {  	[sflag:s17] =	ssyncset.done $0x0  }
0x28: {  	[sflag:s17] =	ssyncadd.s32 $0xFFFFEC00  }
0x29: {  	[tilespmem:s20], [sflag:$0x1] =	stream.indirect.gather [hbm4b:s4+s19], $0x80, s3, s19, $0xb8;
	[tilespmem:$0x1E080] =	vst v63  }
0x2a: {  	_ = 	snop  }
0x2b: {  	[tilespmem:s22], [sflag:$0x2] =	stream.indirect.gather [hbm4b:s4+s19], $0x80, s21, s19, $0xb8;
	[tilespmem:$0x1E080] =	vst v63  }
0x2c: {  	_ =	swait.ge [sflag:s23], $0x3E80  }
0x2d: {  	[sflag:s23] =	ssyncset.done $0x0  }
0x2e: {  	s29 =	simm.s32 $0x1400;
	[sflag:s23] =	ssyncadd.s32 $0xFFFFC180  }
0x2f: {  	[spmem:s2] =	stream.indirect.scatter.add.f32 [tilespmem:s20], [sflag:$0x3], $0x80, s29, s19, $0xb8;
	[tilespmem:$0x1E080] =	vst v63  }
0x30: {  	_ =	swait.ge [sflag:s17], $0x3E80  }
0x31: {  	[sflag:s17] =	ssyncset.done $0x0  }
0x32: {  	s29 =	simm.s32 $0x100;
	[sflag:s17] =	ssyncadd.s32 $0xFFFFC180  }
0x33: {  	[tilespmem:s20], [sflag:$0x1] =	stream.indirect.gather [hbm4b:s4+s19], $0x80, s29, s19, $0xb8;
	[tilespmem:$0x1E080] =	vst v63  }
0x34: {  	_ =	swait.ge [sflag:s24], $0x3E80  }
0x35: {  	[sflag:s24] =	ssyncset.done $0x0  }
0x36: {  	s29 =	simm.s32 $0x1480;
	[sflag:s24] =	ssyncadd.s32 $0xFFFFC180  }
0x37: {  	[spmem:s2] =	stream.indirect.scatter.add.f32 [tilespmem:s22], [sflag:$0x3], $0x80, s29, s19, $0xb8;
	[tilespmem:$0x1E080] =	vst v63  }
0x38: {  	_ =	swait.ge [sflag:s17], $0x3E80  }
0x39: {  	[sflag:s17] =	ssyncset.done $0x0  }
0x3a: {  	s30 =	simm.s32 $0x180;
	s29 =	simm.s32 $0x400;
	[sflag:s17] =	ssyncadd.s32 $0xFFFFC180  }
.LBB2_2:
0x3b: {  	[tilespmem:s22], [sflag:$0x2] =	stream.indirect.gather [hbm4b:s4+s19], $0x80, s30, s19, $0xb8;
	[tilespmem:$0x1E080] =	vst v63  }
0x3c: {  	s30 =	smov.u32 s29  }
0x3d: {  	p1 =	sne.s32 s29, $0x4800;
	s29 =	sadd.s32 $0x400, s29;
	_ =	swait.ge [sflag:s23], $0x3E80  }
0x3e: {  	s30 =	sshra.s32 s30, $0x2;
	[sflag:s23] =	ssyncset.done $0x0  }
0x3f: {  	s31 =	sadd.s32 $0x1400, s30;
	[sflag:s23] =	ssyncadd.s32 $0xFFFFC180  }
0x40: {  	[spmem:s2] =	stream.indirect.scatter.add.f32 [tilespmem:s20], [sflag:$0x3], $0x80, s31, s19, $0xb8;
	[tilespmem:$0x1E080] =	vst v63  }
0x41: {  	_ =	swait.ge [sflag:s17], $0x3E80  }
0x42: {  	[sflag:s17] =	ssyncset.done $0x0  }
0x43: {  	s31 =	sadd.s32 $0x100, s30;
	[sflag:s17] =	ssyncadd.s32 $0xFFFFC180  }
0x44: {  	[tilespmem:s20], [sflag:$0x1] =	stream.indirect.gather [hbm4b:s4+s19], $0x80, s31, s19, $0xb8;
	[tilespmem:$0x1E080] =	vst v63  }
0x45: {  	_ =	swait.ge [sflag:s24], $0x3E80  }
0x46: {  	[sflag:s24] =	ssyncset.done $0x0  }
.Ltmp0:
0x47: {  	s31 =	sadd.s32 $0x1480, s30;
	[sflag:s24] =	ssyncadd.s32 $0xFFFFC180;
	(pc) =	sbr.rel @p1 .LBB2_2-.Ltmp0, $4  }
0x48: {  	[spmem:s2] =	stream.indirect.scatter.add.f32 [tilespmem:s22], [sflag:$0x3], $0x80, s31, s19, $0xb8;
	[tilespmem:$0x1E080] =	vst v63  }
0x49: {  	_ =	swait.ge [sflag:s17], $0x3E80  }
0x4a: {  	[sflag:s17] =	ssyncset.done $0x0  }
0x4b: {  	s30 =	sadd.s32 $0x180, s30;
	[sflag:s17] =	ssyncadd.s32 $0xFFFFC180  }
0x4c: {  	[tilespmem:s22], [sflag:$0x2] =	stream.indirect.gather [hbm4b:s4+s19], $0x80, s30, s19, $0xb8;
	[tilespmem:$0x1E080] =	vst v63  }
0x4d: {  	_ =	swait.ge [sflag:s23], $0x3E80  }
0x4e: {  	[sflag:s23] =	ssyncset.done $0x0  }
0x4f: {  	[sflag:s23] =	ssyncadd.s32 $0xFFFFC180  }
0x50: {  	[spmem:s2] =	stream.indirect.scatter.add.f32 [tilespmem:s20], [sflag:$0x3], $0x80, s25, s19, $0xb8;
	[tilespmem:$0x1E080] =	vst v63  }
0x51: {  	_ =	swait.ge [sflag:s17], $0x3E80  }
0x52: {  	[sflag:s17] =	ssyncset.done $0x0  }
0x53: {  	[sflag:s17] =	ssyncadd.s32 $0xFFFFC180  }
0x54: {  	_ =	swait.ge [sflag:s24], $0x3E80  }
0x55: {  	[sflag:s24] =	ssyncset.done $0x0  }
0x56: {  	[sflag:s24] =	ssyncadd.s32 $0xFFFFC180  }
0x57: {  	[spmem:s2] =	stream.indirect.scatter.add.f32 [tilespmem:s22], [sflag:$0x3], $0x80, s26, s19, $0xb8;
	[tilespmem:$0x1E080] =	vst v63  }
0x58: {  	_ =	swait.ge [sflag:s17], $0x3E80  }
0x59: {  	[sflag:s17] =	ssyncset.done $0x0  }
0x5a: {  	s29 =	simm.s32 $0x0;
	[sflag:s17] =	ssyncadd.s32 $0xFFFFC180  }
0x5b: {  	[tilespmem:s29], [sflag:$0x3] =	stream.linear.gather [hbm4b:s9+s29], $0x1400, $0x38;
	[tilespmem:$0x1E080] =	vst v63  }
0x5c: {  	_ =	swait.ge [sflag:s17], $0x1400  }
0x5d: {  	[sflag:s17] =	ssyncset.done $0x0  }
0x5e: {  	[sflag:s17] =	ssyncadd.s32 $0xFFFFEC00  }
0x5f: {  	[tilespmem:s18], [sflag:$0x3] =	stream.linear.gather [hbm4b:s10+s29], $0x1400, $0x38;
	[tilespmem:$0x1E080] =	vst v63  }
0x60: {  	_ =	swait.ge [sflag:s17], $0x1400  }
0x61: {  	[sflag:s17] =	ssyncset.done $0x0  }
0x62: {  	[sflag:s17] =	ssyncadd.s32 $0xFFFFEC00  }
0x63: {  	[tilespmem:s20], [sflag:$0x1] =	stream.indirect.gather [hbm4b:s4+s19], $0x80, s29, s19, $0xb8;
	[tilespmem:$0x1E080] =	vst v63  }
0x64: {  	_ = 	snop  }
0x65: {  	[tilespmem:s22], [sflag:$0x2] =	stream.indirect.gather [hbm4b:s4+s19], $0x80, s21, s19, $0xb8;
	[tilespmem:$0x1E080] =	vst v63  }
0x66: {  	_ =	swait.ge [sflag:s23], $0x3E80  }
0x67: {  	[sflag:s23] =	ssyncset.done $0x0  }
0x68: {  	s29 =	simm.s32 $0x1400;
	[sflag:s23] =	ssyncadd.s32 $0xFFFFC180  }
0x69: {  	[spmem:s2] =	stream.indirect.scatter.add.f32 [tilespmem:s20], [sflag:$0x3], $0x80, s29, s19, $0xb8;
	[tilespmem:$0x1E080] =	vst v63  }
0x6a: {  	_ =	swait.ge [sflag:s17], $0x3E80  }
0x6b: {  	[sflag:s17] =	ssyncset.done $0x0  }
0x6c: {  	s29 =	simm.s32 $0x100;
	[sflag:s17] =	ssyncadd.s32 $0xFFFFC180  }
0x6d: {  	[tilespmem:s20], [sflag:$0x1] =	stream.indirect.gather [hbm4b:s4+s19], $0x80, s29, s19, $0xb8;
	[tilespmem:$0x1E080] =	vst v63  }
0x6e: {  	_ =	swait.ge [sflag:s24], $0x3E80  }
0x6f: {  	[sflag:s24] =	ssyncset.done $0x0  }
0x70: {  	s29 =	simm.s32 $0x1480;
	[sflag:s24] =	ssyncadd.s32 $0xFFFFC180  }
0x71: {  	[spmem:s2] =	stream.indirect.scatter.add.f32 [tilespmem:s22], [sflag:$0x3], $0x80, s29, s19, $0xb8;
	[tilespmem:$0x1E080] =	vst v63  }
0x72: {  	_ =	swait.ge [sflag:s17], $0x3E80  }
0x73: {  	[sflag:s17] =	ssyncset.done $0x0  }
0x74: {  	s30 =	simm.s32 $0x180;
	s29 =	simm.s32 $0x400;
	[sflag:s17] =	ssyncadd.s32 $0xFFFFC180  }
.LBB2_4:
0x75: {  	[tilespmem:s22], [sflag:$0x2] =	stream.indirect.gather [hbm4b:s4+s19], $0x80, s30, s19, $0xb8;
	[tilespmem:$0x1E080] =	vst v63  }
0x76: {  	s30 =	smov.u32 s29  }
0x77: {  	p1 =	sne.s32 s29, $0x4800;
	s29 =	sadd.s32 $0x400, s29;
	_ =	swait.ge [sflag:s23], $0x3E80  }
0x78: {  	s30 =	sshra.s32 s30, $0x2;
	[sflag:s23] =	ssyncset.done $0x0  }
0x79: {  	s31 =	sadd.s32 $0x1400, s30;
	[sflag:s23] =	ssyncadd.s32 $0xFFFFC180  }
0x7a: {  	[spmem:s2] =	stream.indirect.scatter.add.f32 [tilespmem:s20], [sflag:$0x3], $0x80, s31, s19, $0xb8;
	[tilespmem:$0x1E080] =	vst v63  }
0x7b: {  	_ =	swait.ge [sflag:s17], $0x3E80  }
0x7c: {  	[sflag:s17] =	ssyncset.done $0x0  }
0x7d: {  	s31 =	sadd.s32 $0x100, s30;
	[sflag:s17] =	ssyncadd.s32 $0xFFFFC180  }
0x7e: {  	[tilespmem:s20], [sflag:$0x1] =	stream.indirect.gather [hbm4b:s4+s19], $0x80, s31, s19, $0xb8;
	[tilespmem:$0x1E080] =	vst v63  }
0x7f: {  	_ =	swait.ge [sflag:s24], $0x3E80  }
0x80: {  	[sflag:s24] =	ssyncset.done $0x0  }
.Ltmp1:
0x81: {  	s31 =	sadd.s32 $0x1480, s30;
	[sflag:s24] =	ssyncadd.s32 $0xFFFFC180;
	(pc) =	sbr.rel @p1 .LBB2_4-.Ltmp1, $4  }
0x82: {  	[spmem:s2] =	stream.indirect.scatter.add.f32 [tilespmem:s22], [sflag:$0x3], $0x80, s31, s19, $0xb8;
	[tilespmem:$0x1E080] =	vst v63  }
0x83: {  	_ =	swait.ge [sflag:s17], $0x3E80  }
0x84: {  	[sflag:s17] =	ssyncset.done $0x0  }
0x85: {  	s30 =	sadd.s32 $0x180, s30;
	[sflag:s17] =	ssyncadd.s32 $0xFFFFC180  }
0x86: {  	[tilespmem:s22], [sflag:$0x2] =	stream.indirect.gather [hbm4b:s4+s19], $0x80, s30, s19, $0xb8;
	[tilespmem:$0x1E080] =	vst v63  }
0x87: {  	_ =	swait.ge [sflag:s23], $0x3E80  }
0x88: {  	[sflag:s23] =	ssyncset.done $0x0  }
0x89: {  	[sflag:s23] =	ssyncadd.s32 $0xFFFFC180  }
0x8a: {  	[spmem:s2] =	stream.indirect.scatter.add.f32 [tilespmem:s20], [sflag:$0x3], $0x80, s25, s19, $0xb8;
	[tilespmem:$0x1E080] =	vst v63  }
0x8b: {  	_ =	swait.ge [sflag:s17], $0x3E80  }
0x8c: {  	[sflag:s17] =	ssyncset.done $0x0  }
0x8d: {  	[sflag:s17] =	ssyncadd.s32 $0xFFFFC180  }
0x8e: {  	_ =	swait.ge [sflag:s24], $0x3E80  }
0x8f: {  	[sflag:s24] =	ssyncset.done $0x0  }
0x90: {  	[sflag:s24] =	ssyncadd.s32 $0xFFFFC180  }
0x91: {  	[spmem:s2] =	stream.indirect.scatter.add.f32 [tilespmem:s22], [sflag:$0x3], $0x80, s26, s19, $0xb8;
	[tilespmem:$0x1E080] =	vst v63  }
0x92: {  	_ =	swait.ge [sflag:s17], $0x3E80  }
0x93: {  	[sflag:s17] =	ssyncset.done $0x0  }
0x94: {  	[sflag:s17] =	ssyncadd.s32 $0xFFFFC180  }
0x95: {  	s29 =	simm.s32 @p0 $0x1FC3;
	[bflag:$0x0] =	sbarrier.arrive $0xFFFF  }
0x96: {  	[hbm:s12], [sflag:s29] =	dma.local @p0 [spmem:s14], $0x2800  }
0x97: {  	s29 =	simm.s32 @p0 $0x3  }
0x98: {  	s28 =	sadd.s32 $0x1, s28;
	_ =	swait.ge @p0 [sflag:s29], $0x2800  }
0x99: {  	p1 =	sne.s32 s28, s13;
	[sflag:s29] =	ssyncset.done @p0 $0x0  }
.Ltmp2:
0x9a: {  	[sflag:s29] =	ssyncadd.s32 @p0 $0xFFFFD800;
	s29 =	simm.s32 @!p0 $0x3;
	(pc) =	sbr.rel @p1 .LBB2_1-.Ltmp2, $4  }
0x9b: {  	[hbm:s11], [sflag:s15] =	dma.local @!p0 [spmem:s16], $0x2700  }
0x9c: {  	_ =	swait.ge @!p0 [sflag:s29], $0x2700  }
0x9d: {  	[sflag:s29] =	ssyncset.done @!p0 $0x0  }
0x9e: {  	[sflag:s29] =	ssyncadd.s32 @!p0 $0xFFFFD900  }
0x9f: {  	_ =	sfence.sel $0x180000  }
0xa0: {  	[bflag:$0x0] =	sbarrier.arrive $0xFFFF  }
0xa1: {  	p0 =	sne.s32 s1, $0x0;
	_ =	strace $0x9000004D  }
0xa2: {  	s0 =	sadd.s32 @!p0 $0x100000, s0;
	[bflag:$0x2] =	sbarrier.arrive $0xFFFF  }
0xa3: {  	[sflag:s0] =	ssyncadd.tile.s32 @!p0 $0x1;
	_ =	shalt  }
.Lfunc_end2:
_tile_overlayer_lowered:
.L_overlay_start_2:
0xa4: {  	(tag) =	ssettag $0x2  }
0xa5: {  	s0 =	rddreg [dreg:$0x0];
	s2 =	stileid.u32  }
0xa6: {  	s1 =	rddreg [dreg:$0x1];
	p0 =	sne.s32 s2, $0x0  }
0xa7: {  	s3 =	rddreg [dreg:$0x2];
	[bflag:$0x3] =	sbarrier.arrive $0xFFFF;
	s2 =	simm.s32 @!p0 $0x1C03  }
0xa8: {  	[timem:s3], [sflag:s2] =	dma.local @!p0 [hbm:s0], s1  }
0xa9: {  	s0 =	simm.s32 @!p0 $0x3  }
0xaa: {  	_ =	swait.ge @!p0 [sflag:s0], s1  }
0xab: {  	s1 =	ssub.s32 @!p0 $0x0, s1;
	[sflag:s0] =	ssyncset.done @!p0 $0x0  }
0xac: {  	[sflag:s0] =	ssyncadd.s32 @!p0 s1  }
0xad: {  	[bflag:$0x3] =	sbarrier.arrive $0xFFFF  }
0xae: {  	_ =	shalt  }

// kernel: kernel.22.cloned.1.call-start
scs
__scs_entry_jumppad:
0x0: {  	(pc) =	sbr.rel $0x88, $3  }
0x1: {  	(tag) =	ssettag $0x0;
	lr =	simm.s32 $0x1  }
0x2: {  	[smem:$0x3F92] =	sst lr;
	_ =	strace $0xD0000000  }
0x3: {  	_ = 	snop  }
0x4: {  	_ = 	snop  }
0x5: {  	_ = 	snop  }
0x6: {  	_ = 	snop  }
0x7: {  	_ = 	snop  }
__scs_overlays_trampoline_lowered:
0x8: {  	[smem:$0x3FA1] =	sst s0  }
0x9: {  	[smem:$0x3FA2] =	sst s1  }
0xa: {  	[smem:$0x3FA3] =	sst s2  }
0xb: {  	[smem:$0x3FA4] =	sst s3  }
0xc: {  	[smem:$0x3FA5] =	sst s4  }
0xd: {  	[smem:$0x3FA6] =	sst s5  }
0xe: {  	[smem:$0x3FA7] =	sst s6  }
0xf: {  	[smem:$0x3FA8] =	sst s7  }
0x10: {  	[smem:$0x3FA9] =	sst s8  }
0x11: {  	[smem:$0x3FAA] =	sst s9;
	s0 =	simm.s32 @!p0 $0x0  }
0x12: {  	s1 =	sld [smem:$0x3F90];
	s0 =	simm.s32 @p0 $0x1  }
0x13: {  	[smem:$0x3FAB] =	sst s0;
	s0 =	simm.s32 @!p1 $0x0  }
0x14: {  	s2 =	sld [smem:$0x3F8F];
	s0 =	simm.s32 @p1 $0x1  }
0x15: {  	[smem:$0x3FAC] =	sst s0;
	s0 =	simm.s32 @!p2 $0x0  }
0x16: {  	s3 =	sld [smem:$0x3FDB];
	s0 =	simm.s32 @p2 $0x1  }
0x17: {  	s4 =	simm.s32 $0x1BF5;
	[smem:$0x3FAE] =	sst s0  }
0x18: {  	s0 =	sld [smem:$0x3F91];
	_ =	swait.ge [sflag:s4], $0x0  }
0x19: {  	s7 =	sld [smem:$0x3F92]  }
0x1a: {  	s8 =	sadd.s32 $0xFFFFE003, lr  }
0x1b: {  	s9 =	sadd.s32 $0xFFFFFEF7, lr;
	s5 =	simm.s32 $0xFFFFFFFF;
	p2 =	slt.u32 s8, $0xFFFFF086  }
0x1c: {  	p1 =	slt.u32 s9, $0xF7A;
	s5 =	simm.s32 @!p2 $0x0  }
0x1d: {  	s5 =	simm.s32 @p1 $0x1;
	p0 =	seq.s32 s7, s2  }
0x1e: {  	s7 =	smul.u32 @!p0 $0xF7A, s2;
	p2 =	seq.s32 @!p0 s5, $0x0  }
0x1f: {  	s9 =	smul.u32 $0xF7A, s1;
	s8 =	simm.s32 @!p0 $0x1BF5;
	p2 =	por !p2, p0  }
0x20: {  	[sflag:s8] =	ssyncset.s32 @!p0 $0xFFFFF086;
	s6 =	sadd.s32 @!p0 s3, s7;
	s7 =	simm.s32 @!p0 $0x108  }
0x21: {  	s3 =	sadd.s32 s3, s9;
	s6 =	sadd.s32 @!p0 $0x88, s6;
	s7 =	simm.s32 @p2 $0x1082  }
0x22: {  	[simem:s7], [sflag:s8] =	dma.local @!p0 [hbm:s6], $0xF7A  }
0x23: {  	s9 =	sor.u32 $0xD0000000, s2;
	s6 =	simm.s32 $0x108;
	_ =	swait.ge @!p0 [sflag:s8], $0x0  }
0x24: {  	s3 =	sadd.s32 $0x88, s3;
	s6 =	simm.s32 @!p1 $0x1082;
	[sflag:s4] =	ssyncset.s32 $0xFFFFF086  }
0x25: {  	[simem:s6], [sflag:s4] =	dma.local [hbm:s3], $0xF7A  }
0x26: {  	[smem:$0x3F92] =	sst s1;
	(tag) =	ssettag s2;
	_ =	strace s9  }
0x27: {  	s1 =	sld [smem:$0x3FA2]  }
0x28: {  	s2 =	sld [smem:$0x3FA3]  }
0x29: {  	s4 =	sld [smem:$0x3FA5]  }
0x2a: {  	p0 =	seq.s32 s5, $0x0;
	s5 =	sld [smem:$0x3FA6]  }
0x2b: {  	s6 =	sld [smem:$0x3FA7]  }
0x2c: {  	s7 =	sld [smem:$0x3FA8]  }
0x2d: {  	s3 =	simm.s32 $0x108;
	s8 =	sld [smem:$0x3FA9]  }
0x2e: {  	s3 =	simm.s32 @!p0 $0x1082;
	s9 =	sld [smem:$0x3FAA]  }
0x2f: {  	lr =	sadd.s32 s0, s3;
	s0 =	sld [smem:$0x3FA1]  }
0x30: {  	s3 =	sld [smem:$0x3FA4]  }
0x31: {  	[smem:$0x3FAD] =	sst s10  }
0x32: {  	s10 =	sld [smem:$0x3FAB];
	_ =	sdelay $0x3  }
0x33: {  	p0 =	seq.s32 s10, $0x1;
	s10 =	sld [smem:$0x3FAD];
	_ =	sdelay $0x3  }
0x34: {  	[smem:$0x3FAD] =	sst s10  }
0x35: {  	s10 =	sld [smem:$0x3FAC];
	_ =	sdelay $0x3  }
0x36: {  	p1 =	seq.s32 s10, $0x1;
	s10 =	sld [smem:$0x3FAD];
	_ =	sdelay $0x3  }
0x37: {  	[smem:$0x3FAD] =	sst s10  }
0x38: {  	s10 =	sld [smem:$0x3FAE]  }
0x39: {  	_ = 	snop;
	(pc) =	sbr.ind lr, $3  }
0x3a: {  	_ = 	snop  }
0x3b: {  	_ = 	snop  }
0x3c: {  	p2 =	seq.s32 s10, $0x1;
	s10 =	sld [smem:$0x3FAD]  }
0x3d: {  	_ =	shalt  }
0x3e: {  	_ =	shalt  }
0x3f: {  	_ =	shalt  }
0x40: {  	_ =	shalt  }
0x41: {  	_ =	shalt  }
0x42: {  	_ =	shalt  }
0x43: {  	_ =	shalt  }
0x44: {  	_ =	shalt  }
0x45: {  	_ =	shalt  }
0x46: {  	_ =	shalt  }
0x47: {  	_ =	shalt  }
0x48: {  	_ =	shalt  }
0x49: {  	_ =	shalt  }
0x4a: {  	_ =	shalt  }
0x4b: {  	_ =	shalt  }
0x4c: {  	_ =	shalt  }
0x4d: {  	_ =	shalt  }
0x4e: {  	_ =	shalt  }
0x4f: {  	_ =	shalt  }
0x50: {  	_ =	shalt  }
0x51: {  	_ =	shalt  }
0x52: {  	_ =	shalt  }
0x53: {  	_ =	shalt  }
0x54: {  	_ =	shalt  }
0x55: {  	_ =	shalt  }
0x56: {  	_ =	shalt  }
0x57: {  	_ =	shalt  }
0x58: {  	_ =	shalt  }
0x59: {  	_ =	shalt  }
0x5a: {  	_ =	shalt  }
0x5b: {  	_ =	shalt  }
0x5c: {  	_ =	shalt  }
0x5d: {  	_ =	shalt  }
0x5e: {  	_ =	shalt  }
0x5f: {  	_ =	shalt  }
0x60: {  	_ =	shalt  }
0x61: {  	_ =	shalt  }
0x62: {  	_ =	shalt  }
0x63: {  	_ =	shalt  }
0x64: {  	_ =	shalt  }
0x65: {  	_ =	shalt  }
0x66: {  	_ =	shalt  }
0x67: {  	_ =	shalt  }
0x68: {  	_ =	shalt  }
0x69: {  	_ =	shalt  }
0x6a: {  	_ =	shalt  }
0x6b: {  	_ =	shalt  }
0x6c: {  	_ =	shalt  }
0x6d: {  	_ =	shalt  }
0x6e: {  	_ =	shalt  }
0x6f: {  	_ =	shalt  }
0x70: {  	_ =	shalt  }
0x71: {  	_ =	shalt  }
0x72: {  	_ =	shalt  }
0x73: {  	_ =	shalt  }
0x74: {  	_ =	shalt  }
0x75: {  	_ =	shalt  }
0x76: {  	_ =	shalt  }
0x77: {  	_ =	shalt  }
0x78: {  	_ =	shalt  }
0x79: {  	_ =	shalt  }
0x7a: {  	_ =	shalt  }
0x7b: {  	_ =	shalt  }
0x7c: {  	_ =	shalt  }
0x7d: {  	_ =	shalt  }
0x7e: {  	_ =	shalt  }
0x7f: {  	_ =	shalt  }
0x80: {  	_ =	shalt  }
0x81: {  	_ =	shalt  }
0x82: {  	_ =	shalt  }
0x83: {  	_ =	shalt  }
0x84: {  	_ =	shalt  }
0x85: {  	_ =	shalt  }
0x86: {  	_ =	shalt  }
0x87: {  	_ =	shalt  }
.Lfunc_end0:
.L_simem_size_0:
called_computation.3_lowered:
.L_overlay_start_0:
0x88: {  	s2 =	sld [smem:$0x3FD9]  }
0x89: {  	s3 =	sld [smem:$0x3FFE];
	_ =	sdelay $0x1  }
0x8a: {  	s1 =	srdreg.scid  }
0x8b: {  	s0 =	sand.u32 $0x1, s1  }
0x8c: {  	s16 =	sshll.u32 s0, $0xA;
	s2 =	sadd.s32 s3, s2  }
0x8d: {  	s2 =	sadd.s32 s2, s16  }
0x8e: {  	[smem:$0x3FB9] =	sst s2  }
0x8f: {  	_ = 	snop  }
0x90: {  	(tm) =	ssettm $0x1  }
0x91: {  	s17 =	sld [smem:$0x3FFB];
	_ =	sdelay $0x3  }
0x92: {  	_ =	strace s17  }
0x93: {  	s2 =	sld [smem:$0x3FFC];
	_ =	sdelay $0x3  }
0x94: {  	_ =	strace s2  }
0x95: {  	s2 =	sld [smem:$0x3FFD];
	_ =	sdelay $0x3  }
0x96: {  	_ =	strace s2  }
0x97: {  	_ =	strace $0x8FFFFFFF  }
0x98: {  	s18 =	sld [smem:$0x3FDB];
	_ =	sdelay $0x1  }
0x99: {  	s19 =	simm.s32 $_scs_section_size  }
0x9a: {  	s4 =	simm.s32 $_size__tile_overlayer_lowered;
	s5 =	simm.s32 $_tile_overlayer_lowered  }
0x9b: {  	s22 =	simm.s32 $0x1BFF;
	s21 =	sshll.u32 s5, $0x1;
	s2 =	sadd.s32 s19, s18  }
0x9c: {  	s6 =	simm.s32 $0x0;
	s20 =	sshll.u32 s4, $0x1;
	s4 =	sadd.s32 s21, s2  }
0x9d: {  	[timem:s6], [sflag:s22] =	dma.local [hbm:s4], s20  }
0x9e: {  	_ =	swait.ge [sflag:s22], s20  }
0x9f: {  	s3 =	ssub.s32 $0x0, s20;
	[sflag:s22] =	ssyncset.done $0x0  }
0xa0: {  	[sflag:s22] =	ssyncadd.s32 s3;
	_ =	sdelay $0x1  }
0xa1: {  	s23 =	simm.s32 $0x1B8B  }
0xa2: {  	_ =	swait.ge [sflag:s23], $0x1  }
0xa3: {  	[sflag:s23] =	ssyncset.done $0x0  }
0xa4: {  	s25 =	simm.s32 $0x1B8E;
	s24 =	sld [smem:$0x3FFE];
	[sflag:s23] =	ssyncadd.s32 $0xFFFFFFFF  }
0xa5: {  	s26 =	simm.s32 $execute0_lowered;
	[smem:$0x3FD2] =	sst s25  }
0xa6: {  	s4 =	sshll.u32 s26, $0x1;
	_ =	strace $0x8000004F;
	[dreg:$0x1] =	wrdreg $0xFFFFFFFF  }
0xa7: {  	s28 =	simm.s32 $_size_execute0_lowered;
	s2 =	sadd.s32 s2, s4;
	[dreg:$0x0] =	wrdreg $0x0  }
0xa8: {  	s4 =	sshll.u32 s28, $0x1;
	[dreg:$0x2] =	wrdreg s2  }
0xa9: {  	[dreg:$0x3] =	wrdreg s4  }
0xaa: {  	[dreg:$0x4] =	wrdreg $0xC0  }
0xab: {  	_ =	task [dreg:s6], $0x5FFFF  }
0xac: {  	[dreg:$0x1] =	wrdreg $0xFFFFFFFF  }
0xad: {  	[dreg:$0x0] =	wrdreg $0x60  }
0xae: {  	[dreg:$0x2] =	wrdreg s24  }
0xaf: {  	[dreg:$0x3] =	wrdreg $0xA8000  }
0xb0: {  	[dreg:$0x4] =	wrdreg $0x9  }
0xb1: {  	_ =	task.clear_ibuf [dreg:s6], $0x5FFFF;
	_ =	strace $0x9000004F  }
0xb2: {  	s29 =	simm.s32 $0x9;
	_ =	strace $0x80000051  }
0xb3: {  	_ =	swait.ge [sflag:s29], $0x1  }
0xb4: {  	[sflag:s29] =	ssyncadd.s32 $0xFFFFFFFF  }
0xb5: {  	_ =	strace $0x90000051  }
0xb6: {  	_ =	sfence  }
0xb7: {  	s30 =	sld [smem:$0x0];
	_ =	sdelay $0x2  }
0xb8: {  	s31 =	sshll.u32 s1, $0xD;
	s1 =	sshrl.u32 s1, $0x2  }
0xb9: {  	s3 =	sand.u32 $0x4000, s31;
	s1 =	sadd.s32 s1, s30  }
0xba: {  	s0 =	sor.u32 s3, s0;
	s1 =	sshll.u32 s1, $0x11  }
0xbb: {  	s0 =	sor.u32 s1, s0  }
0xbc: {  	s0 =	sadd.s32 $0x8F2B, s0  }
0xbd: {  	[sflag:s0] =	ssyncadd.remote.s32 $0x1  }
0xbe: {  	_ =	sfence.sel $0xFFFF  }
0xbf: {  	[dreg:$0x0] =	wrdreg $0xFFFFFFFF;
	(pc) =	sbr.abs _section_cstart, $3  }
0xc0: {  	[dreg:$0x1] =	wrdreg $0xFFFFFFFF  }
0xc1: {  	_ =	task.clear_ibuf [dreg:s6], $0x2FFFF;
	_ =	strace $0x9FFFFFFF  }
0xc2: {  	(tm) =	ssettm $0x7FFFFFFF  }
0xc3: {  	_ =	shalt  }
tec
execute0_lowered:
.L_overlay_start_1:
0x0: {  	(tag) =	ssettag $0x1  }
0x1: {  	s6 =	rddreg [dreg:$0x0]  }
0x2: {  	s2 =	rddreg [dreg:$0x1]  }
0x3: {  	s0 =	rddreg [dreg:$0x2];
	s3 =	simm.s32 $0x0  }
0x4: {  	s1 =	stileid.u32;
	s7 =	srdreg.scid;
	s18 =	simm.s32 $0x1400  }
0x5: {  	s19 =	simm.s32 $0x7D;
	s20 =	simm.s32 $0x2800;
	s21 =	simm.s32 $0x80  }
0x6: {  	s22 =	simm.s32 $0x6800;
	s23 =	simm.s32 $0x1;
	s24 =	simm.s32 $0x2  }
0x7: {  	s25 =	simm.s32 $0x2700;
	s26 =	simm.s32 $0x2780;
	s28 =	simm.s32 $0x0  }
0x8: {  	[smem:$0x7FF] =	sst s3;
	s5 =	smul.u32 $0x2700, s1;
	s4 =	sadd.s32 $0x40800, s6  }
0x9: {  	s9 =	sadd.s32 $0x2C800, s6;
	s10 =	sadd.s32 $0x36800, s6;
	s7 =	sand.u32 $0x1, s7  }
0xa: {  	s8 =	sshll.u32 s1, $0x1;
	s11 =	smul.u32 $0x4E000, s1;
	s12 =	sadd.s32 $0xB5C00, s6  }
0xb: {  	s17 =	smul.u32 $0x13800, s1;
	p0 =	seq.s32 s1, $0xF;
	_ =	strace $0x80000050  }
0xc: {  	s13 =	ssub.s32 $0x2, s7;
	s8 =	sor.u32 s7, s8;
	s29 =	smul.u32 $0x138800, s7  }
0xd: {  	s5 =	sadd.s32 s5, s6;
	s14 =	sshrl.u32 s13, $0x1;
	s11 =	sshrl.u32 s11, $0x2  }
0xe: {  	s8 =	smul.u32 $0x2800, s8;
	s6 =	sadd.s32 $0x29700, s6;
	s13 =	ssub.s32 s13, s14  }
0xf: {  	s16 =	sadd.s32 s11, s2;
	s5 =	sadd.s32 $0x4E00, s5;
	s14 =	sadd.s32 $0x124800, s2  }
0x10: {  	s30 =	sadd.s32 s17, s29;
	s11 =	sshrl.u32 s29, $0x3;
	s17 =	simm.s32 $0x3  }
0x11: {  	s8 =	sshrl.u32 s8, $0x3;
	s31 =	sadd.s32 s12, s11;
	s13 =	smax.u32 s13, $0x1  }
0x12: {  	s15 =	sadd.s32 $0x280, s8;
	s7 =	sadd.s32 s9, s8;
	s8 =	sadd.s32 s10, s8  }
0x13: {  	s9 =	sadd.s32 s9, s15;
	s10 =	sadd.s32 s10, s15;
	s15 =	sshrl.u32 s30, $0x3  }
0x14: {  	s14 =	sshrl.u32 @p0 s14, $0x3;
	s11 =	sadd.s32 s12, s15;
	s15 =	sshll.u32 @!p0 s1, $0x6  }
0x15: {  	s16 =	sshrl.u32 @!p0 s16, $0x3;
	s12 =	sadd.s32 $0x24900, s31;
	s15 =	sor.u32 @!p0 $0x1C03, s15  }
.LBB2_1:
0x16: {  	s29 =	simm.s32 @p0 $0x1FC3  }
0x17: {  	[spmem:s14], [sflag:s29] =	dma.local @p0 [hbm:s6], $0x2800  }
0x18: {  	s29 =	simm.s32 @p0 $0x3  }
0x19: {  	_ =	swait.ge @p0 [sflag:s29], $0x2800  }
0x1a: {  	[sflag:s29] =	ssyncset.done @p0 $0x0  }
0x1b: {  	[sflag:s29] =	ssyncadd.s32 @p0 $0xFFFFD800;
	s29 =	simm.s32 @!p0 $0x3  }
0x1c: {  	[spmem:s16], [sflag:s15] =	dma.local @!p0 [hbm:s5], $0x2700  }
0x1d: {  	_ =	swait.ge @!p0 [sflag:s29], $0x2700  }
0x1e: {  	[sflag:s29] =	ssyncset.done @!p0 $0x0  }
0x1f: {  	[sflag:s29] =	ssyncadd.s32 @!p0 $0xFFFFD900  }
0x20: {  	[bflag:$0x0] =	sbarrier.arrive $0xFFFF  }
0x21: {  	[tilespmem:s3], [sflag:$0x3] =	stream.linear.gather [hbm4b:s7+s3], $0x1400, $0x38;
	[tilespmem:$0x1E080] =	vst v63  }
0x22: {  	_ =	swait.ge [sflag:s17], $0x1400  }
0x23: {  	[sflag:s17] =	ssyncset.done $0x0  }
0x24: {  	[sflag:s17] =	ssyncadd.s32 $0xFFFFEC00  }
0x25: {  	[tilespmem:s18], [sflag:$0x3] =	stream.linear.gather [hbm4b:s8+s3], $0x1400, $0x38;
	[tilespmem:$0x1E080] =	vst v63  }
0x26: {  	_ =	swait.ge [sflag:s17], $0x1400  }
0x27: {  	[sflag:s17] =	ssyncset.done $0x0  }
0x28: {  	[sflag:s17] =	ssyncadd.s32 $0xFFFFEC00  }
0x29: {  	[tilespmem:s20], [sflag:$0x1] =	stream.indirect.gather [hbm4b:s4+s19], $0x80, s3, s19, $0xb8;
	[tilespmem:$0x1E080] =	vst v63  }
0x2a: {  	_ = 	snop  }
0x2b: {  	[tilespmem:s22], [sflag:$0x2] =	stream.indirect.gather [hbm4b:s4+s19], $0x80, s21, s19, $0xb8;
	[tilespmem:$0x1E080] =	vst v63  }
0x2c: {  	_ =	swait.ge [sflag:s23], $0x3E80  }
0x2d: {  	[sflag:s23] =	ssyncset.done $0x0  }
0x2e: {  	s29 =	simm.s32 $0x1400;
	[sflag:s23] =	ssyncadd.s32 $0xFFFFC180  }
0x2f: {  	[spmem:s2] =	stream.indirect.scatter.add.f32 [tilespmem:s20], [sflag:$0x3], $0x80, s29, s19, $0xb8;
	[tilespmem:$0x1E080] =	vst v63  }
0x30: {  	_ =	swait.ge [sflag:s17], $0x3E80  }
0x31: {  	[sflag:s17] =	ssyncset.done $0x0  }
0x32: {  	s29 =	simm.s32 $0x100;
	[sflag:s17] =	ssyncadd.s32 $0xFFFFC180  }
0x33: {  	[tilespmem:s20], [sflag:$0x1] =	stream.indirect.gather [hbm4b:s4+s19], $0x80, s29, s19, $0xb8;
	[tilespmem:$0x1E080] =	vst v63  }
0x34: {  	_ =	swait.ge [sflag:s24], $0x3E80  }
0x35: {  	[sflag:s24] =	ssyncset.done $0x0  }
0x36: {  	s29 =	simm.s32 $0x1480;
	[sflag:s24] =	ssyncadd.s32 $0xFFFFC180  }
0x37: {  	[spmem:s2] =	stream.indirect.scatter.add.f32 [tilespmem:s22], [sflag:$0x3], $0x80, s29, s19, $0xb8;
	[tilespmem:$0x1E080] =	vst v63  }
0x38: {  	_ =	swait.ge [sflag:s17], $0x3E80  }
0x39: {  	[sflag:s17] =	ssyncset.done $0x0  }
0x3a: {  	s30 =	simm.s32 $0x180;
	s29 =	simm.s32 $0x400;
	[sflag:s17] =	ssyncadd.s32 $0xFFFFC180  }
.LBB2_2:
0x3b: {  	[tilespmem:s22], [sflag:$0x2] =	stream.indirect.gather [hbm4b:s4+s19], $0x80, s30, s19, $0xb8;
	[tilespmem:$0x1E080] =	vst v63  }
0x3c: {  	s30 =	smov.u32 s29  }
0x3d: {  	p1 =	sne.s32 s29, $0x4800;
	s29 =	sadd.s32 $0x400, s29;
	_ =	swait.ge [sflag:s23], $0x3E80  }
0x3e: {  	s30 =	sshra.s32 s30, $0x2;
	[sflag:s23] =	ssyncset.done $0x0  }
0x3f: {  	s31 =	sadd.s32 $0x1400, s30;
	[sflag:s23] =	ssyncadd.s32 $0xFFFFC180  }
0x40: {  	[spmem:s2] =	stream.indirect.scatter.add.f32 [tilespmem:s20], [sflag:$0x3], $0x80, s31, s19, $0xb8;
	[tilespmem:$0x1E080] =	vst v63  }
0x41: {  	_ =	swait.ge [sflag:s17], $0x3E80  }
0x42: {  	[sflag:s17] =	ssyncset.done $0x0  }
0x43: {  	s31 =	sadd.s32 $0x100, s30;
	[sflag:s17] =	ssyncadd.s32 $0xFFFFC180  }
0x44: {  	[tilespmem:s20], [sflag:$0x1] =	stream.indirect.gather [hbm4b:s4+s19], $0x80, s31, s19, $0xb8;
	[tilespmem:$0x1E080] =	vst v63  }
0x45: {  	_ =	swait.ge [sflag:s24], $0x3E80  }
0x46: {  	[sflag:s24] =	ssyncset.done $0x0  }
.Ltmp0:
0x47: {  	s31 =	sadd.s32 $0x1480, s30;
	[sflag:s24] =	ssyncadd.s32 $0xFFFFC180;
	(pc) =	sbr.rel @p1 .LBB2_2-.Ltmp0, $4  }
0x48: {  	[spmem:s2] =	stream.indirect.scatter.add.f32 [tilespmem:s22], [sflag:$0x3], $0x80, s31, s19, $0xb8;
	[tilespmem:$0x1E080] =	vst v63  }
0x49: {  	_ =	swait.ge [sflag:s17], $0x3E80  }
0x4a: {  	[sflag:s17] =	ssyncset.done $0x0  }
0x4b: {  	s30 =	sadd.s32 $0x180, s30;
	[sflag:s17] =	ssyncadd.s32 $0xFFFFC180  }
0x4c: {  	[tilespmem:s22], [sflag:$0x2] =	stream.indirect.gather [hbm4b:s4+s19], $0x80, s30, s19, $0xb8;
	[tilespmem:$0x1E080] =	vst v63  }
0x4d: {  	_ =	swait.ge [sflag:s23], $0x3E80  }
0x4e: {  	[sflag:s23] =	ssyncset.done $0x0  }
0x4f: {  	[sflag:s23] =	ssyncadd.s32 $0xFFFFC180  }
0x50: {  	[spmem:s2] =	stream.indirect.scatter.add.f32 [tilespmem:s20], [sflag:$0x3], $0x80, s25, s19, $0xb8;
	[tilespmem:$0x1E080] =	vst v63  }
0x51: {  	_ =	swait.ge [sflag:s17], $0x3E80  }
0x52: {  	[sflag:s17] =	ssyncset.done $0x0  }
0x53: {  	[sflag:s17] =	ssyncadd.s32 $0xFFFFC180  }
0x54: {  	_ =	swait.ge [sflag:s24], $0x3E80  }
0x55: {  	[sflag:s24] =	ssyncset.done $0x0  }
0x56: {  	[sflag:s24] =	ssyncadd.s32 $0xFFFFC180  }
0x57: {  	[spmem:s2] =	stream.indirect.scatter.add.f32 [tilespmem:s22], [sflag:$0x3], $0x80, s26, s19, $0xb8;
	[tilespmem:$0x1E080] =	vst v63  }
0x58: {  	_ =	swait.ge [sflag:s17], $0x3E80  }
0x59: {  	[sflag:s17] =	ssyncset.done $0x0  }
0x5a: {  	s29 =	simm.s32 $0x0;
	[sflag:s17] =	ssyncadd.s32 $0xFFFFC180  }
0x5b: {  	[tilespmem:s29], [sflag:$0x3] =	stream.linear.gather [hbm4b:s9+s29], $0x1400, $0x38;
	[tilespmem:$0x1E080] =	vst v63  }
0x5c: {  	_ =	swait.ge [sflag:s17], $0x1400  }
0x5d: {  	[sflag:s17] =	ssyncset.done $0x0  }
0x5e: {  	[sflag:s17] =	ssyncadd.s32 $0xFFFFEC00  }
0x5f: {  	[tilespmem:s18], [sflag:$0x3] =	stream.linear.gather [hbm4b:s10+s29], $0x1400, $0x38;
	[tilespmem:$0x1E080] =	vst v63  }
0x60: {  	_ =	swait.ge [sflag:s17], $0x1400  }
0x61: {  	[sflag:s17] =	ssyncset.done $0x0  }
0x62: {  	[sflag:s17] =	ssyncadd.s32 $0xFFFFEC00  }
0x63: {  	[tilespmem:s20], [sflag:$0x1] =	stream.indirect.gather [hbm4b:s4+s19], $0x80, s29, s19, $0xb8;
	[tilespmem:$0x1E080] =	vst v63  }
0x64: {  	_ = 	snop  }
0x65: {  	[tilespmem:s22], [sflag:$0x2] =	stream.indirect.gather [hbm4b:s4+s19], $0x80, s21, s19, $0xb8;
	[tilespmem:$0x1E080] =	vst v63  }
0x66: {  	_ =	swait.ge [sflag:s23], $0x3E80  }
0x67: {  	[sflag:s23] =	ssyncset.done $0x0  }
0x68: {  	s29 =	simm.s32 $0x1400;
	[sflag:s23] =	ssyncadd.s32 $0xFFFFC180  }
0x69: {  	[spmem:s2] =	stream.indirect.scatter.add.f32 [tilespmem:s20], [sflag:$0x3], $0x80, s29, s19, $0xb8;
	[tilespmem:$0x1E080] =	vst v63  }
0x6a: {  	_ =	swait.ge [sflag:s17], $0x3E80  }
0x6b: {  	[sflag:s17] =	ssyncset.done $0x0  }
0x6c: {  	s29 =	simm.s32 $0x100;
	[sflag:s17] =	ssyncadd.s32 $0xFFFFC180  }
0x6d: {  	[tilespmem:s20], [sflag:$0x1] =	stream.indirect.gather [hbm4b:s4+s19], $0x80, s29, s19, $0xb8;
	[tilespmem:$0x1E080] =	vst v63  }
0x6e: {  	_ =	swait.ge [sflag:s24], $0x3E80  }
0x6f: {  	[sflag:s24] =	ssyncset.done $0x0  }
0x70: {  	s29 =	simm.s32 $0x1480;
	[sflag:s24] =	ssyncadd.s32 $0xFFFFC180  }
0x71: {  	[spmem:s2] =	stream.indirect.scatter.add.f32 [tilespmem:s22], [sflag:$0x3], $0x80, s29, s19, $0xb8;
	[tilespmem:$0x1E080] =	vst v63  }
0x72: {  	_ =	swait.ge [sflag:s17], $0x3E80  }
0x73: {  	[sflag:s17] =	ssyncset.done $0x0  }
0x74: {  	s30 =	simm.s32 $0x180;
	s29 =	simm.s32 $0x400;
	[sflag:s17] =	ssyncadd.s32 $0xFFFFC180  }
.LBB2_4:
0x75: {  	[tilespmem:s22], [sflag:$0x2] =	stream.indirect.gather [hbm4b:s4+s19], $0x80, s30, s19, $0xb8;
	[tilespmem:$0x1E080] =	vst v63  }
0x76: {  	s30 =	smov.u32 s29  }
0x77: {  	p1 =	sne.s32 s29, $0x4800;
	s29 =	sadd.s32 $0x400, s29;
	_ =	swait.ge [sflag:s23], $0x3E80  }
0x78: {  	s30 =	sshra.s32 s30, $0x2;
	[sflag:s23] =	ssyncset.done $0x0  }
0x79: {  	s31 =	sadd.s32 $0x1400, s30;
	[sflag:s23] =	ssyncadd.s32 $0xFFFFC180  }
0x7a: {  	[spmem:s2] =	stream.indirect.scatter.add.f32 [tilespmem:s20], [sflag:$0x3], $0x80, s31, s19, $0xb8;
	[tilespmem:$0x1E080] =	vst v63  }
0x7b: {  	_ =	swait.ge [sflag:s17], $0x3E80  }
0x7c: {  	[sflag:s17] =	ssyncset.done $0x0  }
0x7d: {  	s31 =	sadd.s32 $0x100, s30;
	[sflag:s17] =	ssyncadd.s32 $0xFFFFC180  }
0x7e: {  	[tilespmem:s20], [sflag:$0x1] =	stream.indirect.gather [hbm4b:s4+s19], $0x80, s31, s19, $0xb8;
	[tilespmem:$0x1E080] =	vst v63  }
0x7f: {  	_ =	swait.ge [sflag:s24], $0x3E80  }
0x80: {  	[sflag:s24] =	ssyncset.done $0x0  }
.Ltmp1:
0x81: {  	s31 =	sadd.s32 $0x1480, s30;
	[sflag:s24] =	ssyncadd.s32 $0xFFFFC180;
	(pc) =	sbr.rel @p1 .LBB2_4-.Ltmp1, $4  }
0x82: {  	[spmem:s2] =	stream.indirect.scatter.add.f32 [tilespmem:s22], [sflag:$0x3], $0x80, s31, s19, $0xb8;
	[tilespmem:$0x1E080] =	vst v63  }
0x83: {  	_ =	swait.ge [sflag:s17], $0x3E80  }
0x84: {  	[sflag:s17] =	ssyncset.done $0x0  }
0x85: {  	s30 =	sadd.s32 $0x180, s30;
	[sflag:s17] =	ssyncadd.s32 $0xFFFFC180  }
0x86: {  	[tilespmem:s22], [sflag:$0x2] =	stream.indirect.gather [hbm4b:s4+s19], $0x80, s30, s19, $0xb8;
	[tilespmem:$0x1E080] =	vst v63  }
0x87: {  	_ =	swait.ge [sflag:s23], $0x3E80  }
0x88: {  	[sflag:s23] =	ssyncset.done $0x0  }
0x89: {  	[sflag:s23] =	ssyncadd.s32 $0xFFFFC180  }
0x8a: {  	[spmem:s2] =	stream.indirect.scatter.add.f32 [tilespmem:s20], [sflag:$0x3], $0x80, s25, s19, $0xb8;
	[tilespmem:$0x1E080] =	vst v63  }
0x8b: {  	_ =	swait.ge [sflag:s17], $0x3E80  }
0x8c: {  	[sflag:s17] =	ssyncset.done $0x0  }
0x8d: {  	[sflag:s17] =	ssyncadd.s32 $0xFFFFC180  }
0x8e: {  	_ =	swait.ge [sflag:s24], $0x3E80  }
0x8f: {  	[sflag:s24] =	ssyncset.done $0x0  }
0x90: {  	[sflag:s24] =	ssyncadd.s32 $0xFFFFC180  }
0x91: {  	[spmem:s2] =	stream.indirect.scatter.add.f32 [tilespmem:s22], [sflag:$0x3], $0x80, s26, s19, $0xb8;
	[tilespmem:$0x1E080] =	vst v63  }
0x92: {  	_ =	swait.ge [sflag:s17], $0x3E80  }
0x93: {  	[sflag:s17] =	ssyncset.done $0x0  }
0x94: {  	[sflag:s17] =	ssyncadd.s32 $0xFFFFC180  }
0x95: {  	s29 =	simm.s32 @p0 $0x1FC3;
	[bflag:$0x0] =	sbarrier.arrive $0xFFFF  }
0x96: {  	[hbm:s12], [sflag:s29] =	dma.local @p0 [spmem:s14], $0x2800  }
0x97: {  	s29 =	simm.s32 @p0 $0x3  }
0x98: {  	s28 =	sadd.s32 $0x1, s28;
	_ =	swait.ge @p0 [sflag:s29], $0x2800  }
0x99: {  	p1 =	sne.s32 s28, s13;
	[sflag:s29] =	ssyncset.done @p0 $0x0  }
.Ltmp2:
0x9a: {  	[sflag:s29] =	ssyncadd.s32 @p0 $0xFFFFD800;
	s29 =	simm.s32 @!p0 $0x3;
	(pc) =	sbr.rel @p1 .LBB2_1-.Ltmp2, $4  }
0x9b: {  	[hbm:s11], [sflag:s15] =	dma.local @!p0 [spmem:s16], $0x2700  }
0x9c: {  	_ =	swait.ge @!p0 [sflag:s29], $0x2700  }
0x9d: {  	[sflag:s29] =	ssyncset.done @!p0 $0x0  }
0x9e: {  	[sflag:s29] =	ssyncadd.s32 @!p0 $0xFFFFD900  }
0x9f: {  	_ =	sfence.sel $0x180000  }
0xa0: {  	[bflag:$0x0] =	sbarrier.arrive $0xFFFF  }
0xa1: {  	p0 =	sne.s32 s1, $0x0;
	_ =	strace $0x90000050  }
0xa2: {  	s0 =	sadd.s32 @!p0 $0x100000, s0;
	[bflag:$0x2] =	sbarrier.arrive $0xFFFF  }
0xa3: {  	[sflag:s0] =	ssyncadd.tile.s32 @!p0 $0x1;
	_ =	shalt  }
.Lfunc_end2:
_tile_overlayer_lowered:
.L_overlay_start_2:
0xa4: {  	(tag) =	ssettag $0x2  }
0xa5: {  	s0 =	rddreg [dreg:$0x0];
	s2 =	stileid.u32  }
0xa6: {  	s1 =	rddreg [dreg:$0x1];
	p0 =	sne.s32 s2, $0x0  }
0xa7: {  	s3 =	rddreg [dreg:$0x2];
	[bflag:$0x3] =	sbarrier.arrive $0xFFFF;
	s2 =	simm.s32 @!p0 $0x1C03  }
0xa8: {  	[timem:s3], [sflag:s2] =	dma.local @!p0 [hbm:s0], s1  }
0xa9: {  	s0 =	simm.s32 @!p0 $0x3  }
0xaa: {  	_ =	swait.ge @!p0 [sflag:s0], s1  }
0xab: {  	s1 =	ssub.s32 @!p0 $0x0, s1;
	[sflag:s0] =	ssyncset.done @!p0 $0x0  }
0xac: {  	[sflag:s0] =	ssyncadd.s32 @!p0 s1  }
0xad: {  	[bflag:$0x3] =	sbarrier.arrive $0xFFFF  }
0xae: {  	_ =	shalt  }

// kernel: kernel.25.cloned.1.call-start
scs
__scs_entry_jumppad:
0x0: {  	(pc) =	sbr.rel $0x88, $3  }
0x1: {  	(tag) =	ssettag $0x0;
	lr =	simm.s32 $0x1  }
0x2: {  	[smem:$0x3F92] =	sst lr;
	_ =	strace $0xD0000000  }
0x3: {  	_ = 	snop  }
0x4: {  	_ = 	snop  }
0x5: {  	_ = 	snop  }
0x6: {  	_ = 	snop  }
0x7: {  	_ = 	snop  }
__scs_overlays_trampoline_lowered:
0x8: {  	[smem:$0x3FA1] =	sst s0  }
0x9: {  	[smem:$0x3FA2] =	sst s1  }
0xa: {  	[smem:$0x3FA3] =	sst s2  }
0xb: {  	[smem:$0x3FA4] =	sst s3  }
0xc: {  	[smem:$0x3FA5] =	sst s4  }
0xd: {  	[smem:$0x3FA6] =	sst s5  }
0xe: {  	[smem:$0x3FA7] =	sst s6  }
0xf: {  	[smem:$0x3FA8] =	sst s7  }
0x10: {  	[smem:$0x3FA9] =	sst s8  }
0x11: {  	[smem:$0x3FAA] =	sst s9;
	s0 =	simm.s32 @!p0 $0x0  }
0x12: {  	s1 =	sld [smem:$0x3F90];
	s0 =	simm.s32 @p0 $0x1  }
0x13: {  	[smem:$0x3FAB] =	sst s0;
	s0 =	simm.s32 @!p1 $0x0  }
0x14: {  	s2 =	sld [smem:$0x3F8F];
	s0 =	simm.s32 @p1 $0x1  }
0x15: {  	[smem:$0x3FAC] =	sst s0;
	s0 =	simm.s32 @!p2 $0x0  }
0x16: {  	s3 =	sld [smem:$0x3FDB];
	s0 =	simm.s32 @p2 $0x1  }
0x17: {  	s4 =	simm.s32 $0x1BF5;
	[smem:$0x3FAE] =	sst s0  }
0x18: {  	s0 =	sld [smem:$0x3F91];
	_ =	swait.ge [sflag:s4], $0x0  }
0x19: {  	s7 =	sld [smem:$0x3F92]  }
0x1a: {  	s8 =	sadd.s32 $0xFFFFE003, lr  }
0x1b: {  	s9 =	sadd.s32 $0xFFFFFEF7, lr;
	s5 =	simm.s32 $0xFFFFFFFF;
	p2 =	slt.u32 s8, $0xFFFFF086  }
0x1c: {  	p1 =	slt.u32 s9, $0xF7A;
	s5 =	simm.s32 @!p2 $0x0  }
0x1d: {  	s5 =	simm.s32 @p1 $0x1;
	p0 =	seq.s32 s7, s2  }
0x1e: {  	s7 =	smul.u32 @!p0 $0xF7A, s2;
	p2 =	seq.s32 @!p0 s5, $0x0  }
0x1f: {  	s9 =	smul.u32 $0xF7A, s1;
	s8 =	simm.s32 @!p0 $0x1BF5;
	p2 =	por !p2, p0  }
0x20: {  	[sflag:s8] =	ssyncset.s32 @!p0 $0xFFFFF086;
	s6 =	sadd.s32 @!p0 s3, s7;
	s7 =	simm.s32 @!p0 $0x108  }
0x21: {  	s3 =	sadd.s32 s3, s9;
	s6 =	sadd.s32 @!p0 $0x88, s6;
	s7 =	simm.s32 @p2 $0x1082  }
0x22: {  	[simem:s7], [sflag:s8] =	dma.local @!p0 [hbm:s6], $0xF7A  }
0x23: {  	s9 =	sor.u32 $0xD0000000, s2;
	s6 =	simm.s32 $0x108;
	_ =	swait.ge @!p0 [sflag:s8], $0x0  }
0x24: {  	s3 =	sadd.s32 $0x88, s3;
	s6 =	simm.s32 @!p1 $0x1082;
	[sflag:s4] =	ssyncset.s32 $0xFFFFF086  }
0x25: {  	[simem:s6], [sflag:s4] =	dma.local [hbm:s3], $0xF7A  }
0x26: {  	[smem:$0x3F92] =	sst s1;
	(tag) =	ssettag s2;
	_ =	strace s9  }
0x27: {  	s1 =	sld [smem:$0x3FA2]  }
0x28: {  	s2 =	sld [smem:$0x3FA3]  }
0x29: {  	s4 =	sld [smem:$0x3FA5]  }
0x2a: {  	p0 =	seq.s32 s5, $0x0;
	s5 =	sld [smem:$0x3FA6]  }
0x2b: {  	s6 =	sld [smem:$0x3FA7]  }
0x2c: {  	s7 =	sld [smem:$0x3FA8]  }
0x2d: {  	s3 =	simm.s32 $0x108;
	s8 =	sld [smem:$0x3FA9]  }
0x2e: {  	s3 =	simm.s32 @!p0 $0x1082;
	s9 =	sld [smem:$0x3FAA]  }
0x2f: {  	lr =	sadd.s32 s0, s3;
	s0 =	sld [smem:$0x3FA1]  }
0x30: {  	s3 =	sld [smem:$0x3FA4]  }
0x31: {  	[smem:$0x3FAD] =	sst s10  }
0x32: {  	s10 =	sld [smem:$0x3FAB];
	_ =	sdelay $0x3  }
0x33: {  	p0 =	seq.s32 s10, $0x1;
	s10 =	sld [smem:$0x3FAD];
	_ =	sdelay $0x3  }
0x34: {  	[smem:$0x3FAD] =	sst s10  }
0x35: {  	s10 =	sld [smem:$0x3FAC];
	_ =	sdelay $0x3  }
0x36: {  	p1 =	seq.s32 s10, $0x1;
	s10 =	sld [smem:$0x3FAD];
	_ =	sdelay $0x3  }
0x37: {  	[smem:$0x3FAD] =	sst s10  }
0x38: {  	s10 =	sld [smem:$0x3FAE]  }
0x39: {  	_ = 	snop;
	(pc) =	sbr.ind lr, $3  }
0x3a: {  	_ = 	snop  }
0x3b: {  	_ = 	snop  }
0x3c: {  	p2 =	seq.s32 s10, $0x1;
	s10 =	sld [smem:$0x3FAD]  }
0x3d: {  	_ =	shalt  }
0x3e: {  	_ =	shalt  }
0x3f: {  	_ =	shalt  }
0x40: {  	_ =	shalt  }
0x41: {  	_ =	shalt  }
0x42: {  	_ =	shalt  }
0x43: {  	_ =	shalt  }
0x44: {  	_ =	shalt  }
0x45: {  	_ =	shalt  }
0x46: {  	_ =	shalt  }
0x47: {  	_ =	shalt  }
0x48: {  	_ =	shalt  }
0x49: {  	_ =	shalt  }
0x4a: {  	_ =	shalt  }
0x4b: {  	_ =	shalt  }
0x4c: {  	_ =	shalt  }
0x4d: {  	_ =	shalt  }
0x4e: {  	_ =	shalt  }
0x4f: {  	_ =	shalt  }
0x50: {  	_ =	shalt  }
0x51: {  	_ =	shalt  }
0x52: {  	_ =	shalt  }
0x53: {  	_ =	shalt  }
0x54: {  	_ =	shalt  }
0x55: {  	_ =	shalt  }
0x56: {  	_ =	shalt  }
0x57: {  	_ =	shalt  }
0x58: {  	_ =	shalt  }
0x59: {  	_ =	shalt  }
0x5a: {  	_ =	shalt  }
0x5b: {  	_ =	shalt  }
0x5c: {  	_ =	shalt  }
0x5d: {  	_ =	shalt  }
0x5e: {  	_ =	shalt  }
0x5f: {  	_ =	shalt  }
0x60: {  	_ =	shalt  }
0x61: {  	_ =	shalt  }
0x62: {  	_ =	shalt  }
0x63: {  	_ =	shalt  }
0x64: {  	_ =	shalt  }
0x65: {  	_ =	shalt  }
0x66: {  	_ =	shalt  }
0x67: {  	_ =	shalt  }
0x68: {  	_ =	shalt  }
0x69: {  	_ =	shalt  }
0x6a: {  	_ =	shalt  }
0x6b: {  	_ =	shalt  }
0x6c: {  	_ =	shalt  }
0x6d: {  	_ =	shalt  }
0x6e: {  	_ =	shalt  }
0x6f: {  	_ =	shalt  }
0x70: {  	_ =	shalt  }
0x71: {  	_ =	shalt  }
0x72: {  	_ =	shalt  }
0x73: {  	_ =	shalt  }
0x74: {  	_ =	shalt  }
0x75: {  	_ =	shalt  }
0x76: {  	_ =	shalt  }
0x77: {  	_ =	shalt  }
0x78: {  	_ =	shalt  }
0x79: {  	_ =	shalt  }
0x7a: {  	_ =	shalt  }
0x7b: {  	_ =	shalt  }
0x7c: {  	_ =	shalt  }
0x7d: {  	_ =	shalt  }
0x7e: {  	_ =	shalt  }
0x7f: {  	_ =	shalt  }
0x80: {  	_ =	shalt  }
0x81: {  	_ =	shalt  }
0x82: {  	_ =	shalt  }
0x83: {  	_ =	shalt  }
0x84: {  	_ =	shalt  }
0x85: {  	_ =	shalt  }
0x86: {  	_ =	shalt  }
0x87: {  	_ =	shalt  }
.Lfunc_end0:
.L_simem_size_0:
called_computation.4_lowered:
.L_overlay_start_0:
0x88: {  	s2 =	sld [smem:$0x3FD9]  }
0x89: {  	s3 =	sld [smem:$0x3FFE];
	_ =	sdelay $0x1  }
0x8a: {  	s1 =	srdreg.scid  }
0x8b: {  	s0 =	sand.u32 $0x1, s1  }
0x8c: {  	s16 =	sshll.u32 s0, $0xA;
	s2 =	sadd.s32 s3, s2  }
0x8d: {  	s2 =	sadd.s32 s2, s16  }
0x8e: {  	[smem:$0x3FB9] =	sst s2  }
0x8f: {  	_ = 	snop  }
0x90: {  	(tm) =	ssettm $0x1  }
0x91: {  	s17 =	sld [smem:$0x3FFB];
	_ =	sdelay $0x3  }
0x92: {  	_ =	strace s17  }
0x93: {  	s2 =	sld [smem:$0x3FFC];
	_ =	sdelay $0x3  }
0x94: {  	_ =	strace s2  }
0x95: {  	s2 =	sld [smem:$0x3FFD];
	_ =	sdelay $0x3  }
0x96: {  	_ =	strace s2  }
0x97: {  	_ =	strace $0x8FFFFFFF  }
0x98: {  	s18 =	sld [smem:$0x3FDB];
	_ =	sdelay $0x1  }
0x99: {  	s19 =	simm.s32 $_scs_section_size  }
0x9a: {  	s4 =	simm.s32 $_size__tile_overlayer_lowered;
	s5 =	simm.s32 $_tile_overlayer_lowered  }
0x9b: {  	s22 =	simm.s32 $0x1BFF;
	s21 =	sshll.u32 s5, $0x1;
	s2 =	sadd.s32 s19, s18  }
0x9c: {  	s6 =	simm.s32 $0x0;
	s20 =	sshll.u32 s4, $0x1;
	s4 =	sadd.s32 s21, s2  }
0x9d: {  	[timem:s6], [sflag:s22] =	dma.local [hbm:s4], s20  }
0x9e: {  	_ =	swait.ge [sflag:s22], s20  }
0x9f: {  	s3 =	ssub.s32 $0x0, s20;
	[sflag:s22] =	ssyncset.done $0x0  }
0xa0: {  	[sflag:s22] =	ssyncadd.s32 s3;
	_ =	sdelay $0x1  }
0xa1: {  	s23 =	simm.s32 $0x1B8B  }
0xa2: {  	_ =	swait.ge [sflag:s23], $0x1  }
0xa3: {  	[sflag:s23] =	ssyncset.done $0x0  }
0xa4: {  	s25 =	simm.s32 $0x1B8E;
	s24 =	sld [smem:$0x3FFE];
	[sflag:s23] =	ssyncadd.s32 $0xFFFFFFFF  }
0xa5: {  	s26 =	simm.s32 $execute0_lowered;
	[smem:$0x3FD2] =	sst s25  }
0xa6: {  	s4 =	sshll.u32 s26, $0x1;
	_ =	strace $0x80000052;
	[dreg:$0x1] =	wrdreg $0xFFFFFFFF  }
0xa7: {  	s28 =	simm.s32 $_size_execute0_lowered;
	s2 =	sadd.s32 s2, s4;
	[dreg:$0x0] =	wrdreg $0x0  }
0xa8: {  	s4 =	sshll.u32 s28, $0x1;
	[dreg:$0x2] =	wrdreg s2  }
0xa9: {  	[dreg:$0x3] =	wrdreg s4  }
0xaa: {  	[dreg:$0x4] =	wrdreg $0xC0  }
0xab: {  	_ =	task [dreg:s6], $0x5FFFF  }
0xac: {  	[dreg:$0x1] =	wrdreg $0xFFFFFFFF  }
0xad: {  	[dreg:$0x0] =	wrdreg $0x60  }
0xae: {  	[dreg:$0x2] =	wrdreg s24  }
0xaf: {  	[dreg:$0x3] =	wrdreg $0xA8000  }
0xb0: {  	[dreg:$0x4] =	wrdreg $0x9  }
0xb1: {  	_ =	task.clear_ibuf [dreg:s6], $0x5FFFF;
	_ =	strace $0x90000052  }
0xb2: {  	s29 =	simm.s32 $0x9;
	_ =	strace $0x80000054  }
0xb3: {  	_ =	swait.ge [sflag:s29], $0x1  }
0xb4: {  	[sflag:s29] =	ssyncadd.s32 $0xFFFFFFFF  }
0xb5: {  	_ =	strace $0x90000054  }
0xb6: {  	_ =	sfence  }
0xb7: {  	s30 =	sld [smem:$0x0];
	_ =	sdelay $0x2  }
0xb8: {  	s31 =	sshll.u32 s1, $0xD;
	s1 =	sshrl.u32 s1, $0x2  }
0xb9: {  	s3 =	sand.u32 $0x4000, s31;
	s1 =	sadd.s32 s1, s30  }
0xba: {  	s0 =	sor.u32 s3, s0;
	s1 =	sshll.u32 s1, $0x11  }
0xbb: {  	s0 =	sor.u32 s1, s0  }
0xbc: {  	s0 =	sadd.s32 $0x8F2B, s0  }
0xbd: {  	[sflag:s0] =	ssyncadd.remote.s32 $0x1  }
0xbe: {  	_ =	sfence.sel $0xFFFF  }
0xbf: {  	[dreg:$0x0] =	wrdreg $0xFFFFFFFF;
	(pc) =	sbr.abs _section_cstart, $3  }
0xc0: {  	[dreg:$0x1] =	wrdreg $0xFFFFFFFF  }
0xc1: {  	_ =	task.clear_ibuf [dreg:s6], $0x2FFFF;
	_ =	strace $0x9FFFFFFF  }
0xc2: {  	(tm) =	ssettm $0x7FFFFFFF  }
0xc3: {  	_ =	shalt  }
tec
execute0_lowered:
.L_overlay_start_1:
0x0: {  	(tag) =	ssettag $0x1  }
0x1: {  	s6 =	rddreg [dreg:$0x0]  }
0x2: {  	s2 =	rddreg [dreg:$0x1]  }
0x3: {  	s0 =	rddreg [dreg:$0x2];
	s3 =	simm.s32 $0x0  }
0x4: {  	s1 =	stileid.u32;
	s7 =	srdreg.scid;
	s18 =	simm.s32 $0x1400  }
0x5: {  	s19 =	simm.s32 $0x7D;
	s20 =	simm.s32 $0x2800;
	s21 =	simm.s32 $0x80  }
0x6: {  	s22 =	simm.s32 $0x6800;
	s23 =	simm.s32 $0x1;
	s24 =	simm.s32 $0x2  }
0x7: {  	s25 =	simm.s32 $0x2700;
	s26 =	simm.s32 $0x2780;
	s28 =	simm.s32 $0x0  }
0x8: {  	[smem:$0x7FF] =	sst s3;
	s5 =	smul.u32 $0x2700, s1;
	s4 =	sadd.s32 $0x40800, s6  }
0x9: {  	s9 =	sadd.s32 $0x2C800, s6;
	s10 =	sadd.s32 $0x36800, s6;
	s7 =	sand.u32 $0x1, s7  }
0xa: {  	s8 =	sshll.u32 s1, $0x1;
	s11 =	smul.u32 $0x4E000, s1;
	s12 =	sadd.s32 $0xB5C00, s6  }
0xb: {  	s17 =	smul.u32 $0x13800, s1;
	p0 =	seq.s32 s1, $0xF;
	_ =	strace $0x80000053  }
0xc: {  	s13 =	ssub.s32 $0x2, s7;
	s8 =	sor.u32 s7, s8;
	s29 =	smul.u32 $0x138800, s7  }
0xd: {  	s5 =	sadd.s32 s5, s6;
	s14 =	sshrl.u32 s13, $0x1;
	s11 =	sshrl.u32 s11, $0x2  }
0xe: {  	s8 =	smul.u32 $0x2800, s8;
	s6 =	sadd.s32 $0x29700, s6;
	s13 =	ssub.s32 s13, s14  }
0xf: {  	s16 =	sadd.s32 s11, s2;
	s5 =	sadd.s32 $0x4E00, s5;
	s14 =	sadd.s32 $0x124800, s2  }
0x10: {  	s30 =	sadd.s32 s17, s29;
	s11 =	sshrl.u32 s29, $0x3;
	s17 =	simm.s32 $0x3  }
0x11: {  	s8 =	sshrl.u32 s8, $0x3;
	s31 =	sadd.s32 s12, s11;
	s13 =	smax.u32 s13, $0x1  }
0x12: {  	s15 =	sadd.s32 $0x280, s8;
	s7 =	sadd.s32 s9, s8;
	s8 =	sadd.s32 s10, s8  }
0x13: {  	s9 =	sadd.s32 s9, s15;
	s10 =	sadd.s32 s10, s15;
	s15 =	sshrl.u32 s30, $0x3  }
0x14: {  	s14 =	sshrl.u32 @p0 s14, $0x3;
	s11 =	sadd.s32 s12, s15;
	s15 =	sshll.u32 @!p0 s1, $0x6  }
0x15: {  	s16 =	sshrl.u32 @!p0 s16, $0x3;
	s12 =	sadd.s32 $0x24900, s31;
	s15 =	sor.u32 @!p0 $0x1C03, s15  }
.LBB2_1:
0x16: {  	s29 =	simm.s32 @p0 $0x1FC3  }
0x17: {  	[spmem:s14], [sflag:s29] =	dma.local @p0 [hbm:s6], $0x2800  }
0x18: {  	s29 =	simm.s32 @p0 $0x3  }
0x19: {  	_ =	swait.ge @p0 [sflag:s29], $0x2800  }
0x1a: {  	[sflag:s29] =	ssyncset.done @p0 $0x0  }
0x1b: {  	[sflag:s29] =	ssyncadd.s32 @p0 $0xFFFFD800;
	s29 =	simm.s32 @!p0 $0x3  }
0x1c: {  	[spmem:s16], [sflag:s15] =	dma.local @!p0 [hbm:s5], $0x2700  }
0x1d: {  	_ =	swait.ge @!p0 [sflag:s29], $0x2700  }
0x1e: {  	[sflag:s29] =	ssyncset.done @!p0 $0x0  }
0x1f: {  	[sflag:s29] =	ssyncadd.s32 @!p0 $0xFFFFD900  }
0x20: {  	[bflag:$0x0] =	sbarrier.arrive $0xFFFF  }
0x21: {  	[tilespmem:s3], [sflag:$0x3] =	stream.linear.gather [hbm4b:s7+s3], $0x1400, $0x38;
	[tilespmem:$0x1E080] =	vst v63  }
0x22: {  	_ =	swait.ge [sflag:s17], $0x1400  }
0x23: {  	[sflag:s17] =	ssyncset.done $0x0  }
0x24: {  	[sflag:s17] =	ssyncadd.s32 $0xFFFFEC00  }
0x25: {  	[tilespmem:s18], [sflag:$0x3] =	stream.linear.gather [hbm4b:s8+s3], $0x1400, $0x38;
	[tilespmem:$0x1E080] =	vst v63  }
0x26: {  	_ =	swait.ge [sflag:s17], $0x1400  }
0x27: {  	[sflag:s17] =	ssyncset.done $0x0  }
0x28: {  	[sflag:s17] =	ssyncadd.s32 $0xFFFFEC00  }
0x29: {  	[tilespmem:s20], [sflag:$0x1] =	stream.indirect.gather [hbm4b:s4+s19], $0x80, s3, s19, $0xb8;
	[tilespmem:$0x1E080] =	vst v63  }
0x2a: {  	_ = 	snop  }
0x2b: {  	[tilespmem:s22], [sflag:$0x2] =	stream.indirect.gather [hbm4b:s4+s19], $0x80, s21, s19, $0xb8;
	[tilespmem:$0x1E080] =	vst v63  }
0x2c: {  	_ =	swait.ge [sflag:s23], $0x3E80  }
0x2d: {  	[sflag:s23] =	ssyncset.done $0x0  }
0x2e: {  	s29 =	simm.s32 $0x1400;
	[sflag:s23] =	ssyncadd.s32 $0xFFFFC180  }
0x2f: {  	[spmem:s2] =	stream.indirect.scatter.add.f32 [tilespmem:s20], [sflag:$0x3], $0x80, s29, s19, $0xb8;
	[tilespmem:$0x1E080] =	vst v63  }
0x30: {  	_ =	swait.ge [sflag:s17], $0x3E80  }
0x31: {  	[sflag:s17] =	ssyncset.done $0x0  }
0x32: {  	s29 =	simm.s32 $0x100;
	[sflag:s17] =	ssyncadd.s32 $0xFFFFC180  }
0x33: {  	[tilespmem:s20], [sflag:$0x1] =	stream.indirect.gather [hbm4b:s4+s19], $0x80, s29, s19, $0xb8;
	[tilespmem:$0x1E080] =	vst v63  }
0x34: {  	_ =	swait.ge [sflag:s24], $0x3E80  }
0x35: {  	[sflag:s24] =	ssyncset.done $0x0  }
0x36: {  	s29 =	simm.s32 $0x1480;
	[sflag:s24] =	ssyncadd.s32 $0xFFFFC180  }
0x37: {  	[spmem:s2] =	stream.indirect.scatter.add.f32 [tilespmem:s22], [sflag:$0x3], $0x80, s29, s19, $0xb8;
	[tilespmem:$0x1E080] =	vst v63  }
0x38: {  	_ =	swait.ge [sflag:s17], $0x3E80  }
0x39: {  	[sflag:s17] =	ssyncset.done $0x0  }
0x3a: {  	s30 =	simm.s32 $0x180;
	s29 =	simm.s32 $0x400;
	[sflag:s17] =	ssyncadd.s32 $0xFFFFC180  }
.LBB2_2:
0x3b: {  	[tilespmem:s22], [sflag:$0x2] =	stream.indirect.gather [hbm4b:s4+s19], $0x80, s30, s19, $0xb8;
	[tilespmem:$0x1E080] =	vst v63  }
0x3c: {  	s30 =	smov.u32 s29  }
0x3d: {  	p1 =	sne.s32 s29, $0x4800;
	s29 =	sadd.s32 $0x400, s29;
	_ =	swait.ge [sflag:s23], $0x3E80  }
0x3e: {  	s30 =	sshra.s32 s30, $0x2;
	[sflag:s23] =	ssyncset.done $0x0  }
0x3f: {  	s31 =	sadd.s32 $0x1400, s30;
	[sflag:s23] =	ssyncadd.s32 $0xFFFFC180  }
0x40: {  	[spmem:s2] =	stream.indirect.scatter.add.f32 [tilespmem:s20], [sflag:$0x3], $0x80, s31, s19, $0xb8;
	[tilespmem:$0x1E080] =	vst v63  }
0x41: {  	_ =	swait.ge [sflag:s17], $0x3E80  }
0x42: {  	[sflag:s17] =	ssyncset.done $0x0  }
0x43: {  	s31 =	sadd.s32 $0x100, s30;
	[sflag:s17] =	ssyncadd.s32 $0xFFFFC180  }
0x44: {  	[tilespmem:s20], [sflag:$0x1] =	stream.indirect.gather [hbm4b:s4+s19], $0x80, s31, s19, $0xb8;
	[tilespmem:$0x1E080] =	vst v63  }
0x45: {  	_ =	swait.ge [sflag:s24], $0x3E80  }
0x46: {  	[sflag:s24] =	ssyncset.done $0x0  }
.Ltmp0:
0x47: {  	s31 =	sadd.s32 $0x1480, s30;
	[sflag:s24] =	ssyncadd.s32 $0xFFFFC180;
	(pc) =	sbr.rel @p1 .LBB2_2-.Ltmp0, $4  }
0x48: {  	[spmem:s2] =	stream.indirect.scatter.add.f32 [tilespmem:s22], [sflag:$0x3], $0x80, s31, s19, $0xb8;
	[tilespmem:$0x1E080] =	vst v63  }
0x49: {  	_ =	swait.ge [sflag:s17], $0x3E80  }
0x4a: {  	[sflag:s17] =	ssyncset.done $0x0  }
0x4b: {  	s30 =	sadd.s32 $0x180, s30;
	[sflag:s17] =	ssyncadd.s32 $0xFFFFC180  }
0x4c: {  	[tilespmem:s22], [sflag:$0x2] =	stream.indirect.gather [hbm4b:s4+s19], $0x80, s30, s19, $0xb8;
	[tilespmem:$0x1E080] =	vst v63  }
0x4d: {  	_ =	swait.ge [sflag:s23], $0x3E80  }
0x4e: {  	[sflag:s23] =	ssyncset.done $0x0  }
0x4f: {  	[sflag:s23] =	ssyncadd.s32 $0xFFFFC180  }
0x50: {  	[spmem:s2] =	stream.indirect.scatter.add.f32 [tilespmem:s20], [sflag:$0x3], $0x80, s25, s19, $0xb8;
	[tilespmem:$0x1E080] =	vst v63  }
0x51: {  	_ =	swait.ge [sflag:s17], $0x3E80  }
0x52: {  	[sflag:s17] =	ssyncset.done $0x0  }
0x53: {  	[sflag:s17] =	ssyncadd.s32 $0xFFFFC180  }
0x54: {  	_ =	swait.ge [sflag:s24], $0x3E80  }
0x55: {  	[sflag:s24] =	ssyncset.done $0x0  }
0x56: {  	[sflag:s24] =	ssyncadd.s32 $0xFFFFC180  }
0x57: {  	[spmem:s2] =	stream.indirect.scatter.add.f32 [tilespmem:s22], [sflag:$0x3], $0x80, s26, s19, $0xb8;
	[tilespmem:$0x1E080] =	vst v63  }
0x58: {  	_ =	swait.ge [sflag:s17], $0x3E80  }
0x59: {  	[sflag:s17] =	ssyncset.done $0x0  }
0x5a: {  	s29 =	simm.s32 $0x0;
	[sflag:s17] =	ssyncadd.s32 $0xFFFFC180  }
0x5b: {  	[tilespmem:s29], [sflag:$0x3] =	stream.linear.gather [hbm4b:s9+s29], $0x1400, $0x38;
	[tilespmem:$0x1E080] =	vst v63  }
0x5c: {  	_ =	swait.ge [sflag:s17], $0x1400  }
0x5d: {  	[sflag:s17] =	ssyncset.done $0x0  }
0x5e: {  	[sflag:s17] =	ssyncadd.s32 $0xFFFFEC00  }
0x5f: {  	[tilespmem:s18], [sflag:$0x3] =	stream.linear.gather [hbm4b:s10+s29], $0x1400, $0x38;
	[tilespmem:$0x1E080] =	vst v63  }
0x60: {  	_ =	swait.ge [sflag:s17], $0x1400  }
0x61: {  	[sflag:s17] =	ssyncset.done $0x0  }
0x62: {  	[sflag:s17] =	ssyncadd.s32 $0xFFFFEC00  }
0x63: {  	[tilespmem:s20], [sflag:$0x1] =	stream.indirect.gather [hbm4b:s4+s19], $0x80, s29, s19, $0xb8;
	[tilespmem:$0x1E080] =	vst v63  }
0x64: {  	_ = 	snop  }
0x65: {  	[tilespmem:s22], [sflag:$0x2] =	stream.indirect.gather [hbm4b:s4+s19], $0x80, s21, s19, $0xb8;
	[tilespmem:$0x1E080] =	vst v63  }
0x66: {  	_ =	swait.ge [sflag:s23], $0x3E80  }
0x67: {  	[sflag:s23] =	ssyncset.done $0x0  }
0x68: {  	s29 =	simm.s32 $0x1400;
	[sflag:s23] =	ssyncadd.s32 $0xFFFFC180  }
0x69: {  	[spmem:s2] =	stream.indirect.scatter.add.f32 [tilespmem:s20], [sflag:$0x3], $0x80, s29, s19, $0xb8;
	[tilespmem:$0x1E080] =	vst v63  }
0x6a: {  	_ =	swait.ge [sflag:s17], $0x3E80  }
0x6b: {  	[sflag:s17] =	ssyncset.done $0x0  }
0x6c: {  	s29 =	simm.s32 $0x100;
	[sflag:s17] =	ssyncadd.s32 $0xFFFFC180  }
0x6d: {  	[tilespmem:s20], [sflag:$0x1] =	stream.indirect.gather [hbm4b:s4+s19], $0x80, s29, s19, $0xb8;
	[tilespmem:$0x1E080] =	vst v63  }
0x6e: {  	_ =	swait.ge [sflag:s24], $0x3E80  }
0x6f: {  	[sflag:s24] =	ssyncset.done $0x0  }
0x70: {  	s29 =	simm.s32 $0x1480;
	[sflag:s24] =	ssyncadd.s32 $0xFFFFC180  }
0x71: {  	[spmem:s2] =	stream.indirect.scatter.add.f32 [tilespmem:s22], [sflag:$0x3], $0x80, s29, s19, $0xb8;
	[tilespmem:$0x1E080] =	vst v63  }
0x72: {  	_ =	swait.ge [sflag:s17], $0x3E80  }
0x73: {  	[sflag:s17] =	ssyncset.done $0x0  }
0x74: {  	s30 =	simm.s32 $0x180;
	s29 =	simm.s32 $0x400;
	[sflag:s17] =	ssyncadd.s32 $0xFFFFC180  }
.LBB2_4:
0x75: {  	[tilespmem:s22], [sflag:$0x2] =	stream.indirect.gather [hbm4b:s4+s19], $0x80, s30, s19, $0xb8;
	[tilespmem:$0x1E080] =	vst v63  }
0x76: {  	s30 =	smov.u32 s29  }
0x77: {  	p1 =	sne.s32 s29, $0x4800;
	s29 =	sadd.s32 $0x400, s29;
	_ =	swait.ge [sflag:s23], $0x3E80  }
0x78: {  	s30 =	sshra.s32 s30, $0x2;
	[sflag:s23] =	ssyncset.done $0x0  }
0x79: {  	s31 =	sadd.s32 $0x1400, s30;
	[sflag:s23] =	ssyncadd.s32 $0xFFFFC180  }
0x7a: {  	[spmem:s2] =	stream.indirect.scatter.add.f32 [tilespmem:s20], [sflag:$0x3], $0x80, s31, s19, $0xb8;
	[tilespmem:$0x1E080] =	vst v63  }
0x7b: {  	_ =	swait.ge [sflag:s17], $0x3E80  }
0x7c: {  	[sflag:s17] =	ssyncset.done $0x0  }
0x7d: {  	s31 =	sadd.s32 $0x100, s30;
	[sflag:s17] =	ssyncadd.s32 $0xFFFFC180  }
0x7e: {  	[tilespmem:s20], [sflag:$0x1] =	stream.indirect.gather [hbm4b:s4+s19], $0x80, s31, s19, $0xb8;
	[tilespmem:$0x1E080] =	vst v63  }
0x7f: {  	_ =	swait.ge [sflag:s24], $0x3E80  }
0x80: {  	[sflag:s24] =	ssyncset.done $0x0  }
.Ltmp1:
0x81: {  	s31 =	sadd.s32 $0x1480, s30;
	[sflag:s24] =	ssyncadd.s32 $0xFFFFC180;
	(pc) =	sbr.rel @p1 .LBB2_4-.Ltmp1, $4  }
0x82: {  	[spmem:s2] =	stream.indirect.scatter.add.f32 [tilespmem:s22], [sflag:$0x3], $0x80, s31, s19, $0xb8;
	[tilespmem:$0x1E080] =	vst v63  }
0x83: {  	_ =	swait.ge [sflag:s17], $0x3E80  }
0x84: {  	[sflag:s17] =	ssyncset.done $0x0  }
0x85: {  	s30 =	sadd.s32 $0x180, s30;
	[sflag:s17] =	ssyncadd.s32 $0xFFFFC180  }
0x86: {  	[tilespmem:s22], [sflag:$0x2] =	stream.indirect.gather [hbm4b:s4+s19], $0x80, s30, s19, $0xb8;
	[tilespmem:$0x1E080] =	vst v63  }
0x87: {  	_ =	swait.ge [sflag:s23], $0x3E80  }
0x88: {  	[sflag:s23] =	ssyncset.done $0x0  }
0x89: {  	[sflag:s23] =	ssyncadd.s32 $0xFFFFC180  }
0x8a: {  	[spmem:s2] =	stream.indirect.scatter.add.f32 [tilespmem:s20], [sflag:$0x3], $0x80, s25, s19, $0xb8;
	[tilespmem:$0x1E080] =	vst v63  }
0x8b: {  	_ =	swait.ge [sflag:s17], $0x3E80  }
0x8c: {  	[sflag:s17] =	ssyncset.done $0x0  }
0x8d: {  	[sflag:s17] =	ssyncadd.s32 $0xFFFFC180  }
0x8e: {  	_ =	swait.ge [sflag:s24], $0x3E80  }
0x8f: {  	[sflag:s24] =	ssyncset.done $0x0  }
0x90: {  	[sflag:s24] =	ssyncadd.s32 $0xFFFFC180  }
0x91: {  	[spmem:s2] =	stream.indirect.scatter.add.f32 [tilespmem:s22], [sflag:$0x3], $0x80, s26, s19, $0xb8;
	[tilespmem:$0x1E080] =	vst v63  }
0x92: {  	_ =	swait.ge [sflag:s17], $0x3E80  }
0x93: {  	[sflag:s17] =	ssyncset.done $0x0  }
0x94: {  	[sflag:s17] =	ssyncadd.s32 $0xFFFFC180  }
0x95: {  	s29 =	simm.s32 @p0 $0x1FC3;
	[bflag:$0x0] =	sbarrier.arrive $0xFFFF  }
0x96: {  	[hbm:s12], [sflag:s29] =	dma.local @p0 [spmem:s14], $0x2800  }
0x97: {  	s29 =	simm.s32 @p0 $0x3  }
0x98: {  	s28 =	sadd.s32 $0x1, s28;
	_ =	swait.ge @p0 [sflag:s29], $0x2800  }
0x99: {  	p1 =	sne.s32 s28, s13;
	[sflag:s29] =	ssyncset.done @p0 $0x0  }
.Ltmp2:
0x9a: {  	[sflag:s29] =	ssyncadd.s32 @p0 $0xFFFFD800;
	s29 =	simm.s32 @!p0 $0x3;
	(pc) =	sbr.rel @p1 .LBB2_1-.Ltmp2, $4  }
0x9b: {  	[hbm:s11], [sflag:s15] =	dma.local @!p0 [spmem:s16], $0x2700  }
0x9c: {  	_ =	swait.ge @!p0 [sflag:s29], $0x2700  }
0x9d: {  	[sflag:s29] =	ssyncset.done @!p0 $0x0  }
0x9e: {  	[sflag:s29] =	ssyncadd.s32 @!p0 $0xFFFFD900  }
0x9f: {  	_ =	sfence.sel $0x180000  }
0xa0: {  	[bflag:$0x0] =	sbarrier.arrive $0xFFFF  }
0xa1: {  	p0 =	sne.s32 s1, $0x0;
	_ =	strace $0x90000053  }
0xa2: {  	s0 =	sadd.s32 @!p0 $0x100000, s0;
	[bflag:$0x2] =	sbarrier.arrive $0xFFFF  }
0xa3: {  	[sflag:s0] =	ssyncadd.tile.s32 @!p0 $0x1;
	_ =	shalt  }
.Lfunc_end2:
_tile_overlayer_lowered:
.L_overlay_start_2:
0xa4: {  	(tag) =	ssettag $0x2  }
0xa5: {  	s0 =	rddreg [dreg:$0x0];
	s2 =	stileid.u32  }
0xa6: {  	s1 =	rddreg [dreg:$0x1];
	p0 =	sne.s32 s2, $0x0  }
0xa7: {  	s3 =	rddreg [dreg:$0x2];
	[bflag:$0x3] =	sbarrier.arrive $0xFFFF;
	s2 =	simm.s32 @!p0 $0x1C03  }
0xa8: {  	[timem:s3], [sflag:s2] =	dma.local @!p0 [hbm:s0], s1  }
0xa9: {  	s0 =	simm.s32 @!p0 $0x3  }
0xaa: {  	_ =	swait.ge @!p0 [sflag:s0], s1  }
0xab: {  	s1 =	ssub.s32 @!p0 $0x0, s1;
	[sflag:s0] =	ssyncset.done @!p0 $0x0  }
0xac: {  	[sflag:s0] =	ssyncadd.s32 @!p0 s1  }
0xad: {  	[bflag:$0x3] =	sbarrier.arrive $0xFFFF  }
0xae: {  	_ =	shalt  }

</sc_bundles>
